<compile_context>
chip_gen: v7x
topology: tpu7x:2x2x1
jax: 0.10.2.dev20260603
libtpu: 0.0.44.dev20260713+nightly
codegen_flags: <defaults>
</compile_context>

<pallas_src>
import jax
import jax.numpy as jnp
from jax import lax
from jax.experimental import pallas as pl
from jax.experimental.pallas import tpu as pltpu
from jax.experimental.pallas import tpu_sc as plsc

N = 10000
E = 320000
EMB = 256
G = 64

NC = 2
NS = 16
CHUNK = 128
CB = 40
CPT = 160
PER_TILE = CPT * CHUNK
E_PAD = NS * PER_TILE
SINK = N
ACC_ROWS = N + 8
STRIPE = 624
TAIL = N - NS * STRIPE
DEG_ROWS = 16 * 640

R = 1000
NBLK = N // R

_sc_mesh = plsc.VectorSubcoreMesh(core_axis_name="c", subcore_axis_name="s")



def _deg_body(dstp, dstd, degp, degd, idx_v, ones_v, acc, dsem):
    c = lax.axis_index("c")
    s = lax.axis_index("s")

    def _fill(i, _):
        for k in range(8):
            ones_v[i, pl.ds(16 * k, 16)] = jnp.ones((16,), jnp.float32)
        return 0
    lax.fori_loop(0, CHUNK, _fill, 0, unroll=False)

    for k in range(5):
        pltpu.sync_copy(ones_v, acc.at[pl.ds(s * 640 + 128 * k, 128)])
    plsc.subcore_barrier()

    def _scatter(dref):
        def _bb(bk, _):
            pltpu.sync_copy(dref.at[s].at[pl.ds(bk * CB, CB)], idx_v)

            def _fire(j, _):
                pltpu.async_copy(ones_v, acc.at[idx_v.at[j]], dsem, add=True)
                return 0
            lax.fori_loop(0, CB, _fire, 0, unroll=False)

            def _drain(j, _):
                pltpu.make_async_copy(ones_v, acc.at[idx_v.at[j]], dsem).wait()
                return 0
            lax.fori_loop(0, CB, _drain, 0, unroll=False)
            return 0
        lax.fori_loop(0, CPT // CB, _bb, 0, unroll=False)

    @pl.when(c == 0)
    def _():
        _scatter(dstp)

    @pl.when(c == 1)
    def _():
        _scatter(dstd)

    plsc.subcore_barrier()

    def _copy_out(oref):
        pltpu.sync_copy(acc.at[pl.ds(s * STRIPE, STRIPE)],
                        oref.at[pl.ds(s * STRIPE, STRIPE)])

        @pl.when(s == 0)
        def _():
            pltpu.sync_copy(acc.at[pl.ds(NS * STRIPE, TAIL)],
                            oref.at[pl.ds(NS * STRIPE, TAIL)])

    @pl.when(c == 0)
    def _():
        _copy_out(degp)

    @pl.when(c == 1)
    def _():
        _copy_out(degd)


_deg_call = pl.kernel(
    _deg_body,
    out_type=(jax.ShapeDtypeStruct((N, 128), jnp.float32),
              jax.ShapeDtypeStruct((N, 128), jnp.float32)),
    mesh=_sc_mesh,
    scratch_types=[
        pltpu.VMEM((CB, CHUNK), jnp.int32),
        pltpu.VMEM((CHUNK, 128), jnp.float32),
        pltpu.VMEM_SHARED((DEG_ROWS, 128), jnp.float32),
        pltpu.SemaphoreType.DMA,
    ],
    name="gcn_degree_sc",
)


def _spmm_body(u2, srci, dsti, out2, idx_s, idx_d, rows0, rows1, acc,
               gs0, gs1, ss0, ss1):
    c = lax.axis_index("c")
    s = lax.axis_index("s")
    uh = u2.at[c]
    pltpu.sync_copy(uh.at[pl.ds(s * STRIPE, STRIPE)],
                    acc.at[pl.ds(s * STRIPE, STRIPE)])

    @pl.when(s == 0)
    def _():
        pltpu.sync_copy(uh.at[pl.ds(NS * STRIPE, TAIL)],
                        acc.at[pl.ds(NS * STRIPE, TAIL)])
        pltpu.sync_copy(uh.at[pl.ds(0, 8)], acc.at[pl.ds(N, 8)])

    plsc.subcore_barrier()

    def _bb(bk, _):
        pltpu.sync_copy(srci.at[s].at[pl.ds(bk * CB, CB)], idx_s)
        pltpu.sync_copy(dsti.at[s].at[pl.ds(bk * CB, CB)], idx_d)
        pltpu.async_copy(uh.at[idx_s.at[0]], rows0, gs0)

        def _pair(j, _):
            k0 = 2 * j
            k1 = 2 * j + 1
            pltpu.make_async_copy(uh.at[idx_s.at[k0]], rows0, gs0).wait()
            pltpu.async_copy(rows0, acc.at[idx_d.at[k0]], ss0, add=True)

            @pl.when(j > 0)
            def _():
                pltpu.make_async_copy(rows1, acc.at[idx_d.at[k0]], ss1).wait()
            pltpu.async_copy(uh.at[idx_s.at[k1]], rows1, gs1)

            pltpu.make_async_copy(uh.at[idx_s.at[k1]], rows1, gs1).wait()
            pltpu.async_copy(rows1, acc.at[idx_d.at[k1]], ss1, add=True)
            pltpu.make_async_copy(rows0, acc.at[idx_d.at[k0]], ss0).wait()

            @pl.when(j < CB // 2 - 1)
            def _():
                pltpu.async_copy(uh.at[idx_s.at[k1 + 1]], rows0, gs0)
            return 0
        lax.fori_loop(0, CB // 2, _pair, 0, unroll=False)
        pltpu.make_async_copy(rows1, acc.at[idx_d.at[CB - 1]], ss1).wait()
        return 0
    lax.fori_loop(0, CPT // CB, _bb, 0, unroll=False)

    plsc.subcore_barrier()
    pltpu.sync_copy(acc.at[pl.ds(s * STRIPE, STRIPE)],
                    out2.at[c].at[pl.ds(s * STRIPE, STRIPE)])

    @pl.when(s == 0)
    def _():
        pltpu.sync_copy(acc.at[pl.ds(NS * STRIPE, TAIL)],
                        out2.at[c].at[pl.ds(NS * STRIPE, TAIL)])


_spmm_call = pl.kernel(
    _spmm_body,
    out_type=jax.ShapeDtypeStruct((2, N, 128), jnp.float32),
    mesh=_sc_mesh,
    scratch_types=[
        pltpu.VMEM((CB, CHUNK), jnp.int32),
        pltpu.VMEM((CB, CHUNK), jnp.int32),
        pltpu.VMEM((CHUNK, 128), jnp.float32),
        pltpu.VMEM((CHUNK, 128), jnp.float32),
        pltpu.VMEM_SHARED((ACC_ROWS, 128), jnp.float32),
        pltpu.SemaphoreType.DMA,
        pltpu.SemaphoreType.DMA,
        pltpu.SemaphoreType.DMA,
        pltpu.SemaphoreType.DMA,
    ],
    name="gcn_spmm_sc",
)



def _mm_body(x_ref, w_ref, out_ref):
    u = jnp.dot(x_ref[:], w_ref[:], preferred_element_type=jnp.float32)
    out_ref[0] = u[:, :128]
    out_ref[1] = u[:, 128:]


def _scale_body(t_ref, deg_ref, out_ref):
    dinv = lax.rsqrt(deg_ref[:, 0:1])
    out_ref[0] = t_ref[0] * dinv
    out_ref[1] = t_ref[1] * dinv


def _mid_body(acc_ref, deg_ref, b_ref, w_ref, out_ref):
    dinv = lax.rsqrt(deg_ref[:, 0:1])
    h0 = jnp.maximum(acc_ref[0] * dinv + b_ref[:, :128], 0.0)
    h1 = jnp.maximum(acc_ref[1] * dinv + b_ref[:, 128:], 0.0)
    t = (jnp.dot(h0, w_ref[:128], preferred_element_type=jnp.float32)
         + jnp.dot(h1, w_ref[128:], preferred_element_type=jnp.float32))
    u = t * dinv
    out_ref[0] = u[:, :128]
    out_ref[1] = u[:, 128:]


def _seg_update(acc_ref, deg_ref, b_ref, batch_ref, m_ref):
    dinv = lax.rsqrt(deg_ref[:, 0:1])
    h = jnp.concatenate([acc_ref[0], acc_ref[1]], axis=1) * dinv + b_ref[:]
    h = jnp.maximum(h, 0.0)
    ids = batch_ref[:]
    g0 = jnp.min(ids)
    g1 = jnp.max(ids)

    def _gb(g, _):
        msk = (ids == g)
        v = jnp.max(jnp.where(msk, h, -jnp.inf), axis=0, keepdims=True)
        m_ref[pl.ds(g, 1), :] = jnp.maximum(m_ref[pl.ds(g, 1), :], v)
        return 0
    lax.fori_loop(g0, g1 + 1, _gb, 0, unroll=False)


def _post_body(accp_ref, degp_ref, bp_ref, batchp_ref,
               accd_ref, degd_ref, bd_ref, batchd_ref,
               l0w_ref, l0b_ref, l1w_ref, l1b_ref, out_ref, mp_ref, md_ref):
    i = pl.program_id(0)

    @pl.when(i == 0)
    def _():
        mp_ref[:] = jnp.full((G, EMB), -jnp.inf, jnp.float32)
        md_ref[:] = jnp.full((G, EMB), -jnp.inf, jnp.float32)

    _seg_update(accp_ref, degp_ref, bp_ref, batchp_ref, mp_ref)
    _seg_update(accd_ref, degd_ref, bd_ref, batchd_ref, md_ref)

    @pl.when(i == NBLK - 1)
    def _():
        xcat = jnp.concatenate([mp_ref[:], md_ref[:]], axis=1)
        y = (jnp.dot(xcat, l0w_ref[:], preferred_element_type=jnp.float32)
             + l0b_ref[:])
        z = (jnp.dot(y, l1w_ref[:], preferred_element_type=jnp.float32)
             + l1b_ref[:])
        out_ref[:] = z


def _mm_call(x, w):
    return pl.pallas_call(
        _mm_body,
        grid=(NBLK,),
        in_specs=[
            pl.BlockSpec((R, 128), lambda i: (i, 0)),
            pl.BlockSpec((128, EMB), lambda i: (0, 0)),
        ],
        out_specs=pl.BlockSpec((2, R, 128), lambda i: (0, i, 0)),
        out_shape=jax.ShapeDtypeStruct((2, N, 128), jnp.float32),
        name="gcn_mm_tc",
    )(x, w)


def _scale_call(t, deg):
    return pl.pallas_call(
        _scale_body,
        grid=(NBLK,),
        in_specs=[
            pl.BlockSpec((2, R, 128), lambda i: (0, i, 0)),
            pl.BlockSpec((R, 128), lambda i: (i, 0)),
        ],
        out_specs=pl.BlockSpec((2, R, 128), lambda i: (0, i, 0)),
        out_shape=jax.ShapeDtypeStruct((2, N, 128), jnp.float32),
        name="gcn_scale_tc",
    )(t, deg)


def _mid_call(acc2, deg, b, w):
    return pl.pallas_call(
        _mid_body,
        grid=(NBLK,),
        in_specs=[
            pl.BlockSpec((2, R, 128), lambda i: (0, i, 0)),
            pl.BlockSpec((R, 128), lambda i: (i, 0)),
            pl.BlockSpec((1, EMB), lambda i: (0, 0)),
            pl.BlockSpec((EMB, EMB), lambda i: (0, 0)),
        ],
        out_specs=pl.BlockSpec((2, R, 128), lambda i: (0, i, 0)),
        out_shape=jax.ShapeDtypeStruct((2, N, 128), jnp.float32),
        name="gcn_mid_tc",
    )(acc2, deg, b, w)


def _post_call(accp, degp, bp, batchp, accd, degd, bd, batchd,
               l0w, l0b, l1w, l1b):
    return pl.pallas_call(
        _post_body,
        grid=(NBLK,),
        in_specs=[
            pl.BlockSpec((2, R, 128), lambda i: (0, i, 0)),
            pl.BlockSpec((R, 128), lambda i: (i, 0)),
            pl.BlockSpec((1, EMB), lambda i: (0, 0)),
            pl.BlockSpec((R, 1), lambda i: (i, 0)),
            pl.BlockSpec((2, R, 128), lambda i: (0, i, 0)),
            pl.BlockSpec((R, 128), lambda i: (i, 0)),
            pl.BlockSpec((1, EMB), lambda i: (0, 0)),
            pl.BlockSpec((R, 1), lambda i: (i, 0)),
            pl.BlockSpec((2 * EMB, 2 * EMB), lambda i: (0, 0)),
            pl.BlockSpec((1, 2 * EMB), lambda i: (0, 0)),
            pl.BlockSpec((2 * EMB, 1), lambda i: (0, 0)),
            pl.BlockSpec((1, 1), lambda i: (0, 0)),
        ],
        out_specs=pl.BlockSpec((G, 1), lambda i: (0, 0)),
        out_shape=jax.ShapeDtypeStruct((G, 1), jnp.float32),
        scratch_shapes=[
            pltpu.VMEM((G, EMB), jnp.float32),
            pltpu.VMEM((G, EMB), jnp.float32),
        ],
        name="gcn_post_tc",
    )(accp, degp, bp, batchp, accd, degd, bd, batchd, l0w, l0b, l1w, l1b)



def _pad_edges(ei):
    src = jnp.concatenate(
        [ei[0], jnp.zeros((E_PAD - E,), jnp.int32)]).reshape(NS, CPT, CHUNK)
    dst = jnp.concatenate(
        [ei[1], jnp.full((E_PAD - E,), SINK, jnp.int32)]).reshape(NS, CPT, CHUNK)
    return src, dst


def kernel(x_p, x_d, edge_attr_p, edge_attr_d, edge_index_p, edge_index_d,
           x_p_batch, x_d_batch, Wp0, bp0, Wp1, bp1, Wp2, bp2,
           Wd0, bd0, Wd1, bd1, Wd2, bd2, lin0_w, lin0_b, lin1_w, lin1_b):
    srcp, dstp = _pad_edges(edge_index_p)
    srcd, dstd = _pad_edges(edge_index_d)
    tp = _mm_call(x_p, Wp0)
    td = _mm_call(x_d, Wd0)
    degp, degd = _deg_call(dstp, dstd)

    up = _scale_call(tp, degp)
    ud = _scale_call(td, degd)
    for bp_l, wp_n, bd_l, wd_n in ((bp0, Wp1, bd0, Wd1), (bp1, Wp2, bd1, Wd2)):
        accp = _spmm_call(up, srcp, dstp)
        accd = _spmm_call(ud, srcd, dstd)
        up = _mid_call(accp, degp, bp_l.reshape(1, EMB), wp_n)
        ud = _mid_call(accd, degd, bd_l.reshape(1, EMB), wd_n)
    accp = _spmm_call(up, srcp, dstp)
    accd = _spmm_call(ud, srcd, dstd)

    return _post_call(
        accp, degp, bp2.reshape(1, EMB), x_p_batch.reshape(N, 1),
        accd, degd, bd2.reshape(1, EMB), x_d_batch.reshape(N, 1),
        lin0_w, lin0_b.reshape(1, 2 * EMB), lin1_w, lin1_b.reshape(1, 1))

# --- scband reference (transcript-rebuilt; emitter-appended) ---
"""Pipeline reference for scband-gcn-pair-42073499632113 (READ-ONLY COPY).

The authoritative reference and input builder live on the scoring server;
editing this copy changes nothing except your own understanding.
"""

import jax, jax.numpy as jnp
import numpy as np

N = 10000
E = 320000
F_IN = 128
EMB = 256
G = 64


def _gcn_conv(x, W, b, src, dst, n):
    loop = jnp.arange(n, dtype=src.dtype)
    s = jnp.concatenate([src, loop])
    d = jnp.concatenate([dst, loop])
    deg = jnp.zeros((n,), jnp.float32).at[d].add(1.0)
    dinv = jnp.where(deg > 0, deg ** -0.5, 0.0)
    norm = dinv[s] * dinv[d]
    h = x @ W
    msg = h[s] * norm[:, None]
    out = jnp.zeros((n, W.shape[1]), jnp.float32).at[d].add(msg)
    return out + b


def setup_inputs(seed: int = 0):
    key = jax.random.key(seed)
    ks = jax.random.split(key, 32)
    inp = {}
    inp['x_p'] = jax.random.normal(ks[0], (N, F_IN), jnp.float32)
    inp['x_d'] = jax.random.normal(ks[1], (N, F_IN), jnp.float32)
    inp['edge_attr_p'] = jax.random.normal(ks[2], (E, 16), jnp.float32)
    inp['edge_attr_d'] = jax.random.normal(ks[3], (E, 16), jnp.float32)
    inp['edge_index_p'] = jax.random.randint(ks[4], (2, E), 0, N, jnp.int32)
    inp['edge_index_d'] = jax.random.randint(ks[5], (2, E), 0, N, jnp.int32)
    inp['x_p_batch'] = jnp.sort(jax.random.randint(ks[6], (N,), 0, G, jnp.int32))
    inp['x_d_batch'] = jnp.sort(jax.random.randint(ks[7], (N,), 0, G, jnp.int32))
    dims = [(F_IN, EMB), (EMB, EMB), (EMB, EMB)]
    for i, (di, do) in enumerate(dims):
        inp['Wp%d' % i] = jax.random.normal(ks[8 + 2 * i], (di, do), jnp.float32) * 0.05
        inp['bp%d' % i] = jax.random.normal(ks[9 + 2 * i], (do,), jnp.float32) * 0.05
        inp['Wd%d' % i] = jax.random.normal(ks[14 + 2 * i], (di, do), jnp.float32) * 0.05
        inp['bd%d' % i] = jax.random.normal(ks[15 + 2 * i], (do,), jnp.float32) * 0.05
    inp['lin0_w'] = jax.random.normal(ks[20], (2 * EMB, 2 * EMB), jnp.float32) * 0.05
    inp['lin0_b'] = jax.random.normal(ks[21], (2 * EMB,), jnp.float32) * 0.05
    inp['lin1_w'] = jax.random.normal(ks[22], (2 * EMB, 1), jnp.float32) * 0.05
    inp['lin1_b'] = jax.random.normal(ks[23], (1,), jnp.float32) * 0.05
    return inp


def reference(x_p, x_d, edge_attr_p, edge_attr_d, edge_index_p, edge_index_d, x_p_batch, x_d_batch, Wp0, bp0, Wp1, bp1, Wp2, bp2, Wd0, bd0, Wd1, bd1, Wd2, bd2, lin0_w, lin0_b, lin1_w, lin1_b):
    sp, dp = edge_index_p[0], edge_index_p[1]
    sd, dd = edge_index_d[0], edge_index_d[1]
    h = x_p
    for W, b in ((Wp0, bp0), (Wp1, bp1), (Wp2, bp2)):
        h = jax.nn.relu(_gcn_conv(h, W, b, sp, dp, N))
    g = x_d
    for W, b in ((Wd0, bd0), (Wd1, bd1), (Wd2, bd2)):
        g = jax.nn.relu(_gcn_conv(g, W, b, sd, dd, N))
    hp = jax.ops.segment_max(h, x_p_batch, num_segments=G)
    hd = jax.ops.segment_max(g, x_d_batch, num_segments=G)
    x = jnp.concatenate([hp, hd], axis=1)
    # F.dropout(p=0.5) in eval mode is identity
    x = x @ lin0_w + lin0_b
    x = x @ lin1_w + lin1_b
    return x

if __name__ == "__main__":
    import jax
    _d = setup_inputs()
    print(jax.jit(kernel)(*tuple(_d.values())))

</pallas_src>

<mosaic_0001>
#map = affine_map<(d0, d1) -> (0, 0, 0)>
#map1 = affine_map<(d0, d1) -> (0, 0)>
module attributes {stable_mosaic.version = 14 : i64} {
  func.func @gcn_degree_sc(%arg0: i32, %arg1: i32, %arg2: memref<16x160x128xi32, #tpu.memory_space<hbm>>, %arg3: memref<16x160x128xi32, #tpu.memory_space<hbm>>, %arg4: memref<10000x128xf32, #tpu.memory_space<hbm>>, %arg5: memref<10000x128xf32, #tpu.memory_space<hbm>>, %arg6: memref<40x128xi32, #tpu.memory_space<vmem>>, %arg7: memref<128x128xf32, #tpu.memory_space<vmem>>, %arg8: memref<10240x128xf32, #tpu.memory_space<vmem_shared>>, %arg9: memref<!tpu.dma_semaphore, #tpu.memory_space<semaphore_mem>>) attributes {dimension_semantics = [#tpu.dimension_semantics<core_parallel>, #tpu.dimension_semantics<subcore_parallel>], iteration_bounds = array<i64: 2, 16>, scalar_prefetch = 0 : i64, scratch_operands = 4 : i64, tpu.core_type = #tpu.core_type<sc_vector_subcore>, window_params = [{transform_indices = #map}, {transform_indices = #map}, {transform_indices = #map1}, {transform_indices = #map1}]} {
    %scan3A = arith.constant 0 : i32
    %scan3A_0 = arith.constant 0 : i32
    %scan3A_1 = arith.constant 128 : i32
    %scan3A_2 = arith.addi %scan3A_0, %scan3A_1 : i32
    %scan3A_3 = arith.constant 1 : i32
    %scan3A_4 = scf.for %scan3A_42 = %scan3A_0 to %scan3A_2 step %scan3A_3 iter_args(%scan3A_43 = %scan3A) -> (i32)  : i32 {
      %broadcast_in_dim3A = arith.constant 1.000000e+00 : f32
      %broadcast_in_dim3A_44 = vector.broadcast %broadcast_in_dim3A : f32 to vector<16xf32>
      %swap3A = arith.index_cast %scan3A_42 : i32 to index
      %swap3A_45 = arith.constant 0 : index
      %swap3A_46 = tpu.vector_load %arg7[%swap3A, %swap3A_45] {strides = array<i32>} : memref<128x128xf32, #tpu.memory_space<vmem>>, vector<1x16xf32>,
      %swap3A_47 = vector.shape_cast %swap3A_46 : vector<1x16xf32> to vector<16xf32>
      %swap3A_48 = vector.shape_cast %broadcast_in_dim3A_44 : vector<16xf32> to vector<1x16xf32>
      tpu.vector_store %arg7[%swap3A, %swap3A_45], %swap3A_48 {strides = array<i32>} : memref<128x128xf32, #tpu.memory_space<vmem>>, vector<1x16xf32>,
      %broadcast_in_dim3A_49 = arith.constant 1.000000e+00 : f32
      %broadcast_in_dim3A_50 = vector.broadcast %broadcast_in_dim3A_49 : f32 to vector<16xf32>
      %swap3A_51 = arith.index_cast %scan3A_42 : i32 to index
      %swap3A_52 = arith.constant 16 : index
      %swap3A_53 = tpu.vector_load %arg7[%swap3A_51, %swap3A_52] {strides = array<i32>} : memref<128x128xf32, #tpu.memory_space<vmem>>, vector<1x16xf32>,
      %swap3A_54 = vector.shape_cast %swap3A_53 : vector<1x16xf32> to vector<16xf32>
      %swap3A_55 = vector.shape_cast %broadcast_in_dim3A_50 : vector<16xf32> to vector<1x16xf32>
      tpu.vector_store %arg7[%swap3A_51, %swap3A_52], %swap3A_55 {strides = array<i32>} : memref<128x128xf32, #tpu.memory_space<vmem>>, vector<1x16xf32>,
      %broadcast_in_dim3A_56 = arith.constant 1.000000e+00 : f32
      %broadcast_in_dim3A_57 = vector.broadcast %broadcast_in_dim3A_56 : f32 to vector<16xf32>
      %swap3A_58 = arith.index_cast %scan3A_42 : i32 to index
      %swap3A_59 = arith.constant 32 : index
      %swap3A_60 = tpu.vector_load %arg7[%swap3A_58, %swap3A_59] {strides = array<i32>} : memref<128x128xf32, #tpu.memory_space<vmem>>, vector<1x16xf32>,
      %swap3A_61 = vector.shape_cast %swap3A_60 : vector<1x16xf32> to vector<16xf32>
      %swap3A_62 = vector.shape_cast %broadcast_in_dim3A_57 : vector<16xf32> to vector<1x16xf32>
      tpu.vector_store %arg7[%swap3A_58, %swap3A_59], %swap3A_62 {strides = array<i32>} : memref<128x128xf32, #tpu.memory_space<vmem>>, vector<1x16xf32>,
      %broadcast_in_dim3A_63 = arith.constant 1.000000e+00 : f32
      %broadcast_in_dim3A_64 = vector.broadcast %broadcast_in_dim3A_63 : f32 to vector<16xf32>
      %swap3A_65 = arith.index_cast %scan3A_42 : i32 to index
      %swap3A_66 = arith.constant 48 : index
      %swap3A_67 = tpu.vector_load %arg7[%swap3A_65, %swap3A_66] {strides = array<i32>} : memref<128x128xf32, #tpu.memory_space<vmem>>, vector<1x16xf32>,
      %swap3A_68 = vector.shape_cast %swap3A_67 : vector<1x16xf32> to vector<16xf32>
      %swap3A_69 = vector.shape_cast %broadcast_in_dim3A_64 : vector<16xf32> to vector<1x16xf32>
      tpu.vector_store %arg7[%swap3A_65, %swap3A_66], %swap3A_69 {strides = array<i32>} : memref<128x128xf32, #tpu.memory_space<vmem>>, vector<1x16xf32>,
      %broadcast_in_dim3A_70 = arith.constant 1.000000e+00 : f32
      %broadcast_in_dim3A_71 = vector.broadcast %broadcast_in_dim3A_70 : f32 to vector<16xf32>
      %swap3A_72 = arith.index_cast %scan3A_42 : i32 to index
      %swap3A_73 = arith.constant 64 : index
      %swap3A_74 = tpu.vector_load %arg7[%swap3A_72, %swap3A_73] {strides = array<i32>} : memref<128x128xf32, #tpu.memory_space<vmem>>, vector<1x16xf32>,
      %swap3A_75 = vector.shape_cast %swap3A_74 : vector<1x16xf32> to vector<16xf32>
      %swap3A_76 = vector.shape_cast %broadcast_in_dim3A_71 : vector<16xf32> to vector<1x16xf32>
      tpu.vector_store %arg7[%swap3A_72, %swap3A_73], %swap3A_76 {strides = array<i32>} : memref<128x128xf32, #tpu.memory_space<vmem>>, vector<1x16xf32>,
      %broadcast_in_dim3A_77 = arith.constant 1.000000e+00 : f32
      %broadcast_in_dim3A_78 = vector.broadcast %broadcast_in_dim3A_77 : f32 to vector<16xf32>
      %swap3A_79 = arith.index_cast %scan3A_42 : i32 to index
      %swap3A_80 = arith.constant 80 : index
      %swap3A_81 = tpu.vector_load %arg7[%swap3A_79, %swap3A_80] {strides = array<i32>} : memref<128x128xf32, #tpu.memory_space<vmem>>, vector<1x16xf32>,
      %swap3A_82 = vector.shape_cast %swap3A_81 : vector<1x16xf32> to vector<16xf32>
      %swap3A_83 = vector.shape_cast %broadcast_in_dim3A_78 : vector<16xf32> to vector<1x16xf32>
      tpu.vector_store %arg7[%swap3A_79, %swap3A_80], %swap3A_83 {strides = array<i32>} : memref<128x128xf32, #tpu.memory_space<vmem>>, vector<1x16xf32>,
      %broadcast_in_dim3A_84 = arith.constant 1.000000e+00 : f32
      %broadcast_in_dim3A_85 = vector.broadcast %broadcast_in_dim3A_84 : f32 to vector<16xf32>
      %swap3A_86 = arith.index_cast %scan3A_42 : i32 to index
      %swap3A_87 = arith.constant 96 : index
      %swap3A_88 = tpu.vector_load %arg7[%swap3A_86, %swap3A_87] {strides = array<i32>} : memref<128x128xf32, #tpu.memory_space<vmem>>, vector<1x16xf32>,
      %swap3A_89 = vector.shape_cast %swap3A_88 : vector<1x16xf32> to vector<16xf32>
      %swap3A_90 = vector.shape_cast %broadcast_in_dim3A_85 : vector<16xf32> to vector<1x16xf32>
      tpu.vector_store %arg7[%swap3A_86, %swap3A_87], %swap3A_90 {strides = array<i32>} : memref<128x128xf32, #tpu.memory_space<vmem>>, vector<1x16xf32>,
      %broadcast_in_dim3A_91 = arith.constant 1.000000e+00 : f32
      %broadcast_in_dim3A_92 = vector.broadcast %broadcast_in_dim3A_91 : f32 to vector<16xf32>
      %swap3A_93 = arith.index_cast %scan3A_42 : i32 to index
      %swap3A_94 = arith.constant 112 : index
      %swap3A_95 = tpu.vector_load %arg7[%swap3A_93, %swap3A_94] {strides = array<i32>} : memref<128x128xf32, #tpu.memory_space<vmem>>, vector<1x16xf32>,
      %swap3A_96 = vector.shape_cast %swap3A_95 : vector<1x16xf32> to vector<16xf32>
      %swap3A_97 = vector.shape_cast %broadcast_in_dim3A_92 : vector<16xf32> to vector<1x16xf32>
      tpu.vector_store %arg7[%swap3A_93, %swap3A_94], %swap3A_97 {strides = array<i32>} : memref<128x128xf32, #tpu.memory_space<vmem>>, vector<1x16xf32>,
      %scan3A_98 = arith.constant 0 : i32
      scf.yield %scan3A_98 : i32
    }
    %scan3A_5 = arith.constant 128 : i32
    %mul3A = arith.constant 640 : i32
    %mul3A_6 = arith.muli %arg1, %mul3A : i32
    %add3A = arith.constant 0 : i32
    %add3A_7 = arith.addi %mul3A_6, %add3A : i32
    "tpu.region"() ({
      %run_scoped3A = tpu.sem_alloc : memref<!tpu.dma_semaphore, #tpu.memory_space<semaphore_mem>>
      %dma_start3A = arith.constant 0 : i32
      %dma_start3A_42 = tpu.memref_slice %arg8[%add3A_7, %dma_start3A] : memref<10240x128xf32, #tpu.memory_space<vmem_shared>> -> memref<128x128xf32, #tpu.memory_space<vmem_shared>>
      %dma_start3A_43 = arith.constant 0 : i32
      %dma_start3A_44 = tpu.memref_slice %arg8[%add3A_7, %dma_start3A_43] : memref<10240x128xf32, #tpu.memory_space<vmem_shared>> -> memref<128x128xf32, #tpu.memory_space<vmem_shared>>
      tpu.enqueue_dma source(%arg7 : memref<128x128xf32, #tpu.memory_space<vmem>>) target(%dma_start3A_44 : memref<128x128xf32, #tpu.memory_space<vmem_shared>>) target_semaphore(%run_scoped3A : memref<!tpu.dma_semaphore, #tpu.memory_space<semaphore_mem>>)
      %dma_wait3A = arith.constant 0 : i32
      %dma_wait3A_45 = tpu.memref_slice %arg8[%add3A_7, %dma_wait3A] : memref<10240x128xf32, #tpu.memory_space<vmem_shared>> -> memref<128x128xf32, #tpu.memory_space<vmem_shared>>
      %dma_wait3A_46 = arith.constant 0 : i32
      %dma_wait3A_47 = tpu.memref_slice %arg8[%add3A_7, %dma_wait3A_46] : memref<10240x128xf32, #tpu.memory_space<vmem_shared>> -> memref<128x128xf32, #tpu.memory_space<vmem_shared>>
      tpu.wait_dma2 semaphore(%run_scoped3A : memref<!tpu.dma_semaphore, #tpu.memory_space<semaphore_mem>>) src(%arg7 : memref<128x128xf32, #tpu.memory_space<vmem>>) dst(%dma_wait3A_47 : memref<128x128xf32, #tpu.memory_space<vmem_shared>>)
      tpu.yield
    }) : () -> ()
    %mul3A_8 = arith.constant 640 : i32
    %mul3A_9 = arith.muli %arg1, %mul3A_8 : i32
    %add3A_10 = arith.constant 128 : i32
    %add3A_11 = arith.addi %mul3A_9, %add3A_10 : i32
    "tpu.region"() ({
      %run_scoped3A = tpu.sem_alloc : memref<!tpu.dma_semaphore, #tpu.memory_space<semaphore_mem>>
      %dma_start3A = arith.constant 0 : i32
      %dma_start3A_42 = tpu.memref_slice %arg8[%add3A_11, %dma_start3A] : memref<10240x128xf32, #tpu.memory_space<vmem_shared>> -> memref<128x128xf32, #tpu.memory_space<vmem_shared>>
      %dma_start3A_43 = arith.constant 0 : i32
      %dma_start3A_44 = tpu.memref_slice %arg8[%add3A_11, %dma_start3A_43] : memref<10240x128xf32, #tpu.memory_space<vmem_shared>> -> memref<128x128xf32, #tpu.memory_space<vmem_shared>>
      tpu.enqueue_dma source(%arg7 : memref<128x128xf32, #tpu.memory_space<vmem>>) target(%dma_start3A_44 : memref<128x128xf32, #tpu.memory_space<vmem_shared>>) target_semaphore(%run_scoped3A : memref<!tpu.dma_semaphore, #tpu.memory_space<semaphore_mem>>)
      %dma_wait3A = arith.constant 0 : i32
      %dma_wait3A_45 = tpu.memref_slice %arg8[%add3A_11, %dma_wait3A] : memref<10240x128xf32, #tpu.memory_space<vmem_shared>> -> memref<128x128xf32, #tpu.memory_space<vmem_shared>>
      %dma_wait3A_46 = arith.constant 0 : i32
      %dma_wait3A_47 = tpu.memref_slice %arg8[%add3A_11, %dma_wait3A_46] : memref<10240x128xf32, #tpu.memory_space<vmem_shared>> -> memref<128x128xf32, #tpu.memory_space<vmem_shared>>
      tpu.wait_dma2 semaphore(%run_scoped3A : memref<!tpu.dma_semaphore, #tpu.memory_space<semaphore_mem>>) src(%arg7 : memref<128x128xf32, #tpu.memory_space<vmem>>) dst(%dma_wait3A_47 : memref<128x128xf32, #tpu.memory_space<vmem_shared>>)
      tpu.yield
    }) : () -> ()
    %mul3A_12 = arith.constant 640 : i32
    %mul3A_13 = arith.muli %arg1, %mul3A_12 : i32
    %add3A_14 = arith.constant 256 : i32
    %add3A_15 = arith.addi %mul3A_13, %add3A_14 : i32
    "tpu.region"() ({
      %run_scoped3A = tpu.sem_alloc : memref<!tpu.dma_semaphore, #tpu.memory_space<semaphore_mem>>
      %dma_start3A = arith.constant 0 : i32
      %dma_start3A_42 = tpu.memref_slice %arg8[%add3A_15, %dma_start3A] : memref<10240x128xf32, #tpu.memory_space<vmem_shared>> -> memref<128x128xf32, #tpu.memory_space<vmem_shared>>
      %dma_start3A_43 = arith.constant 0 : i32
      %dma_start3A_44 = tpu.memref_slice %arg8[%add3A_15, %dma_start3A_43] : memref<10240x128xf32, #tpu.memory_space<vmem_shared>> -> memref<128x128xf32, #tpu.memory_space<vmem_shared>>
      tpu.enqueue_dma source(%arg7 : memref<128x128xf32, #tpu.memory_space<vmem>>) target(%dma_start3A_44 : memref<128x128xf32, #tpu.memory_space<vmem_shared>>) target_semaphore(%run_scoped3A : memref<!tpu.dma_semaphore, #tpu.memory_space<semaphore_mem>>)
      %dma_wait3A = arith.constant 0 : i32
      %dma_wait3A_45 = tpu.memref_slice %arg8[%add3A_15, %dma_wait3A] : memref<10240x128xf32, #tpu.memory_space<vmem_shared>> -> memref<128x128xf32, #tpu.memory_space<vmem_shared>>
      %dma_wait3A_46 = arith.constant 0 : i32
      %dma_wait3A_47 = tpu.memref_slice %arg8[%add3A_15, %dma_wait3A_46] : memref<10240x128xf32, #tpu.memory_space<vmem_shared>> -> memref<128x128xf32, #tpu.memory_space<vmem_shared>>
      tpu.wait_dma2 semaphore(%run_scoped3A : memref<!tpu.dma_semaphore, #tpu.memory_space<semaphore_mem>>) src(%arg7 : memref<128x128xf32, #tpu.memory_space<vmem>>) dst(%dma_wait3A_47 : memref<128x128xf32, #tpu.memory_space<vmem_shared>>)
      tpu.yield
    }) : () -> ()
    %mul3A_16 = arith.constant 640 : i32
    %mul3A_17 = arith.muli %arg1, %mul3A_16 : i32
    %add3A_18 = arith.constant 384 : i32
    %add3A_19 = arith.addi %mul3A_17, %add3A_18 : i32
    "tpu.region"() ({
      %run_scoped3A = tpu.sem_alloc : memref<!tpu.dma_semaphore, #tpu.memory_space<semaphore_mem>>
      %dma_start3A = arith.constant 0 : i32
      %dma_start3A_42 = tpu.memref_slice %arg8[%add3A_19, %dma_start3A] : memref<10240x128xf32, #tpu.memory_space<vmem_shared>> -> memref<128x128xf32, #tpu.memory_space<vmem_shared>>
      %dma_start3A_43 = arith.constant 0 : i32
      %dma_start3A_44 = tpu.memref_slice %arg8[%add3A_19, %dma_start3A_43] : memref<10240x128xf32, #tpu.memory_space<vmem_shared>> -> memref<128x128xf32, #tpu.memory_space<vmem_shared>>
      tpu.enqueue_dma source(%arg7 : memref<128x128xf32, #tpu.memory_space<vmem>>) target(%dma_start3A_44 : memref<128x128xf32, #tpu.memory_space<vmem_shared>>) target_semaphore(%run_scoped3A : memref<!tpu.dma_semaphore, #tpu.memory_space<semaphore_mem>>)
      %dma_wait3A = arith.constant 0 : i32
      %dma_wait3A_45 = tpu.memref_slice %arg8[%add3A_19, %dma_wait3A] : memref<10240x128xf32, #tpu.memory_space<vmem_shared>> -> memref<128x128xf32, #tpu.memory_space<vmem_shared>>
      %dma_wait3A_46 = arith.constant 0 : i32
      %dma_wait3A_47 = tpu.memref_slice %arg8[%add3A_19, %dma_wait3A_46] : memref<10240x128xf32, #tpu.memory_space<vmem_shared>> -> memref<128x128xf32, #tpu.memory_space<vmem_shared>>
      tpu.wait_dma2 semaphore(%run_scoped3A : memref<!tpu.dma_semaphore, #tpu.memory_space<semaphore_mem>>) src(%arg7 : memref<128x128xf32, #tpu.memory_space<vmem>>) dst(%dma_wait3A_47 : memref<128x128xf32, #tpu.memory_space<vmem_shared>>)
      tpu.yield
    }) : () -> ()
    %mul3A_20 = arith.constant 640 : i32
    %mul3A_21 = arith.muli %arg1, %mul3A_20 : i32
    %add3A_22 = arith.constant 512 : i32
    %add3A_23 = arith.addi %mul3A_21, %add3A_22 : i32
    "tpu.region"() ({
      %run_scoped3A = tpu.sem_alloc : memref<!tpu.dma_semaphore, #tpu.memory_space<semaphore_mem>>
      %dma_start3A = arith.constant 0 : i32
      %dma_start3A_42 = tpu.memref_slice %arg8[%add3A_23, %dma_start3A] : memref<10240x128xf32, #tpu.memory_space<vmem_shared>> -> memref<128x128xf32, #tpu.memory_space<vmem_shared>>
      %dma_start3A_43 = arith.constant 0 : i32
      %dma_start3A_44 = tpu.memref_slice %arg8[%add3A_23, %dma_start3A_43] : memref<10240x128xf32, #tpu.memory_space<vmem_shared>> -> memref<128x128xf32, #tpu.memory_space<vmem_shared>>
      tpu.enqueue_dma source(%arg7 : memref<128x128xf32, #tpu.memory_space<vmem>>) target(%dma_start3A_44 : memref<128x128xf32, #tpu.memory_space<vmem_shared>>) target_semaphore(%run_scoped3A : memref<!tpu.dma_semaphore, #tpu.memory_space<semaphore_mem>>)
      %dma_wait3A = arith.constant 0 : i32
      %dma_wait3A_45 = tpu.memref_slice %arg8[%add3A_23, %dma_wait3A] : memref<10240x128xf32, #tpu.memory_space<vmem_shared>> -> memref<128x128xf32, #tpu.memory_space<vmem_shared>>
      %dma_wait3A_46 = arith.constant 0 : i32
      %dma_wait3A_47 = tpu.memref_slice %arg8[%add3A_23, %dma_wait3A_46] : memref<10240x128xf32, #tpu.memory_space<vmem_shared>> -> memref<128x128xf32, #tpu.memory_space<vmem_shared>>
      tpu.wait_dma2 semaphore(%run_scoped3A : memref<!tpu.dma_semaphore, #tpu.memory_space<semaphore_mem>>) src(%arg7 : memref<128x128xf32, #tpu.memory_space<vmem>>) dst(%dma_wait3A_47 : memref<128x128xf32, #tpu.memory_space<vmem_shared>>)
      tpu.yield
    }) : () -> ()
    %barrier3A = arith.constant 0 : index
    tpu.barrier barrier_id(%barrier3A)
    %eq3A = arith.constant 0 : i32
    %eq3A_24 = arith.cmpi eq, %arg0, %eq3A : i32
    %convert_element_type3A = arith.extui %eq3A_24 : i1 to i32
    %cond3A = arith.constant 0 : i32
    %cond3A_25 = arith.cmpi ne, %convert_element_type3A, %cond3A : i32
    scf.if %cond3A_25 {
      %scan3A_42 = arith.constant 0 : i32
      %scan3A_43 = arith.constant 0 : i32
      %scan3A_44 = arith.constant 4 : i32
      %scan3A_45 = arith.addi %scan3A_43, %scan3A_44 : i32
      %scan3A_46 = arith.constant 1 : i32
      %scan3A_47 = scf.for %scan3A_49 = %scan3A_43 to %scan3A_45 step %scan3A_46 iter_args(%scan3A_50 = %scan3A_42) -> (i32)  : i32 {
        %mul3A_51 = arith.constant 40 : i32
        %mul3A_52 = arith.muli %scan3A_49, %mul3A_51 : i32
        "tpu.region"() ({
          %run_scoped3A = tpu.sem_alloc : memref<!tpu.dma_semaphore, #tpu.memory_space<semaphore_mem>>
          %dma_start3A = arith.constant 0 : i32
          %dma_start3A_68 = arith.constant 0 : i32
          %dma_start3A_69 = tpu.memref_slice %arg2[%arg1, %dma_start3A, %dma_start3A_68] : memref<16x160x128xi32, #tpu.memory_space<hbm>> -> memref<1x160x128xi32, #tpu.memory_space<hbm>>
          %dma_start3A_70 = tpu.memref_squeeze %dma_start3A_69 : memref<1x160x128xi32, #tpu.memory_space<hbm>> -> memref<160x128xi32, #tpu.memory_space<hbm>>
          %dma_start3A_71 = arith.constant 0 : i32
          %dma_start3A_72 = tpu.memref_slice %dma_start3A_70[%mul3A_52, %dma_start3A_71] : memref<160x128xi32, #tpu.memory_space<hbm>> -> memref<40x128xi32, #tpu.memory_space<hbm>>
          %dma_start3A_73 = arith.constant 0 : i32
          %dma_start3A_74 = arith.constant 0 : i32
          %dma_start3A_75 = tpu.memref_slice %arg2[%arg1, %dma_start3A_73, %dma_start3A_74] : memref<16x160x128xi32, #tpu.memory_space<hbm>> -> memref<1x160x128xi32, #tpu.memory_space<hbm>>
          %dma_start3A_76 = tpu.memref_squeeze %dma_start3A_75 : memref<1x160x128xi32, #tpu.memory_space<hbm>> -> memref<160x128xi32, #tpu.memory_space<hbm>>
          %dma_start3A_77 = arith.constant 0 : i32
          %dma_start3A_78 = tpu.memref_slice %dma_start3A_76[%mul3A_52, %dma_start3A_77] : memref<160x128xi32, #tpu.memory_space<hbm>> -> memref<40x128xi32, #tpu.memory_space<hbm>>
          tpu.enqueue_dma source(%dma_start3A_78 : memref<40x128xi32, #tpu.memory_space<hbm>>) target(%arg6 : memref<40x128xi32, #tpu.memory_space<vmem>>) target_semaphore(%run_scoped3A : memref<!tpu.dma_semaphore, #tpu.memory_space<semaphore_mem>>)
          %dma_wait3A = arith.constant 0 : i32
          %dma_wait3A_79 = arith.constant 0 : i32
          %dma_wait3A_80 = tpu.memref_slice %arg2[%arg1, %dma_wait3A, %dma_wait3A_79] : memref<16x160x128xi32, #tpu.memory_space<hbm>> -> memref<1x160x128xi32, #tpu.memory_space<hbm>>
          %dma_wait3A_81 = tpu.memref_squeeze %dma_wait3A_80 : memref<1x160x128xi32, #tpu.memory_space<hbm>> -> memref<160x128xi32, #tpu.memory_space<hbm>>
          %dma_wait3A_82 = arith.constant 0 : i32
          %dma_wait3A_83 = tpu.memref_slice %dma_wait3A_81[%mul3A_52, %dma_wait3A_82] : memref<160x128xi32, #tpu.memory_space<hbm>> -> memref<40x128xi32, #tpu.memory_space<hbm>>
          %dma_wait3A_84 = arith.constant 0 : i32
          %dma_wait3A_85 = arith.constant 0 : i32
          %dma_wait3A_86 = tpu.memref_slice %arg2[%arg1, %dma_wait3A_84, %dma_wait3A_85] : memref<16x160x128xi32, #tpu.memory_space<hbm>> -> memref<1x160x128xi32, #tpu.memory_space<hbm>>
          %dma_wait3A_87 = tpu.memref_squeeze %dma_wait3A_86 : memref<1x160x128xi32, #tpu.memory_space<hbm>> -> memref<160x128xi32, #tpu.memory_space<hbm>>
          %dma_wait3A_88 = arith.constant 0 : i32
          %dma_wait3A_89 = tpu.memref_slice %dma_wait3A_87[%mul3A_52, %dma_wait3A_88] : memref<160x128xi32, #tpu.memory_space<hbm>> -> memref<40x128xi32, #tpu.memory_space<hbm>>
          tpu.wait_dma2 semaphore(%run_scoped3A : memref<!tpu.dma_semaphore, #tpu.memory_space<semaphore_mem>>) src(%dma_wait3A_89 : memref<40x128xi32, #tpu.memory_space<hbm>>) dst(%arg6 : memref<40x128xi32, #tpu.memory_space<vmem>>)
          tpu.yield
        }) : () -> ()
        %scan3A_53 = arith.constant 0 : i32
        %scan3A_54 = arith.constant 0 : i32
        %scan3A_55 = arith.constant 40 : i32
        %scan3A_56 = arith.addi %scan3A_54, %scan3A_55 : i32
        %scan3A_57 = arith.constant 1 : i32
        %scan3A_58 = scf.for %scan3A_68 = %scan3A_54 to %scan3A_56 step %scan3A_57 iter_args(%scan3A_69 = %scan3A_53) -> (i32)  : i32 {
          %dma_start3A = arith.constant 0 : i32
          %dma_start3A_70 = tpu.memref_slice %arg6[%scan3A_68, %dma_start3A] : memref<40x128xi32, #tpu.memory_space<vmem>> -> memref<1x128xi32, #tpu.memory_space<vmem>>
          %dma_start3A_71 = tpu.memref_squeeze %dma_start3A_70 : memref<1x128xi32, #tpu.memory_space<vmem>> -> memref<128xi32, #tpu.memory_space<vmem>>
          %dma_start3A_72 = arith.constant 0 : i32
          %dma_start3A_73 = arith.constant 0 : i32
          %dma_start3A_74 = tpu.memref_slice %arg8[%dma_start3A_72, %dma_start3A_73] : memref<10240x128xf32, #tpu.memory_space<vmem_shared>> -> memref<10240x128xf32, #tpu.memory_space<vmem_shared>>
          tpu.enqueue_indirect_dma source(%arg7 : memref<128x128xf32, #tpu.memory_space<vmem>>) target(%dma_start3A_74 : memref<10240x128xf32, #tpu.memory_space<vmem_shared>>) offsets(%dma_start3A_71 : memref<128xi32, #tpu.memory_space<vmem>>) semaphore(%arg9 : memref<!tpu.dma_semaphore, #tpu.memory_space<semaphore_mem>>) {add = true}
          %scan3A_75 = arith.constant 0 : i32
          scf.yield %scan3A_75 : i32
        }
        %scan3A_59 = arith.constant 40 : i32
        %scan3A_60 = arith.constant 0 : i32
        %scan3A_61 = arith.constant 0 : i32
        %scan3A_62 = arith.constant 40 : i32
        %scan3A_63 = arith.addi %scan3A_61, %scan3A_62 : i32
        %scan3A_64 = arith.constant 1 : i32
        %scan3A_65 = scf.for %scan3A_68 = %scan3A_61 to %scan3A_63 step %scan3A_64 iter_args(%scan3A_69 = %scan3A_60) -> (i32)  : i32 {
          %dma_wait3A = arith.constant 0 : i32
          %dma_wait3A_70 = tpu.memref_slice %arg6[%scan3A_68, %dma_wait3A] : memref<40x128xi32, #tpu.memory_space<vmem>> -> memref<1x128xi32, #tpu.memory_space<vmem>>
          %dma_wait3A_71 = tpu.memref_squeeze %dma_wait3A_70 : memref<1x128xi32, #tpu.memory_space<vmem>> -> memref<128xi32, #tpu.memory_space<vmem>>
          %dma_wait3A_72 = arith.constant 0 : i32
          %dma_wait3A_73 = arith.constant 0 : i32
          %dma_wait3A_74 = tpu.memref_slice %arg8[%dma_wait3A_72, %dma_wait3A_73] : memref<10240x128xf32, #tpu.memory_space<vmem_shared>> -> memref<10240x128xf32, #tpu.memory_space<vmem_shared>>
          tpu.wait_indirect_dma semaphore(%arg9 : memref<!tpu.dma_semaphore, #tpu.memory_space<semaphore_mem>>) src(%arg7 : memref<128x128xf32, #tpu.memory_space<vmem>>) dst(%dma_wait3A_74 : memref<10240x128xf32, #tpu.memory_space<vmem_shared>>)
          %scan3A_75 = arith.constant 0 : i32
          scf.yield %scan3A_75 : i32
        }
        %scan3A_66 = arith.constant 40 : i32
        %scan3A_67 = arith.constant 0 : i32
        scf.yield %scan3A_67 : i32
      }
      %scan3A_48 = arith.constant 4 : i32
    } else {
    }
    %eq3A_26 = arith.constant 1 : i32
    %eq3A_27 = arith.cmpi eq, %arg0, %eq3A_26 : i32
    %convert_element_type3A_28 = arith.extui %eq3A_27 : i1 to i32
    %cond3A_29 = arith.constant 0 : i32
    %cond3A_30 = arith.cmpi ne, %convert_element_type3A_28, %cond3A_29 : i32
    scf.if %cond3A_30 {
      %scan3A_42 = arith.constant 0 : i32
      %scan3A_43 = arith.constant 0 : i32
      %scan3A_44 = arith.constant 4 : i32
      %scan3A_45 = arith.addi %scan3A_43, %scan3A_44 : i32
      %scan3A_46 = arith.constant 1 : i32
      %scan3A_47 = scf.for %scan3A_49 = %scan3A_43 to %scan3A_45 step %scan3A_46 iter_args(%scan3A_50 = %scan3A_42) -> (i32)  : i32 {
        %mul3A_51 = arith.constant 40 : i32
        %mul3A_52 = arith.muli %scan3A_49, %mul3A_51 : i32
        "tpu.region"() ({
          %run_scoped3A = tpu.sem_alloc : memref<!tpu.dma_semaphore, #tpu.memory_space<semaphore_mem>>
          %dma_start3A = arith.constant 0 : i32
          %dma_start3A_68 = arith.constant 0 : i32
          %dma_start3A_69 = tpu.memref_slice %arg3[%arg1, %dma_start3A, %dma_start3A_68] : memref<16x160x128xi32, #tpu.memory_space<hbm>> -> memref<1x160x128xi32, #tpu.memory_space<hbm>>
          %dma_start3A_70 = tpu.memref_squeeze %dma_start3A_69 : memref<1x160x128xi32, #tpu.memory_space<hbm>> -> memref<160x128xi32, #tpu.memory_space<hbm>>
          %dma_start3A_71 = arith.constant 0 : i32
          %dma_start3A_72 = tpu.memref_slice %dma_start3A_70[%mul3A_52, %dma_start3A_71] : memref<160x128xi32, #tpu.memory_space<hbm>> -> memref<40x128xi32, #tpu.memory_space<hbm>>
          %dma_start3A_73 = arith.constant 0 : i32
          %dma_start3A_74 = arith.constant 0 : i32
          %dma_start3A_75 = tpu.memref_slice %arg3[%arg1, %dma_start3A_73, %dma_start3A_74] : memref<16x160x128xi32, #tpu.memory_space<hbm>> -> memref<1x160x128xi32, #tpu.memory_space<hbm>>
          %dma_start3A_76 = tpu.memref_squeeze %dma_start3A_75 : memref<1x160x128xi32, #tpu.memory_space<hbm>> -> memref<160x128xi32, #tpu.memory_space<hbm>>
          %dma_start3A_77 = arith.constant 0 : i32
          %dma_start3A_78 = tpu.memref_slice %dma_start3A_76[%mul3A_52, %dma_start3A_77] : memref<160x128xi32, #tpu.memory_space<hbm>> -> memref<40x128xi32, #tpu.memory_space<hbm>>
          tpu.enqueue_dma source(%dma_start3A_78 : memref<40x128xi32, #tpu.memory_space<hbm>>) target(%arg6 : memref<40x128xi32, #tpu.memory_space<vmem>>) target_semaphore(%run_scoped3A : memref<!tpu.dma_semaphore, #tpu.memory_space<semaphore_mem>>)
          %dma_wait3A = arith.constant 0 : i32
          %dma_wait3A_79 = arith.constant 0 : i32
          %dma_wait3A_80 = tpu.memref_slice %arg3[%arg1, %dma_wait3A, %dma_wait3A_79] : memref<16x160x128xi32, #tpu.memory_space<hbm>> -> memref<1x160x128xi32, #tpu.memory_space<hbm>>
          %dma_wait3A_81 = tpu.memref_squeeze %dma_wait3A_80 : memref<1x160x128xi32, #tpu.memory_space<hbm>> -> memref<160x128xi32, #tpu.memory_space<hbm>>
          %dma_wait3A_82 = arith.constant 0 : i32
          %dma_wait3A_83 = tpu.memref_slice %dma_wait3A_81[%mul3A_52, %dma_wait3A_82] : memref<160x128xi32, #tpu.memory_space<hbm>> -> memref<40x128xi32, #tpu.memory_space<hbm>>
          %dma_wait3A_84 = arith.constant 0 : i32
          %dma_wait3A_85 = arith.constant 0 : i32
          %dma_wait3A_86 = tpu.memref_slice %arg3[%arg1, %dma_wait3A_84, %dma_wait3A_85] : memref<16x160x128xi32, #tpu.memory_space<hbm>> -> memref<1x160x128xi32, #tpu.memory_space<hbm>>
          %dma_wait3A_87 = tpu.memref_squeeze %dma_wait3A_86 : memref<1x160x128xi32, #tpu.memory_space<hbm>> -> memref<160x128xi32, #tpu.memory_space<hbm>>
          %dma_wait3A_88 = arith.constant 0 : i32
          %dma_wait3A_89 = tpu.memref_slice %dma_wait3A_87[%mul3A_52, %dma_wait3A_88] : memref<160x128xi32, #tpu.memory_space<hbm>> -> memref<40x128xi32, #tpu.memory_space<hbm>>
          tpu.wait_dma2 semaphore(%run_scoped3A : memref<!tpu.dma_semaphore, #tpu.memory_space<semaphore_mem>>) src(%dma_wait3A_89 : memref<40x128xi32, #tpu.memory_space<hbm>>) dst(%arg6 : memref<40x128xi32, #tpu.memory_space<vmem>>)
          tpu.yield
        }) : () -> ()
        %scan3A_53 = arith.constant 0 : i32
        %scan3A_54 = arith.constant 0 : i32
        %scan3A_55 = arith.constant 40 : i32
        %scan3A_56 = arith.addi %scan3A_54, %scan3A_55 : i32
        %scan3A_57 = arith.constant 1 : i32
        %scan3A_58 = scf.for %scan3A_68 = %scan3A_54 to %scan3A_56 step %scan3A_57 iter_args(%scan3A_69 = %scan3A_53) -> (i32)  : i32 {
          %dma_start3A = arith.constant 0 : i32
          %dma_start3A_70 = tpu.memref_slice %arg6[%scan3A_68, %dma_start3A] : memref<40x128xi32, #tpu.memory_space<vmem>> -> memref<1x128xi32, #tpu.memory_space<vmem>>
          %dma_start3A_71 = tpu.memref_squeeze %dma_start3A_70 : memref<1x128xi32, #tpu.memory_space<vmem>> -> memref<128xi32, #tpu.memory_space<vmem>>
          %dma_start3A_72 = arith.constant 0 : i32
          %dma_start3A_73 = arith.constant 0 : i32
          %dma_start3A_74 = tpu.memref_slice %arg8[%dma_start3A_72, %dma_start3A_73] : memref<10240x128xf32, #tpu.memory_space<vmem_shared>> -> memref<10240x128xf32, #tpu.memory_space<vmem_shared>>
          tpu.enqueue_indirect_dma source(%arg7 : memref<128x128xf32, #tpu.memory_space<vmem>>) target(%dma_start3A_74 : memref<10240x128xf32, #tpu.memory_space<vmem_shared>>) offsets(%dma_start3A_71 : memref<128xi32, #tpu.memory_space<vmem>>) semaphore(%arg9 : memref<!tpu.dma_semaphore, #tpu.memory_space<semaphore_mem>>) {add = true}
          %scan3A_75 = arith.constant 0 : i32
          scf.yield %scan3A_75 : i32
        }
        %scan3A_59 = arith.constant 40 : i32
        %scan3A_60 = arith.constant 0 : i32
        %scan3A_61 = arith.constant 0 : i32
        %scan3A_62 = arith.constant 40 : i32
        %scan3A_63 = arith.addi %scan3A_61, %scan3A_62 : i32
        %scan3A_64 = arith.constant 1 : i32
        %scan3A_65 = scf.for %scan3A_68 = %scan3A_61 to %scan3A_63 step %scan3A_64 iter_args(%scan3A_69 = %scan3A_60) -> (i32)  : i32 {
          %dma_wait3A = arith.constant 0 : i32
          %dma_wait3A_70 = tpu.memref_slice %arg6[%scan3A_68, %dma_wait3A] : memref<40x128xi32, #tpu.memory_space<vmem>> -> memref<1x128xi32, #tpu.memory_space<vmem>>
          %dma_wait3A_71 = tpu.memref_squeeze %dma_wait3A_70 : memref<1x128xi32, #tpu.memory_space<vmem>> -> memref<128xi32, #tpu.memory_space<vmem>>
          %dma_wait3A_72 = arith.constant 0 : i32
          %dma_wait3A_73 = arith.constant 0 : i32
          %dma_wait3A_74 = tpu.memref_slice %arg8[%dma_wait3A_72, %dma_wait3A_73] : memref<10240x128xf32, #tpu.memory_space<vmem_shared>> -> memref<10240x128xf32, #tpu.memory_space<vmem_shared>>
          tpu.wait_indirect_dma semaphore(%arg9 : memref<!tpu.dma_semaphore, #tpu.memory_space<semaphore_mem>>) src(%arg7 : memref<128x128xf32, #tpu.memory_space<vmem>>) dst(%dma_wait3A_74 : memref<10240x128xf32, #tpu.memory_space<vmem_shared>>)
          %scan3A_75 = arith.constant 0 : i32
          scf.yield %scan3A_75 : i32
        }
        %scan3A_66 = arith.constant 40 : i32
        %scan3A_67 = arith.constant 0 : i32
        scf.yield %scan3A_67 : i32
      }
      %scan3A_48 = arith.constant 4 : i32
    } else {
    }
    %barrier3A_31 = arith.constant 0 : index
    tpu.barrier barrier_id(%barrier3A_31)
    %eq3A_32 = arith.constant 0 : i32
    %eq3A_33 = arith.cmpi eq, %arg0, %eq3A_32 : i32
    %convert_element_type3A_34 = arith.extui %eq3A_33 : i1 to i32
    %cond3A_35 = arith.constant 0 : i32
    %cond3A_36 = arith.cmpi ne, %convert_element_type3A_34, %cond3A_35 : i32
    scf.if %cond3A_36 {
      %mul3A_42 = arith.constant 624 : i32
      %mul3A_43 = arith.muli %arg1, %mul3A_42 : i32
      %mul3A_44 = arith.constant 624 : i32
      %mul3A_45 = arith.muli %arg1, %mul3A_44 : i32
      "tpu.region"() ({
        %run_scoped3A = tpu.sem_alloc : memref<!tpu.dma_semaphore, #tpu.memory_space<semaphore_mem>>
        %dma_start3A = arith.constant 0 : i32
        %dma_start3A_51 = tpu.memref_slice %arg4[%mul3A_45, %dma_start3A] : memref<10000x128xf32, #tpu.memory_space<hbm>> -> memref<624x128xf32, #tpu.memory_space<hbm>>
        %dma_start3A_52 = arith.constant 0 : i32
        %dma_start3A_53 = tpu.memref_slice %arg8[%mul3A_43, %dma_start3A_52] : memref<10240x128xf32, #tpu.memory_space<vmem_shared>> -> memref<624x128xf32, #tpu.memory_space<vmem_shared>>
        tpu.enqueue_dma source(%dma_start3A_53 : memref<624x128xf32, #tpu.memory_space<vmem_shared>>) target(%dma_start3A_51 : memref<624x128xf32, #tpu.memory_space<hbm>>) target_semaphore(%run_scoped3A : memref<!tpu.dma_semaphore, #tpu.memory_space<semaphore_mem>>)
        %dma_wait3A = arith.constant 0 : i32
        %dma_wait3A_54 = tpu.memref_slice %arg4[%mul3A_45, %dma_wait3A] : memref<10000x128xf32, #tpu.memory_space<hbm>> -> memref<624x128xf32, #tpu.memory_space<hbm>>
        %dma_wait3A_55 = arith.constant 0 : i32
        %dma_wait3A_56 = tpu.memref_slice %arg8[%mul3A_43, %dma_wait3A_55] : memref<10240x128xf32, #tpu.memory_space<vmem_shared>> -> memref<624x128xf32, #tpu.memory_space<vmem_shared>>
        tpu.wait_dma2 semaphore(%run_scoped3A : memref<!tpu.dma_semaphore, #tpu.memory_space<semaphore_mem>>) src(%dma_wait3A_56 : memref<624x128xf32, #tpu.memory_space<vmem_shared>>) dst(%dma_wait3A_54 : memref<624x128xf32, #tpu.memory_space<hbm>>)
        tpu.yield
      }) : () -> ()
      %eq3A_46 = arith.constant 0 : i32
      %eq3A_47 = arith.cmpi eq, %arg1, %eq3A_46 : i32
      %convert_element_type3A_48 = arith.extui %eq3A_47 : i1 to i32
      %cond3A_49 = arith.constant 0 : i32
      %cond3A_50 = arith.cmpi ne, %convert_element_type3A_48, %cond3A_49 : i32
      scf.if %cond3A_50 {
        "tpu.region"() ({
          %run_scoped3A = tpu.sem_alloc : memref<!tpu.dma_semaphore, #tpu.memory_space<semaphore_mem>>
          %dma_start3A = arith.constant 9984 : i32
          %dma_start3A_51 = arith.constant 0 : i32
          %dma_start3A_52 = tpu.memref_slice %arg4[%dma_start3A, %dma_start3A_51] : memref<10000x128xf32, #tpu.memory_space<hbm>> -> memref<16x128xf32, #tpu.memory_space<hbm>>
          %dma_start3A_53 = arith.constant 9984 : i32
          %dma_start3A_54 = arith.constant 0 : i32
          %dma_start3A_55 = tpu.memref_slice %arg8[%dma_start3A_53, %dma_start3A_54] : memref<10240x128xf32, #tpu.memory_space<vmem_shared>> -> memref<16x128xf32, #tpu.memory_space<vmem_shared>>
          tpu.enqueue_dma source(%dma_start3A_55 : memref<16x128xf32, #tpu.memory_space<vmem_shared>>) target(%dma_start3A_52 : memref<16x128xf32, #tpu.memory_space<hbm>>) target_semaphore(%run_scoped3A : memref<!tpu.dma_semaphore, #tpu.memory_space<semaphore_mem>>)
          %dma_wait3A = arith.constant 9984 : i32
          %dma_wait3A_56 = arith.constant 0 : i32
          %dma_wait3A_57 = tpu.memref_slice %arg4[%dma_wait3A, %dma_wait3A_56] : memref<10000x128xf32, #tpu.memory_space<hbm>> -> memref<16x128xf32, #tpu.memory_space<hbm>>
          %dma_wait3A_58 = arith.constant 9984 : i32
          %dma_wait3A_59 = arith.constant 0 : i32
          %dma_wait3A_60 = tpu.memref_slice %arg8[%dma_wait3A_58, %dma_wait3A_59] : memref<10240x128xf32, #tpu.memory_space<vmem_shared>> -> memref<16x128xf32, #tpu.memory_space<vmem_shared>>
          tpu.wait_dma2 semaphore(%run_scoped3A : memref<!tpu.dma_semaphore, #tpu.memory_space<semaphore_mem>>) src(%dma_wait3A_60 : memref<16x128xf32, #tpu.memory_space<vmem_shared>>) dst(%dma_wait3A_57 : memref<16x128xf32, #tpu.memory_space<hbm>>)
          tpu.yield
        }) : () -> ()
      } else {
      }
    } else {
    }
    %eq3A_37 = arith.constant 1 : i32
    %eq3A_38 = arith.cmpi eq, %arg0, %eq3A_37 : i32
    %convert_element_type3A_39 = arith.extui %eq3A_38 : i1 to i32
    %cond3A_40 = arith.constant 0 : i32
    %cond3A_41 = arith.cmpi ne, %convert_element_type3A_39, %cond3A_40 : i32
    scf.if %cond3A_41 {
      %mul3A_42 = arith.constant 624 : i32
      %mul3A_43 = arith.muli %arg1, %mul3A_42 : i32
      %mul3A_44 = arith.constant 624 : i32
      %mul3A_45 = arith.muli %arg1, %mul3A_44 : i32
      "tpu.region"() ({
        %run_scoped3A = tpu.sem_alloc : memref<!tpu.dma_semaphore, #tpu.memory_space<semaphore_mem>>
        %dma_start3A = arith.constant 0 : i32
        %dma_start3A_51 = tpu.memref_slice %arg5[%mul3A_45, %dma_start3A] : memref<10000x128xf32, #tpu.memory_space<hbm>> -> memref<624x128xf32, #tpu.memory_space<hbm>>
        %dma_start3A_52 = arith.constant 0 : i32
        %dma_start3A_53 = tpu.memref_slice %arg8[%mul3A_43, %dma_start3A_52] : memref<10240x128xf32, #tpu.memory_space<vmem_shared>> -> memref<624x128xf32, #tpu.memory_space<vmem_shared>>
        tpu.enqueue_dma source(%dma_start3A_53 : memref<624x128xf32, #tpu.memory_space<vmem_shared>>) target(%dma_start3A_51 : memref<624x128xf32, #tpu.memory_space<hbm>>) target_semaphore(%run_scoped3A : memref<!tpu.dma_semaphore, #tpu.memory_space<semaphore_mem>>)
        %dma_wait3A = arith.constant 0 : i32
        %dma_wait3A_54 = tpu.memref_slice %arg5[%mul3A_45, %dma_wait3A] : memref<10000x128xf32, #tpu.memory_space<hbm>> -> memref<624x128xf32, #tpu.memory_space<hbm>>
        %dma_wait3A_55 = arith.constant 0 : i32
        %dma_wait3A_56 = tpu.memref_slice %arg8[%mul3A_43, %dma_wait3A_55] : memref<10240x128xf32, #tpu.memory_space<vmem_shared>> -> memref<624x128xf32, #tpu.memory_space<vmem_shared>>
        tpu.wait_dma2 semaphore(%run_scoped3A : memref<!tpu.dma_semaphore, #tpu.memory_space<semaphore_mem>>) src(%dma_wait3A_56 : memref<624x128xf32, #tpu.memory_space<vmem_shared>>) dst(%dma_wait3A_54 : memref<624x128xf32, #tpu.memory_space<hbm>>)
        tpu.yield
      }) : () -> ()
      %eq3A_46 = arith.constant 0 : i32
      %eq3A_47 = arith.cmpi eq, %arg1, %eq3A_46 : i32
      %convert_element_type3A_48 = arith.extui %eq3A_47 : i1 to i32
      %cond3A_49 = arith.constant 0 : i32
      %cond3A_50 = arith.cmpi ne, %convert_element_type3A_48, %cond3A_49 : i32
      scf.if %cond3A_50 {
        "tpu.region"() ({
          %run_scoped3A = tpu.sem_alloc : memref<!tpu.dma_semaphore, #tpu.memory_space<semaphore_mem>>
          %dma_start3A = arith.constant 9984 : i32
          %dma_start3A_51 = arith.constant 0 : i32
          %dma_start3A_52 = tpu.memref_slice %arg5[%dma_start3A, %dma_start3A_51] : memref<10000x128xf32, #tpu.memory_space<hbm>> -> memref<16x128xf32, #tpu.memory_space<hbm>>
          %dma_start3A_53 = arith.constant 9984 : i32
          %dma_start3A_54 = arith.constant 0 : i32
          %dma_start3A_55 = tpu.memref_slice %arg8[%dma_start3A_53, %dma_start3A_54] : memref<10240x128xf32, #tpu.memory_space<vmem_shared>> -> memref<16x128xf32, #tpu.memory_space<vmem_shared>>
          tpu.enqueue_dma source(%dma_start3A_55 : memref<16x128xf32, #tpu.memory_space<vmem_shared>>) target(%dma_start3A_52 : memref<16x128xf32, #tpu.memory_space<hbm>>) target_semaphore(%run_scoped3A : memref<!tpu.dma_semaphore, #tpu.memory_space<semaphore_mem>>)
          %dma_wait3A = arith.constant 9984 : i32
          %dma_wait3A_56 = arith.constant 0 : i32
          %dma_wait3A_57 = tpu.memref_slice %arg5[%dma_wait3A, %dma_wait3A_56] : memref<10000x128xf32, #tpu.memory_space<hbm>> -> memref<16x128xf32, #tpu.memory_space<hbm>>
          %dma_wait3A_58 = arith.constant 9984 : i32
          %dma_wait3A_59 = arith.constant 0 : i32
          %dma_wait3A_60 = tpu.memref_slice %arg8[%dma_wait3A_58, %dma_wait3A_59] : memref<10240x128xf32, #tpu.memory_space<vmem_shared>> -> memref<16x128xf32, #tpu.memory_space<vmem_shared>>
          tpu.wait_dma2 semaphore(%run_scoped3A : memref<!tpu.dma_semaphore, #tpu.memory_space<semaphore_mem>>) src(%dma_wait3A_60 : memref<16x128xf32, #tpu.memory_space<vmem_shared>>) dst(%dma_wait3A_57 : memref<16x128xf32, #tpu.memory_space<hbm>>)
          tpu.yield
        }) : () -> ()
      } else {
      }
    } else {
    }
    return
  }
}

#map = affine_map<(d0, d1) -> (0, 0, 0)>
module attributes {stable_mosaic.version = 14 : i64} {
  func.func @gcn_spmm_sc(%arg0: i32, %arg1: i32, %arg2: memref<2x10000x128xf32, #tpu.memory_space<hbm>>, %arg3: memref<16x160x128xi32, #tpu.memory_space<hbm>>, %arg4: memref<16x160x128xi32, #tpu.memory_space<hbm>>, %arg5: memref<2x10000x128xf32, #tpu.memory_space<hbm>>, %arg6: memref<40x128xi32, #tpu.memory_space<vmem>>, %arg7: memref<40x128xi32, #tpu.memory_space<vmem>>, %arg8: memref<128x128xf32, #tpu.memory_space<vmem>>, %arg9: memref<128x128xf32, #tpu.memory_space<vmem>>, %arg10: memref<10008x128xf32, #tpu.memory_space<vmem_shared>>, %arg11: memref<!tpu.dma_semaphore, #tpu.memory_space<semaphore_mem>>, %arg12: memref<!tpu.dma_semaphore, #tpu.memory_space<semaphore_mem>>, %arg13: memref<!tpu.dma_semaphore, #tpu.memory_space<semaphore_mem>>, %arg14: memref<!tpu.dma_semaphore, #tpu.memory_space<semaphore_mem>>) attributes {dimension_semantics = [#tpu.dimension_semantics<core_parallel>, #tpu.dimension_semantics<subcore_parallel>], iteration_bounds = array<i64: 2, 16>, scalar_prefetch = 0 : i64, scratch_operands = 9 : i64, tpu.core_type = #tpu.core_type<sc_vector_subcore>, window_params = [{transform_indices = #map}, {transform_indices = #map}, {transform_indices = #map}, {transform_indices = #map}]} {
    %mul3A = arith.constant 624 : i32
    %mul3A_0 = arith.muli %arg1, %mul3A : i32
    %mul3A_1 = arith.constant 624 : i32
    %mul3A_2 = arith.muli %arg1, %mul3A_1 : i32
    "tpu.region"() ({
      %run_scoped3A = tpu.sem_alloc : memref<!tpu.dma_semaphore, #tpu.memory_space<semaphore_mem>>
      %dma_start3A = arith.constant 0 : i32
      %dma_start3A_21 = tpu.memref_slice %arg10[%mul3A_2, %dma_start3A] : memref<10008x128xf32, #tpu.memory_space<vmem_shared>> -> memref<624x128xf32, #tpu.memory_space<vmem_shared>>
      %dma_start3A_22 = arith.constant 0 : i32
      %dma_start3A_23 = arith.constant 0 : i32
      %dma_start3A_24 = tpu.memref_slice %arg2[%arg0, %dma_start3A_22, %dma_start3A_23] : memref<2x10000x128xf32, #tpu.memory_space<hbm>> -> memref<1x10000x128xf32, #tpu.memory_space<hbm>>
      %dma_start3A_25 = tpu.memref_squeeze %dma_start3A_24 : memref<1x10000x128xf32, #tpu.memory_space<hbm>> -> memref<10000x128xf32, #tpu.memory_space<hbm>>
      %dma_start3A_26 = arith.constant 0 : i32
      %dma_start3A_27 = tpu.memref_slice %dma_start3A_25[%mul3A_0, %dma_start3A_26] : memref<10000x128xf32, #tpu.memory_space<hbm>> -> memref<624x128xf32, #tpu.memory_space<hbm>>
      tpu.enqueue_dma source(%dma_start3A_27 : memref<624x128xf32, #tpu.memory_space<hbm>>) target(%dma_start3A_21 : memref<624x128xf32, #tpu.memory_space<vmem_shared>>) target_semaphore(%run_scoped3A : memref<!tpu.dma_semaphore, #tpu.memory_space<semaphore_mem>>)
      %dma_wait3A = arith.constant 0 : i32
      %dma_wait3A_28 = tpu.memref_slice %arg10[%mul3A_2, %dma_wait3A] : memref<10008x128xf32, #tpu.memory_space<vmem_shared>> -> memref<624x128xf32, #tpu.memory_space<vmem_shared>>
      %dma_wait3A_29 = arith.constant 0 : i32
      %dma_wait3A_30 = arith.constant 0 : i32
      %dma_wait3A_31 = tpu.memref_slice %arg2[%arg0, %dma_wait3A_29, %dma_wait3A_30] : memref<2x10000x128xf32, #tpu.memory_space<hbm>> -> memref<1x10000x128xf32, #tpu.memory_space<hbm>>
      %dma_wait3A_32 = tpu.memref_squeeze %dma_wait3A_31 : memref<1x10000x128xf32, #tpu.memory_space<hbm>> -> memref<10000x128xf32, #tpu.memory_space<hbm>>
      %dma_wait3A_33 = arith.constant 0 : i32
      %dma_wait3A_34 = tpu.memref_slice %dma_wait3A_32[%mul3A_0, %dma_wait3A_33] : memref<10000x128xf32, #tpu.memory_space<hbm>> -> memref<624x128xf32, #tpu.memory_space<hbm>>
      tpu.wait_dma2 semaphore(%run_scoped3A : memref<!tpu.dma_semaphore, #tpu.memory_space<semaphore_mem>>) src(%dma_wait3A_34 : memref<624x128xf32, #tpu.memory_space<hbm>>) dst(%dma_wait3A_28 : memref<624x128xf32, #tpu.memory_space<vmem_shared>>)
      tpu.yield
    }) : () -> ()
    %eq3A = arith.constant 0 : i32
    %eq3A_3 = arith.cmpi eq, %arg1, %eq3A : i32
    %convert_element_type3A = arith.extui %eq3A_3 : i1 to i32
    %cond3A = arith.constant 0 : i32
    %cond3A_4 = arith.cmpi ne, %convert_element_type3A, %cond3A : i32
    scf.if %cond3A_4 {
      "tpu.region"() ({
        %run_scoped3A = tpu.sem_alloc : memref<!tpu.dma_semaphore, #tpu.memory_space<semaphore_mem>>
        %dma_start3A = arith.constant 9984 : i32
        %dma_start3A_21 = arith.constant 0 : i32
        %dma_start3A_22 = tpu.memref_slice %arg10[%dma_start3A, %dma_start3A_21] : memref<10008x128xf32, #tpu.memory_space<vmem_shared>> -> memref<16x128xf32, #tpu.memory_space<vmem_shared>>
        %dma_start3A_23 = arith.constant 0 : i32
        %dma_start3A_24 = arith.constant 0 : i32
        %dma_start3A_25 = tpu.memref_slice %arg2[%arg0, %dma_start3A_23, %dma_start3A_24] : memref<2x10000x128xf32, #tpu.memory_space<hbm>> -> memref<1x10000x128xf32, #tpu.memory_space<hbm>>
        %dma_start3A_26 = tpu.memref_squeeze %dma_start3A_25 : memref<1x10000x128xf32, #tpu.memory_space<hbm>> -> memref<10000x128xf32, #tpu.memory_space<hbm>>
        %dma_start3A_27 = arith.constant 9984 : i32
        %dma_start3A_28 = arith.constant 0 : i32
        %dma_start3A_29 = tpu.memref_slice %dma_start3A_26[%dma_start3A_27, %dma_start3A_28] : memref<10000x128xf32, #tpu.memory_space<hbm>> -> memref<16x128xf32, #tpu.memory_space<hbm>>
        tpu.enqueue_dma source(%dma_start3A_29 : memref<16x128xf32, #tpu.memory_space<hbm>>) target(%dma_start3A_22 : memref<16x128xf32, #tpu.memory_space<vmem_shared>>) target_semaphore(%run_scoped3A : memref<!tpu.dma_semaphore, #tpu.memory_space<semaphore_mem>>)
        %dma_wait3A = arith.constant 9984 : i32
        %dma_wait3A_30 = arith.constant 0 : i32
        %dma_wait3A_31 = tpu.memref_slice %arg10[%dma_wait3A, %dma_wait3A_30] : memref<10008x128xf32, #tpu.memory_space<vmem_shared>> -> memref<16x128xf32, #tpu.memory_space<vmem_shared>>
        %dma_wait3A_32 = arith.constant 0 : i32
        %dma_wait3A_33 = arith.constant 0 : i32
        %dma_wait3A_34 = tpu.memref_slice %arg2[%arg0, %dma_wait3A_32, %dma_wait3A_33] : memref<2x10000x128xf32, #tpu.memory_space<hbm>> -> memref<1x10000x128xf32, #tpu.memory_space<hbm>>
        %dma_wait3A_35 = tpu.memref_squeeze %dma_wait3A_34 : memref<1x10000x128xf32, #tpu.memory_space<hbm>> -> memref<10000x128xf32, #tpu.memory_space<hbm>>
        %dma_wait3A_36 = arith.constant 9984 : i32
        %dma_wait3A_37 = arith.constant 0 : i32
        %dma_wait3A_38 = tpu.memref_slice %dma_wait3A_35[%dma_wait3A_36, %dma_wait3A_37] : memref<10000x128xf32, #tpu.memory_space<hbm>> -> memref<16x128xf32, #tpu.memory_space<hbm>>
        tpu.wait_dma2 semaphore(%run_scoped3A : memref<!tpu.dma_semaphore, #tpu.memory_space<semaphore_mem>>) src(%dma_wait3A_38 : memref<16x128xf32, #tpu.memory_space<hbm>>) dst(%dma_wait3A_31 : memref<16x128xf32, #tpu.memory_space<vmem_shared>>)
        tpu.yield
      }) : () -> ()
      "tpu.region"() ({
        %run_scoped3A = tpu.sem_alloc : memref<!tpu.dma_semaphore, #tpu.memory_space<semaphore_mem>>
        %dma_start3A = arith.constant 10000 : i32
        %dma_start3A_21 = arith.constant 0 : i32
        %dma_start3A_22 = tpu.memref_slice %arg10[%dma_start3A, %dma_start3A_21] : memref<10008x128xf32, #tpu.memory_space<vmem_shared>> -> memref<8x128xf32, #tpu.memory_space<vmem_shared>>
        %dma_start3A_23 = arith.constant 0 : i32
        %dma_start3A_24 = arith.constant 0 : i32
        %dma_start3A_25 = tpu.memref_slice %arg2[%arg0, %dma_start3A_23, %dma_start3A_24] : memref<2x10000x128xf32, #tpu.memory_space<hbm>> -> memref<1x10000x128xf32, #tpu.memory_space<hbm>>
        %dma_start3A_26 = tpu.memref_squeeze %dma_start3A_25 : memref<1x10000x128xf32, #tpu.memory_space<hbm>> -> memref<10000x128xf32, #tpu.memory_space<hbm>>
        %dma_start3A_27 = arith.constant 0 : i32
        %dma_start3A_28 = arith.constant 0 : i32
        %dma_start3A_29 = tpu.memref_slice %dma_start3A_26[%dma_start3A_27, %dma_start3A_28] : memref<10000x128xf32, #tpu.memory_space<hbm>> -> memref<8x128xf32, #tpu.memory_space<hbm>>
        tpu.enqueue_dma source(%dma_start3A_29 : memref<8x128xf32, #tpu.memory_space<hbm>>) target(%dma_start3A_22 : memref<8x128xf32, #tpu.memory_space<vmem_shared>>) target_semaphore(%run_scoped3A : memref<!tpu.dma_semaphore, #tpu.memory_space<semaphore_mem>>)
        %dma_wait3A = arith.constant 10000 : i32
        %dma_wait3A_30 = arith.constant 0 : i32
        %dma_wait3A_31 = tpu.memref_slice %arg10[%dma_wait3A, %dma_wait3A_30] : memref<10008x128xf32, #tpu.memory_space<vmem_shared>> -> memref<8x128xf32, #tpu.memory_space<vmem_shared>>
        %dma_wait3A_32 = arith.constant 0 : i32
        %dma_wait3A_33 = arith.constant 0 : i32
        %dma_wait3A_34 = tpu.memref_slice %arg2[%arg0, %dma_wait3A_32, %dma_wait3A_33] : memref<2x10000x128xf32, #tpu.memory_space<hbm>> -> memref<1x10000x128xf32, #tpu.memory_space<hbm>>
        %dma_wait3A_35 = tpu.memref_squeeze %dma_wait3A_34 : memref<1x10000x128xf32, #tpu.memory_space<hbm>> -> memref<10000x128xf32, #tpu.memory_space<hbm>>
        %dma_wait3A_36 = arith.constant 0 : i32
        %dma_wait3A_37 = arith.constant 0 : i32
        %dma_wait3A_38 = tpu.memref_slice %dma_wait3A_35[%dma_wait3A_36, %dma_wait3A_37] : memref<10000x128xf32, #tpu.memory_space<hbm>> -> memref<8x128xf32, #tpu.memory_space<hbm>>
        tpu.wait_dma2 semaphore(%run_scoped3A : memref<!tpu.dma_semaphore, #tpu.memory_space<semaphore_mem>>) src(%dma_wait3A_38 : memref<8x128xf32, #tpu.memory_space<hbm>>) dst(%dma_wait3A_31 : memref<8x128xf32, #tpu.memory_space<vmem_shared>>)
        tpu.yield
      }) : () -> ()
    } else {
    }
    %barrier3A = arith.constant 0 : index
    tpu.barrier barrier_id(%barrier3A)
    %scan3A = arith.constant 0 : i32
    %scan3A_5 = arith.constant 0 : i32
    %scan3A_6 = arith.constant 4 : i32
    %scan3A_7 = arith.addi %scan3A_5, %scan3A_6 : i32
    %scan3A_8 = arith.constant 1 : i32
    %scan3A_9 = scf.for %scan3A_21 = %scan3A_5 to %scan3A_7 step %scan3A_8 iter_args(%scan3A_22 = %scan3A) -> (i32)  : i32 {
      %mul3A_23 = arith.constant 40 : i32
      %mul3A_24 = arith.muli %scan3A_21, %mul3A_23 : i32
      "tpu.region"() ({
        %run_scoped3A = tpu.sem_alloc : memref<!tpu.dma_semaphore, #tpu.memory_space<semaphore_mem>>
        %dma_start3A_51 = arith.constant 0 : i32
        %dma_start3A_52 = arith.constant 0 : i32
        %dma_start3A_53 = tpu.memref_slice %arg3[%arg1, %dma_start3A_51, %dma_start3A_52] : memref<16x160x128xi32, #tpu.memory_space<hbm>> -> memref<1x160x128xi32, #tpu.memory_space<hbm>>
        %dma_start3A_54 = tpu.memref_squeeze %dma_start3A_53 : memref<1x160x128xi32, #tpu.memory_space<hbm>> -> memref<160x128xi32, #tpu.memory_space<hbm>>
        %dma_start3A_55 = arith.constant 0 : i32
        %dma_start3A_56 = tpu.memref_slice %dma_start3A_54[%mul3A_24, %dma_start3A_55] : memref<160x128xi32, #tpu.memory_space<hbm>> -> memref<40x128xi32, #tpu.memory_space<hbm>>
        %dma_start3A_57 = arith.constant 0 : i32
        %dma_start3A_58 = arith.constant 0 : i32
        %dma_start3A_59 = tpu.memref_slice %arg3[%arg1, %dma_start3A_57, %dma_start3A_58] : memref<16x160x128xi32, #tpu.memory_space<hbm>> -> memref<1x160x128xi32, #tpu.memory_space<hbm>>
        %dma_start3A_60 = tpu.memref_squeeze %dma_start3A_59 : memref<1x160x128xi32, #tpu.memory_space<hbm>> -> memref<160x128xi32, #tpu.memory_space<hbm>>
        %dma_start3A_61 = arith.constant 0 : i32
        %dma_start3A_62 = tpu.memref_slice %dma_start3A_60[%mul3A_24, %dma_start3A_61] : memref<160x128xi32, #tpu.memory_space<hbm>> -> memref<40x128xi32, #tpu.memory_space<hbm>>
        tpu.enqueue_dma source(%dma_start3A_62 : memref<40x128xi32, #tpu.memory_space<hbm>>) target(%arg6 : memref<40x128xi32, #tpu.memory_space<vmem>>) target_semaphore(%run_scoped3A : memref<!tpu.dma_semaphore, #tpu.memory_space<semaphore_mem>>)
        %dma_wait3A_63 = arith.constant 0 : i32
        %dma_wait3A_64 = arith.constant 0 : i32
        %dma_wait3A_65 = tpu.memref_slice %arg3[%arg1, %dma_wait3A_63, %dma_wait3A_64] : memref<16x160x128xi32, #tpu.memory_space<hbm>> -> memref<1x160x128xi32, #tpu.memory_space<hbm>>
        %dma_wait3A_66 = tpu.memref_squeeze %dma_wait3A_65 : memref<1x160x128xi32, #tpu.memory_space<hbm>> -> memref<160x128xi32, #tpu.memory_space<hbm>>
        %dma_wait3A_67 = arith.constant 0 : i32
        %dma_wait3A_68 = tpu.memref_slice %dma_wait3A_66[%mul3A_24, %dma_wait3A_67] : memref<160x128xi32, #tpu.memory_space<hbm>> -> memref<40x128xi32, #tpu.memory_space<hbm>>
        %dma_wait3A_69 = arith.constant 0 : i32
        %dma_wait3A_70 = arith.constant 0 : i32
        %dma_wait3A_71 = tpu.memref_slice %arg3[%arg1, %dma_wait3A_69, %dma_wait3A_70] : memref<16x160x128xi32, #tpu.memory_space<hbm>> -> memref<1x160x128xi32, #tpu.memory_space<hbm>>
        %dma_wait3A_72 = tpu.memref_squeeze %dma_wait3A_71 : memref<1x160x128xi32, #tpu.memory_space<hbm>> -> memref<160x128xi32, #tpu.memory_space<hbm>>
        %dma_wait3A_73 = arith.constant 0 : i32
        %dma_wait3A_74 = tpu.memref_slice %dma_wait3A_72[%mul3A_24, %dma_wait3A_73] : memref<160x128xi32, #tpu.memory_space<hbm>> -> memref<40x128xi32, #tpu.memory_space<hbm>>
        tpu.wait_dma2 semaphore(%run_scoped3A : memref<!tpu.dma_semaphore, #tpu.memory_space<semaphore_mem>>) src(%dma_wait3A_74 : memref<40x128xi32, #tpu.memory_space<hbm>>) dst(%arg6 : memref<40x128xi32, #tpu.memory_space<vmem>>)
        tpu.yield
      }) : () -> ()
      %mul3A_25 = arith.constant 40 : i32
      %mul3A_26 = arith.muli %scan3A_21, %mul3A_25 : i32
      "tpu.region"() ({
        %run_scoped3A = tpu.sem_alloc : memref<!tpu.dma_semaphore, #tpu.memory_space<semaphore_mem>>
        %dma_start3A_51 = arith.constant 0 : i32
        %dma_start3A_52 = arith.constant 0 : i32
        %dma_start3A_53 = tpu.memref_slice %arg4[%arg1, %dma_start3A_51, %dma_start3A_52] : memref<16x160x128xi32, #tpu.memory_space<hbm>> -> memref<1x160x128xi32, #tpu.memory_space<hbm>>
        %dma_start3A_54 = tpu.memref_squeeze %dma_start3A_53 : memref<1x160x128xi32, #tpu.memory_space<hbm>> -> memref<160x128xi32, #tpu.memory_space<hbm>>
        %dma_start3A_55 = arith.constant 0 : i32
        %dma_start3A_56 = tpu.memref_slice %dma_start3A_54[%mul3A_26, %dma_start3A_55] : memref<160x128xi32, #tpu.memory_space<hbm>> -> memref<40x128xi32, #tpu.memory_space<hbm>>
        %dma_start3A_57 = arith.constant 0 : i32
        %dma_start3A_58 = arith.constant 0 : i32
        %dma_start3A_59 = tpu.memref_slice %arg4[%arg1, %dma_start3A_57, %dma_start3A_58] : memref<16x160x128xi32, #tpu.memory_space<hbm>> -> memref<1x160x128xi32, #tpu.memory_space<hbm>>
        %dma_start3A_60 = tpu.memref_squeeze %dma_start3A_59 : memref<1x160x128xi32, #tpu.memory_space<hbm>> -> memref<160x128xi32, #tpu.memory_space<hbm>>
        %dma_start3A_61 = arith.constant 0 : i32
        %dma_start3A_62 = tpu.memref_slice %dma_start3A_60[%mul3A_26, %dma_start3A_61] : memref<160x128xi32, #tpu.memory_space<hbm>> -> memref<40x128xi32, #tpu.memory_space<hbm>>
        tpu.enqueue_dma source(%dma_start3A_62 : memref<40x128xi32, #tpu.memory_space<hbm>>) target(%arg7 : memref<40x128xi32, #tpu.memory_space<vmem>>) target_semaphore(%run_scoped3A : memref<!tpu.dma_semaphore, #tpu.memory_space<semaphore_mem>>)
        %dma_wait3A_63 = arith.constant 0 : i32
        %dma_wait3A_64 = arith.constant 0 : i32
        %dma_wait3A_65 = tpu.memref_slice %arg4[%arg1, %dma_wait3A_63, %dma_wait3A_64] : memref<16x160x128xi32, #tpu.memory_space<hbm>> -> memref<1x160x128xi32, #tpu.memory_space<hbm>>
        %dma_wait3A_66 = tpu.memref_squeeze %dma_wait3A_65 : memref<1x160x128xi32, #tpu.memory_space<hbm>> -> memref<160x128xi32, #tpu.memory_space<hbm>>
        %dma_wait3A_67 = arith.constant 0 : i32
        %dma_wait3A_68 = tpu.memref_slice %dma_wait3A_66[%mul3A_26, %dma_wait3A_67] : memref<160x128xi32, #tpu.memory_space<hbm>> -> memref<40x128xi32, #tpu.memory_space<hbm>>
        %dma_wait3A_69 = arith.constant 0 : i32
        %dma_wait3A_70 = arith.constant 0 : i32
        %dma_wait3A_71 = tpu.memref_slice %arg4[%arg1, %dma_wait3A_69, %dma_wait3A_70] : memref<16x160x128xi32, #tpu.memory_space<hbm>> -> memref<1x160x128xi32, #tpu.memory_space<hbm>>
        %dma_wait3A_72 = tpu.memref_squeeze %dma_wait3A_71 : memref<1x160x128xi32, #tpu.memory_space<hbm>> -> memref<160x128xi32, #tpu.memory_space<hbm>>
        %dma_wait3A_73 = arith.constant 0 : i32
        %dma_wait3A_74 = tpu.memref_slice %dma_wait3A_72[%mul3A_26, %dma_wait3A_73] : memref<160x128xi32, #tpu.memory_space<hbm>> -> memref<40x128xi32, #tpu.memory_space<hbm>>
        tpu.wait_dma2 semaphore(%run_scoped3A : memref<!tpu.dma_semaphore, #tpu.memory_space<semaphore_mem>>) src(%dma_wait3A_74 : memref<40x128xi32, #tpu.memory_space<hbm>>) dst(%arg7 : memref<40x128xi32, #tpu.memory_space<vmem>>)
        tpu.yield
      }) : () -> ()
      %dma_start3A = arith.constant 0 : i32
      %dma_start3A_27 = arith.constant 0 : i32
      %dma_start3A_28 = tpu.memref_slice %arg6[%dma_start3A, %dma_start3A_27] : memref<40x128xi32, #tpu.memory_space<vmem>> -> memref<1x128xi32, #tpu.memory_space<vmem>>
      %dma_start3A_29 = tpu.memref_squeeze %dma_start3A_28 : memref<1x128xi32, #tpu.memory_space<vmem>> -> memref<128xi32, #tpu.memory_space<vmem>>
      %dma_start3A_30 = arith.constant 0 : i32
      %dma_start3A_31 = arith.constant 0 : i32
      %dma_start3A_32 = tpu.memref_slice %arg2[%arg0, %dma_start3A_30, %dma_start3A_31] : memref<2x10000x128xf32, #tpu.memory_space<hbm>> -> memref<1x10000x128xf32, #tpu.memory_space<hbm>>
      %dma_start3A_33 = tpu.memref_squeeze %dma_start3A_32 : memref<1x10000x128xf32, #tpu.memory_space<hbm>> -> memref<10000x128xf32, #tpu.memory_space<hbm>>
      %dma_start3A_34 = arith.constant 0 : i32
      %dma_start3A_35 = arith.constant 0 : i32
      %dma_start3A_36 = tpu.memref_slice %dma_start3A_33[%dma_start3A_34, %dma_start3A_35] : memref<10000x128xf32, #tpu.memory_space<hbm>> -> memref<10000x128xf32, #tpu.memory_space<hbm>>
      tpu.enqueue_indirect_dma source(%dma_start3A_36 : memref<10000x128xf32, #tpu.memory_space<hbm>>) target(%arg8 : memref<128x128xf32, #tpu.memory_space<vmem>>) offsets(%dma_start3A_29 : memref<128xi32, #tpu.memory_space<vmem>>) semaphore(%arg11 : memref<!tpu.dma_semaphore, #tpu.memory_space<semaphore_mem>>)
      %scan3A_37 = arith.constant 0 : i32
      %scan3A_38 = arith.constant 0 : i32
      %scan3A_39 = arith.constant 20 : i32
      %scan3A_40 = arith.addi %scan3A_38, %scan3A_39 : i32
      %scan3A_41 = arith.constant 1 : i32
      %scan3A_42 = scf.for %scan3A_51 = %scan3A_38 to %scan3A_40 step %scan3A_41 iter_args(%scan3A_52 = %scan3A_37) -> (i32)  : i32 {
        %mul3A_53 = arith.constant 2 : i32
        %mul3A_54 = arith.muli %mul3A_53, %scan3A_51 : i32
        %mul3A_55 = arith.constant 2 : i32
        %mul3A_56 = arith.muli %mul3A_55, %scan3A_51 : i32
        %add3A = arith.constant 1 : i32
        %add3A_57 = arith.addi %mul3A_56, %add3A : i32
        %dma_wait3A_58 = arith.constant 0 : i32
        %dma_wait3A_59 = tpu.memref_slice %arg6[%mul3A_54, %dma_wait3A_58] : memref<40x128xi32, #tpu.memory_space<vmem>> -> memref<1x128xi32, #tpu.memory_space<vmem>>
        %dma_wait3A_60 = tpu.memref_squeeze %dma_wait3A_59 : memref<1x128xi32, #tpu.memory_space<vmem>> -> memref<128xi32, #tpu.memory_space<vmem>>
        %dma_wait3A_61 = arith.constant 0 : i32
        %dma_wait3A_62 = arith.constant 0 : i32
        %dma_wait3A_63 = tpu.memref_slice %arg2[%arg0, %dma_wait3A_61, %dma_wait3A_62] : memref<2x10000x128xf32, #tpu.memory_space<hbm>> -> memref<1x10000x128xf32, #tpu.memory_space<hbm>>
        %dma_wait3A_64 = tpu.memref_squeeze %dma_wait3A_63 : memref<1x10000x128xf32, #tpu.memory_space<hbm>> -> memref<10000x128xf32, #tpu.memory_space<hbm>>
        %dma_wait3A_65 = arith.constant 0 : i32
        %dma_wait3A_66 = arith.constant 0 : i32
        %dma_wait3A_67 = tpu.memref_slice %dma_wait3A_64[%dma_wait3A_65, %dma_wait3A_66] : memref<10000x128xf32, #tpu.memory_space<hbm>> -> memref<10000x128xf32, #tpu.memory_space<hbm>>
        tpu.wait_indirect_dma semaphore(%arg11 : memref<!tpu.dma_semaphore, #tpu.memory_space<semaphore_mem>>) src(%dma_wait3A_67 : memref<10000x128xf32, #tpu.memory_space<hbm>>) dst(%arg8 : memref<128x128xf32, #tpu.memory_space<vmem>>)
        %dma_start3A_68 = arith.constant 0 : i32
        %dma_start3A_69 = tpu.memref_slice %arg7[%mul3A_54, %dma_start3A_68] : memref<40x128xi32, #tpu.memory_space<vmem>> -> memref<1x128xi32, #tpu.memory_space<vmem>>
        %dma_start3A_70 = tpu.memref_squeeze %dma_start3A_69 : memref<1x128xi32, #tpu.memory_space<vmem>> -> memref<128xi32, #tpu.memory_space<vmem>>
        %dma_start3A_71 = arith.constant 0 : i32
        %dma_start3A_72 = arith.constant 0 : i32
        %dma_start3A_73 = tpu.memref_slice %arg10[%dma_start3A_71, %dma_start3A_72] : memref<10008x128xf32, #tpu.memory_space<vmem_shared>> -> memref<10008x128xf32, #tpu.memory_space<vmem_shared>>
        tpu.enqueue_indirect_dma source(%arg8 : memref<128x128xf32, #tpu.memory_space<vmem>>) target(%dma_start3A_73 : memref<10008x128xf32, #tpu.memory_space<vmem_shared>>) offsets(%dma_start3A_70 : memref<128xi32, #tpu.memory_space<vmem>>) semaphore(%arg13 : memref<!tpu.dma_semaphore, #tpu.memory_space<semaphore_mem>>) {add = true}
        %gt3A = arith.constant 0 : i32
        %gt3A_74 = arith.cmpi sgt, %scan3A_51, %gt3A : i32
        %convert_element_type3A_75 = arith.extui %gt3A_74 : i1 to i32
        %cond3A_76 = arith.constant 0 : i32
        %cond3A_77 = arith.cmpi ne, %convert_element_type3A_75, %cond3A_76 : i32
        scf.if %cond3A_77 {
          %dma_wait3A_115 = arith.constant 0 : i32
          %dma_wait3A_116 = tpu.memref_slice %arg7[%mul3A_54, %dma_wait3A_115] : memref<40x128xi32, #tpu.memory_space<vmem>> -> memref<1x128xi32, #tpu.memory_space<vmem>>
          %dma_wait3A_117 = tpu.memref_squeeze %dma_wait3A_116 : memref<1x128xi32, #tpu.memory_space<vmem>> -> memref<128xi32, #tpu.memory_space<vmem>>
          %dma_wait3A_118 = arith.constant 0 : i32
          %dma_wait3A_119 = arith.constant 0 : i32
          %dma_wait3A_120 = tpu.memref_slice %arg10[%dma_wait3A_118, %dma_wait3A_119] : memref<10008x128xf32, #tpu.memory_space<vmem_shared>> -> memref<10008x128xf32, #tpu.memory_space<vmem_shared>>
          tpu.wait_indirect_dma semaphore(%arg14 : memref<!tpu.dma_semaphore, #tpu.memory_space<semaphore_mem>>) src(%arg9 : memref<128x128xf32, #tpu.memory_space<vmem>>) dst(%dma_wait3A_120 : memref<10008x128xf32, #tpu.memory_space<vmem_shared>>)
        } else {
        }
        %dma_start3A_78 = arith.constant 0 : i32
        %dma_start3A_79 = tpu.memref_slice %arg6[%add3A_57, %dma_start3A_78] : memref<40x128xi32, #tpu.memory_space<vmem>> -> memref<1x128xi32, #tpu.memory_space<vmem>>
        %dma_start3A_80 = tpu.memref_squeeze %dma_start3A_79 : memref<1x128xi32, #tpu.memory_space<vmem>> -> memref<128xi32, #tpu.memory_space<vmem>>
        %dma_start3A_81 = arith.constant 0 : i32
        %dma_start3A_82 = arith.constant 0 : i32
        %dma_start3A_83 = tpu.memref_slice %arg2[%arg0, %dma_start3A_81, %dma_start3A_82] : memref<2x10000x128xf32, #tpu.memory_space<hbm>> -> memref<1x10000x128xf32, #tpu.memory_space<hbm>>
        %dma_start3A_84 = tpu.memref_squeeze %dma_start3A_83 : memref<1x10000x128xf32, #tpu.memory_space<hbm>> -> memref<10000x128xf32, #tpu.memory_space<hbm>>
        %dma_start3A_85 = arith.constant 0 : i32
        %dma_start3A_86 = arith.constant 0 : i32
        %dma_start3A_87 = tpu.memref_slice %dma_start3A_84[%dma_start3A_85, %dma_start3A_86] : memref<10000x128xf32, #tpu.memory_space<hbm>> -> memref<10000x128xf32, #tpu.memory_space<hbm>>
        tpu.enqueue_indirect_dma source(%dma_start3A_87 : memref<10000x128xf32, #tpu.memory_space<hbm>>) target(%arg9 : memref<128x128xf32, #tpu.memory_space<vmem>>) offsets(%dma_start3A_80 : memref<128xi32, #tpu.memory_space<vmem>>) semaphore(%arg12 : memref<!tpu.dma_semaphore, #tpu.memory_space<semaphore_mem>>)
        %dma_wait3A_88 = arith.constant 0 : i32
        %dma_wait3A_89 = tpu.memref_slice %arg6[%add3A_57, %dma_wait3A_88] : memref<40x128xi32, #tpu.memory_space<vmem>> -> memref<1x128xi32, #tpu.memory_space<vmem>>
        %dma_wait3A_90 = tpu.memref_squeeze %dma_wait3A_89 : memref<1x128xi32, #tpu.memory_space<vmem>> -> memref<128xi32, #tpu.memory_space<vmem>>
        %dma_wait3A_91 = arith.constant 0 : i32
        %dma_wait3A_92 = arith.constant 0 : i32
        %dma_wait3A_93 = tpu.memref_slice %arg2[%arg0, %dma_wait3A_91, %dma_wait3A_92] : memref<2x10000x128xf32, #tpu.memory_space<hbm>> -> memref<1x10000x128xf32, #tpu.memory_space<hbm>>
        %dma_wait3A_94 = tpu.memref_squeeze %dma_wait3A_93 : memref<1x10000x128xf32, #tpu.memory_space<hbm>> -> memref<10000x128xf32, #tpu.memory_space<hbm>>
        %dma_wait3A_95 = arith.constant 0 : i32
        %dma_wait3A_96 = arith.constant 0 : i32
        %dma_wait3A_97 = tpu.memref_slice %dma_wait3A_94[%dma_wait3A_95, %dma_wait3A_96] : memref<10000x128xf32, #tpu.memory_space<hbm>> -> memref<10000x128xf32, #tpu.memory_space<hbm>>
        tpu.wait_indirect_dma semaphore(%arg12 : memref<!tpu.dma_semaphore, #tpu.memory_space<semaphore_mem>>) src(%dma_wait3A_97 : memref<10000x128xf32, #tpu.memory_space<hbm>>) dst(%arg9 : memref<128x128xf32, #tpu.memory_space<vmem>>)
        %dma_start3A_98 = arith.constant 0 : i32
        %dma_start3A_99 = tpu.memref_slice %arg7[%add3A_57, %dma_start3A_98] : memref<40x128xi32, #tpu.memory_space<vmem>> -> memref<1x128xi32, #tpu.memory_space<vmem>>
        %dma_start3A_100 = tpu.memref_squeeze %dma_start3A_99 : memref<1x128xi32, #tpu.memory_space<vmem>> -> memref<128xi32, #tpu.memory_space<vmem>>
        %dma_start3A_101 = arith.constant 0 : i32
        %dma_start3A_102 = arith.constant 0 : i32
        %dma_start3A_103 = tpu.memref_slice %arg10[%dma_start3A_101, %dma_start3A_102] : memref<10008x128xf32, #tpu.memory_space<vmem_shared>> -> memref<10008x128xf32, #tpu.memory_space<vmem_shared>>
        tpu.enqueue_indirect_dma source(%arg9 : memref<128x128xf32, #tpu.memory_space<vmem>>) target(%dma_start3A_103 : memref<10008x128xf32, #tpu.memory_space<vmem_shared>>) offsets(%dma_start3A_100 : memref<128xi32, #tpu.memory_space<vmem>>) semaphore(%arg14 : memref<!tpu.dma_semaphore, #tpu.memory_space<semaphore_mem>>) {add = true}
        %dma_wait3A_104 = arith.constant 0 : i32
        %dma_wait3A_105 = tpu.memref_slice %arg7[%mul3A_54, %dma_wait3A_104] : memref<40x128xi32, #tpu.memory_space<vmem>> -> memref<1x128xi32, #tpu.memory_space<vmem>>
        %dma_wait3A_106 = tpu.memref_squeeze %dma_wait3A_105 : memref<1x128xi32, #tpu.memory_space<vmem>> -> memref<128xi32, #tpu.memory_space<vmem>>
        %dma_wait3A_107 = arith.constant 0 : i32
        %dma_wait3A_108 = arith.constant 0 : i32
        %dma_wait3A_109 = tpu.memref_slice %arg10[%dma_wait3A_107, %dma_wait3A_108] : memref<10008x128xf32, #tpu.memory_space<vmem_shared>> -> memref<10008x128xf32, #tpu.memory_space<vmem_shared>>
        tpu.wait_indirect_dma semaphore(%arg13 : memref<!tpu.dma_semaphore, #tpu.memory_space<semaphore_mem>>) src(%arg8 : memref<128x128xf32, #tpu.memory_space<vmem>>) dst(%dma_wait3A_109 : memref<10008x128xf32, #tpu.memory_space<vmem_shared>>)
        %lt3A = arith.constant 19 : i32
        %lt3A_110 = arith.cmpi slt, %scan3A_51, %lt3A : i32
        %convert_element_type3A_111 = arith.extui %lt3A_110 : i1 to i32
        %cond3A_112 = arith.constant 0 : i32
        %cond3A_113 = arith.cmpi ne, %convert_element_type3A_111, %cond3A_112 : i32
        scf.if %cond3A_113 {
          %add3A_115 = arith.constant 1 : i32
          %add3A_116 = arith.addi %add3A_57, %add3A_115 : i32
          %dma_start3A_117 = arith.constant 0 : i32
          %dma_start3A_118 = tpu.memref_slice %arg6[%add3A_116, %dma_start3A_117] : memref<40x128xi32, #tpu.memory_space<vmem>> -> memref<1x128xi32, #tpu.memory_space<vmem>>
          %dma_start3A_119 = tpu.memref_squeeze %dma_start3A_118 : memref<1x128xi32, #tpu.memory_space<vmem>> -> memref<128xi32, #tpu.memory_space<vmem>>
          %dma_start3A_120 = arith.constant 0 : i32
          %dma_start3A_121 = arith.constant 0 : i32
          %dma_start3A_122 = tpu.memref_slice %arg2[%arg0, %dma_start3A_120, %dma_start3A_121] : memref<2x10000x128xf32, #tpu.memory_space<hbm>> -> memref<1x10000x128xf32, #tpu.memory_space<hbm>>
          %dma_start3A_123 = tpu.memref_squeeze %dma_start3A_122 : memref<1x10000x128xf32, #tpu.memory_space<hbm>> -> memref<10000x128xf32, #tpu.memory_space<hbm>>
          %dma_start3A_124 = arith.constant 0 : i32
          %dma_start3A_125 = arith.constant 0 : i32
          %dma_start3A_126 = tpu.memref_slice %dma_start3A_123[%dma_start3A_124, %dma_start3A_125] : memref<10000x128xf32, #tpu.memory_space<hbm>> -> memref<10000x128xf32, #tpu.memory_space<hbm>>
          tpu.enqueue_indirect_dma source(%dma_start3A_126 : memref<10000x128xf32, #tpu.memory_space<hbm>>) target(%arg8 : memref<128x128xf32, #tpu.memory_space<vmem>>) offsets(%dma_start3A_119 : memref<128xi32, #tpu.memory_space<vmem>>) semaphore(%arg11 : memref<!tpu.dma_semaphore, #tpu.memory_space<semaphore_mem>>)
        } else {
        }
        %scan3A_114 = arith.constant 0 : i32
        scf.yield %scan3A_114 : i32
      }
      %scan3A_43 = arith.constant 20 : i32
      %dma_wait3A = arith.constant 39 : i32
      %dma_wait3A_44 = arith.constant 0 : i32
      %dma_wait3A_45 = tpu.memref_slice %arg7[%dma_wait3A, %dma_wait3A_44] : memref<40x128xi32, #tpu.memory_space<vmem>> -> memref<1x128xi32, #tpu.memory_space<vmem>>
      %dma_wait3A_46 = tpu.memref_squeeze %dma_wait3A_45 : memref<1x128xi32, #tpu.memory_space<vmem>> -> memref<128xi32, #tpu.memory_space<vmem>>
      %dma_wait3A_47 = arith.constant 0 : i32
      %dma_wait3A_48 = arith.constant 0 : i32
      %dma_wait3A_49 = tpu.memref_slice %arg10[%dma_wait3A_47, %dma_wait3A_48] : memref<10008x128xf32, #tpu.memory_space<vmem_shared>> -> memref<10008x128xf32, #tpu.memory_space<vmem_shared>>
      tpu.wait_indirect_dma semaphore(%arg14 : memref<!tpu.dma_semaphore, #tpu.memory_space<semaphore_mem>>) src(%arg9 : memref<128x128xf32, #tpu.memory_space<vmem>>) dst(%dma_wait3A_49 : memref<10008x128xf32, #tpu.memory_space<vmem_shared>>)
      %scan3A_50 = arith.constant 0 : i32
      scf.yield %scan3A_50 : i32
    }
    %scan3A_10 = arith.constant 4 : i32
    %barrier3A_11 = arith.constant 0 : index
    tpu.barrier barrier_id(%barrier3A_11)
    %mul3A_12 = arith.constant 624 : i32
    %mul3A_13 = arith.muli %arg1, %mul3A_12 : i32
    %mul3A_14 = arith.constant 624 : i32
    %mul3A_15 = arith.muli %arg1, %mul3A_14 : i32
    "tpu.region"() ({
      %run_scoped3A = tpu.sem_alloc : memref<!tpu.dma_semaphore, #tpu.memory_space<semaphore_mem>>
      %dma_start3A = arith.constant 0 : i32
      %dma_start3A_21 = arith.constant 0 : i32
      %dma_start3A_22 = tpu.memref_slice %arg5[%arg0, %dma_start3A, %dma_start3A_21] : memref<2x10000x128xf32, #tpu.memory_space<hbm>> -> memref<1x10000x128xf32, #tpu.memory_space<hbm>>
      %dma_start3A_23 = tpu.memref_squeeze %dma_start3A_22 : memref<1x10000x128xf32, #tpu.memory_space<hbm>> -> memref<10000x128xf32, #tpu.memory_space<hbm>>
      %dma_start3A_24 = arith.constant 0 : i32
      %dma_start3A_25 = tpu.memref_slice %dma_start3A_23[%mul3A_15, %dma_start3A_24] : memref<10000x128xf32, #tpu.memory_space<hbm>> -> memref<624x128xf32, #tpu.memory_space<hbm>>
      %dma_start3A_26 = arith.constant 0 : i32
      %dma_start3A_27 = tpu.memref_slice %arg10[%mul3A_13, %dma_start3A_26] : memref<10008x128xf32, #tpu.memory_space<vmem_shared>> -> memref<624x128xf32, #tpu.memory_space<vmem_shared>>
      tpu.enqueue_dma source(%dma_start3A_27 : memref<624x128xf32, #tpu.memory_space<vmem_shared>>) target(%dma_start3A_25 : memref<624x128xf32, #tpu.memory_space<hbm>>) target_semaphore(%run_scoped3A : memref<!tpu.dma_semaphore, #tpu.memory_space<semaphore_mem>>)
      %dma_wait3A = arith.constant 0 : i32
      %dma_wait3A_28 = arith.constant 0 : i32
      %dma_wait3A_29 = tpu.memref_slice %arg5[%arg0, %dma_wait3A, %dma_wait3A_28] : memref<2x10000x128xf32, #tpu.memory_space<hbm>> -> memref<1x10000x128xf32, #tpu.memory_space<hbm>>
      %dma_wait3A_30 = tpu.memref_squeeze %dma_wait3A_29 : memref<1x10000x128xf32, #tpu.memory_space<hbm>> -> memref<10000x128xf32, #tpu.memory_space<hbm>>
      %dma_wait3A_31 = arith.constant 0 : i32
      %dma_wait3A_32 = tpu.memref_slice %dma_wait3A_30[%mul3A_15, %dma_wait3A_31] : memref<10000x128xf32, #tpu.memory_space<hbm>> -> memref<624x128xf32, #tpu.memory_space<hbm>>
      %dma_wait3A_33 = arith.constant 0 : i32
      %dma_wait3A_34 = tpu.memref_slice %arg10[%mul3A_13, %dma_wait3A_33] : memref<10008x128xf32, #tpu.memory_space<vmem_shared>> -> memref<624x128xf32, #tpu.memory_space<vmem_shared>>
      tpu.wait_dma2 semaphore(%run_scoped3A : memref<!tpu.dma_semaphore, #tpu.memory_space<semaphore_mem>>) src(%dma_wait3A_34 : memref<624x128xf32, #tpu.memory_space<vmem_shared>>) dst(%dma_wait3A_32 : memref<624x128xf32, #tpu.memory_space<hbm>>)
      tpu.yield
    }) : () -> ()
    %eq3A_16 = arith.constant 0 : i32
    %eq3A_17 = arith.cmpi eq, %arg1, %eq3A_16 : i32
    %convert_element_type3A_18 = arith.extui %eq3A_17 : i1 to i32
    %cond3A_19 = arith.constant 0 : i32
    %cond3A_20 = arith.cmpi ne, %convert_element_type3A_18, %cond3A_19 : i32
    scf.if %cond3A_20 {
      "tpu.region"() ({
        %run_scoped3A = tpu.sem_alloc : memref<!tpu.dma_semaphore, #tpu.memory_space<semaphore_mem>>
        %dma_start3A = arith.constant 0 : i32
        %dma_start3A_21 = arith.constant 0 : i32
        %dma_start3A_22 = tpu.memref_slice %arg5[%arg0, %dma_start3A, %dma_start3A_21] : memref<2x10000x128xf32, #tpu.memory_space<hbm>> -> memref<1x10000x128xf32, #tpu.memory_space<hbm>>
        %dma_start3A_23 = tpu.memref_squeeze %dma_start3A_22 : memref<1x10000x128xf32, #tpu.memory_space<hbm>> -> memref<10000x128xf32, #tpu.memory_space<hbm>>
        %dma_start3A_24 = arith.constant 9984 : i32
        %dma_start3A_25 = arith.constant 0 : i32
        %dma_start3A_26 = tpu.memref_slice %dma_start3A_23[%dma_start3A_24, %dma_start3A_25] : memref<10000x128xf32, #tpu.memory_space<hbm>> -> memref<16x128xf32, #tpu.memory_space<hbm>>
        %dma_start3A_27 = arith.constant 9984 : i32
        %dma_start3A_28 = arith.constant 0 : i32
        %dma_start3A_29 = tpu.memref_slice %arg10[%dma_start3A_27, %dma_start3A_28] : memref<10008x128xf32, #tpu.memory_space<vmem_shared>> -> memref<16x128xf32, #tpu.memory_space<vmem_shared>>
        tpu.enqueue_dma source(%dma_start3A_29 : memref<16x128xf32, #tpu.memory_space<vmem_shared>>) target(%dma_start3A_26 : memref<16x128xf32, #tpu.memory_space<hbm>>) target_semaphore(%run_scoped3A : memref<!tpu.dma_semaphore, #tpu.memory_space<semaphore_mem>>)
        %dma_wait3A = arith.constant 0 : i32
        %dma_wait3A_30 = arith.constant 0 : i32
        %dma_wait3A_31 = tpu.memref_slice %arg5[%arg0, %dma_wait3A, %dma_wait3A_30] : memref<2x10000x128xf32, #tpu.memory_space<hbm>> -> memref<1x10000x128xf32, #tpu.memory_space<hbm>>
        %dma_wait3A_32 = tpu.memref_squeeze %dma_wait3A_31 : memref<1x10000x128xf32, #tpu.memory_space<hbm>> -> memref<10000x128xf32, #tpu.memory_space<hbm>>
        %dma_wait3A_33 = arith.constant 9984 : i32
        %dma_wait3A_34 = arith.constant 0 : i32
        %dma_wait3A_35 = tpu.memref_slice %dma_wait3A_32[%dma_wait3A_33, %dma_wait3A_34] : memref<10000x128xf32, #tpu.memory_space<hbm>> -> memref<16x128xf32, #tpu.memory_space<hbm>>
        %dma_wait3A_36 = arith.constant 9984 : i32
        %dma_wait3A_37 = arith.constant 0 : i32
        %dma_wait3A_38 = tpu.memref_slice %arg10[%dma_wait3A_36, %dma_wait3A_37] : memref<10008x128xf32, #tpu.memory_space<vmem_shared>> -> memref<16x128xf32, #tpu.memory_space<vmem_shared>>
        tpu.wait_dma2 semaphore(%run_scoped3A : memref<!tpu.dma_semaphore, #tpu.memory_space<semaphore_mem>>) src(%dma_wait3A_38 : memref<16x128xf32, #tpu.memory_space<vmem_shared>>) dst(%dma_wait3A_35 : memref<16x128xf32, #tpu.memory_space<hbm>>)
        tpu.yield
      }) : () -> ()
    } else {
    }
    return
  }
}

#map = affine_map<(d0, d1) -> (0, 0, 0)>
module attributes {stable_mosaic.version = 14 : i64} {
  func.func @gcn_spmm_sc(%arg0: i32, %arg1: i32, %arg2: memref<2x10000x128xf32, #tpu.memory_space<hbm>>, %arg3: memref<16x160x128xi32, #tpu.memory_space<hbm>>, %arg4: memref<16x160x128xi32, #tpu.memory_space<hbm>>, %arg5: memref<2x10000x128xf32, #tpu.memory_space<hbm>>, %arg6: memref<40x128xi32, #tpu.memory_space<vmem>>, %arg7: memref<40x128xi32, #tpu.memory_space<vmem>>, %arg8: memref<128x128xf32, #tpu.memory_space<vmem>>, %arg9: memref<128x128xf32, #tpu.memory_space<vmem>>, %arg10: memref<10008x128xf32, #tpu.memory_space<vmem_shared>>, %arg11: memref<!tpu.dma_semaphore, #tpu.memory_space<semaphore_mem>>, %arg12: memref<!tpu.dma_semaphore, #tpu.memory_space<semaphore_mem>>, %arg13: memref<!tpu.dma_semaphore, #tpu.memory_space<semaphore_mem>>, %arg14: memref<!tpu.dma_semaphore, #tpu.memory_space<semaphore_mem>>) attributes {dimension_semantics = [#tpu.dimension_semantics<core_parallel>, #tpu.dimension_semantics<subcore_parallel>], iteration_bounds = array<i64: 2, 16>, scalar_prefetch = 0 : i64, scratch_operands = 9 : i64, tpu.core_type = #tpu.core_type<sc_vector_subcore>, window_params = [{transform_indices = #map}, {transform_indices = #map}, {transform_indices = #map}, {transform_indices = #map}]} {
    %mul3A = arith.constant 624 : i32
    %mul3A_0 = arith.muli %arg1, %mul3A : i32
    %mul3A_1 = arith.constant 624 : i32
    %mul3A_2 = arith.muli %arg1, %mul3A_1 : i32
    "tpu.region"() ({
      %run_scoped3A = tpu.sem_alloc : memref<!tpu.dma_semaphore, #tpu.memory_space<semaphore_mem>>
      %dma_start3A = arith.constant 0 : i32
      %dma_start3A_21 = tpu.memref_slice %arg10[%mul3A_2, %dma_start3A] : memref<10008x128xf32, #tpu.memory_space<vmem_shared>> -> memref<624x128xf32, #tpu.memory_space<vmem_shared>>
      %dma_start3A_22 = arith.constant 0 : i32
      %dma_start3A_23 = arith.constant 0 : i32
      %dma_start3A_24 = tpu.memref_slice %arg2[%arg0, %dma_start3A_22, %dma_start3A_23] : memref<2x10000x128xf32, #tpu.memory_space<hbm>> -> memref<1x10000x128xf32, #tpu.memory_space<hbm>>
      %dma_start3A_25 = tpu.memref_squeeze %dma_start3A_24 : memref<1x10000x128xf32, #tpu.memory_space<hbm>> -> memref<10000x128xf32, #tpu.memory_space<hbm>>
      %dma_start3A_26 = arith.constant 0 : i32
      %dma_start3A_27 = tpu.memref_slice %dma_start3A_25[%mul3A_0, %dma_start3A_26] : memref<10000x128xf32, #tpu.memory_space<hbm>> -> memref<624x128xf32, #tpu.memory_space<hbm>>
      tpu.enqueue_dma source(%dma_start3A_27 : memref<624x128xf32, #tpu.memory_space<hbm>>) target(%dma_start3A_21 : memref<624x128xf32, #tpu.memory_space<vmem_shared>>) target_semaphore(%run_scoped3A : memref<!tpu.dma_semaphore, #tpu.memory_space<semaphore_mem>>)
      %dma_wait3A = arith.constant 0 : i32
      %dma_wait3A_28 = tpu.memref_slice %arg10[%mul3A_2, %dma_wait3A] : memref<10008x128xf32, #tpu.memory_space<vmem_shared>> -> memref<624x128xf32, #tpu.memory_space<vmem_shared>>
      %dma_wait3A_29 = arith.constant 0 : i32
      %dma_wait3A_30 = arith.constant 0 : i32
      %dma_wait3A_31 = tpu.memref_slice %arg2[%arg0, %dma_wait3A_29, %dma_wait3A_30] : memref<2x10000x128xf32, #tpu.memory_space<hbm>> -> memref<1x10000x128xf32, #tpu.memory_space<hbm>>
      %dma_wait3A_32 = tpu.memref_squeeze %dma_wait3A_31 : memref<1x10000x128xf32, #tpu.memory_space<hbm>> -> memref<10000x128xf32, #tpu.memory_space<hbm>>
      %dma_wait3A_33 = arith.constant 0 : i32
      %dma_wait3A_34 = tpu.memref_slice %dma_wait3A_32[%mul3A_0, %dma_wait3A_33] : memref<10000x128xf32, #tpu.memory_space<hbm>> -> memref<624x128xf32, #tpu.memory_space<hbm>>
      tpu.wait_dma2 semaphore(%run_scoped3A : memref<!tpu.dma_semaphore, #tpu.memory_space<semaphore_mem>>) src(%dma_wait3A_34 : memref<624x128xf32, #tpu.memory_space<hbm>>) dst(%dma_wait3A_28 : memref<624x128xf32, #tpu.memory_space<vmem_shared>>)
      tpu.yield
    }) : () -> ()
    %eq3A = arith.constant 0 : i32
    %eq3A_3 = arith.cmpi eq, %arg1, %eq3A : i32
    %convert_element_type3A = arith.extui %eq3A_3 : i1 to i32
    %cond3A = arith.constant 0 : i32
    %cond3A_4 = arith.cmpi ne, %convert_element_type3A, %cond3A : i32
    scf.if %cond3A_4 {
      "tpu.region"() ({
        %run_scoped3A = tpu.sem_alloc : memref<!tpu.dma_semaphore, #tpu.memory_space<semaphore_mem>>
        %dma_start3A = arith.constant 9984 : i32
        %dma_start3A_21 = arith.constant 0 : i32
        %dma_start3A_22 = tpu.memref_slice %arg10[%dma_start3A, %dma_start3A_21] : memref<10008x128xf32, #tpu.memory_space<vmem_shared>> -> memref<16x128xf32, #tpu.memory_space<vmem_shared>>
        %dma_start3A_23 = arith.constant 0 : i32
        %dma_start3A_24 = arith.constant 0 : i32
        %dma_start3A_25 = tpu.memref_slice %arg2[%arg0, %dma_start3A_23, %dma_start3A_24] : memref<2x10000x128xf32, #tpu.memory_space<hbm>> -> memref<1x10000x128xf32, #tpu.memory_space<hbm>>
        %dma_start3A_26 = tpu.memref_squeeze %dma_start3A_25 : memref<1x10000x128xf32, #tpu.memory_space<hbm>> -> memref<10000x128xf32, #tpu.memory_space<hbm>>
        %dma_start3A_27 = arith.constant 9984 : i32
        %dma_start3A_28 = arith.constant 0 : i32
        %dma_start3A_29 = tpu.memref_slice %dma_start3A_26[%dma_start3A_27, %dma_start3A_28] : memref<10000x128xf32, #tpu.memory_space<hbm>> -> memref<16x128xf32, #tpu.memory_space<hbm>>
        tpu.enqueue_dma source(%dma_start3A_29 : memref<16x128xf32, #tpu.memory_space<hbm>>) target(%dma_start3A_22 : memref<16x128xf32, #tpu.memory_space<vmem_shared>>) target_semaphore(%run_scoped3A : memref<!tpu.dma_semaphore, #tpu.memory_space<semaphore_mem>>)
        %dma_wait3A = arith.constant 9984 : i32
        %dma_wait3A_30 = arith.constant 0 : i32
        %dma_wait3A_31 = tpu.memref_slice %arg10[%dma_wait3A, %dma_wait3A_30] : memref<10008x128xf32, #tpu.memory_space<vmem_shared>> -> memref<16x128xf32, #tpu.memory_space<vmem_shared>>
        %dma_wait3A_32 = arith.constant 0 : i32
        %dma_wait3A_33 = arith.constant 0 : i32
        %dma_wait3A_34 = tpu.memref_slice %arg2[%arg0, %dma_wait3A_32, %dma_wait3A_33] : memref<2x10000x128xf32, #tpu.memory_space<hbm>> -> memref<1x10000x128xf32, #tpu.memory_space<hbm>>
        %dma_wait3A_35 = tpu.memref_squeeze %dma_wait3A_34 : memref<1x10000x128xf32, #tpu.memory_space<hbm>> -> memref<10000x128xf32, #tpu.memory_space<hbm>>
        %dma_wait3A_36 = arith.constant 9984 : i32
        %dma_wait3A_37 = arith.constant 0 : i32
        %dma_wait3A_38 = tpu.memref_slice %dma_wait3A_35[%dma_wait3A_36, %dma_wait3A_37] : memref<10000x128xf32, #tpu.memory_space<hbm>> -> memref<16x128xf32, #tpu.memory_space<hbm>>
        tpu.wait_dma2 semaphore(%run_scoped3A : memref<!tpu.dma_semaphore, #tpu.memory_space<semaphore_mem>>) src(%dma_wait3A_38 : memref<16x128xf32, #tpu.memory_space<hbm>>) dst(%dma_wait3A_31 : memref<16x128xf32, #tpu.memory_space<vmem_shared>>)
        tpu.yield
      }) : () -> ()
      "tpu.region"() ({
        %run_scoped3A = tpu.sem_alloc : memref<!tpu.dma_semaphore, #tpu.memory_space<semaphore_mem>>
        %dma_start3A = arith.constant 10000 : i32
        %dma_start3A_21 = arith.constant 0 : i32
        %dma_start3A_22 = tpu.memref_slice %arg10[%dma_start3A, %dma_start3A_21] : memref<10008x128xf32, #tpu.memory_space<vmem_shared>> -> memref<8x128xf32, #tpu.memory_space<vmem_shared>>
        %dma_start3A_23 = arith.constant 0 : i32
        %dma_start3A_24 = arith.constant 0 : i32
        %dma_start3A_25 = tpu.memref_slice %arg2[%arg0, %dma_start3A_23, %dma_start3A_24] : memref<2x10000x128xf32, #tpu.memory_space<hbm>> -> memref<1x10000x128xf32, #tpu.memory_space<hbm>>
        %dma_start3A_26 = tpu.memref_squeeze %dma_start3A_25 : memref<1x10000x128xf32, #tpu.memory_space<hbm>> -> memref<10000x128xf32, #tpu.memory_space<hbm>>
        %dma_start3A_27 = arith.constant 0 : i32
        %dma_start3A_28 = arith.constant 0 : i32
        %dma_start3A_29 = tpu.memref_slice %dma_start3A_26[%dma_start3A_27, %dma_start3A_28] : memref<10000x128xf32, #tpu.memory_space<hbm>> -> memref<8x128xf32, #tpu.memory_space<hbm>>
        tpu.enqueue_dma source(%dma_start3A_29 : memref<8x128xf32, #tpu.memory_space<hbm>>) target(%dma_start3A_22 : memref<8x128xf32, #tpu.memory_space<vmem_shared>>) target_semaphore(%run_scoped3A : memref<!tpu.dma_semaphore, #tpu.memory_space<semaphore_mem>>)
        %dma_wait3A = arith.constant 10000 : i32
        %dma_wait3A_30 = arith.constant 0 : i32
        %dma_wait3A_31 = tpu.memref_slice %arg10[%dma_wait3A, %dma_wait3A_30] : memref<10008x128xf32, #tpu.memory_space<vmem_shared>> -> memref<8x128xf32, #tpu.memory_space<vmem_shared>>
        %dma_wait3A_32 = arith.constant 0 : i32
        %dma_wait3A_33 = arith.constant 0 : i32
        %dma_wait3A_34 = tpu.memref_slice %arg2[%arg0, %dma_wait3A_32, %dma_wait3A_33] : memref<2x10000x128xf32, #tpu.memory_space<hbm>> -> memref<1x10000x128xf32, #tpu.memory_space<hbm>>
        %dma_wait3A_35 = tpu.memref_squeeze %dma_wait3A_34 : memref<1x10000x128xf32, #tpu.memory_space<hbm>> -> memref<10000x128xf32, #tpu.memory_space<hbm>>
        %dma_wait3A_36 = arith.constant 0 : i32
        %dma_wait3A_37 = arith.constant 0 : i32
        %dma_wait3A_38 = tpu.memref_slice %dma_wait3A_35[%dma_wait3A_36, %dma_wait3A_37] : memref<10000x128xf32, #tpu.memory_space<hbm>> -> memref<8x128xf32, #tpu.memory_space<hbm>>
        tpu.wait_dma2 semaphore(%run_scoped3A : memref<!tpu.dma_semaphore, #tpu.memory_space<semaphore_mem>>) src(%dma_wait3A_38 : memref<8x128xf32, #tpu.memory_space<hbm>>) dst(%dma_wait3A_31 : memref<8x128xf32, #tpu.memory_space<vmem_shared>>)
        tpu.yield
      }) : () -> ()
    } else {
    }
    %barrier3A = arith.constant 0 : index
    tpu.barrier barrier_id(%barrier3A)
    %scan3A = arith.constant 0 : i32
    %scan3A_5 = arith.constant 0 : i32
    %scan3A_6 = arith.constant 4 : i32
    %scan3A_7 = arith.addi %scan3A_5, %scan3A_6 : i32
    %scan3A_8 = arith.constant 1 : i32
    %scan3A_9 = scf.for %scan3A_21 = %scan3A_5 to %scan3A_7 step %scan3A_8 iter_args(%scan3A_22 = %scan3A) -> (i32)  : i32 {
      %mul3A_23 = arith.constant 40 : i32
      %mul3A_24 = arith.muli %scan3A_21, %mul3A_23 : i32
      "tpu.region"() ({
        %run_scoped3A = tpu.sem_alloc : memref<!tpu.dma_semaphore, #tpu.memory_space<semaphore_mem>>
        %dma_start3A_51 = arith.constant 0 : i32
        %dma_start3A_52 = arith.constant 0 : i32
        %dma_start3A_53 = tpu.memref_slice %arg3[%arg1, %dma_start3A_51, %dma_start3A_52] : memref<16x160x128xi32, #tpu.memory_space<hbm>> -> memref<1x160x128xi32, #tpu.memory_space<hbm>>
        %dma_start3A_54 = tpu.memref_squeeze %dma_start3A_53 : memref<1x160x128xi32, #tpu.memory_space<hbm>> -> memref<160x128xi32, #tpu.memory_space<hbm>>
        %dma_start3A_55 = arith.constant 0 : i32
        %dma_start3A_56 = tpu.memref_slice %dma_start3A_54[%mul3A_24, %dma_start3A_55] : memref<160x128xi32, #tpu.memory_space<hbm>> -> memref<40x128xi32, #tpu.memory_space<hbm>>
        %dma_start3A_57 = arith.constant 0 : i32
        %dma_start3A_58 = arith.constant 0 : i32
        %dma_start3A_59 = tpu.memref_slice %arg3[%arg1, %dma_start3A_57, %dma_start3A_58] : memref<16x160x128xi32, #tpu.memory_space<hbm>> -> memref<1x160x128xi32, #tpu.memory_space<hbm>>
        %dma_start3A_60 = tpu.memref_squeeze %dma_start3A_59 : memref<1x160x128xi32, #tpu.memory_space<hbm>> -> memref<160x128xi32, #tpu.memory_space<hbm>>
        %dma_start3A_61 = arith.constant 0 : i32
        %dma_start3A_62 = tpu.memref_slice %dma_start3A_60[%mul3A_24, %dma_start3A_61] : memref<160x128xi32, #tpu.memory_space<hbm>> -> memref<40x128xi32, #tpu.memory_space<hbm>>
        tpu.enqueue_dma source(%dma_start3A_62 : memref<40x128xi32, #tpu.memory_space<hbm>>) target(%arg6 : memref<40x128xi32, #tpu.memory_space<vmem>>) target_semaphore(%run_scoped3A : memref<!tpu.dma_semaphore, #tpu.memory_space<semaphore_mem>>)
        %dma_wait3A_63 = arith.constant 0 : i32
        %dma_wait3A_64 = arith.constant 0 : i32
        %dma_wait3A_65 = tpu.memref_slice %arg3[%arg1, %dma_wait3A_63, %dma_wait3A_64] : memref<16x160x128xi32, #tpu.memory_space<hbm>> -> memref<1x160x128xi32, #tpu.memory_space<hbm>>
        %dma_wait3A_66 = tpu.memref_squeeze %dma_wait3A_65 : memref<1x160x128xi32, #tpu.memory_space<hbm>> -> memref<160x128xi32, #tpu.memory_space<hbm>>
        %dma_wait3A_67 = arith.constant 0 : i32
        %dma_wait3A_68 = tpu.memref_slice %dma_wait3A_66[%mul3A_24, %dma_wait3A_67] : memref<160x128xi32, #tpu.memory_space<hbm>> -> memref<40x128xi32, #tpu.memory_space<hbm>>
        %dma_wait3A_69 = arith.constant 0 : i32
        %dma_wait3A_70 = arith.constant 0 : i32
        %dma_wait3A_71 = tpu.memref_slice %arg3[%arg1, %dma_wait3A_69, %dma_wait3A_70] : memref<16x160x128xi32, #tpu.memory_space<hbm>> -> memref<1x160x128xi32, #tpu.memory_space<hbm>>
        %dma_wait3A_72 = tpu.memref_squeeze %dma_wait3A_71 : memref<1x160x128xi32, #tpu.memory_space<hbm>> -> memref<160x128xi32, #tpu.memory_space<hbm>>
        %dma_wait3A_73 = arith.constant 0 : i32
        %dma_wait3A_74 = tpu.memref_slice %dma_wait3A_72[%mul3A_24, %dma_wait3A_73] : memref<160x128xi32, #tpu.memory_space<hbm>> -> memref<40x128xi32, #tpu.memory_space<hbm>>
        tpu.wait_dma2 semaphore(%run_scoped3A : memref<!tpu.dma_semaphore, #tpu.memory_space<semaphore_mem>>) src(%dma_wait3A_74 : memref<40x128xi32, #tpu.memory_space<hbm>>) dst(%arg6 : memref<40x128xi32, #tpu.memory_space<vmem>>)
        tpu.yield
      }) : () -> ()
      %mul3A_25 = arith.constant 40 : i32
      %mul3A_26 = arith.muli %scan3A_21, %mul3A_25 : i32
      "tpu.region"() ({
        %run_scoped3A = tpu.sem_alloc : memref<!tpu.dma_semaphore, #tpu.memory_space<semaphore_mem>>
        %dma_start3A_51 = arith.constant 0 : i32
        %dma_start3A_52 = arith.constant 0 : i32
        %dma_start3A_53 = tpu.memref_slice %arg4[%arg1, %dma_start3A_51, %dma_start3A_52] : memref<16x160x128xi32, #tpu.memory_space<hbm>> -> memref<1x160x128xi32, #tpu.memory_space<hbm>>
        %dma_start3A_54 = tpu.memref_squeeze %dma_start3A_53 : memref<1x160x128xi32, #tpu.memory_space<hbm>> -> memref<160x128xi32, #tpu.memory_space<hbm>>
        %dma_start3A_55 = arith.constant 0 : i32
        %dma_start3A_56 = tpu.memref_slice %dma_start3A_54[%mul3A_26, %dma_start3A_55] : memref<160x128xi32, #tpu.memory_space<hbm>> -> memref<40x128xi32, #tpu.memory_space<hbm>>
        %dma_start3A_57 = arith.constant 0 : i32
        %dma_start3A_58 = arith.constant 0 : i32
        %dma_start3A_59 = tpu.memref_slice %arg4[%arg1, %dma_start3A_57, %dma_start3A_58] : memref<16x160x128xi32, #tpu.memory_space<hbm>> -> memref<1x160x128xi32, #tpu.memory_space<hbm>>
        %dma_start3A_60 = tpu.memref_squeeze %dma_start3A_59 : memref<1x160x128xi32, #tpu.memory_space<hbm>> -> memref<160x128xi32, #tpu.memory_space<hbm>>
        %dma_start3A_61 = arith.constant 0 : i32
        %dma_start3A_62 = tpu.memref_slice %dma_start3A_60[%mul3A_26, %dma_start3A_61] : memref<160x128xi32, #tpu.memory_space<hbm>> -> memref<40x128xi32, #tpu.memory_space<hbm>>
        tpu.enqueue_dma source(%dma_start3A_62 : memref<40x128xi32, #tpu.memory_space<hbm>>) target(%arg7 : memref<40x128xi32, #tpu.memory_space<vmem>>) target_semaphore(%run_scoped3A : memref<!tpu.dma_semaphore, #tpu.memory_space<semaphore_mem>>)
        %dma_wait3A_63 = arith.constant 0 : i32
        %dma_wait3A_64 = arith.constant 0 : i32
        %dma_wait3A_65 = tpu.memref_slice %arg4[%arg1, %dma_wait3A_63, %dma_wait3A_64] : memref<16x160x128xi32, #tpu.memory_space<hbm>> -> memref<1x160x128xi32, #tpu.memory_space<hbm>>
        %dma_wait3A_66 = tpu.memref_squeeze %dma_wait3A_65 : memref<1x160x128xi32, #tpu.memory_space<hbm>> -> memref<160x128xi32, #tpu.memory_space<hbm>>
        %dma_wait3A_67 = arith.constant 0 : i32
        %dma_wait3A_68 = tpu.memref_slice %dma_wait3A_66[%mul3A_26, %dma_wait3A_67] : memref<160x128xi32, #tpu.memory_space<hbm>> -> memref<40x128xi32, #tpu.memory_space<hbm>>
        %dma_wait3A_69 = arith.constant 0 : i32
        %dma_wait3A_70 = arith.constant 0 : i32
        %dma_wait3A_71 = tpu.memref_slice %arg4[%arg1, %dma_wait3A_69, %dma_wait3A_70] : memref<16x160x128xi32, #tpu.memory_space<hbm>> -> memref<1x160x128xi32, #tpu.memory_space<hbm>>
        %dma_wait3A_72 = tpu.memref_squeeze %dma_wait3A_71 : memref<1x160x128xi32, #tpu.memory_space<hbm>> -> memref<160x128xi32, #tpu.memory_space<hbm>>
        %dma_wait3A_73 = arith.constant 0 : i32
        %dma_wait3A_74 = tpu.memref_slice %dma_wait3A_72[%mul3A_26, %dma_wait3A_73] : memref<160x128xi32, #tpu.memory_space<hbm>> -> memref<40x128xi32, #tpu.memory_space<hbm>>
        tpu.wait_dma2 semaphore(%run_scoped3A : memref<!tpu.dma_semaphore, #tpu.memory_space<semaphore_mem>>) src(%dma_wait3A_74 : memref<40x128xi32, #tpu.memory_space<hbm>>) dst(%arg7 : memref<40x128xi32, #tpu.memory_space<vmem>>)
        tpu.yield
      }) : () -> ()
      %dma_start3A = arith.constant 0 : i32
      %dma_start3A_27 = arith.constant 0 : i32
      %dma_start3A_28 = tpu.memref_slice %arg6[%dma_start3A, %dma_start3A_27] : memref<40x128xi32, #tpu.memory_space<vmem>> -> memref<1x128xi32, #tpu.memory_space<vmem>>
      %dma_start3A_29 = tpu.memref_squeeze %dma_start3A_28 : memref<1x128xi32, #tpu.memory_space<vmem>> -> memref<128xi32, #tpu.memory_space<vmem>>
      %dma_start3A_30 = arith.constant 0 : i32
      %dma_start3A_31 = arith.constant 0 : i32
      %dma_start3A_32 = tpu.memref_slice %arg2[%arg0, %dma_start3A_30, %dma_start3A_31] : memref<2x10000x128xf32, #tpu.memory_space<hbm>> -> memref<1x10000x128xf32, #tpu.memory_space<hbm>>
      %dma_start3A_33 = tpu.memref_squeeze %dma_start3A_32 : memref<1x10000x128xf32, #tpu.memory_space<hbm>> -> memref<10000x128xf32, #tpu.memory_space<hbm>>
      %dma_start3A_34 = arith.constant 0 : i32
      %dma_start3A_35 = arith.constant 0 : i32
      %dma_start3A_36 = tpu.memref_slice %dma_start3A_33[%dma_start3A_34, %dma_start3A_35] : memref<10000x128xf32, #tpu.memory_space<hbm>> -> memref<10000x128xf32, #tpu.memory_space<hbm>>
      tpu.enqueue_indirect_dma source(%dma_start3A_36 : memref<10000x128xf32, #tpu.memory_space<hbm>>) target(%arg8 : memref<128x128xf32, #tpu.memory_space<vmem>>) offsets(%dma_start3A_29 : memref<128xi32, #tpu.memory_space<vmem>>) semaphore(%arg11 : memref<!tpu.dma_semaphore, #tpu.memory_space<semaphore_mem>>)
      %scan3A_37 = arith.constant 0 : i32
      %scan3A_38 = arith.constant 0 : i32
      %scan3A_39 = arith.constant 20 : i32
      %scan3A_40 = arith.addi %scan3A_38, %scan3A_39 : i32
      %scan3A_41 = arith.constant 1 : i32
      %scan3A_42 = scf.for %scan3A_51 = %scan3A_38 to %scan3A_40 step %scan3A_41 iter_args(%scan3A_52 = %scan3A_37) -> (i32)  : i32 {
        %mul3A_53 = arith.constant 2 : i32
        %mul3A_54 = arith.muli %mul3A_53, %scan3A_51 : i32
        %mul3A_55 = arith.constant 2 : i32
        %mul3A_56 = arith.muli %mul3A_55, %scan3A_51 : i32
        %add3A = arith.constant 1 : i32
        %add3A_57 = arith.addi %mul3A_56, %add3A : i32
        %dma_wait3A_58 = arith.constant 0 : i32
        %dma_wait3A_59 = tpu.memref_slice %arg6[%mul3A_54, %dma_wait3A_58] : memref<40x128xi32, #tpu.memory_space<vmem>> -> memref<1x128xi32, #tpu.memory_space<vmem>>
        %dma_wait3A_60 = tpu.memref_squeeze %dma_wait3A_59 : memref<1x128xi32, #tpu.memory_space<vmem>> -> memref<128xi32, #tpu.memory_space<vmem>>
        %dma_wait3A_61 = arith.constant 0 : i32
        %dma_wait3A_62 = arith.constant 0 : i32
        %dma_wait3A_63 = tpu.memref_slice %arg2[%arg0, %dma_wait3A_61, %dma_wait3A_62] : memref<2x10000x128xf32, #tpu.memory_space<hbm>> -> memref<1x10000x128xf32, #tpu.memory_space<hbm>>
        %dma_wait3A_64 = tpu.memref_squeeze %dma_wait3A_63 : memref<1x10000x128xf32, #tpu.memory_space<hbm>> -> memref<10000x128xf32, #tpu.memory_space<hbm>>
        %dma_wait3A_65 = arith.constant 0 : i32
        %dma_wait3A_66 = arith.constant 0 : i32
        %dma_wait3A_67 = tpu.memref_slice %dma_wait3A_64[%dma_wait3A_65, %dma_wait3A_66] : memref<10000x128xf32, #tpu.memory_space<hbm>> -> memref<10000x128xf32, #tpu.memory_space<hbm>>
        tpu.wait_indirect_dma semaphore(%arg11 : memref<!tpu.dma_semaphore, #tpu.memory_space<semaphore_mem>>) src(%dma_wait3A_67 : memref<10000x128xf32, #tpu.memory_space<hbm>>) dst(%arg8 : memref<128x128xf32, #tpu.memory_space<vmem>>)
        %dma_start3A_68 = arith.constant 0 : i32
        %dma_start3A_69 = tpu.memref_slice %arg7[%mul3A_54, %dma_start3A_68] : memref<40x128xi32, #tpu.memory_space<vmem>> -> memref<1x128xi32, #tpu.memory_space<vmem>>
        %dma_start3A_70 = tpu.memref_squeeze %dma_start3A_69 : memref<1x128xi32, #tpu.memory_space<vmem>> -> memref<128xi32, #tpu.memory_space<vmem>>
        %dma_start3A_71 = arith.constant 0 : i32
        %dma_start3A_72 = arith.constant 0 : i32
        %dma_start3A_73 = tpu.memref_slice %arg10[%dma_start3A_71, %dma_start3A_72] : memref<10008x128xf32, #tpu.memory_space<vmem_shared>> -> memref<10008x128xf32, #tpu.memory_space<vmem_shared>>
        tpu.enqueue_indirect_dma source(%arg8 : memref<128x128xf32, #tpu.memory_space<vmem>>) target(%dma_start3A_73 : memref<10008x128xf32, #tpu.memory_space<vmem_shared>>) offsets(%dma_start3A_70 : memref<128xi32, #tpu.memory_space<vmem>>) semaphore(%arg13 : memref<!tpu.dma_semaphore, #tpu.memory_space<semaphore_mem>>) {add = true}
        %gt3A = arith.constant 0 : i32
        %gt3A_74 = arith.cmpi sgt, %scan3A_51, %gt3A : i32
        %convert_element_type3A_75 = arith.extui %gt3A_74 : i1 to i32
        %cond3A_76 = arith.constant 0 : i32
        %cond3A_77 = arith.cmpi ne, %convert_element_type3A_75, %cond3A_76 : i32
        scf.if %cond3A_77 {
          %dma_wait3A_115 = arith.constant 0 : i32
          %dma_wait3A_116 = tpu.memref_slice %arg7[%mul3A_54, %dma_wait3A_115] : memref<40x128xi32, #tpu.memory_space<vmem>> -> memref<1x128xi32, #tpu.memory_space<vmem>>
          %dma_wait3A_117 = tpu.memref_squeeze %dma_wait3A_116 : memref<1x128xi32, #tpu.memory_space<vmem>> -> memref<128xi32, #tpu.memory_space<vmem>>
          %dma_wait3A_118 = arith.constant 0 : i32
          %dma_wait3A_119 = arith.constant 0 : i32
          %dma_wait3A_120 = tpu.memref_slice %arg10[%dma_wait3A_118, %dma_wait3A_119] : memref<10008x128xf32, #tpu.memory_space<vmem_shared>> -> memref<10008x128xf32, #tpu.memory_space<vmem_shared>>
          tpu.wait_indirect_dma semaphore(%arg14 : memref<!tpu.dma_semaphore, #tpu.memory_space<semaphore_mem>>) src(%arg9 : memref<128x128xf32, #tpu.memory_space<vmem>>) dst(%dma_wait3A_120 : memref<10008x128xf32, #tpu.memory_space<vmem_shared>>)
        } else {
        }
        %dma_start3A_78 = arith.constant 0 : i32
        %dma_start3A_79 = tpu.memref_slice %arg6[%add3A_57, %dma_start3A_78] : memref<40x128xi32, #tpu.memory_space<vmem>> -> memref<1x128xi32, #tpu.memory_space<vmem>>
        %dma_start3A_80 = tpu.memref_squeeze %dma_start3A_79 : memref<1x128xi32, #tpu.memory_space<vmem>> -> memref<128xi32, #tpu.memory_space<vmem>>
        %dma_start3A_81 = arith.constant 0 : i32
        %dma_start3A_82 = arith.constant 0 : i32
        %dma_start3A_83 = tpu.memref_slice %arg2[%arg0, %dma_start3A_81, %dma_start3A_82] : memref<2x10000x128xf32, #tpu.memory_space<hbm>> -> memref<1x10000x128xf32, #tpu.memory_space<hbm>>
        %dma_start3A_84 = tpu.memref_squeeze %dma_start3A_83 : memref<1x10000x128xf32, #tpu.memory_space<hbm>> -> memref<10000x128xf32, #tpu.memory_space<hbm>>
        %dma_start3A_85 = arith.constant 0 : i32
        %dma_start3A_86 = arith.constant 0 : i32
        %dma_start3A_87 = tpu.memref_slice %dma_start3A_84[%dma_start3A_85, %dma_start3A_86] : memref<10000x128xf32, #tpu.memory_space<hbm>> -> memref<10000x128xf32, #tpu.memory_space<hbm>>
        tpu.enqueue_indirect_dma source(%dma_start3A_87 : memref<10000x128xf32, #tpu.memory_space<hbm>>) target(%arg9 : memref<128x128xf32, #tpu.memory_space<vmem>>) offsets(%dma_start3A_80 : memref<128xi32, #tpu.memory_space<vmem>>) semaphore(%arg12 : memref<!tpu.dma_semaphore, #tpu.memory_space<semaphore_mem>>)
        %dma_wait3A_88 = arith.constant 0 : i32
        %dma_wait3A_89 = tpu.memref_slice %arg6[%add3A_57, %dma_wait3A_88] : memref<40x128xi32, #tpu.memory_space<vmem>> -> memref<1x128xi32, #tpu.memory_space<vmem>>
        %dma_wait3A_90 = tpu.memref_squeeze %dma_wait3A_89 : memref<1x128xi32, #tpu.memory_space<vmem>> -> memref<128xi32, #tpu.memory_space<vmem>>
        %dma_wait3A_91 = arith.constant 0 : i32
        %dma_wait3A_92 = arith.constant 0 : i32
        %dma_wait3A_93 = tpu.memref_slice %arg2[%arg0, %dma_wait3A_91, %dma_wait3A_92] : memref<2x10000x128xf32, #tpu.memory_space<hbm>> -> memref<1x10000x128xf32, #tpu.memory_space<hbm>>
        %dma_wait3A_94 = tpu.memref_squeeze %dma_wait3A_93 : memref<1x10000x128xf32, #tpu.memory_space<hbm>> -> memref<10000x128xf32, #tpu.memory_space<hbm>>
        %dma_wait3A_95 = arith.constant 0 : i32
        %dma_wait3A_96 = arith.constant 0 : i32
        %dma_wait3A_97 = tpu.memref_slice %dma_wait3A_94[%dma_wait3A_95, %dma_wait3A_96] : memref<10000x128xf32, #tpu.memory_space<hbm>> -> memref<10000x128xf32, #tpu.memory_space<hbm>>
        tpu.wait_indirect_dma semaphore(%arg12 : memref<!tpu.dma_semaphore, #tpu.memory_space<semaphore_mem>>) src(%dma_wait3A_97 : memref<10000x128xf32, #tpu.memory_space<hbm>>) dst(%arg9 : memref<128x128xf32, #tpu.memory_space<vmem>>)
        %dma_start3A_98 = arith.constant 0 : i32
        %dma_start3A_99 = tpu.memref_slice %arg7[%add3A_57, %dma_start3A_98] : memref<40x128xi32, #tpu.memory_space<vmem>> -> memref<1x128xi32, #tpu.memory_space<vmem>>
        %dma_start3A_100 = tpu.memref_squeeze %dma_start3A_99 : memref<1x128xi32, #tpu.memory_space<vmem>> -> memref<128xi32, #tpu.memory_space<vmem>>
        %dma_start3A_101 = arith.constant 0 : i32
        %dma_start3A_102 = arith.constant 0 : i32
        %dma_start3A_103 = tpu.memref_slice %arg10[%dma_start3A_101, %dma_start3A_102] : memref<10008x128xf32, #tpu.memory_space<vmem_shared>> -> memref<10008x128xf32, #tpu.memory_space<vmem_shared>>
        tpu.enqueue_indirect_dma source(%arg9 : memref<128x128xf32, #tpu.memory_space<vmem>>) target(%dma_start3A_103 : memref<10008x128xf32, #tpu.memory_space<vmem_shared>>) offsets(%dma_start3A_100 : memref<128xi32, #tpu.memory_space<vmem>>) semaphore(%arg14 : memref<!tpu.dma_semaphore, #tpu.memory_space<semaphore_mem>>) {add = true}
        %dma_wait3A_104 = arith.constant 0 : i32
        %dma_wait3A_105 = tpu.memref_slice %arg7[%mul3A_54, %dma_wait3A_104] : memref<40x128xi32, #tpu.memory_space<vmem>> -> memref<1x128xi32, #tpu.memory_space<vmem>>
        %dma_wait3A_106 = tpu.memref_squeeze %dma_wait3A_105 : memref<1x128xi32, #tpu.memory_space<vmem>> -> memref<128xi32, #tpu.memory_space<vmem>>
        %dma_wait3A_107 = arith.constant 0 : i32
        %dma_wait3A_108 = arith.constant 0 : i32
        %dma_wait3A_109 = tpu.memref_slice %arg10[%dma_wait3A_107, %dma_wait3A_108] : memref<10008x128xf32, #tpu.memory_space<vmem_shared>> -> memref<10008x128xf32, #tpu.memory_space<vmem_shared>>
        tpu.wait_indirect_dma semaphore(%arg13 : memref<!tpu.dma_semaphore, #tpu.memory_space<semaphore_mem>>) src(%arg8 : memref<128x128xf32, #tpu.memory_space<vmem>>) dst(%dma_wait3A_109 : memref<10008x128xf32, #tpu.memory_space<vmem_shared>>)
        %lt3A = arith.constant 19 : i32
        %lt3A_110 = arith.cmpi slt, %scan3A_51, %lt3A : i32
        %convert_element_type3A_111 = arith.extui %lt3A_110 : i1 to i32
        %cond3A_112 = arith.constant 0 : i32
        %cond3A_113 = arith.cmpi ne, %convert_element_type3A_111, %cond3A_112 : i32
        scf.if %cond3A_113 {
          %add3A_115 = arith.constant 1 : i32
          %add3A_116 = arith.addi %add3A_57, %add3A_115 : i32
          %dma_start3A_117 = arith.constant 0 : i32
          %dma_start3A_118 = tpu.memref_slice %arg6[%add3A_116, %dma_start3A_117] : memref<40x128xi32, #tpu.memory_space<vmem>> -> memref<1x128xi32, #tpu.memory_space<vmem>>
          %dma_start3A_119 = tpu.memref_squeeze %dma_start3A_118 : memref<1x128xi32, #tpu.memory_space<vmem>> -> memref<128xi32, #tpu.memory_space<vmem>>
          %dma_start3A_120 = arith.constant 0 : i32
          %dma_start3A_121 = arith.constant 0 : i32
          %dma_start3A_122 = tpu.memref_slice %arg2[%arg0, %dma_start3A_120, %dma_start3A_121] : memref<2x10000x128xf32, #tpu.memory_space<hbm>> -> memref<1x10000x128xf32, #tpu.memory_space<hbm>>
          %dma_start3A_123 = tpu.memref_squeeze %dma_start3A_122 : memref<1x10000x128xf32, #tpu.memory_space<hbm>> -> memref<10000x128xf32, #tpu.memory_space<hbm>>
          %dma_start3A_124 = arith.constant 0 : i32
          %dma_start3A_125 = arith.constant 0 : i32
          %dma_start3A_126 = tpu.memref_slice %dma_start3A_123[%dma_start3A_124, %dma_start3A_125] : memref<10000x128xf32, #tpu.memory_space<hbm>> -> memref<10000x128xf32, #tpu.memory_space<hbm>>
          tpu.enqueue_indirect_dma source(%dma_start3A_126 : memref<10000x128xf32, #tpu.memory_space<hbm>>) target(%arg8 : memref<128x128xf32, #tpu.memory_space<vmem>>) offsets(%dma_start3A_119 : memref<128xi32, #tpu.memory_space<vmem>>) semaphore(%arg11 : memref<!tpu.dma_semaphore, #tpu.memory_space<semaphore_mem>>)
        } else {
        }
        %scan3A_114 = arith.constant 0 : i32
        scf.yield %scan3A_114 : i32
      }
      %scan3A_43 = arith.constant 20 : i32
      %dma_wait3A = arith.constant 39 : i32
      %dma_wait3A_44 = arith.constant 0 : i32
      %dma_wait3A_45 = tpu.memref_slice %arg7[%dma_wait3A, %dma_wait3A_44] : memref<40x128xi32, #tpu.memory_space<vmem>> -> memref<1x128xi32, #tpu.memory_space<vmem>>
      %dma_wait3A_46 = tpu.memref_squeeze %dma_wait3A_45 : memref<1x128xi32, #tpu.memory_space<vmem>> -> memref<128xi32, #tpu.memory_space<vmem>>
      %dma_wait3A_47 = arith.constant 0 : i32
      %dma_wait3A_48 = arith.constant 0 : i32
      %dma_wait3A_49 = tpu.memref_slice %arg10[%dma_wait3A_47, %dma_wait3A_48] : memref<10008x128xf32, #tpu.memory_space<vmem_shared>> -> memref<10008x128xf32, #tpu.memory_space<vmem_shared>>
      tpu.wait_indirect_dma semaphore(%arg14 : memref<!tpu.dma_semaphore, #tpu.memory_space<semaphore_mem>>) src(%arg9 : memref<128x128xf32, #tpu.memory_space<vmem>>) dst(%dma_wait3A_49 : memref<10008x128xf32, #tpu.memory_space<vmem_shared>>)
      %scan3A_50 = arith.constant 0 : i32
      scf.yield %scan3A_50 : i32
    }
    %scan3A_10 = arith.constant 4 : i32
    %barrier3A_11 = arith.constant 0 : index
    tpu.barrier barrier_id(%barrier3A_11)
    %mul3A_12 = arith.constant 624 : i32
    %mul3A_13 = arith.muli %arg1, %mul3A_12 : i32
    %mul3A_14 = arith.constant 624 : i32
    %mul3A_15 = arith.muli %arg1, %mul3A_14 : i32
    "tpu.region"() ({
      %run_scoped3A = tpu.sem_alloc : memref<!tpu.dma_semaphore, #tpu.memory_space<semaphore_mem>>
      %dma_start3A = arith.constant 0 : i32
      %dma_start3A_21 = arith.constant 0 : i32
      %dma_start3A_22 = tpu.memref_slice %arg5[%arg0, %dma_start3A, %dma_start3A_21] : memref<2x10000x128xf32, #tpu.memory_space<hbm>> -> memref<1x10000x128xf32, #tpu.memory_space<hbm>>
      %dma_start3A_23 = tpu.memref_squeeze %dma_start3A_22 : memref<1x10000x128xf32, #tpu.memory_space<hbm>> -> memref<10000x128xf32, #tpu.memory_space<hbm>>
      %dma_start3A_24 = arith.constant 0 : i32
      %dma_start3A_25 = tpu.memref_slice %dma_start3A_23[%mul3A_15, %dma_start3A_24] : memref<10000x128xf32, #tpu.memory_space<hbm>> -> memref<624x128xf32, #tpu.memory_space<hbm>>
      %dma_start3A_26 = arith.constant 0 : i32
      %dma_start3A_27 = tpu.memref_slice %arg10[%mul3A_13, %dma_start3A_26] : memref<10008x128xf32, #tpu.memory_space<vmem_shared>> -> memref<624x128xf32, #tpu.memory_space<vmem_shared>>
      tpu.enqueue_dma source(%dma_start3A_27 : memref<624x128xf32, #tpu.memory_space<vmem_shared>>) target(%dma_start3A_25 : memref<624x128xf32, #tpu.memory_space<hbm>>) target_semaphore(%run_scoped3A : memref<!tpu.dma_semaphore, #tpu.memory_space<semaphore_mem>>)
      %dma_wait3A = arith.constant 0 : i32
      %dma_wait3A_28 = arith.constant 0 : i32
      %dma_wait3A_29 = tpu.memref_slice %arg5[%arg0, %dma_wait3A, %dma_wait3A_28] : memref<2x10000x128xf32, #tpu.memory_space<hbm>> -> memref<1x10000x128xf32, #tpu.memory_space<hbm>>
      %dma_wait3A_30 = tpu.memref_squeeze %dma_wait3A_29 : memref<1x10000x128xf32, #tpu.memory_space<hbm>> -> memref<10000x128xf32, #tpu.memory_space<hbm>>
      %dma_wait3A_31 = arith.constant 0 : i32
      %dma_wait3A_32 = tpu.memref_slice %dma_wait3A_30[%mul3A_15, %dma_wait3A_31] : memref<10000x128xf32, #tpu.memory_space<hbm>> -> memref<624x128xf32, #tpu.memory_space<hbm>>
      %dma_wait3A_33 = arith.constant 0 : i32
      %dma_wait3A_34 = tpu.memref_slice %arg10[%mul3A_13, %dma_wait3A_33] : memref<10008x128xf32, #tpu.memory_space<vmem_shared>> -> memref<624x128xf32, #tpu.memory_space<vmem_shared>>
      tpu.wait_dma2 semaphore(%run_scoped3A : memref<!tpu.dma_semaphore, #tpu.memory_space<semaphore_mem>>) src(%dma_wait3A_34 : memref<624x128xf32, #tpu.memory_space<vmem_shared>>) dst(%dma_wait3A_32 : memref<624x128xf32, #tpu.memory_space<hbm>>)
      tpu.yield
    }) : () -> ()
    %eq3A_16 = arith.constant 0 : i32
    %eq3A_17 = arith.cmpi eq, %arg1, %eq3A_16 : i32
    %convert_element_type3A_18 = arith.extui %eq3A_17 : i1 to i32
    %cond3A_19 = arith.constant 0 : i32
    %cond3A_20 = arith.cmpi ne, %convert_element_type3A_18, %cond3A_19 : i32
    scf.if %cond3A_20 {
      "tpu.region"() ({
        %run_scoped3A = tpu.sem_alloc : memref<!tpu.dma_semaphore, #tpu.memory_space<semaphore_mem>>
        %dma_start3A = arith.constant 0 : i32
        %dma_start3A_21 = arith.constant 0 : i32
        %dma_start3A_22 = tpu.memref_slice %arg5[%arg0, %dma_start3A, %dma_start3A_21] : memref<2x10000x128xf32, #tpu.memory_space<hbm>> -> memref<1x10000x128xf32, #tpu.memory_space<hbm>>
        %dma_start3A_23 = tpu.memref_squeeze %dma_start3A_22 : memref<1x10000x128xf32, #tpu.memory_space<hbm>> -> memref<10000x128xf32, #tpu.memory_space<hbm>>
        %dma_start3A_24 = arith.constant 9984 : i32
        %dma_start3A_25 = arith.constant 0 : i32
        %dma_start3A_26 = tpu.memref_slice %dma_start3A_23[%dma_start3A_24, %dma_start3A_25] : memref<10000x128xf32, #tpu.memory_space<hbm>> -> memref<16x128xf32, #tpu.memory_space<hbm>>
        %dma_start3A_27 = arith.constant 9984 : i32
        %dma_start3A_28 = arith.constant 0 : i32
        %dma_start3A_29 = tpu.memref_slice %arg10[%dma_start3A_27, %dma_start3A_28] : memref<10008x128xf32, #tpu.memory_space<vmem_shared>> -> memref<16x128xf32, #tpu.memory_space<vmem_shared>>
        tpu.enqueue_dma source(%dma_start3A_29 : memref<16x128xf32, #tpu.memory_space<vmem_shared>>) target(%dma_start3A_26 : memref<16x128xf32, #tpu.memory_space<hbm>>) target_semaphore(%run_scoped3A : memref<!tpu.dma_semaphore, #tpu.memory_space<semaphore_mem>>)
        %dma_wait3A = arith.constant 0 : i32
        %dma_wait3A_30 = arith.constant 0 : i32
        %dma_wait3A_31 = tpu.memref_slice %arg5[%arg0, %dma_wait3A, %dma_wait3A_30] : memref<2x10000x128xf32, #tpu.memory_space<hbm>> -> memref<1x10000x128xf32, #tpu.memory_space<hbm>>
        %dma_wait3A_32 = tpu.memref_squeeze %dma_wait3A_31 : memref<1x10000x128xf32, #tpu.memory_space<hbm>> -> memref<10000x128xf32, #tpu.memory_space<hbm>>
        %dma_wait3A_33 = arith.constant 9984 : i32
        %dma_wait3A_34 = arith.constant 0 : i32
        %dma_wait3A_35 = tpu.memref_slice %dma_wait3A_32[%dma_wait3A_33, %dma_wait3A_34] : memref<10000x128xf32, #tpu.memory_space<hbm>> -> memref<16x128xf32, #tpu.memory_space<hbm>>
        %dma_wait3A_36 = arith.constant 9984 : i32
        %dma_wait3A_37 = arith.constant 0 : i32
        %dma_wait3A_38 = tpu.memref_slice %arg10[%dma_wait3A_36, %dma_wait3A_37] : memref<10008x128xf32, #tpu.memory_space<vmem_shared>> -> memref<16x128xf32, #tpu.memory_space<vmem_shared>>
        tpu.wait_dma2 semaphore(%run_scoped3A : memref<!tpu.dma_semaphore, #tpu.memory_space<semaphore_mem>>) src(%dma_wait3A_38 : memref<16x128xf32, #tpu.memory_space<vmem_shared>>) dst(%dma_wait3A_35 : memref<16x128xf32, #tpu.memory_space<hbm>>)
        tpu.yield
      }) : () -> ()
    } else {
    }
    return
  }
}

#map = affine_map<(d0, d1) -> (0, 0, 0)>
module attributes {stable_mosaic.version = 14 : i64} {
  func.func @gcn_spmm_sc(%arg0: i32, %arg1: i32, %arg2: memref<2x10000x128xf32, #tpu.memory_space<hbm>>, %arg3: memref<16x160x128xi32, #tpu.memory_space<hbm>>, %arg4: memref<16x160x128xi32, #tpu.memory_space<hbm>>, %arg5: memref<2x10000x128xf32, #tpu.memory_space<hbm>>, %arg6: memref<40x128xi32, #tpu.memory_space<vmem>>, %arg7: memref<40x128xi32, #tpu.memory_space<vmem>>, %arg8: memref<128x128xf32, #tpu.memory_space<vmem>>, %arg9: memref<128x128xf32, #tpu.memory_space<vmem>>, %arg10: memref<10008x128xf32, #tpu.memory_space<vmem_shared>>, %arg11: memref<!tpu.dma_semaphore, #tpu.memory_space<semaphore_mem>>, %arg12: memref<!tpu.dma_semaphore, #tpu.memory_space<semaphore_mem>>, %arg13: memref<!tpu.dma_semaphore, #tpu.memory_space<semaphore_mem>>, %arg14: memref<!tpu.dma_semaphore, #tpu.memory_space<semaphore_mem>>) attributes {dimension_semantics = [#tpu.dimension_semantics<core_parallel>, #tpu.dimension_semantics<subcore_parallel>], iteration_bounds = array<i64: 2, 16>, scalar_prefetch = 0 : i64, scratch_operands = 9 : i64, tpu.core_type = #tpu.core_type<sc_vector_subcore>, window_params = [{transform_indices = #map}, {transform_indices = #map}, {transform_indices = #map}, {transform_indices = #map}]} {
    %mul3A = arith.constant 624 : i32
    %mul3A_0 = arith.muli %arg1, %mul3A : i32
    %mul3A_1 = arith.constant 624 : i32
    %mul3A_2 = arith.muli %arg1, %mul3A_1 : i32
    "tpu.region"() ({
      %run_scoped3A = tpu.sem_alloc : memref<!tpu.dma_semaphore, #tpu.memory_space<semaphore_mem>>
      %dma_start3A = arith.constant 0 : i32
      %dma_start3A_21 = tpu.memref_slice %arg10[%mul3A_2, %dma_start3A] : memref<10008x128xf32, #tpu.memory_space<vmem_shared>> -> memref<624x128xf32, #tpu.memory_space<vmem_shared>>
      %dma_start3A_22 = arith.constant 0 : i32
      %dma_start3A_23 = arith.constant 0 : i32
      %dma_start3A_24 = tpu.memref_slice %arg2[%arg0, %dma_start3A_22, %dma_start3A_23] : memref<2x10000x128xf32, #tpu.memory_space<hbm>> -> memref<1x10000x128xf32, #tpu.memory_space<hbm>>
      %dma_start3A_25 = tpu.memref_squeeze %dma_start3A_24 : memref<1x10000x128xf32, #tpu.memory_space<hbm>> -> memref<10000x128xf32, #tpu.memory_space<hbm>>
      %dma_start3A_26 = arith.constant 0 : i32
      %dma_start3A_27 = tpu.memref_slice %dma_start3A_25[%mul3A_0, %dma_start3A_26] : memref<10000x128xf32, #tpu.memory_space<hbm>> -> memref<624x128xf32, #tpu.memory_space<hbm>>
      tpu.enqueue_dma source(%dma_start3A_27 : memref<624x128xf32, #tpu.memory_space<hbm>>) target(%dma_start3A_21 : memref<624x128xf32, #tpu.memory_space<vmem_shared>>) target_semaphore(%run_scoped3A : memref<!tpu.dma_semaphore, #tpu.memory_space<semaphore_mem>>)
      %dma_wait3A = arith.constant 0 : i32
      %dma_wait3A_28 = tpu.memref_slice %arg10[%mul3A_2, %dma_wait3A] : memref<10008x128xf32, #tpu.memory_space<vmem_shared>> -> memref<624x128xf32, #tpu.memory_space<vmem_shared>>
      %dma_wait3A_29 = arith.constant 0 : i32
      %dma_wait3A_30 = arith.constant 0 : i32
      %dma_wait3A_31 = tpu.memref_slice %arg2[%arg0, %dma_wait3A_29, %dma_wait3A_30] : memref<2x10000x128xf32, #tpu.memory_space<hbm>> -> memref<1x10000x128xf32, #tpu.memory_space<hbm>>
      %dma_wait3A_32 = tpu.memref_squeeze %dma_wait3A_31 : memref<1x10000x128xf32, #tpu.memory_space<hbm>> -> memref<10000x128xf32, #tpu.memory_space<hbm>>
      %dma_wait3A_33 = arith.constant 0 : i32
      %dma_wait3A_34 = tpu.memref_slice %dma_wait3A_32[%mul3A_0, %dma_wait3A_33] : memref<10000x128xf32, #tpu.memory_space<hbm>> -> memref<624x128xf32, #tpu.memory_space<hbm>>
      tpu.wait_dma2 semaphore(%run_scoped3A : memref<!tpu.dma_semaphore, #tpu.memory_space<semaphore_mem>>) src(%dma_wait3A_34 : memref<624x128xf32, #tpu.memory_space<hbm>>) dst(%dma_wait3A_28 : memref<624x128xf32, #tpu.memory_space<vmem_shared>>)
      tpu.yield
    }) : () -> ()
    %eq3A = arith.constant 0 : i32
    %eq3A_3 = arith.cmpi eq, %arg1, %eq3A : i32
    %convert_element_type3A = arith.extui %eq3A_3 : i1 to i32
    %cond3A = arith.constant 0 : i32
    %cond3A_4 = arith.cmpi ne, %convert_element_type3A, %cond3A : i32
    scf.if %cond3A_4 {
      "tpu.region"() ({
        %run_scoped3A = tpu.sem_alloc : memref<!tpu.dma_semaphore, #tpu.memory_space<semaphore_mem>>
        %dma_start3A = arith.constant 9984 : i32
        %dma_start3A_21 = arith.constant 0 : i32
        %dma_start3A_22 = tpu.memref_slice %arg10[%dma_start3A, %dma_start3A_21] : memref<10008x128xf32, #tpu.memory_space<vmem_shared>> -> memref<16x128xf32, #tpu.memory_space<vmem_shared>>
        %dma_start3A_23 = arith.constant 0 : i32
        %dma_start3A_24 = arith.constant 0 : i32
        %dma_start3A_25 = tpu.memref_slice %arg2[%arg0, %dma_start3A_23, %dma_start3A_24] : memref<2x10000x128xf32, #tpu.memory_space<hbm>> -> memref<1x10000x128xf32, #tpu.memory_space<hbm>>
        %dma_start3A_26 = tpu.memref_squeeze %dma_start3A_25 : memref<1x10000x128xf32, #tpu.memory_space<hbm>> -> memref<10000x128xf32, #tpu.memory_space<hbm>>
        %dma_start3A_27 = arith.constant 9984 : i32
        %dma_start3A_28 = arith.constant 0 : i32
        %dma_start3A_29 = tpu.memref_slice %dma_start3A_26[%dma_start3A_27, %dma_start3A_28] : memref<10000x128xf32, #tpu.memory_space<hbm>> -> memref<16x128xf32, #tpu.memory_space<hbm>>
        tpu.enqueue_dma source(%dma_start3A_29 : memref<16x128xf32, #tpu.memory_space<hbm>>) target(%dma_start3A_22 : memref<16x128xf32, #tpu.memory_space<vmem_shared>>) target_semaphore(%run_scoped3A : memref<!tpu.dma_semaphore, #tpu.memory_space<semaphore_mem>>)
        %dma_wait3A = arith.constant 9984 : i32
        %dma_wait3A_30 = arith.constant 0 : i32
        %dma_wait3A_31 = tpu.memref_slice %arg10[%dma_wait3A, %dma_wait3A_30] : memref<10008x128xf32, #tpu.memory_space<vmem_shared>> -> memref<16x128xf32, #tpu.memory_space<vmem_shared>>
        %dma_wait3A_32 = arith.constant 0 : i32
        %dma_wait3A_33 = arith.constant 0 : i32
        %dma_wait3A_34 = tpu.memref_slice %arg2[%arg0, %dma_wait3A_32, %dma_wait3A_33] : memref<2x10000x128xf32, #tpu.memory_space<hbm>> -> memref<1x10000x128xf32, #tpu.memory_space<hbm>>
        %dma_wait3A_35 = tpu.memref_squeeze %dma_wait3A_34 : memref<1x10000x128xf32, #tpu.memory_space<hbm>> -> memref<10000x128xf32, #tpu.memory_space<hbm>>
        %dma_wait3A_36 = arith.constant 9984 : i32
        %dma_wait3A_37 = arith.constant 0 : i32
        %dma_wait3A_38 = tpu.memref_slice %dma_wait3A_35[%dma_wait3A_36, %dma_wait3A_37] : memref<10000x128xf32, #tpu.memory_space<hbm>> -> memref<16x128xf32, #tpu.memory_space<hbm>>
        tpu.wait_dma2 semaphore(%run_scoped3A : memref<!tpu.dma_semaphore, #tpu.memory_space<semaphore_mem>>) src(%dma_wait3A_38 : memref<16x128xf32, #tpu.memory_space<hbm>>) dst(%dma_wait3A_31 : memref<16x128xf32, #tpu.memory_space<vmem_shared>>)
        tpu.yield
      }) : () -> ()
      "tpu.region"() ({
        %run_scoped3A = tpu.sem_alloc : memref<!tpu.dma_semaphore, #tpu.memory_space<semaphore_mem>>
        %dma_start3A = arith.constant 10000 : i32
        %dma_start3A_21 = arith.constant 0 : i32
        %dma_start3A_22 = tpu.memref_slice %arg10[%dma_start3A, %dma_start3A_21] : memref<10008x128xf32, #tpu.memory_space<vmem_shared>> -> memref<8x128xf32, #tpu.memory_space<vmem_shared>>
        %dma_start3A_23 = arith.constant 0 : i32
        %dma_start3A_24 = arith.constant 0 : i32
        %dma_start3A_25 = tpu.memref_slice %arg2[%arg0, %dma_start3A_23, %dma_start3A_24] : memref<2x10000x128xf32, #tpu.memory_space<hbm>> -> memref<1x10000x128xf32, #tpu.memory_space<hbm>>
        %dma_start3A_26 = tpu.memref_squeeze %dma_start3A_25 : memref<1x10000x128xf32, #tpu.memory_space<hbm>> -> memref<10000x128xf32, #tpu.memory_space<hbm>>
        %dma_start3A_27 = arith.constant 0 : i32
        %dma_start3A_28 = arith.constant 0 : i32
        %dma_start3A_29 = tpu.memref_slice %dma_start3A_26[%dma_start3A_27, %dma_start3A_28] : memref<10000x128xf32, #tpu.memory_space<hbm>> -> memref<8x128xf32, #tpu.memory_space<hbm>>
        tpu.enqueue_dma source(%dma_start3A_29 : memref<8x128xf32, #tpu.memory_space<hbm>>) target(%dma_start3A_22 : memref<8x128xf32, #tpu.memory_space<vmem_shared>>) target_semaphore(%run_scoped3A : memref<!tpu.dma_semaphore, #tpu.memory_space<semaphore_mem>>)
        %dma_wait3A = arith.constant 10000 : i32
        %dma_wait3A_30 = arith.constant 0 : i32
        %dma_wait3A_31 = tpu.memref_slice %arg10[%dma_wait3A, %dma_wait3A_30] : memref<10008x128xf32, #tpu.memory_space<vmem_shared>> -> memref<8x128xf32, #tpu.memory_space<vmem_shared>>
        %dma_wait3A_32 = arith.constant 0 : i32
        %dma_wait3A_33 = arith.constant 0 : i32
        %dma_wait3A_34 = tpu.memref_slice %arg2[%arg0, %dma_wait3A_32, %dma_wait3A_33] : memref<2x10000x128xf32, #tpu.memory_space<hbm>> -> memref<1x10000x128xf32, #tpu.memory_space<hbm>>
        %dma_wait3A_35 = tpu.memref_squeeze %dma_wait3A_34 : memref<1x10000x128xf32, #tpu.memory_space<hbm>> -> memref<10000x128xf32, #tpu.memory_space<hbm>>
        %dma_wait3A_36 = arith.constant 0 : i32
        %dma_wait3A_37 = arith.constant 0 : i32
        %dma_wait3A_38 = tpu.memref_slice %dma_wait3A_35[%dma_wait3A_36, %dma_wait3A_37] : memref<10000x128xf32, #tpu.memory_space<hbm>> -> memref<8x128xf32, #tpu.memory_space<hbm>>
        tpu.wait_dma2 semaphore(%run_scoped3A : memref<!tpu.dma_semaphore, #tpu.memory_space<semaphore_mem>>) src(%dma_wait3A_38 : memref<8x128xf32, #tpu.memory_space<hbm>>) dst(%dma_wait3A_31 : memref<8x128xf32, #tpu.memory_space<vmem_shared>>)
        tpu.yield
      }) : () -> ()
    } else {
    }
    %barrier3A = arith.constant 0 : index
    tpu.barrier barrier_id(%barrier3A)
    %scan3A = arith.constant 0 : i32
    %scan3A_5 = arith.constant 0 : i32
    %scan3A_6 = arith.constant 4 : i32
    %scan3A_7 = arith.addi %scan3A_5, %scan3A_6 : i32
    %scan3A_8 = arith.constant 1 : i32
    %scan3A_9 = scf.for %scan3A_21 = %scan3A_5 to %scan3A_7 step %scan3A_8 iter_args(%scan3A_22 = %scan3A) -> (i32)  : i32 {
      %mul3A_23 = arith.constant 40 : i32
      %mul3A_24 = arith.muli %scan3A_21, %mul3A_23 : i32
      "tpu.region"() ({
        %run_scoped3A = tpu.sem_alloc : memref<!tpu.dma_semaphore, #tpu.memory_space<semaphore_mem>>
        %dma_start3A_51 = arith.constant 0 : i32
        %dma_start3A_52 = arith.constant 0 : i32
        %dma_start3A_53 = tpu.memref_slice %arg3[%arg1, %dma_start3A_51, %dma_start3A_52] : memref<16x160x128xi32, #tpu.memory_space<hbm>> -> memref<1x160x128xi32, #tpu.memory_space<hbm>>
        %dma_start3A_54 = tpu.memref_squeeze %dma_start3A_53 : memref<1x160x128xi32, #tpu.memory_space<hbm>> -> memref<160x128xi32, #tpu.memory_space<hbm>>
        %dma_start3A_55 = arith.constant 0 : i32
        %dma_start3A_56 = tpu.memref_slice %dma_start3A_54[%mul3A_24, %dma_start3A_55] : memref<160x128xi32, #tpu.memory_space<hbm>> -> memref<40x128xi32, #tpu.memory_space<hbm>>
        %dma_start3A_57 = arith.constant 0 : i32
        %dma_start3A_58 = arith.constant 0 : i32
        %dma_start3A_59 = tpu.memref_slice %arg3[%arg1, %dma_start3A_57, %dma_start3A_58] : memref<16x160x128xi32, #tpu.memory_space<hbm>> -> memref<1x160x128xi32, #tpu.memory_space<hbm>>
        %dma_start3A_60 = tpu.memref_squeeze %dma_start3A_59 : memref<1x160x128xi32, #tpu.memory_space<hbm>> -> memref<160x128xi32, #tpu.memory_space<hbm>>
        %dma_start3A_61 = arith.constant 0 : i32
        %dma_start3A_62 = tpu.memref_slice %dma_start3A_60[%mul3A_24, %dma_start3A_61] : memref<160x128xi32, #tpu.memory_space<hbm>> -> memref<40x128xi32, #tpu.memory_space<hbm>>
        tpu.enqueue_dma source(%dma_start3A_62 : memref<40x128xi32, #tpu.memory_space<hbm>>) target(%arg6 : memref<40x128xi32, #tpu.memory_space<vmem>>) target_semaphore(%run_scoped3A : memref<!tpu.dma_semaphore, #tpu.memory_space<semaphore_mem>>)
        %dma_wait3A_63 = arith.constant 0 : i32
        %dma_wait3A_64 = arith.constant 0 : i32
        %dma_wait3A_65 = tpu.memref_slice %arg3[%arg1, %dma_wait3A_63, %dma_wait3A_64] : memref<16x160x128xi32, #tpu.memory_space<hbm>> -> memref<1x160x128xi32, #tpu.memory_space<hbm>>
        %dma_wait3A_66 = tpu.memref_squeeze %dma_wait3A_65 : memref<1x160x128xi32, #tpu.memory_space<hbm>> -> memref<160x128xi32, #tpu.memory_space<hbm>>
        %dma_wait3A_67 = arith.constant 0 : i32
        %dma_wait3A_68 = tpu.memref_slice %dma_wait3A_66[%mul3A_24, %dma_wait3A_67] : memref<160x128xi32, #tpu.memory_space<hbm>> -> memref<40x128xi32, #tpu.memory_space<hbm>>
        %dma_wait3A_69 = arith.constant 0 : i32
        %dma_wait3A_70 = arith.constant 0 : i32
        %dma_wait3A_71 = tpu.memref_slice %arg3[%arg1, %dma_wait3A_69, %dma_wait3A_70] : memref<16x160x128xi32, #tpu.memory_space<hbm>> -> memref<1x160x128xi32, #tpu.memory_space<hbm>>
        %dma_wait3A_72 = tpu.memref_squeeze %dma_wait3A_71 : memref<1x160x128xi32, #tpu.memory_space<hbm>> -> memref<160x128xi32, #tpu.memory_space<hbm>>
        %dma_wait3A_73 = arith.constant 0 : i32
        %dma_wait3A_74 = tpu.memref_slice %dma_wait3A_72[%mul3A_24, %dma_wait3A_73] : memref<160x128xi32, #tpu.memory_space<hbm>> -> memref<40x128xi32, #tpu.memory_space<hbm>>
        tpu.wait_dma2 semaphore(%run_scoped3A : memref<!tpu.dma_semaphore, #tpu.memory_space<semaphore_mem>>) src(%dma_wait3A_74 : memref<40x128xi32, #tpu.memory_space<hbm>>) dst(%arg6 : memref<40x128xi32, #tpu.memory_space<vmem>>)
        tpu.yield
      }) : () -> ()
      %mul3A_25 = arith.constant 40 : i32
      %mul3A_26 = arith.muli %scan3A_21, %mul3A_25 : i32
      "tpu.region"() ({
        %run_scoped3A = tpu.sem_alloc : memref<!tpu.dma_semaphore, #tpu.memory_space<semaphore_mem>>
        %dma_start3A_51 = arith.constant 0 : i32
        %dma_start3A_52 = arith.constant 0 : i32
        %dma_start3A_53 = tpu.memref_slice %arg4[%arg1, %dma_start3A_51, %dma_start3A_52] : memref<16x160x128xi32, #tpu.memory_space<hbm>> -> memref<1x160x128xi32, #tpu.memory_space<hbm>>
        %dma_start3A_54 = tpu.memref_squeeze %dma_start3A_53 : memref<1x160x128xi32, #tpu.memory_space<hbm>> -> memref<160x128xi32, #tpu.memory_space<hbm>>
        %dma_start3A_55 = arith.constant 0 : i32
        %dma_start3A_56 = tpu.memref_slice %dma_start3A_54[%mul3A_26, %dma_start3A_55] : memref<160x128xi32, #tpu.memory_space<hbm>> -> memref<40x128xi32, #tpu.memory_space<hbm>>
        %dma_start3A_57 = arith.constant 0 : i32
        %dma_start3A_58 = arith.constant 0 : i32
        %dma_start3A_59 = tpu.memref_slice %arg4[%arg1, %dma_start3A_57, %dma_start3A_58] : memref<16x160x128xi32, #tpu.memory_space<hbm>> -> memref<1x160x128xi32, #tpu.memory_space<hbm>>
        %dma_start3A_60 = tpu.memref_squeeze %dma_start3A_59 : memref<1x160x128xi32, #tpu.memory_space<hbm>> -> memref<160x128xi32, #tpu.memory_space<hbm>>
        %dma_start3A_61 = arith.constant 0 : i32
        %dma_start3A_62 = tpu.memref_slice %dma_start3A_60[%mul3A_26, %dma_start3A_61] : memref<160x128xi32, #tpu.memory_space<hbm>> -> memref<40x128xi32, #tpu.memory_space<hbm>>
        tpu.enqueue_dma source(%dma_start3A_62 : memref<40x128xi32, #tpu.memory_space<hbm>>) target(%arg7 : memref<40x128xi32, #tpu.memory_space<vmem>>) target_semaphore(%run_scoped3A : memref<!tpu.dma_semaphore, #tpu.memory_space<semaphore_mem>>)
        %dma_wait3A_63 = arith.constant 0 : i32
        %dma_wait3A_64 = arith.constant 0 : i32
        %dma_wait3A_65 = tpu.memref_slice %arg4[%arg1, %dma_wait3A_63, %dma_wait3A_64] : memref<16x160x128xi32, #tpu.memory_space<hbm>> -> memref<1x160x128xi32, #tpu.memory_space<hbm>>
        %dma_wait3A_66 = tpu.memref_squeeze %dma_wait3A_65 : memref<1x160x128xi32, #tpu.memory_space<hbm>> -> memref<160x128xi32, #tpu.memory_space<hbm>>
        %dma_wait3A_67 = arith.constant 0 : i32
        %dma_wait3A_68 = tpu.memref_slice %dma_wait3A_66[%mul3A_26, %dma_wait3A_67] : memref<160x128xi32, #tpu.memory_space<hbm>> -> memref<40x128xi32, #tpu.memory_space<hbm>>
        %dma_wait3A_69 = arith.constant 0 : i32
        %dma_wait3A_70 = arith.constant 0 : i32
        %dma_wait3A_71 = tpu.memref_slice %arg4[%arg1, %dma_wait3A_69, %dma_wait3A_70] : memref<16x160x128xi32, #tpu.memory_space<hbm>> -> memref<1x160x128xi32, #tpu.memory_space<hbm>>
        %dma_wait3A_72 = tpu.memref_squeeze %dma_wait3A_71 : memref<1x160x128xi32, #tpu.memory_space<hbm>> -> memref<160x128xi32, #tpu.memory_space<hbm>>
        %dma_wait3A_73 = arith.constant 0 : i32
        %dma_wait3A_74 = tpu.memref_slice %dma_wait3A_72[%mul3A_26, %dma_wait3A_73] : memref<160x128xi32, #tpu.memory_space<hbm>> -> memref<40x128xi32, #tpu.memory_space<hbm>>
        tpu.wait_dma2 semaphore(%run_scoped3A : memref<!tpu.dma_semaphore, #tpu.memory_space<semaphore_mem>>) src(%dma_wait3A_74 : memref<40x128xi32, #tpu.memory_space<hbm>>) dst(%arg7 : memref<40x128xi32, #tpu.memory_space<vmem>>)
        tpu.yield
      }) : () -> ()
      %dma_start3A = arith.constant 0 : i32
      %dma_start3A_27 = arith.constant 0 : i32
      %dma_start3A_28 = tpu.memref_slice %arg6[%dma_start3A, %dma_start3A_27] : memref<40x128xi32, #tpu.memory_space<vmem>> -> memref<1x128xi32, #tpu.memory_space<vmem>>
      %dma_start3A_29 = tpu.memref_squeeze %dma_start3A_28 : memref<1x128xi32, #tpu.memory_space<vmem>> -> memref<128xi32, #tpu.memory_space<vmem>>
      %dma_start3A_30 = arith.constant 0 : i32
      %dma_start3A_31 = arith.constant 0 : i32
      %dma_start3A_32 = tpu.memref_slice %arg2[%arg0, %dma_start3A_30, %dma_start3A_31] : memref<2x10000x128xf32, #tpu.memory_space<hbm>> -> memref<1x10000x128xf32, #tpu.memory_space<hbm>>
      %dma_start3A_33 = tpu.memref_squeeze %dma_start3A_32 : memref<1x10000x128xf32, #tpu.memory_space<hbm>> -> memref<10000x128xf32, #tpu.memory_space<hbm>>
      %dma_start3A_34 = arith.constant 0 : i32
      %dma_start3A_35 = arith.constant 0 : i32
      %dma_start3A_36 = tpu.memref_slice %dma_start3A_33[%dma_start3A_34, %dma_start3A_35] : memref<10000x128xf32, #tpu.memory_space<hbm>> -> memref<10000x128xf32, #tpu.memory_space<hbm>>
      tpu.enqueue_indirect_dma source(%dma_start3A_36 : memref<10000x128xf32, #tpu.memory_space<hbm>>) target(%arg8 : memref<128x128xf32, #tpu.memory_space<vmem>>) offsets(%dma_start3A_29 : memref<128xi32, #tpu.memory_space<vmem>>) semaphore(%arg11 : memref<!tpu.dma_semaphore, #tpu.memory_space<semaphore_mem>>)
      %scan3A_37 = arith.constant 0 : i32
      %scan3A_38 = arith.constant 0 : i32
      %scan3A_39 = arith.constant 20 : i32
      %scan3A_40 = arith.addi %scan3A_38, %scan3A_39 : i32
      %scan3A_41 = arith.constant 1 : i32
      %scan3A_42 = scf.for %scan3A_51 = %scan3A_38 to %scan3A_40 step %scan3A_41 iter_args(%scan3A_52 = %scan3A_37) -> (i32)  : i32 {
        %mul3A_53 = arith.constant 2 : i32
        %mul3A_54 = arith.muli %mul3A_53, %scan3A_51 : i32
        %mul3A_55 = arith.constant 2 : i32
        %mul3A_56 = arith.muli %mul3A_55, %scan3A_51 : i32
        %add3A = arith.constant 1 : i32
        %add3A_57 = arith.addi %mul3A_56, %add3A : i32
        %dma_wait3A_58 = arith.constant 0 : i32
        %dma_wait3A_59 = tpu.memref_slice %arg6[%mul3A_54, %dma_wait3A_58] : memref<40x128xi32, #tpu.memory_space<vmem>> -> memref<1x128xi32, #tpu.memory_space<vmem>>
        %dma_wait3A_60 = tpu.memref_squeeze %dma_wait3A_59 : memref<1x128xi32, #tpu.memory_space<vmem>> -> memref<128xi32, #tpu.memory_space<vmem>>
        %dma_wait3A_61 = arith.constant 0 : i32
        %dma_wait3A_62 = arith.constant 0 : i32
        %dma_wait3A_63 = tpu.memref_slice %arg2[%arg0, %dma_wait3A_61, %dma_wait3A_62] : memref<2x10000x128xf32, #tpu.memory_space<hbm>> -> memref<1x10000x128xf32, #tpu.memory_space<hbm>>
        %dma_wait3A_64 = tpu.memref_squeeze %dma_wait3A_63 : memref<1x10000x128xf32, #tpu.memory_space<hbm>> -> memref<10000x128xf32, #tpu.memory_space<hbm>>
        %dma_wait3A_65 = arith.constant 0 : i32
        %dma_wait3A_66 = arith.constant 0 : i32
        %dma_wait3A_67 = tpu.memref_slice %dma_wait3A_64[%dma_wait3A_65, %dma_wait3A_66] : memref<10000x128xf32, #tpu.memory_space<hbm>> -> memref<10000x128xf32, #tpu.memory_space<hbm>>
        tpu.wait_indirect_dma semaphore(%arg11 : memref<!tpu.dma_semaphore, #tpu.memory_space<semaphore_mem>>) src(%dma_wait3A_67 : memref<10000x128xf32, #tpu.memory_space<hbm>>) dst(%arg8 : memref<128x128xf32, #tpu.memory_space<vmem>>)
        %dma_start3A_68 = arith.constant 0 : i32
        %dma_start3A_69 = tpu.memref_slice %arg7[%mul3A_54, %dma_start3A_68] : memref<40x128xi32, #tpu.memory_space<vmem>> -> memref<1x128xi32, #tpu.memory_space<vmem>>
        %dma_start3A_70 = tpu.memref_squeeze %dma_start3A_69 : memref<1x128xi32, #tpu.memory_space<vmem>> -> memref<128xi32, #tpu.memory_space<vmem>>
        %dma_start3A_71 = arith.constant 0 : i32
        %dma_start3A_72 = arith.constant 0 : i32
        %dma_start3A_73 = tpu.memref_slice %arg10[%dma_start3A_71, %dma_start3A_72] : memref<10008x128xf32, #tpu.memory_space<vmem_shared>> -> memref<10008x128xf32, #tpu.memory_space<vmem_shared>>
        tpu.enqueue_indirect_dma source(%arg8 : memref<128x128xf32, #tpu.memory_space<vmem>>) target(%dma_start3A_73 : memref<10008x128xf32, #tpu.memory_space<vmem_shared>>) offsets(%dma_start3A_70 : memref<128xi32, #tpu.memory_space<vmem>>) semaphore(%arg13 : memref<!tpu.dma_semaphore, #tpu.memory_space<semaphore_mem>>) {add = true}
        %gt3A = arith.constant 0 : i32
        %gt3A_74 = arith.cmpi sgt, %scan3A_51, %gt3A : i32
        %convert_element_type3A_75 = arith.extui %gt3A_74 : i1 to i32
        %cond3A_76 = arith.constant 0 : i32
        %cond3A_77 = arith.cmpi ne, %convert_element_type3A_75, %cond3A_76 : i32
        scf.if %cond3A_77 {
          %dma_wait3A_115 = arith.constant 0 : i32
          %dma_wait3A_116 = tpu.memref_slice %arg7[%mul3A_54, %dma_wait3A_115] : memref<40x128xi32, #tpu.memory_space<vmem>> -> memref<1x128xi32, #tpu.memory_space<vmem>>
          %dma_wait3A_117 = tpu.memref_squeeze %dma_wait3A_116 : memref<1x128xi32, #tpu.memory_space<vmem>> -> memref<128xi32, #tpu.memory_space<vmem>>
          %dma_wait3A_118 = arith.constant 0 : i32
          %dma_wait3A_119 = arith.constant 0 : i32
          %dma_wait3A_120 = tpu.memref_slice %arg10[%dma_wait3A_118, %dma_wait3A_119] : memref<10008x128xf32, #tpu.memory_space<vmem_shared>> -> memref<10008x128xf32, #tpu.memory_space<vmem_shared>>
          tpu.wait_indirect_dma semaphore(%arg14 : memref<!tpu.dma_semaphore, #tpu.memory_space<semaphore_mem>>) src(%arg9 : memref<128x128xf32, #tpu.memory_space<vmem>>) dst(%dma_wait3A_120 : memref<10008x128xf32, #tpu.memory_space<vmem_shared>>)
        } else {
        }
        %dma_start3A_78 = arith.constant 0 : i32
        %dma_start3A_79 = tpu.memref_slice %arg6[%add3A_57, %dma_start3A_78] : memref<40x128xi32, #tpu.memory_space<vmem>> -> memref<1x128xi32, #tpu.memory_space<vmem>>
        %dma_start3A_80 = tpu.memref_squeeze %dma_start3A_79 : memref<1x128xi32, #tpu.memory_space<vmem>> -> memref<128xi32, #tpu.memory_space<vmem>>
        %dma_start3A_81 = arith.constant 0 : i32
        %dma_start3A_82 = arith.constant 0 : i32
        %dma_start3A_83 = tpu.memref_slice %arg2[%arg0, %dma_start3A_81, %dma_start3A_82] : memref<2x10000x128xf32, #tpu.memory_space<hbm>> -> memref<1x10000x128xf32, #tpu.memory_space<hbm>>
        %dma_start3A_84 = tpu.memref_squeeze %dma_start3A_83 : memref<1x10000x128xf32, #tpu.memory_space<hbm>> -> memref<10000x128xf32, #tpu.memory_space<hbm>>
        %dma_start3A_85 = arith.constant 0 : i32
        %dma_start3A_86 = arith.constant 0 : i32
        %dma_start3A_87 = tpu.memref_slice %dma_start3A_84[%dma_start3A_85, %dma_start3A_86] : memref<10000x128xf32, #tpu.memory_space<hbm>> -> memref<10000x128xf32, #tpu.memory_space<hbm>>
        tpu.enqueue_indirect_dma source(%dma_start3A_87 : memref<10000x128xf32, #tpu.memory_space<hbm>>) target(%arg9 : memref<128x128xf32, #tpu.memory_space<vmem>>) offsets(%dma_start3A_80 : memref<128xi32, #tpu.memory_space<vmem>>) semaphore(%arg12 : memref<!tpu.dma_semaphore, #tpu.memory_space<semaphore_mem>>)
        %dma_wait3A_88 = arith.constant 0 : i32
        %dma_wait3A_89 = tpu.memref_slice %arg6[%add3A_57, %dma_wait3A_88] : memref<40x128xi32, #tpu.memory_space<vmem>> -> memref<1x128xi32, #tpu.memory_space<vmem>>
        %dma_wait3A_90 = tpu.memref_squeeze %dma_wait3A_89 : memref<1x128xi32, #tpu.memory_space<vmem>> -> memref<128xi32, #tpu.memory_space<vmem>>
        %dma_wait3A_91 = arith.constant 0 : i32
        %dma_wait3A_92 = arith.constant 0 : i32
        %dma_wait3A_93 = tpu.memref_slice %arg2[%arg0, %dma_wait3A_91, %dma_wait3A_92] : memref<2x10000x128xf32, #tpu.memory_space<hbm>> -> memref<1x10000x128xf32, #tpu.memory_space<hbm>>
        %dma_wait3A_94 = tpu.memref_squeeze %dma_wait3A_93 : memref<1x10000x128xf32, #tpu.memory_space<hbm>> -> memref<10000x128xf32, #tpu.memory_space<hbm>>
        %dma_wait3A_95 = arith.constant 0 : i32
        %dma_wait3A_96 = arith.constant 0 : i32
        %dma_wait3A_97 = tpu.memref_slice %dma_wait3A_94[%dma_wait3A_95, %dma_wait3A_96] : memref<10000x128xf32, #tpu.memory_space<hbm>> -> memref<10000x128xf32, #tpu.memory_space<hbm>>
        tpu.wait_indirect_dma semaphore(%arg12 : memref<!tpu.dma_semaphore, #tpu.memory_space<semaphore_mem>>) src(%dma_wait3A_97 : memref<10000x128xf32, #tpu.memory_space<hbm>>) dst(%arg9 : memref<128x128xf32, #tpu.memory_space<vmem>>)
        %dma_start3A_98 = arith.constant 0 : i32
        %dma_start3A_99 = tpu.memref_slice %arg7[%add3A_57, %dma_start3A_98] : memref<40x128xi32, #tpu.memory_space<vmem>> -> memref<1x128xi32, #tpu.memory_space<vmem>>
        %dma_start3A_100 = tpu.memref_squeeze %dma_start3A_99 : memref<1x128xi32, #tpu.memory_space<vmem>> -> memref<128xi32, #tpu.memory_space<vmem>>
        %dma_start3A_101 = arith.constant 0 : i32
        %dma_start3A_102 = arith.constant 0 : i32
        %dma_start3A_103 = tpu.memref_slice %arg10[%dma_start3A_101, %dma_start3A_102] : memref<10008x128xf32, #tpu.memory_space<vmem_shared>> -> memref<10008x128xf32, #tpu.memory_space<vmem_shared>>
        tpu.enqueue_indirect_dma source(%arg9 : memref<128x128xf32, #tpu.memory_space<vmem>>) target(%dma_start3A_103 : memref<10008x128xf32, #tpu.memory_space<vmem_shared>>) offsets(%dma_start3A_100 : memref<128xi32, #tpu.memory_space<vmem>>) semaphore(%arg14 : memref<!tpu.dma_semaphore, #tpu.memory_space<semaphore_mem>>) {add = true}
        %dma_wait3A_104 = arith.constant 0 : i32
        %dma_wait3A_105 = tpu.memref_slice %arg7[%mul3A_54, %dma_wait3A_104] : memref<40x128xi32, #tpu.memory_space<vmem>> -> memref<1x128xi32, #tpu.memory_space<vmem>>
        %dma_wait3A_106 = tpu.memref_squeeze %dma_wait3A_105 : memref<1x128xi32, #tpu.memory_space<vmem>> -> memref<128xi32, #tpu.memory_space<vmem>>
        %dma_wait3A_107 = arith.constant 0 : i32
        %dma_wait3A_108 = arith.constant 0 : i32
        %dma_wait3A_109 = tpu.memref_slice %arg10[%dma_wait3A_107, %dma_wait3A_108] : memref<10008x128xf32, #tpu.memory_space<vmem_shared>> -> memref<10008x128xf32, #tpu.memory_space<vmem_shared>>
        tpu.wait_indirect_dma semaphore(%arg13 : memref<!tpu.dma_semaphore, #tpu.memory_space<semaphore_mem>>) src(%arg8 : memref<128x128xf32, #tpu.memory_space<vmem>>) dst(%dma_wait3A_109 : memref<10008x128xf32, #tpu.memory_space<vmem_shared>>)
        %lt3A = arith.constant 19 : i32
        %lt3A_110 = arith.cmpi slt, %scan3A_51, %lt3A : i32
        %convert_element_type3A_111 = arith.extui %lt3A_110 : i1 to i32
        %cond3A_112 = arith.constant 0 : i32
        %cond3A_113 = arith.cmpi ne, %convert_element_type3A_111, %cond3A_112 : i32
        scf.if %cond3A_113 {
          %add3A_115 = arith.constant 1 : i32
          %add3A_116 = arith.addi %add3A_57, %add3A_115 : i32
          %dma_start3A_117 = arith.constant 0 : i32
          %dma_start3A_118 = tpu.memref_slice %arg6[%add3A_116, %dma_start3A_117] : memref<40x128xi32, #tpu.memory_space<vmem>> -> memref<1x128xi32, #tpu.memory_space<vmem>>
          %dma_start3A_119 = tpu.memref_squeeze %dma_start3A_118 : memref<1x128xi32, #tpu.memory_space<vmem>> -> memref<128xi32, #tpu.memory_space<vmem>>
          %dma_start3A_120 = arith.constant 0 : i32
          %dma_start3A_121 = arith.constant 0 : i32
          %dma_start3A_122 = tpu.memref_slice %arg2[%arg0, %dma_start3A_120, %dma_start3A_121] : memref<2x10000x128xf32, #tpu.memory_space<hbm>> -> memref<1x10000x128xf32, #tpu.memory_space<hbm>>
          %dma_start3A_123 = tpu.memref_squeeze %dma_start3A_122 : memref<1x10000x128xf32, #tpu.memory_space<hbm>> -> memref<10000x128xf32, #tpu.memory_space<hbm>>
          %dma_start3A_124 = arith.constant 0 : i32
          %dma_start3A_125 = arith.constant 0 : i32
          %dma_start3A_126 = tpu.memref_slice %dma_start3A_123[%dma_start3A_124, %dma_start3A_125] : memref<10000x128xf32, #tpu.memory_space<hbm>> -> memref<10000x128xf32, #tpu.memory_space<hbm>>
          tpu.enqueue_indirect_dma source(%dma_start3A_126 : memref<10000x128xf32, #tpu.memory_space<hbm>>) target(%arg8 : memref<128x128xf32, #tpu.memory_space<vmem>>) offsets(%dma_start3A_119 : memref<128xi32, #tpu.memory_space<vmem>>) semaphore(%arg11 : memref<!tpu.dma_semaphore, #tpu.memory_space<semaphore_mem>>)
        } else {
        }
        %scan3A_114 = arith.constant 0 : i32
        scf.yield %scan3A_114 : i32
      }
      %scan3A_43 = arith.constant 20 : i32
      %dma_wait3A = arith.constant 39 : i32
      %dma_wait3A_44 = arith.constant 0 : i32
      %dma_wait3A_45 = tpu.memref_slice %arg7[%dma_wait3A, %dma_wait3A_44] : memref<40x128xi32, #tpu.memory_space<vmem>> -> memref<1x128xi32, #tpu.memory_space<vmem>>
      %dma_wait3A_46 = tpu.memref_squeeze %dma_wait3A_45 : memref<1x128xi32, #tpu.memory_space<vmem>> -> memref<128xi32, #tpu.memory_space<vmem>>
      %dma_wait3A_47 = arith.constant 0 : i32
      %dma_wait3A_48 = arith.constant 0 : i32
      %dma_wait3A_49 = tpu.memref_slice %arg10[%dma_wait3A_47, %dma_wait3A_48] : memref<10008x128xf32, #tpu.memory_space<vmem_shared>> -> memref<10008x128xf32, #tpu.memory_space<vmem_shared>>
      tpu.wait_indirect_dma semaphore(%arg14 : memref<!tpu.dma_semaphore, #tpu.memory_space<semaphore_mem>>) src(%arg9 : memref<128x128xf32, #tpu.memory_space<vmem>>) dst(%dma_wait3A_49 : memref<10008x128xf32, #tpu.memory_space<vmem_shared>>)
      %scan3A_50 = arith.constant 0 : i32
      scf.yield %scan3A_50 : i32
    }
    %scan3A_10 = arith.constant 4 : i32
    %barrier3A_11 = arith.constant 0 : index
    tpu.barrier barrier_id(%barrier3A_11)
    %mul3A_12 = arith.constant 624 : i32
    %mul3A_13 = arith.muli %arg1, %mul3A_12 : i32
    %mul3A_14 = arith.constant 624 : i32
    %mul3A_15 = arith.muli %arg1, %mul3A_14 : i32
    "tpu.region"() ({
      %run_scoped3A = tpu.sem_alloc : memref<!tpu.dma_semaphore, #tpu.memory_space<semaphore_mem>>
      %dma_start3A = arith.constant 0 : i32
      %dma_start3A_21 = arith.constant 0 : i32
      %dma_start3A_22 = tpu.memref_slice %arg5[%arg0, %dma_start3A, %dma_start3A_21] : memref<2x10000x128xf32, #tpu.memory_space<hbm>> -> memref<1x10000x128xf32, #tpu.memory_space<hbm>>
      %dma_start3A_23 = tpu.memref_squeeze %dma_start3A_22 : memref<1x10000x128xf32, #tpu.memory_space<hbm>> -> memref<10000x128xf32, #tpu.memory_space<hbm>>
      %dma_start3A_24 = arith.constant 0 : i32
      %dma_start3A_25 = tpu.memref_slice %dma_start3A_23[%mul3A_15, %dma_start3A_24] : memref<10000x128xf32, #tpu.memory_space<hbm>> -> memref<624x128xf32, #tpu.memory_space<hbm>>
      %dma_start3A_26 = arith.constant 0 : i32
      %dma_start3A_27 = tpu.memref_slice %arg10[%mul3A_13, %dma_start3A_26] : memref<10008x128xf32, #tpu.memory_space<vmem_shared>> -> memref<624x128xf32, #tpu.memory_space<vmem_shared>>
      tpu.enqueue_dma source(%dma_start3A_27 : memref<624x128xf32, #tpu.memory_space<vmem_shared>>) target(%dma_start3A_25 : memref<624x128xf32, #tpu.memory_space<hbm>>) target_semaphore(%run_scoped3A : memref<!tpu.dma_semaphore, #tpu.memory_space<semaphore_mem>>)
      %dma_wait3A = arith.constant 0 : i32
      %dma_wait3A_28 = arith.constant 0 : i32
      %dma_wait3A_29 = tpu.memref_slice %arg5[%arg0, %dma_wait3A, %dma_wait3A_28] : memref<2x10000x128xf32, #tpu.memory_space<hbm>> -> memref<1x10000x128xf32, #tpu.memory_space<hbm>>
      %dma_wait3A_30 = tpu.memref_squeeze %dma_wait3A_29 : memref<1x10000x128xf32, #tpu.memory_space<hbm>> -> memref<10000x128xf32, #tpu.memory_space<hbm>>
      %dma_wait3A_31 = arith.constant 0 : i32
      %dma_wait3A_32 = tpu.memref_slice %dma_wait3A_30[%mul3A_15, %dma_wait3A_31] : memref<10000x128xf32, #tpu.memory_space<hbm>> -> memref<624x128xf32, #tpu.memory_space<hbm>>
      %dma_wait3A_33 = arith.constant 0 : i32
      %dma_wait3A_34 = tpu.memref_slice %arg10[%mul3A_13, %dma_wait3A_33] : memref<10008x128xf32, #tpu.memory_space<vmem_shared>> -> memref<624x128xf32, #tpu.memory_space<vmem_shared>>
      tpu.wait_dma2 semaphore(%run_scoped3A : memref<!tpu.dma_semaphore, #tpu.memory_space<semaphore_mem>>) src(%dma_wait3A_34 : memref<624x128xf32, #tpu.memory_space<vmem_shared>>) dst(%dma_wait3A_32 : memref<624x128xf32, #tpu.memory_space<hbm>>)
      tpu.yield
    }) : () -> ()
    %eq3A_16 = arith.constant 0 : i32
    %eq3A_17 = arith.cmpi eq, %arg1, %eq3A_16 : i32
    %convert_element_type3A_18 = arith.extui %eq3A_17 : i1 to i32
    %cond3A_19 = arith.constant 0 : i32
    %cond3A_20 = arith.cmpi ne, %convert_element_type3A_18, %cond3A_19 : i32
    scf.if %cond3A_20 {
      "tpu.region"() ({
        %run_scoped3A = tpu.sem_alloc : memref<!tpu.dma_semaphore, #tpu.memory_space<semaphore_mem>>
        %dma_start3A = arith.constant 0 : i32
        %dma_start3A_21 = arith.constant 0 : i32
        %dma_start3A_22 = tpu.memref_slice %arg5[%arg0, %dma_start3A, %dma_start3A_21] : memref<2x10000x128xf32, #tpu.memory_space<hbm>> -> memref<1x10000x128xf32, #tpu.memory_space<hbm>>
        %dma_start3A_23 = tpu.memref_squeeze %dma_start3A_22 : memref<1x10000x128xf32, #tpu.memory_space<hbm>> -> memref<10000x128xf32, #tpu.memory_space<hbm>>
        %dma_start3A_24 = arith.constant 9984 : i32
        %dma_start3A_25 = arith.constant 0 : i32
        %dma_start3A_26 = tpu.memref_slice %dma_start3A_23[%dma_start3A_24, %dma_start3A_25] : memref<10000x128xf32, #tpu.memory_space<hbm>> -> memref<16x128xf32, #tpu.memory_space<hbm>>
        %dma_start3A_27 = arith.constant 9984 : i32
        %dma_start3A_28 = arith.constant 0 : i32
        %dma_start3A_29 = tpu.memref_slice %arg10[%dma_start3A_27, %dma_start3A_28] : memref<10008x128xf32, #tpu.memory_space<vmem_shared>> -> memref<16x128xf32, #tpu.memory_space<vmem_shared>>
        tpu.enqueue_dma source(%dma_start3A_29 : memref<16x128xf32, #tpu.memory_space<vmem_shared>>) target(%dma_start3A_26 : memref<16x128xf32, #tpu.memory_space<hbm>>) target_semaphore(%run_scoped3A : memref<!tpu.dma_semaphore, #tpu.memory_space<semaphore_mem>>)
        %dma_wait3A = arith.constant 0 : i32
        %dma_wait3A_30 = arith.constant 0 : i32
        %dma_wait3A_31 = tpu.memref_slice %arg5[%arg0, %dma_wait3A, %dma_wait3A_30] : memref<2x10000x128xf32, #tpu.memory_space<hbm>> -> memref<1x10000x128xf32, #tpu.memory_space<hbm>>
        %dma_wait3A_32 = tpu.memref_squeeze %dma_wait3A_31 : memref<1x10000x128xf32, #tpu.memory_space<hbm>> -> memref<10000x128xf32, #tpu.memory_space<hbm>>
        %dma_wait3A_33 = arith.constant 9984 : i32
        %dma_wait3A_34 = arith.constant 0 : i32
        %dma_wait3A_35 = tpu.memref_slice %dma_wait3A_32[%dma_wait3A_33, %dma_wait3A_34] : memref<10000x128xf32, #tpu.memory_space<hbm>> -> memref<16x128xf32, #tpu.memory_space<hbm>>
        %dma_wait3A_36 = arith.constant 9984 : i32
        %dma_wait3A_37 = arith.constant 0 : i32
        %dma_wait3A_38 = tpu.memref_slice %arg10[%dma_wait3A_36, %dma_wait3A_37] : memref<10008x128xf32, #tpu.memory_space<vmem_shared>> -> memref<16x128xf32, #tpu.memory_space<vmem_shared>>
        tpu.wait_dma2 semaphore(%run_scoped3A : memref<!tpu.dma_semaphore, #tpu.memory_space<semaphore_mem>>) src(%dma_wait3A_38 : memref<16x128xf32, #tpu.memory_space<vmem_shared>>) dst(%dma_wait3A_35 : memref<16x128xf32, #tpu.memory_space<hbm>>)
        tpu.yield
      }) : () -> ()
    } else {
    }
    return
  }
}

#map = affine_map<(d0, d1) -> (0, 0, 0)>
module attributes {stable_mosaic.version = 14 : i64} {
  func.func @gcn_spmm_sc(%arg0: i32, %arg1: i32, %arg2: memref<2x10000x128xf32, #tpu.memory_space<hbm>>, %arg3: memref<16x160x128xi32, #tpu.memory_space<hbm>>, %arg4: memref<16x160x128xi32, #tpu.memory_space<hbm>>, %arg5: memref<2x10000x128xf32, #tpu.memory_space<hbm>>, %arg6: memref<40x128xi32, #tpu.memory_space<vmem>>, %arg7: memref<40x128xi32, #tpu.memory_space<vmem>>, %arg8: memref<128x128xf32, #tpu.memory_space<vmem>>, %arg9: memref<128x128xf32, #tpu.memory_space<vmem>>, %arg10: memref<10008x128xf32, #tpu.memory_space<vmem_shared>>, %arg11: memref<!tpu.dma_semaphore, #tpu.memory_space<semaphore_mem>>, %arg12: memref<!tpu.dma_semaphore, #tpu.memory_space<semaphore_mem>>, %arg13: memref<!tpu.dma_semaphore, #tpu.memory_space<semaphore_mem>>, %arg14: memref<!tpu.dma_semaphore, #tpu.memory_space<semaphore_mem>>) attributes {dimension_semantics = [#tpu.dimension_semantics<core_parallel>, #tpu.dimension_semantics<subcore_parallel>], iteration_bounds = array<i64: 2, 16>, scalar_prefetch = 0 : i64, scratch_operands = 9 : i64, tpu.core_type = #tpu.core_type<sc_vector_subcore>, window_params = [{transform_indices = #map}, {transform_indices = #map}, {transform_indices = #map}, {transform_indices = #map}]} {
    %mul3A = arith.constant 624 : i32
    %mul3A_0 = arith.muli %arg1, %mul3A : i32
    %mul3A_1 = arith.constant 624 : i32
    %mul3A_2 = arith.muli %arg1, %mul3A_1 : i32
    "tpu.region"() ({
      %run_scoped3A = tpu.sem_alloc : memref<!tpu.dma_semaphore, #tpu.memory_space<semaphore_mem>>
      %dma_start3A = arith.constant 0 : i32
      %dma_start3A_21 = tpu.memref_slice %arg10[%mul3A_2, %dma_start3A] : memref<10008x128xf32, #tpu.memory_space<vmem_shared>> -> memref<624x128xf32, #tpu.memory_space<vmem_shared>>
      %dma_start3A_22 = arith.constant 0 : i32
      %dma_start3A_23 = arith.constant 0 : i32
      %dma_start3A_24 = tpu.memref_slice %arg2[%arg0, %dma_start3A_22, %dma_start3A_23] : memref<2x10000x128xf32, #tpu.memory_space<hbm>> -> memref<1x10000x128xf32, #tpu.memory_space<hbm>>
      %dma_start3A_25 = tpu.memref_squeeze %dma_start3A_24 : memref<1x10000x128xf32, #tpu.memory_space<hbm>> -> memref<10000x128xf32, #tpu.memory_space<hbm>>
      %dma_start3A_26 = arith.constant 0 : i32
      %dma_start3A_27 = tpu.memref_slice %dma_start3A_25[%mul3A_0, %dma_start3A_26] : memref<10000x128xf32, #tpu.memory_space<hbm>> -> memref<624x128xf32, #tpu.memory_space<hbm>>
      tpu.enqueue_dma source(%dma_start3A_27 : memref<624x128xf32, #tpu.memory_space<hbm>>) target(%dma_start3A_21 : memref<624x128xf32, #tpu.memory_space<vmem_shared>>) target_semaphore(%run_scoped3A : memref<!tpu.dma_semaphore, #tpu.memory_space<semaphore_mem>>)
      %dma_wait3A = arith.constant 0 : i32
      %dma_wait3A_28 = tpu.memref_slice %arg10[%mul3A_2, %dma_wait3A] : memref<10008x128xf32, #tpu.memory_space<vmem_shared>> -> memref<624x128xf32, #tpu.memory_space<vmem_shared>>
      %dma_wait3A_29 = arith.constant 0 : i32
      %dma_wait3A_30 = arith.constant 0 : i32
      %dma_wait3A_31 = tpu.memref_slice %arg2[%arg0, %dma_wait3A_29, %dma_wait3A_30] : memref<2x10000x128xf32, #tpu.memory_space<hbm>> -> memref<1x10000x128xf32, #tpu.memory_space<hbm>>
      %dma_wait3A_32 = tpu.memref_squeeze %dma_wait3A_31 : memref<1x10000x128xf32, #tpu.memory_space<hbm>> -> memref<10000x128xf32, #tpu.memory_space<hbm>>
      %dma_wait3A_33 = arith.constant 0 : i32
      %dma_wait3A_34 = tpu.memref_slice %dma_wait3A_32[%mul3A_0, %dma_wait3A_33] : memref<10000x128xf32, #tpu.memory_space<hbm>> -> memref<624x128xf32, #tpu.memory_space<hbm>>
      tpu.wait_dma2 semaphore(%run_scoped3A : memref<!tpu.dma_semaphore, #tpu.memory_space<semaphore_mem>>) src(%dma_wait3A_34 : memref<624x128xf32, #tpu.memory_space<hbm>>) dst(%dma_wait3A_28 : memref<624x128xf32, #tpu.memory_space<vmem_shared>>)
      tpu.yield
    }) : () -> ()
    %eq3A = arith.constant 0 : i32
    %eq3A_3 = arith.cmpi eq, %arg1, %eq3A : i32
    %convert_element_type3A = arith.extui %eq3A_3 : i1 to i32
    %cond3A = arith.constant 0 : i32
    %cond3A_4 = arith.cmpi ne, %convert_element_type3A, %cond3A : i32
    scf.if %cond3A_4 {
      "tpu.region"() ({
        %run_scoped3A = tpu.sem_alloc : memref<!tpu.dma_semaphore, #tpu.memory_space<semaphore_mem>>
        %dma_start3A = arith.constant 9984 : i32
        %dma_start3A_21 = arith.constant 0 : i32
        %dma_start3A_22 = tpu.memref_slice %arg10[%dma_start3A, %dma_start3A_21] : memref<10008x128xf32, #tpu.memory_space<vmem_shared>> -> memref<16x128xf32, #tpu.memory_space<vmem_shared>>
        %dma_start3A_23 = arith.constant 0 : i32
        %dma_start3A_24 = arith.constant 0 : i32
        %dma_start3A_25 = tpu.memref_slice %arg2[%arg0, %dma_start3A_23, %dma_start3A_24] : memref<2x10000x128xf32, #tpu.memory_space<hbm>> -> memref<1x10000x128xf32, #tpu.memory_space<hbm>>
        %dma_start3A_26 = tpu.memref_squeeze %dma_start3A_25 : memref<1x10000x128xf32, #tpu.memory_space<hbm>> -> memref<10000x128xf32, #tpu.memory_space<hbm>>
        %dma_start3A_27 = arith.constant 9984 : i32
        %dma_start3A_28 = arith.constant 0 : i32
        %dma_start3A_29 = tpu.memref_slice %dma_start3A_26[%dma_start3A_27, %dma_start3A_28] : memref<10000x128xf32, #tpu.memory_space<hbm>> -> memref<16x128xf32, #tpu.memory_space<hbm>>
        tpu.enqueue_dma source(%dma_start3A_29 : memref<16x128xf32, #tpu.memory_space<hbm>>) target(%dma_start3A_22 : memref<16x128xf32, #tpu.memory_space<vmem_shared>>) target_semaphore(%run_scoped3A : memref<!tpu.dma_semaphore, #tpu.memory_space<semaphore_mem>>)
        %dma_wait3A = arith.constant 9984 : i32
        %dma_wait3A_30 = arith.constant 0 : i32
        %dma_wait3A_31 = tpu.memref_slice %arg10[%dma_wait3A, %dma_wait3A_30] : memref<10008x128xf32, #tpu.memory_space<vmem_shared>> -> memref<16x128xf32, #tpu.memory_space<vmem_shared>>
        %dma_wait3A_32 = arith.constant 0 : i32
        %dma_wait3A_33 = arith.constant 0 : i32
        %dma_wait3A_34 = tpu.memref_slice %arg2[%arg0, %dma_wait3A_32, %dma_wait3A_33] : memref<2x10000x128xf32, #tpu.memory_space<hbm>> -> memref<1x10000x128xf32, #tpu.memory_space<hbm>>
        %dma_wait3A_35 = tpu.memref_squeeze %dma_wait3A_34 : memref<1x10000x128xf32, #tpu.memory_space<hbm>> -> memref<10000x128xf32, #tpu.memory_space<hbm>>
        %dma_wait3A_36 = arith.constant 9984 : i32
        %dma_wait3A_37 = arith.constant 0 : i32
        %dma_wait3A_38 = tpu.memref_slice %dma_wait3A_35[%dma_wait3A_36, %dma_wait3A_37] : memref<10000x128xf32, #tpu.memory_space<hbm>> -> memref<16x128xf32, #tpu.memory_space<hbm>>
        tpu.wait_dma2 semaphore(%run_scoped3A : memref<!tpu.dma_semaphore, #tpu.memory_space<semaphore_mem>>) src(%dma_wait3A_38 : memref<16x128xf32, #tpu.memory_space<hbm>>) dst(%dma_wait3A_31 : memref<16x128xf32, #tpu.memory_space<vmem_shared>>)
        tpu.yield
      }) : () -> ()
      "tpu.region"() ({
        %run_scoped3A = tpu.sem_alloc : memref<!tpu.dma_semaphore, #tpu.memory_space<semaphore_mem>>
        %dma_start3A = arith.constant 10000 : i32
        %dma_start3A_21 = arith.constant 0 : i32
        %dma_start3A_22 = tpu.memref_slice %arg10[%dma_start3A, %dma_start3A_21] : memref<10008x128xf32, #tpu.memory_space<vmem_shared>> -> memref<8x128xf32, #tpu.memory_space<vmem_shared>>
        %dma_start3A_23 = arith.constant 0 : i32
        %dma_start3A_24 = arith.constant 0 : i32
        %dma_start3A_25 = tpu.memref_slice %arg2[%arg0, %dma_start3A_23, %dma_start3A_24] : memref<2x10000x128xf32, #tpu.memory_space<hbm>> -> memref<1x10000x128xf32, #tpu.memory_space<hbm>>
        %dma_start3A_26 = tpu.memref_squeeze %dma_start3A_25 : memref<1x10000x128xf32, #tpu.memory_space<hbm>> -> memref<10000x128xf32, #tpu.memory_space<hbm>>
        %dma_start3A_27 = arith.constant 0 : i32
        %dma_start3A_28 = arith.constant 0 : i32
        %dma_start3A_29 = tpu.memref_slice %dma_start3A_26[%dma_start3A_27, %dma_start3A_28] : memref<10000x128xf32, #tpu.memory_space<hbm>> -> memref<8x128xf32, #tpu.memory_space<hbm>>
        tpu.enqueue_dma source(%dma_start3A_29 : memref<8x128xf32, #tpu.memory_space<hbm>>) target(%dma_start3A_22 : memref<8x128xf32, #tpu.memory_space<vmem_shared>>) target_semaphore(%run_scoped3A : memref<!tpu.dma_semaphore, #tpu.memory_space<semaphore_mem>>)
        %dma_wait3A = arith.constant 10000 : i32
        %dma_wait3A_30 = arith.constant 0 : i32
        %dma_wait3A_31 = tpu.memref_slice %arg10[%dma_wait3A, %dma_wait3A_30] : memref<10008x128xf32, #tpu.memory_space<vmem_shared>> -> memref<8x128xf32, #tpu.memory_space<vmem_shared>>
        %dma_wait3A_32 = arith.constant 0 : i32
        %dma_wait3A_33 = arith.constant 0 : i32
        %dma_wait3A_34 = tpu.memref_slice %arg2[%arg0, %dma_wait3A_32, %dma_wait3A_33] : memref<2x10000x128xf32, #tpu.memory_space<hbm>> -> memref<1x10000x128xf32, #tpu.memory_space<hbm>>
        %dma_wait3A_35 = tpu.memref_squeeze %dma_wait3A_34 : memref<1x10000x128xf32, #tpu.memory_space<hbm>> -> memref<10000x128xf32, #tpu.memory_space<hbm>>
        %dma_wait3A_36 = arith.constant 0 : i32
        %dma_wait3A_37 = arith.constant 0 : i32
        %dma_wait3A_38 = tpu.memref_slice %dma_wait3A_35[%dma_wait3A_36, %dma_wait3A_37] : memref<10000x128xf32, #tpu.memory_space<hbm>> -> memref<8x128xf32, #tpu.memory_space<hbm>>
        tpu.wait_dma2 semaphore(%run_scoped3A : memref<!tpu.dma_semaphore, #tpu.memory_space<semaphore_mem>>) src(%dma_wait3A_38 : memref<8x128xf32, #tpu.memory_space<hbm>>) dst(%dma_wait3A_31 : memref<8x128xf32, #tpu.memory_space<vmem_shared>>)
        tpu.yield
      }) : () -> ()
    } else {
    }
    %barrier3A = arith.constant 0 : index
    tpu.barrier barrier_id(%barrier3A)
    %scan3A = arith.constant 0 : i32
    %scan3A_5 = arith.constant 0 : i32
    %scan3A_6 = arith.constant 4 : i32
    %scan3A_7 = arith.addi %scan3A_5, %scan3A_6 : i32
    %scan3A_8 = arith.constant 1 : i32
    %scan3A_9 = scf.for %scan3A_21 = %scan3A_5 to %scan3A_7 step %scan3A_8 iter_args(%scan3A_22 = %scan3A) -> (i32)  : i32 {
      %mul3A_23 = arith.constant 40 : i32
      %mul3A_24 = arith.muli %scan3A_21, %mul3A_23 : i32
      "tpu.region"() ({
        %run_scoped3A = tpu.sem_alloc : memref<!tpu.dma_semaphore, #tpu.memory_space<semaphore_mem>>
        %dma_start3A_51 = arith.constant 0 : i32
        %dma_start3A_52 = arith.constant 0 : i32
        %dma_start3A_53 = tpu.memref_slice %arg3[%arg1, %dma_start3A_51, %dma_start3A_52] : memref<16x160x128xi32, #tpu.memory_space<hbm>> -> memref<1x160x128xi32, #tpu.memory_space<hbm>>
        %dma_start3A_54 = tpu.memref_squeeze %dma_start3A_53 : memref<1x160x128xi32, #tpu.memory_space<hbm>> -> memref<160x128xi32, #tpu.memory_space<hbm>>
        %dma_start3A_55 = arith.constant 0 : i32
        %dma_start3A_56 = tpu.memref_slice %dma_start3A_54[%mul3A_24, %dma_start3A_55] : memref<160x128xi32, #tpu.memory_space<hbm>> -> memref<40x128xi32, #tpu.memory_space<hbm>>
        %dma_start3A_57 = arith.constant 0 : i32
        %dma_start3A_58 = arith.constant 0 : i32
        %dma_start3A_59 = tpu.memref_slice %arg3[%arg1, %dma_start3A_57, %dma_start3A_58] : memref<16x160x128xi32, #tpu.memory_space<hbm>> -> memref<1x160x128xi32, #tpu.memory_space<hbm>>
        %dma_start3A_60 = tpu.memref_squeeze %dma_start3A_59 : memref<1x160x128xi32, #tpu.memory_space<hbm>> -> memref<160x128xi32, #tpu.memory_space<hbm>>
        %dma_start3A_61 = arith.constant 0 : i32
        %dma_start3A_62 = tpu.memref_slice %dma_start3A_60[%mul3A_24, %dma_start3A_61] : memref<160x128xi32, #tpu.memory_space<hbm>> -> memref<40x128xi32, #tpu.memory_space<hbm>>
        tpu.enqueue_dma source(%dma_start3A_62 : memref<40x128xi32, #tpu.memory_space<hbm>>) target(%arg6 : memref<40x128xi32, #tpu.memory_space<vmem>>) target_semaphore(%run_scoped3A : memref<!tpu.dma_semaphore, #tpu.memory_space<semaphore_mem>>)
        %dma_wait3A_63 = arith.constant 0 : i32
        %dma_wait3A_64 = arith.constant 0 : i32
        %dma_wait3A_65 = tpu.memref_slice %arg3[%arg1, %dma_wait3A_63, %dma_wait3A_64] : memref<16x160x128xi32, #tpu.memory_space<hbm>> -> memref<1x160x128xi32, #tpu.memory_space<hbm>>
        %dma_wait3A_66 = tpu.memref_squeeze %dma_wait3A_65 : memref<1x160x128xi32, #tpu.memory_space<hbm>> -> memref<160x128xi32, #tpu.memory_space<hbm>>
        %dma_wait3A_67 = arith.constant 0 : i32
        %dma_wait3A_68 = tpu.memref_slice %dma_wait3A_66[%mul3A_24, %dma_wait3A_67] : memref<160x128xi32, #tpu.memory_space<hbm>> -> memref<40x128xi32, #tpu.memory_space<hbm>>
        %dma_wait3A_69 = arith.constant 0 : i32
        %dma_wait3A_70 = arith.constant 0 : i32
        %dma_wait3A_71 = tpu.memref_slice %arg3[%arg1, %dma_wait3A_69, %dma_wait3A_70] : memref<16x160x128xi32, #tpu.memory_space<hbm>> -> memref<1x160x128xi32, #tpu.memory_space<hbm>>
        %dma_wait3A_72 = tpu.memref_squeeze %dma_wait3A_71 : memref<1x160x128xi32, #tpu.memory_space<hbm>> -> memref<160x128xi32, #tpu.memory_space<hbm>>
        %dma_wait3A_73 = arith.constant 0 : i32
        %dma_wait3A_74 = tpu.memref_slice %dma_wait3A_72[%mul3A_24, %dma_wait3A_73] : memref<160x128xi32, #tpu.memory_space<hbm>> -> memref<40x128xi32, #tpu.memory_space<hbm>>
        tpu.wait_dma2 semaphore(%run_scoped3A : memref<!tpu.dma_semaphore, #tpu.memory_space<semaphore_mem>>) src(%dma_wait3A_74 : memref<40x128xi32, #tpu.memory_space<hbm>>) dst(%arg6 : memref<40x128xi32, #tpu.memory_space<vmem>>)
        tpu.yield
      }) : () -> ()
      %mul3A_25 = arith.constant 40 : i32
      %mul3A_26 = arith.muli %scan3A_21, %mul3A_25 : i32
      "tpu.region"() ({
        %run_scoped3A = tpu.sem_alloc : memref<!tpu.dma_semaphore, #tpu.memory_space<semaphore_mem>>
        %dma_start3A_51 = arith.constant 0 : i32
        %dma_start3A_52 = arith.constant 0 : i32
        %dma_start3A_53 = tpu.memref_slice %arg4[%arg1, %dma_start3A_51, %dma_start3A_52] : memref<16x160x128xi32, #tpu.memory_space<hbm>> -> memref<1x160x128xi32, #tpu.memory_space<hbm>>
        %dma_start3A_54 = tpu.memref_squeeze %dma_start3A_53 : memref<1x160x128xi32, #tpu.memory_space<hbm>> -> memref<160x128xi32, #tpu.memory_space<hbm>>
        %dma_start3A_55 = arith.constant 0 : i32
        %dma_start3A_56 = tpu.memref_slice %dma_start3A_54[%mul3A_26, %dma_start3A_55] : memref<160x128xi32, #tpu.memory_space<hbm>> -> memref<40x128xi32, #tpu.memory_space<hbm>>
        %dma_start3A_57 = arith.constant 0 : i32
        %dma_start3A_58 = arith.constant 0 : i32
        %dma_start3A_59 = tpu.memref_slice %arg4[%arg1, %dma_start3A_57, %dma_start3A_58] : memref<16x160x128xi32, #tpu.memory_space<hbm>> -> memref<1x160x128xi32, #tpu.memory_space<hbm>>
        %dma_start3A_60 = tpu.memref_squeeze %dma_start3A_59 : memref<1x160x128xi32, #tpu.memory_space<hbm>> -> memref<160x128xi32, #tpu.memory_space<hbm>>
        %dma_start3A_61 = arith.constant 0 : i32
        %dma_start3A_62 = tpu.memref_slice %dma_start3A_60[%mul3A_26, %dma_start3A_61] : memref<160x128xi32, #tpu.memory_space<hbm>> -> memref<40x128xi32, #tpu.memory_space<hbm>>
        tpu.enqueue_dma source(%dma_start3A_62 : memref<40x128xi32, #tpu.memory_space<hbm>>) target(%arg7 : memref<40x128xi32, #tpu.memory_space<vmem>>) target_semaphore(%run_scoped3A : memref<!tpu.dma_semaphore, #tpu.memory_space<semaphore_mem>>)
        %dma_wait3A_63 = arith.constant 0 : i32
        %dma_wait3A_64 = arith.constant 0 : i32
        %dma_wait3A_65 = tpu.memref_slice %arg4[%arg1, %dma_wait3A_63, %dma_wait3A_64] : memref<16x160x128xi32, #tpu.memory_space<hbm>> -> memref<1x160x128xi32, #tpu.memory_space<hbm>>
        %dma_wait3A_66 = tpu.memref_squeeze %dma_wait3A_65 : memref<1x160x128xi32, #tpu.memory_space<hbm>> -> memref<160x128xi32, #tpu.memory_space<hbm>>
        %dma_wait3A_67 = arith.constant 0 : i32
        %dma_wait3A_68 = tpu.memref_slice %dma_wait3A_66[%mul3A_26, %dma_wait3A_67] : memref<160x128xi32, #tpu.memory_space<hbm>> -> memref<40x128xi32, #tpu.memory_space<hbm>>
        %dma_wait3A_69 = arith.constant 0 : i32
        %dma_wait3A_70 = arith.constant 0 : i32
        %dma_wait3A_71 = tpu.memref_slice %arg4[%arg1, %dma_wait3A_69, %dma_wait3A_70] : memref<16x160x128xi32, #tpu.memory_space<hbm>> -> memref<1x160x128xi32, #tpu.memory_space<hbm>>
        %dma_wait3A_72 = tpu.memref_squeeze %dma_wait3A_71 : memref<1x160x128xi32, #tpu.memory_space<hbm>> -> memref<160x128xi32, #tpu.memory_space<hbm>>
        %dma_wait3A_73 = arith.constant 0 : i32
        %dma_wait3A_74 = tpu.memref_slice %dma_wait3A_72[%mul3A_26, %dma_wait3A_73] : memref<160x128xi32, #tpu.memory_space<hbm>> -> memref<40x128xi32, #tpu.memory_space<hbm>>
        tpu.wait_dma2 semaphore(%run_scoped3A : memref<!tpu.dma_semaphore, #tpu.memory_space<semaphore_mem>>) src(%dma_wait3A_74 : memref<40x128xi32, #tpu.memory_space<hbm>>) dst(%arg7 : memref<40x128xi32, #tpu.memory_space<vmem>>)
        tpu.yield
      }) : () -> ()
      %dma_start3A = arith.constant 0 : i32
      %dma_start3A_27 = arith.constant 0 : i32
      %dma_start3A_28 = tpu.memref_slice %arg6[%dma_start3A, %dma_start3A_27] : memref<40x128xi32, #tpu.memory_space<vmem>> -> memref<1x128xi32, #tpu.memory_space<vmem>>
      %dma_start3A_29 = tpu.memref_squeeze %dma_start3A_28 : memref<1x128xi32, #tpu.memory_space<vmem>> -> memref<128xi32, #tpu.memory_space<vmem>>
      %dma_start3A_30 = arith.constant 0 : i32
      %dma_start3A_31 = arith.constant 0 : i32
      %dma_start3A_32 = tpu.memref_slice %arg2[%arg0, %dma_start3A_30, %dma_start3A_31] : memref<2x10000x128xf32, #tpu.memory_space<hbm>> -> memref<1x10000x128xf32, #tpu.memory_space<hbm>>
      %dma_start3A_33 = tpu.memref_squeeze %dma_start3A_32 : memref<1x10000x128xf32, #tpu.memory_space<hbm>> -> memref<10000x128xf32, #tpu.memory_space<hbm>>
      %dma_start3A_34 = arith.constant 0 : i32
      %dma_start3A_35 = arith.constant 0 : i32
      %dma_start3A_36 = tpu.memref_slice %dma_start3A_33[%dma_start3A_34, %dma_start3A_35] : memref<10000x128xf32, #tpu.memory_space<hbm>> -> memref<10000x128xf32, #tpu.memory_space<hbm>>
      tpu.enqueue_indirect_dma source(%dma_start3A_36 : memref<10000x128xf32, #tpu.memory_space<hbm>>) target(%arg8 : memref<128x128xf32, #tpu.memory_space<vmem>>) offsets(%dma_start3A_29 : memref<128xi32, #tpu.memory_space<vmem>>) semaphore(%arg11 : memref<!tpu.dma_semaphore, #tpu.memory_space<semaphore_mem>>)
      %scan3A_37 = arith.constant 0 : i32
      %scan3A_38 = arith.constant 0 : i32
      %scan3A_39 = arith.constant 20 : i32
      %scan3A_40 = arith.addi %scan3A_38, %scan3A_39 : i32
      %scan3A_41 = arith.constant 1 : i32
      %scan3A_42 = scf.for %scan3A_51 = %scan3A_38 to %scan3A_40 step %scan3A_41 iter_args(%scan3A_52 = %scan3A_37) -> (i32)  : i32 {
        %mul3A_53 = arith.constant 2 : i32
        %mul3A_54 = arith.muli %mul3A_53, %scan3A_51 : i32
        %mul3A_55 = arith.constant 2 : i32
        %mul3A_56 = arith.muli %mul3A_55, %scan3A_51 : i32
        %add3A = arith.constant 1 : i32
        %add3A_57 = arith.addi %mul3A_56, %add3A : i32
        %dma_wait3A_58 = arith.constant 0 : i32
        %dma_wait3A_59 = tpu.memref_slice %arg6[%mul3A_54, %dma_wait3A_58] : memref<40x128xi32, #tpu.memory_space<vmem>> -> memref<1x128xi32, #tpu.memory_space<vmem>>
        %dma_wait3A_60 = tpu.memref_squeeze %dma_wait3A_59 : memref<1x128xi32, #tpu.memory_space<vmem>> -> memref<128xi32, #tpu.memory_space<vmem>>
        %dma_wait3A_61 = arith.constant 0 : i32
        %dma_wait3A_62 = arith.constant 0 : i32
        %dma_wait3A_63 = tpu.memref_slice %arg2[%arg0, %dma_wait3A_61, %dma_wait3A_62] : memref<2x10000x128xf32, #tpu.memory_space<hbm>> -> memref<1x10000x128xf32, #tpu.memory_space<hbm>>
        %dma_wait3A_64 = tpu.memref_squeeze %dma_wait3A_63 : memref<1x10000x128xf32, #tpu.memory_space<hbm>> -> memref<10000x128xf32, #tpu.memory_space<hbm>>
        %dma_wait3A_65 = arith.constant 0 : i32
        %dma_wait3A_66 = arith.constant 0 : i32
        %dma_wait3A_67 = tpu.memref_slice %dma_wait3A_64[%dma_wait3A_65, %dma_wait3A_66] : memref<10000x128xf32, #tpu.memory_space<hbm>> -> memref<10000x128xf32, #tpu.memory_space<hbm>>
        tpu.wait_indirect_dma semaphore(%arg11 : memref<!tpu.dma_semaphore, #tpu.memory_space<semaphore_mem>>) src(%dma_wait3A_67 : memref<10000x128xf32, #tpu.memory_space<hbm>>) dst(%arg8 : memref<128x128xf32, #tpu.memory_space<vmem>>)
        %dma_start3A_68 = arith.constant 0 : i32
        %dma_start3A_69 = tpu.memref_slice %arg7[%mul3A_54, %dma_start3A_68] : memref<40x128xi32, #tpu.memory_space<vmem>> -> memref<1x128xi32, #tpu.memory_space<vmem>>
        %dma_start3A_70 = tpu.memref_squeeze %dma_start3A_69 : memref<1x128xi32, #tpu.memory_space<vmem>> -> memref<128xi32, #tpu.memory_space<vmem>>
        %dma_start3A_71 = arith.constant 0 : i32
        %dma_start3A_72 = arith.constant 0 : i32
        %dma_start3A_73 = tpu.memref_slice %arg10[%dma_start3A_71, %dma_start3A_72] : memref<10008x128xf32, #tpu.memory_space<vmem_shared>> -> memref<10008x128xf32, #tpu.memory_space<vmem_shared>>
        tpu.enqueue_indirect_dma source(%arg8 : memref<128x128xf32, #tpu.memory_space<vmem>>) target(%dma_start3A_73 : memref<10008x128xf32, #tpu.memory_space<vmem_shared>>) offsets(%dma_start3A_70 : memref<128xi32, #tpu.memory_space<vmem>>) semaphore(%arg13 : memref<!tpu.dma_semaphore, #tpu.memory_space<semaphore_mem>>) {add = true}
        %gt3A = arith.constant 0 : i32
        %gt3A_74 = arith.cmpi sgt, %scan3A_51, %gt3A : i32
        %convert_element_type3A_75 = arith.extui %gt3A_74 : i1 to i32
        %cond3A_76 = arith.constant 0 : i32
        %cond3A_77 = arith.cmpi ne, %convert_element_type3A_75, %cond3A_76 : i32
        scf.if %cond3A_77 {
          %dma_wait3A_115 = arith.constant 0 : i32
          %dma_wait3A_116 = tpu.memref_slice %arg7[%mul3A_54, %dma_wait3A_115] : memref<40x128xi32, #tpu.memory_space<vmem>> -> memref<1x128xi32, #tpu.memory_space<vmem>>
          %dma_wait3A_117 = tpu.memref_squeeze %dma_wait3A_116 : memref<1x128xi32, #tpu.memory_space<vmem>> -> memref<128xi32, #tpu.memory_space<vmem>>
          %dma_wait3A_118 = arith.constant 0 : i32
          %dma_wait3A_119 = arith.constant 0 : i32
          %dma_wait3A_120 = tpu.memref_slice %arg10[%dma_wait3A_118, %dma_wait3A_119] : memref<10008x128xf32, #tpu.memory_space<vmem_shared>> -> memref<10008x128xf32, #tpu.memory_space<vmem_shared>>
          tpu.wait_indirect_dma semaphore(%arg14 : memref<!tpu.dma_semaphore, #tpu.memory_space<semaphore_mem>>) src(%arg9 : memref<128x128xf32, #tpu.memory_space<vmem>>) dst(%dma_wait3A_120 : memref<10008x128xf32, #tpu.memory_space<vmem_shared>>)
        } else {
        }
        %dma_start3A_78 = arith.constant 0 : i32
        %dma_start3A_79 = tpu.memref_slice %arg6[%add3A_57, %dma_start3A_78] : memref<40x128xi32, #tpu.memory_space<vmem>> -> memref<1x128xi32, #tpu.memory_space<vmem>>
        %dma_start3A_80 = tpu.memref_squeeze %dma_start3A_79 : memref<1x128xi32, #tpu.memory_space<vmem>> -> memref<128xi32, #tpu.memory_space<vmem>>
        %dma_start3A_81 = arith.constant 0 : i32
        %dma_start3A_82 = arith.constant 0 : i32
        %dma_start3A_83 = tpu.memref_slice %arg2[%arg0, %dma_start3A_81, %dma_start3A_82] : memref<2x10000x128xf32, #tpu.memory_space<hbm>> -> memref<1x10000x128xf32, #tpu.memory_space<hbm>>
        %dma_start3A_84 = tpu.memref_squeeze %dma_start3A_83 : memref<1x10000x128xf32, #tpu.memory_space<hbm>> -> memref<10000x128xf32, #tpu.memory_space<hbm>>
        %dma_start3A_85 = arith.constant 0 : i32
        %dma_start3A_86 = arith.constant 0 : i32
        %dma_start3A_87 = tpu.memref_slice %dma_start3A_84[%dma_start3A_85, %dma_start3A_86] : memref<10000x128xf32, #tpu.memory_space<hbm>> -> memref<10000x128xf32, #tpu.memory_space<hbm>>
        tpu.enqueue_indirect_dma source(%dma_start3A_87 : memref<10000x128xf32, #tpu.memory_space<hbm>>) target(%arg9 : memref<128x128xf32, #tpu.memory_space<vmem>>) offsets(%dma_start3A_80 : memref<128xi32, #tpu.memory_space<vmem>>) semaphore(%arg12 : memref<!tpu.dma_semaphore, #tpu.memory_space<semaphore_mem>>)
        %dma_wait3A_88 = arith.constant 0 : i32
        %dma_wait3A_89 = tpu.memref_slice %arg6[%add3A_57, %dma_wait3A_88] : memref<40x128xi32, #tpu.memory_space<vmem>> -> memref<1x128xi32, #tpu.memory_space<vmem>>
        %dma_wait3A_90 = tpu.memref_squeeze %dma_wait3A_89 : memref<1x128xi32, #tpu.memory_space<vmem>> -> memref<128xi32, #tpu.memory_space<vmem>>
        %dma_wait3A_91 = arith.constant 0 : i32
        %dma_wait3A_92 = arith.constant 0 : i32
        %dma_wait3A_93 = tpu.memref_slice %arg2[%arg0, %dma_wait3A_91, %dma_wait3A_92] : memref<2x10000x128xf32, #tpu.memory_space<hbm>> -> memref<1x10000x128xf32, #tpu.memory_space<hbm>>
        %dma_wait3A_94 = tpu.memref_squeeze %dma_wait3A_93 : memref<1x10000x128xf32, #tpu.memory_space<hbm>> -> memref<10000x128xf32, #tpu.memory_space<hbm>>
        %dma_wait3A_95 = arith.constant 0 : i32
        %dma_wait3A_96 = arith.constant 0 : i32
        %dma_wait3A_97 = tpu.memref_slice %dma_wait3A_94[%dma_wait3A_95, %dma_wait3A_96] : memref<10000x128xf32, #tpu.memory_space<hbm>> -> memref<10000x128xf32, #tpu.memory_space<hbm>>
        tpu.wait_indirect_dma semaphore(%arg12 : memref<!tpu.dma_semaphore, #tpu.memory_space<semaphore_mem>>) src(%dma_wait3A_97 : memref<10000x128xf32, #tpu.memory_space<hbm>>) dst(%arg9 : memref<128x128xf32, #tpu.memory_space<vmem>>)
        %dma_start3A_98 = arith.constant 0 : i32
        %dma_start3A_99 = tpu.memref_slice %arg7[%add3A_57, %dma_start3A_98] : memref<40x128xi32, #tpu.memory_space<vmem>> -> memref<1x128xi32, #tpu.memory_space<vmem>>
        %dma_start3A_100 = tpu.memref_squeeze %dma_start3A_99 : memref<1x128xi32, #tpu.memory_space<vmem>> -> memref<128xi32, #tpu.memory_space<vmem>>
        %dma_start3A_101 = arith.constant 0 : i32
        %dma_start3A_102 = arith.constant 0 : i32
        %dma_start3A_103 = tpu.memref_slice %arg10[%dma_start3A_101, %dma_start3A_102] : memref<10008x128xf32, #tpu.memory_space<vmem_shared>> -> memref<10008x128xf32, #tpu.memory_space<vmem_shared>>
        tpu.enqueue_indirect_dma source(%arg9 : memref<128x128xf32, #tpu.memory_space<vmem>>) target(%dma_start3A_103 : memref<10008x128xf32, #tpu.memory_space<vmem_shared>>) offsets(%dma_start3A_100 : memref<128xi32, #tpu.memory_space<vmem>>) semaphore(%arg14 : memref<!tpu.dma_semaphore, #tpu.memory_space<semaphore_mem>>) {add = true}
        %dma_wait3A_104 = arith.constant 0 : i32
        %dma_wait3A_105 = tpu.memref_slice %arg7[%mul3A_54, %dma_wait3A_104] : memref<40x128xi32, #tpu.memory_space<vmem>> -> memref<1x128xi32, #tpu.memory_space<vmem>>
        %dma_wait3A_106 = tpu.memref_squeeze %dma_wait3A_105 : memref<1x128xi32, #tpu.memory_space<vmem>> -> memref<128xi32, #tpu.memory_space<vmem>>
        %dma_wait3A_107 = arith.constant 0 : i32
        %dma_wait3A_108 = arith.constant 0 : i32
        %dma_wait3A_109 = tpu.memref_slice %arg10[%dma_wait3A_107, %dma_wait3A_108] : memref<10008x128xf32, #tpu.memory_space<vmem_shared>> -> memref<10008x128xf32, #tpu.memory_space<vmem_shared>>
        tpu.wait_indirect_dma semaphore(%arg13 : memref<!tpu.dma_semaphore, #tpu.memory_space<semaphore_mem>>) src(%arg8 : memref<128x128xf32, #tpu.memory_space<vmem>>) dst(%dma_wait3A_109 : memref<10008x128xf32, #tpu.memory_space<vmem_shared>>)
        %lt3A = arith.constant 19 : i32
        %lt3A_110 = arith.cmpi slt, %scan3A_51, %lt3A : i32
        %convert_element_type3A_111 = arith.extui %lt3A_110 : i1 to i32
        %cond3A_112 = arith.constant 0 : i32
        %cond3A_113 = arith.cmpi ne, %convert_element_type3A_111, %cond3A_112 : i32
        scf.if %cond3A_113 {
          %add3A_115 = arith.constant 1 : i32
          %add3A_116 = arith.addi %add3A_57, %add3A_115 : i32
          %dma_start3A_117 = arith.constant 0 : i32
          %dma_start3A_118 = tpu.memref_slice %arg6[%add3A_116, %dma_start3A_117] : memref<40x128xi32, #tpu.memory_space<vmem>> -> memref<1x128xi32, #tpu.memory_space<vmem>>
          %dma_start3A_119 = tpu.memref_squeeze %dma_start3A_118 : memref<1x128xi32, #tpu.memory_space<vmem>> -> memref<128xi32, #tpu.memory_space<vmem>>
          %dma_start3A_120 = arith.constant 0 : i32
          %dma_start3A_121 = arith.constant 0 : i32
          %dma_start3A_122 = tpu.memref_slice %arg2[%arg0, %dma_start3A_120, %dma_start3A_121] : memref<2x10000x128xf32, #tpu.memory_space<hbm>> -> memref<1x10000x128xf32, #tpu.memory_space<hbm>>
          %dma_start3A_123 = tpu.memref_squeeze %dma_start3A_122 : memref<1x10000x128xf32, #tpu.memory_space<hbm>> -> memref<10000x128xf32, #tpu.memory_space<hbm>>
          %dma_start3A_124 = arith.constant 0 : i32
          %dma_start3A_125 = arith.constant 0 : i32
          %dma_start3A_126 = tpu.memref_slice %dma_start3A_123[%dma_start3A_124, %dma_start3A_125] : memref<10000x128xf32, #tpu.memory_space<hbm>> -> memref<10000x128xf32, #tpu.memory_space<hbm>>
          tpu.enqueue_indirect_dma source(%dma_start3A_126 : memref<10000x128xf32, #tpu.memory_space<hbm>>) target(%arg8 : memref<128x128xf32, #tpu.memory_space<vmem>>) offsets(%dma_start3A_119 : memref<128xi32, #tpu.memory_space<vmem>>) semaphore(%arg11 : memref<!tpu.dma_semaphore, #tpu.memory_space<semaphore_mem>>)
        } else {
        }
        %scan3A_114 = arith.constant 0 : i32
        scf.yield %scan3A_114 : i32
      }
      %scan3A_43 = arith.constant 20 : i32
      %dma_wait3A = arith.constant 39 : i32
      %dma_wait3A_44 = arith.constant 0 : i32
      %dma_wait3A_45 = tpu.memref_slice %arg7[%dma_wait3A, %dma_wait3A_44] : memref<40x128xi32, #tpu.memory_space<vmem>> -> memref<1x128xi32, #tpu.memory_space<vmem>>
      %dma_wait3A_46 = tpu.memref_squeeze %dma_wait3A_45 : memref<1x128xi32, #tpu.memory_space<vmem>> -> memref<128xi32, #tpu.memory_space<vmem>>
      %dma_wait3A_47 = arith.constant 0 : i32
      %dma_wait3A_48 = arith.constant 0 : i32
      %dma_wait3A_49 = tpu.memref_slice %arg10[%dma_wait3A_47, %dma_wait3A_48] : memref<10008x128xf32, #tpu.memory_space<vmem_shared>> -> memref<10008x128xf32, #tpu.memory_space<vmem_shared>>
      tpu.wait_indirect_dma semaphore(%arg14 : memref<!tpu.dma_semaphore, #tpu.memory_space<semaphore_mem>>) src(%arg9 : memref<128x128xf32, #tpu.memory_space<vmem>>) dst(%dma_wait3A_49 : memref<10008x128xf32, #tpu.memory_space<vmem_shared>>)
      %scan3A_50 = arith.constant 0 : i32
      scf.yield %scan3A_50 : i32
    }
    %scan3A_10 = arith.constant 4 : i32
    %barrier3A_11 = arith.constant 0 : index
    tpu.barrier barrier_id(%barrier3A_11)
    %mul3A_12 = arith.constant 624 : i32
    %mul3A_13 = arith.muli %arg1, %mul3A_12 : i32
    %mul3A_14 = arith.constant 624 : i32
    %mul3A_15 = arith.muli %arg1, %mul3A_14 : i32
    "tpu.region"() ({
      %run_scoped3A = tpu.sem_alloc : memref<!tpu.dma_semaphore, #tpu.memory_space<semaphore_mem>>
      %dma_start3A = arith.constant 0 : i32
      %dma_start3A_21 = arith.constant 0 : i32
      %dma_start3A_22 = tpu.memref_slice %arg5[%arg0, %dma_start3A, %dma_start3A_21] : memref<2x10000x128xf32, #tpu.memory_space<hbm>> -> memref<1x10000x128xf32, #tpu.memory_space<hbm>>
      %dma_start3A_23 = tpu.memref_squeeze %dma_start3A_22 : memref<1x10000x128xf32, #tpu.memory_space<hbm>> -> memref<10000x128xf32, #tpu.memory_space<hbm>>
      %dma_start3A_24 = arith.constant 0 : i32
      %dma_start3A_25 = tpu.memref_slice %dma_start3A_23[%mul3A_15, %dma_start3A_24] : memref<10000x128xf32, #tpu.memory_space<hbm>> -> memref<624x128xf32, #tpu.memory_space<hbm>>
      %dma_start3A_26 = arith.constant 0 : i32
      %dma_start3A_27 = tpu.memref_slice %arg10[%mul3A_13, %dma_start3A_26] : memref<10008x128xf32, #tpu.memory_space<vmem_shared>> -> memref<624x128xf32, #tpu.memory_space<vmem_shared>>
      tpu.enqueue_dma source(%dma_start3A_27 : memref<624x128xf32, #tpu.memory_space<vmem_shared>>) target(%dma_start3A_25 : memref<624x128xf32, #tpu.memory_space<hbm>>) target_semaphore(%run_scoped3A : memref<!tpu.dma_semaphore, #tpu.memory_space<semaphore_mem>>)
      %dma_wait3A = arith.constant 0 : i32
      %dma_wait3A_28 = arith.constant 0 : i32
      %dma_wait3A_29 = tpu.memref_slice %arg5[%arg0, %dma_wait3A, %dma_wait3A_28] : memref<2x10000x128xf32, #tpu.memory_space<hbm>> -> memref<1x10000x128xf32, #tpu.memory_space<hbm>>
      %dma_wait3A_30 = tpu.memref_squeeze %dma_wait3A_29 : memref<1x10000x128xf32, #tpu.memory_space<hbm>> -> memref<10000x128xf32, #tpu.memory_space<hbm>>
      %dma_wait3A_31 = arith.constant 0 : i32
      %dma_wait3A_32 = tpu.memref_slice %dma_wait3A_30[%mul3A_15, %dma_wait3A_31] : memref<10000x128xf32, #tpu.memory_space<hbm>> -> memref<624x128xf32, #tpu.memory_space<hbm>>
      %dma_wait3A_33 = arith.constant 0 : i32
      %dma_wait3A_34 = tpu.memref_slice %arg10[%mul3A_13, %dma_wait3A_33] : memref<10008x128xf32, #tpu.memory_space<vmem_shared>> -> memref<624x128xf32, #tpu.memory_space<vmem_shared>>
      tpu.wait_dma2 semaphore(%run_scoped3A : memref<!tpu.dma_semaphore, #tpu.memory_space<semaphore_mem>>) src(%dma_wait3A_34 : memref<624x128xf32, #tpu.memory_space<vmem_shared>>) dst(%dma_wait3A_32 : memref<624x128xf32, #tpu.memory_space<hbm>>)
      tpu.yield
    }) : () -> ()
    %eq3A_16 = arith.constant 0 : i32
    %eq3A_17 = arith.cmpi eq, %arg1, %eq3A_16 : i32
    %convert_element_type3A_18 = arith.extui %eq3A_17 : i1 to i32
    %cond3A_19 = arith.constant 0 : i32
    %cond3A_20 = arith.cmpi ne, %convert_element_type3A_18, %cond3A_19 : i32
    scf.if %cond3A_20 {
      "tpu.region"() ({
        %run_scoped3A = tpu.sem_alloc : memref<!tpu.dma_semaphore, #tpu.memory_space<semaphore_mem>>
        %dma_start3A = arith.constant 0 : i32
        %dma_start3A_21 = arith.constant 0 : i32
        %dma_start3A_22 = tpu.memref_slice %arg5[%arg0, %dma_start3A, %dma_start3A_21] : memref<2x10000x128xf32, #tpu.memory_space<hbm>> -> memref<1x10000x128xf32, #tpu.memory_space<hbm>>
        %dma_start3A_23 = tpu.memref_squeeze %dma_start3A_22 : memref<1x10000x128xf32, #tpu.memory_space<hbm>> -> memref<10000x128xf32, #tpu.memory_space<hbm>>
        %dma_start3A_24 = arith.constant 9984 : i32
        %dma_start3A_25 = arith.constant 0 : i32
        %dma_start3A_26 = tpu.memref_slice %dma_start3A_23[%dma_start3A_24, %dma_start3A_25] : memref<10000x128xf32, #tpu.memory_space<hbm>> -> memref<16x128xf32, #tpu.memory_space<hbm>>
        %dma_start3A_27 = arith.constant 9984 : i32
        %dma_start3A_28 = arith.constant 0 : i32
        %dma_start3A_29 = tpu.memref_slice %arg10[%dma_start3A_27, %dma_start3A_28] : memref<10008x128xf32, #tpu.memory_space<vmem_shared>> -> memref<16x128xf32, #tpu.memory_space<vmem_shared>>
        tpu.enqueue_dma source(%dma_start3A_29 : memref<16x128xf32, #tpu.memory_space<vmem_shared>>) target(%dma_start3A_26 : memref<16x128xf32, #tpu.memory_space<hbm>>) target_semaphore(%run_scoped3A : memref<!tpu.dma_semaphore, #tpu.memory_space<semaphore_mem>>)
        %dma_wait3A = arith.constant 0 : i32
        %dma_wait3A_30 = arith.constant 0 : i32
        %dma_wait3A_31 = tpu.memref_slice %arg5[%arg0, %dma_wait3A, %dma_wait3A_30] : memref<2x10000x128xf32, #tpu.memory_space<hbm>> -> memref<1x10000x128xf32, #tpu.memory_space<hbm>>
        %dma_wait3A_32 = tpu.memref_squeeze %dma_wait3A_31 : memref<1x10000x128xf32, #tpu.memory_space<hbm>> -> memref<10000x128xf32, #tpu.memory_space<hbm>>
        %dma_wait3A_33 = arith.constant 9984 : i32
        %dma_wait3A_34 = arith.constant 0 : i32
        %dma_wait3A_35 = tpu.memref_slice %dma_wait3A_32[%dma_wait3A_33, %dma_wait3A_34] : memref<10000x128xf32, #tpu.memory_space<hbm>> -> memref<16x128xf32, #tpu.memory_space<hbm>>
        %dma_wait3A_36 = arith.constant 9984 : i32
        %dma_wait3A_37 = arith.constant 0 : i32
        %dma_wait3A_38 = tpu.memref_slice %arg10[%dma_wait3A_36, %dma_wait3A_37] : memref<10008x128xf32, #tpu.memory_space<vmem_shared>> -> memref<16x128xf32, #tpu.memory_space<vmem_shared>>
        tpu.wait_dma2 semaphore(%run_scoped3A : memref<!tpu.dma_semaphore, #tpu.memory_space<semaphore_mem>>) src(%dma_wait3A_38 : memref<16x128xf32, #tpu.memory_space<vmem_shared>>) dst(%dma_wait3A_35 : memref<16x128xf32, #tpu.memory_space<hbm>>)
        tpu.yield
      }) : () -> ()
    } else {
    }
    return
  }
}

#map = affine_map<(d0, d1) -> (0, 0, 0)>
module attributes {stable_mosaic.version = 14 : i64} {
  func.func @gcn_spmm_sc(%arg0: i32, %arg1: i32, %arg2: memref<2x10000x128xf32, #tpu.memory_space<hbm>>, %arg3: memref<16x160x128xi32, #tpu.memory_space<hbm>>, %arg4: memref<16x160x128xi32, #tpu.memory_space<hbm>>, %arg5: memref<2x10000x128xf32, #tpu.memory_space<hbm>>, %arg6: memref<40x128xi32, #tpu.memory_space<vmem>>, %arg7: memref<40x128xi32, #tpu.memory_space<vmem>>, %arg8: memref<128x128xf32, #tpu.memory_space<vmem>>, %arg9: memref<128x128xf32, #tpu.memory_space<vmem>>, %arg10: memref<10008x128xf32, #tpu.memory_space<vmem_shared>>, %arg11: memref<!tpu.dma_semaphore, #tpu.memory_space<semaphore_mem>>, %arg12: memref<!tpu.dma_semaphore, #tpu.memory_space<semaphore_mem>>, %arg13: memref<!tpu.dma_semaphore, #tpu.memory_space<semaphore_mem>>, %arg14: memref<!tpu.dma_semaphore, #tpu.memory_space<semaphore_mem>>) attributes {dimension_semantics = [#tpu.dimension_semantics<core_parallel>, #tpu.dimension_semantics<subcore_parallel>], iteration_bounds = array<i64: 2, 16>, scalar_prefetch = 0 : i64, scratch_operands = 9 : i64, tpu.core_type = #tpu.core_type<sc_vector_subcore>, window_params = [{transform_indices = #map}, {transform_indices = #map}, {transform_indices = #map}, {transform_indices = #map}]} {
    %mul3A = arith.constant 624 : i32
    %mul3A_0 = arith.muli %arg1, %mul3A : i32
    %mul3A_1 = arith.constant 624 : i32
    %mul3A_2 = arith.muli %arg1, %mul3A_1 : i32
    "tpu.region"() ({
      %run_scoped3A = tpu.sem_alloc : memref<!tpu.dma_semaphore, #tpu.memory_space<semaphore_mem>>
      %dma_start3A = arith.constant 0 : i32
      %dma_start3A_21 = tpu.memref_slice %arg10[%mul3A_2, %dma_start3A] : memref<10008x128xf32, #tpu.memory_space<vmem_shared>> -> memref<624x128xf32, #tpu.memory_space<vmem_shared>>
      %dma_start3A_22 = arith.constant 0 : i32
      %dma_start3A_23 = arith.constant 0 : i32
      %dma_start3A_24 = tpu.memref_slice %arg2[%arg0, %dma_start3A_22, %dma_start3A_23] : memref<2x10000x128xf32, #tpu.memory_space<hbm>> -> memref<1x10000x128xf32, #tpu.memory_space<hbm>>
      %dma_start3A_25 = tpu.memref_squeeze %dma_start3A_24 : memref<1x10000x128xf32, #tpu.memory_space<hbm>> -> memref<10000x128xf32, #tpu.memory_space<hbm>>
      %dma_start3A_26 = arith.constant 0 : i32
      %dma_start3A_27 = tpu.memref_slice %dma_start3A_25[%mul3A_0, %dma_start3A_26] : memref<10000x128xf32, #tpu.memory_space<hbm>> -> memref<624x128xf32, #tpu.memory_space<hbm>>
      tpu.enqueue_dma source(%dma_start3A_27 : memref<624x128xf32, #tpu.memory_space<hbm>>) target(%dma_start3A_21 : memref<624x128xf32, #tpu.memory_space<vmem_shared>>) target_semaphore(%run_scoped3A : memref<!tpu.dma_semaphore, #tpu.memory_space<semaphore_mem>>)
      %dma_wait3A = arith.constant 0 : i32
      %dma_wait3A_28 = tpu.memref_slice %arg10[%mul3A_2, %dma_wait3A] : memref<10008x128xf32, #tpu.memory_space<vmem_shared>> -> memref<624x128xf32, #tpu.memory_space<vmem_shared>>
      %dma_wait3A_29 = arith.constant 0 : i32
      %dma_wait3A_30 = arith.constant 0 : i32
      %dma_wait3A_31 = tpu.memref_slice %arg2[%arg0, %dma_wait3A_29, %dma_wait3A_30] : memref<2x10000x128xf32, #tpu.memory_space<hbm>> -> memref<1x10000x128xf32, #tpu.memory_space<hbm>>
      %dma_wait3A_32 = tpu.memref_squeeze %dma_wait3A_31 : memref<1x10000x128xf32, #tpu.memory_space<hbm>> -> memref<10000x128xf32, #tpu.memory_space<hbm>>
      %dma_wait3A_33 = arith.constant 0 : i32
      %dma_wait3A_34 = tpu.memref_slice %dma_wait3A_32[%mul3A_0, %dma_wait3A_33] : memref<10000x128xf32, #tpu.memory_space<hbm>> -> memref<624x128xf32, #tpu.memory_space<hbm>>
      tpu.wait_dma2 semaphore(%run_scoped3A : memref<!tpu.dma_semaphore, #tpu.memory_space<semaphore_mem>>) src(%dma_wait3A_34 : memref<624x128xf32, #tpu.memory_space<hbm>>) dst(%dma_wait3A_28 : memref<624x128xf32, #tpu.memory_space<vmem_shared>>)
      tpu.yield
    }) : () -> ()
    %eq3A = arith.constant 0 : i32
    %eq3A_3 = arith.cmpi eq, %arg1, %eq3A : i32
    %convert_element_type3A = arith.extui %eq3A_3 : i1 to i32
    %cond3A = arith.constant 0 : i32
    %cond3A_4 = arith.cmpi ne, %convert_element_type3A, %cond3A : i32
    scf.if %cond3A_4 {
      "tpu.region"() ({
        %run_scoped3A = tpu.sem_alloc : memref<!tpu.dma_semaphore, #tpu.memory_space<semaphore_mem>>
        %dma_start3A = arith.constant 9984 : i32
        %dma_start3A_21 = arith.constant 0 : i32
        %dma_start3A_22 = tpu.memref_slice %arg10[%dma_start3A, %dma_start3A_21] : memref<10008x128xf32, #tpu.memory_space<vmem_shared>> -> memref<16x128xf32, #tpu.memory_space<vmem_shared>>
        %dma_start3A_23 = arith.constant 0 : i32
        %dma_start3A_24 = arith.constant 0 : i32
        %dma_start3A_25 = tpu.memref_slice %arg2[%arg0, %dma_start3A_23, %dma_start3A_24] : memref<2x10000x128xf32, #tpu.memory_space<hbm>> -> memref<1x10000x128xf32, #tpu.memory_space<hbm>>
        %dma_start3A_26 = tpu.memref_squeeze %dma_start3A_25 : memref<1x10000x128xf32, #tpu.memory_space<hbm>> -> memref<10000x128xf32, #tpu.memory_space<hbm>>
        %dma_start3A_27 = arith.constant 9984 : i32
        %dma_start3A_28 = arith.constant 0 : i32
        %dma_start3A_29 = tpu.memref_slice %dma_start3A_26[%dma_start3A_27, %dma_start3A_28] : memref<10000x128xf32, #tpu.memory_space<hbm>> -> memref<16x128xf32, #tpu.memory_space<hbm>>
        tpu.enqueue_dma source(%dma_start3A_29 : memref<16x128xf32, #tpu.memory_space<hbm>>) target(%dma_start3A_22 : memref<16x128xf32, #tpu.memory_space<vmem_shared>>) target_semaphore(%run_scoped3A : memref<!tpu.dma_semaphore, #tpu.memory_space<semaphore_mem>>)
        %dma_wait3A = arith.constant 9984 : i32
        %dma_wait3A_30 = arith.constant 0 : i32
        %dma_wait3A_31 = tpu.memref_slice %arg10[%dma_wait3A, %dma_wait3A_30] : memref<10008x128xf32, #tpu.memory_space<vmem_shared>> -> memref<16x128xf32, #tpu.memory_space<vmem_shared>>
        %dma_wait3A_32 = arith.constant 0 : i32
        %dma_wait3A_33 = arith.constant 0 : i32
        %dma_wait3A_34 = tpu.memref_slice %arg2[%arg0, %dma_wait3A_32, %dma_wait3A_33] : memref<2x10000x128xf32, #tpu.memory_space<hbm>> -> memref<1x10000x128xf32, #tpu.memory_space<hbm>>
        %dma_wait3A_35 = tpu.memref_squeeze %dma_wait3A_34 : memref<1x10000x128xf32, #tpu.memory_space<hbm>> -> memref<10000x128xf32, #tpu.memory_space<hbm>>
        %dma_wait3A_36 = arith.constant 9984 : i32
        %dma_wait3A_37 = arith.constant 0 : i32
        %dma_wait3A_38 = tpu.memref_slice %dma_wait3A_35[%dma_wait3A_36, %dma_wait3A_37] : memref<10000x128xf32, #tpu.memory_space<hbm>> -> memref<16x128xf32, #tpu.memory_space<hbm>>
        tpu.wait_dma2 semaphore(%run_scoped3A : memref<!tpu.dma_semaphore, #tpu.memory_space<semaphore_mem>>) src(%dma_wait3A_38 : memref<16x128xf32, #tpu.memory_space<hbm>>) dst(%dma_wait3A_31 : memref<16x128xf32, #tpu.memory_space<vmem_shared>>)
        tpu.yield
      }) : () -> ()
      "tpu.region"() ({
        %run_scoped3A = tpu.sem_alloc : memref<!tpu.dma_semaphore, #tpu.memory_space<semaphore_mem>>
        %dma_start3A = arith.constant 10000 : i32
        %dma_start3A_21 = arith.constant 0 : i32
        %dma_start3A_22 = tpu.memref_slice %arg10[%dma_start3A, %dma_start3A_21] : memref<10008x128xf32, #tpu.memory_space<vmem_shared>> -> memref<8x128xf32, #tpu.memory_space<vmem_shared>>
        %dma_start3A_23 = arith.constant 0 : i32
        %dma_start3A_24 = arith.constant 0 : i32
        %dma_start3A_25 = tpu.memref_slice %arg2[%arg0, %dma_start3A_23, %dma_start3A_24] : memref<2x10000x128xf32, #tpu.memory_space<hbm>> -> memref<1x10000x128xf32, #tpu.memory_space<hbm>>
        %dma_start3A_26 = tpu.memref_squeeze %dma_start3A_25 : memref<1x10000x128xf32, #tpu.memory_space<hbm>> -> memref<10000x128xf32, #tpu.memory_space<hbm>>
        %dma_start3A_27 = arith.constant 0 : i32
        %dma_start3A_28 = arith.constant 0 : i32
        %dma_start3A_29 = tpu.memref_slice %dma_start3A_26[%dma_start3A_27, %dma_start3A_28] : memref<10000x128xf32, #tpu.memory_space<hbm>> -> memref<8x128xf32, #tpu.memory_space<hbm>>
        tpu.enqueue_dma source(%dma_start3A_29 : memref<8x128xf32, #tpu.memory_space<hbm>>) target(%dma_start3A_22 : memref<8x128xf32, #tpu.memory_space<vmem_shared>>) target_semaphore(%run_scoped3A : memref<!tpu.dma_semaphore, #tpu.memory_space<semaphore_mem>>)
        %dma_wait3A = arith.constant 10000 : i32
        %dma_wait3A_30 = arith.constant 0 : i32
        %dma_wait3A_31 = tpu.memref_slice %arg10[%dma_wait3A, %dma_wait3A_30] : memref<10008x128xf32, #tpu.memory_space<vmem_shared>> -> memref<8x128xf32, #tpu.memory_space<vmem_shared>>
        %dma_wait3A_32 = arith.constant 0 : i32
        %dma_wait3A_33 = arith.constant 0 : i32
        %dma_wait3A_34 = tpu.memref_slice %arg2[%arg0, %dma_wait3A_32, %dma_wait3A_33] : memref<2x10000x128xf32, #tpu.memory_space<hbm>> -> memref<1x10000x128xf32, #tpu.memory_space<hbm>>
        %dma_wait3A_35 = tpu.memref_squeeze %dma_wait3A_34 : memref<1x10000x128xf32, #tpu.memory_space<hbm>> -> memref<10000x128xf32, #tpu.memory_space<hbm>>
        %dma_wait3A_36 = arith.constant 0 : i32
        %dma_wait3A_37 = arith.constant 0 : i32
        %dma_wait3A_38 = tpu.memref_slice %dma_wait3A_35[%dma_wait3A_36, %dma_wait3A_37] : memref<10000x128xf32, #tpu.memory_space<hbm>> -> memref<8x128xf32, #tpu.memory_space<hbm>>
        tpu.wait_dma2 semaphore(%run_scoped3A : memref<!tpu.dma_semaphore, #tpu.memory_space<semaphore_mem>>) src(%dma_wait3A_38 : memref<8x128xf32, #tpu.memory_space<hbm>>) dst(%dma_wait3A_31 : memref<8x128xf32, #tpu.memory_space<vmem_shared>>)
        tpu.yield
      }) : () -> ()
    } else {
    }
    %barrier3A = arith.constant 0 : index
    tpu.barrier barrier_id(%barrier3A)
    %scan3A = arith.constant 0 : i32
    %scan3A_5 = arith.constant 0 : i32
    %scan3A_6 = arith.constant 4 : i32
    %scan3A_7 = arith.addi %scan3A_5, %scan3A_6 : i32
    %scan3A_8 = arith.constant 1 : i32
    %scan3A_9 = scf.for %scan3A_21 = %scan3A_5 to %scan3A_7 step %scan3A_8 iter_args(%scan3A_22 = %scan3A) -> (i32)  : i32 {
      %mul3A_23 = arith.constant 40 : i32
      %mul3A_24 = arith.muli %scan3A_21, %mul3A_23 : i32
      "tpu.region"() ({
        %run_scoped3A = tpu.sem_alloc : memref<!tpu.dma_semaphore, #tpu.memory_space<semaphore_mem>>
        %dma_start3A_51 = arith.constant 0 : i32
        %dma_start3A_52 = arith.constant 0 : i32
        %dma_start3A_53 = tpu.memref_slice %arg3[%arg1, %dma_start3A_51, %dma_start3A_52] : memref<16x160x128xi32, #tpu.memory_space<hbm>> -> memref<1x160x128xi32, #tpu.memory_space<hbm>>
        %dma_start3A_54 = tpu.memref_squeeze %dma_start3A_53 : memref<1x160x128xi32, #tpu.memory_space<hbm>> -> memref<160x128xi32, #tpu.memory_space<hbm>>
        %dma_start3A_55 = arith.constant 0 : i32
        %dma_start3A_56 = tpu.memref_slice %dma_start3A_54[%mul3A_24, %dma_start3A_55] : memref<160x128xi32, #tpu.memory_space<hbm>> -> memref<40x128xi32, #tpu.memory_space<hbm>>
        %dma_start3A_57 = arith.constant 0 : i32
        %dma_start3A_58 = arith.constant 0 : i32
        %dma_start3A_59 = tpu.memref_slice %arg3[%arg1, %dma_start3A_57, %dma_start3A_58] : memref<16x160x128xi32, #tpu.memory_space<hbm>> -> memref<1x160x128xi32, #tpu.memory_space<hbm>>
        %dma_start3A_60 = tpu.memref_squeeze %dma_start3A_59 : memref<1x160x128xi32, #tpu.memory_space<hbm>> -> memref<160x128xi32, #tpu.memory_space<hbm>>
        %dma_start3A_61 = arith.constant 0 : i32
        %dma_start3A_62 = tpu.memref_slice %dma_start3A_60[%mul3A_24, %dma_start3A_61] : memref<160x128xi32, #tpu.memory_space<hbm>> -> memref<40x128xi32, #tpu.memory_space<hbm>>
        tpu.enqueue_dma source(%dma_start3A_62 : memref<40x128xi32, #tpu.memory_space<hbm>>) target(%arg6 : memref<40x128xi32, #tpu.memory_space<vmem>>) target_semaphore(%run_scoped3A : memref<!tpu.dma_semaphore, #tpu.memory_space<semaphore_mem>>)
        %dma_wait3A_63 = arith.constant 0 : i32
        %dma_wait3A_64 = arith.constant 0 : i32
        %dma_wait3A_65 = tpu.memref_slice %arg3[%arg1, %dma_wait3A_63, %dma_wait3A_64] : memref<16x160x128xi32, #tpu.memory_space<hbm>> -> memref<1x160x128xi32, #tpu.memory_space<hbm>>
        %dma_wait3A_66 = tpu.memref_squeeze %dma_wait3A_65 : memref<1x160x128xi32, #tpu.memory_space<hbm>> -> memref<160x128xi32, #tpu.memory_space<hbm>>
        %dma_wait3A_67 = arith.constant 0 : i32
        %dma_wait3A_68 = tpu.memref_slice %dma_wait3A_66[%mul3A_24, %dma_wait3A_67] : memref<160x128xi32, #tpu.memory_space<hbm>> -> memref<40x128xi32, #tpu.memory_space<hbm>>
        %dma_wait3A_69 = arith.constant 0 : i32
        %dma_wait3A_70 = arith.constant 0 : i32
        %dma_wait3A_71 = tpu.memref_slice %arg3[%arg1, %dma_wait3A_69, %dma_wait3A_70] : memref<16x160x128xi32, #tpu.memory_space<hbm>> -> memref<1x160x128xi32, #tpu.memory_space<hbm>>
        %dma_wait3A_72 = tpu.memref_squeeze %dma_wait3A_71 : memref<1x160x128xi32, #tpu.memory_space<hbm>> -> memref<160x128xi32, #tpu.memory_space<hbm>>
        %dma_wait3A_73 = arith.constant 0 : i32
        %dma_wait3A_74 = tpu.memref_slice %dma_wait3A_72[%mul3A_24, %dma_wait3A_73] : memref<160x128xi32, #tpu.memory_space<hbm>> -> memref<40x128xi32, #tpu.memory_space<hbm>>
        tpu.wait_dma2 semaphore(%run_scoped3A : memref<!tpu.dma_semaphore, #tpu.memory_space<semaphore_mem>>) src(%dma_wait3A_74 : memref<40x128xi32, #tpu.memory_space<hbm>>) dst(%arg6 : memref<40x128xi32, #tpu.memory_space<vmem>>)
        tpu.yield
      }) : () -> ()
      %mul3A_25 = arith.constant 40 : i32
      %mul3A_26 = arith.muli %scan3A_21, %mul3A_25 : i32
      "tpu.region"() ({
        %run_scoped3A = tpu.sem_alloc : memref<!tpu.dma_semaphore, #tpu.memory_space<semaphore_mem>>
        %dma_start3A_51 = arith.constant 0 : i32
        %dma_start3A_52 = arith.constant 0 : i32
        %dma_start3A_53 = tpu.memref_slice %arg4[%arg1, %dma_start3A_51, %dma_start3A_52] : memref<16x160x128xi32, #tpu.memory_space<hbm>> -> memref<1x160x128xi32, #tpu.memory_space<hbm>>
        %dma_start3A_54 = tpu.memref_squeeze %dma_start3A_53 : memref<1x160x128xi32, #tpu.memory_space<hbm>> -> memref<160x128xi32, #tpu.memory_space<hbm>>
        %dma_start3A_55 = arith.constant 0 : i32
        %dma_start3A_56 = tpu.memref_slice %dma_start3A_54[%mul3A_26, %dma_start3A_55] : memref<160x128xi32, #tpu.memory_space<hbm>> -> memref<40x128xi32, #tpu.memory_space<hbm>>
        %dma_start3A_57 = arith.constant 0 : i32
        %dma_start3A_58 = arith.constant 0 : i32
        %dma_start3A_59 = tpu.memref_slice %arg4[%arg1, %dma_start3A_57, %dma_start3A_58] : memref<16x160x128xi32, #tpu.memory_space<hbm>> -> memref<1x160x128xi32, #tpu.memory_space<hbm>>
        %dma_start3A_60 = tpu.memref_squeeze %dma_start3A_59 : memref<1x160x128xi32, #tpu.memory_space<hbm>> -> memref<160x128xi32, #tpu.memory_space<hbm>>
        %dma_start3A_61 = arith.constant 0 : i32
        %dma_start3A_62 = tpu.memref_slice %dma_start3A_60[%mul3A_26, %dma_start3A_61] : memref<160x128xi32, #tpu.memory_space<hbm>> -> memref<40x128xi32, #tpu.memory_space<hbm>>
        tpu.enqueue_dma source(%dma_start3A_62 : memref<40x128xi32, #tpu.memory_space<hbm>>) target(%arg7 : memref<40x128xi32, #tpu.memory_space<vmem>>) target_semaphore(%run_scoped3A : memref<!tpu.dma_semaphore, #tpu.memory_space<semaphore_mem>>)
        %dma_wait3A_63 = arith.constant 0 : i32
        %dma_wait3A_64 = arith.constant 0 : i32
        %dma_wait3A_65 = tpu.memref_slice %arg4[%arg1, %dma_wait3A_63, %dma_wait3A_64] : memref<16x160x128xi32, #tpu.memory_space<hbm>> -> memref<1x160x128xi32, #tpu.memory_space<hbm>>
        %dma_wait3A_66 = tpu.memref_squeeze %dma_wait3A_65 : memref<1x160x128xi32, #tpu.memory_space<hbm>> -> memref<160x128xi32, #tpu.memory_space<hbm>>
        %dma_wait3A_67 = arith.constant 0 : i32
        %dma_wait3A_68 = tpu.memref_slice %dma_wait3A_66[%mul3A_26, %dma_wait3A_67] : memref<160x128xi32, #tpu.memory_space<hbm>> -> memref<40x128xi32, #tpu.memory_space<hbm>>
        %dma_wait3A_69 = arith.constant 0 : i32
        %dma_wait3A_70 = arith.constant 0 : i32
        %dma_wait3A_71 = tpu.memref_slice %arg4[%arg1, %dma_wait3A_69, %dma_wait3A_70] : memref<16x160x128xi32, #tpu.memory_space<hbm>> -> memref<1x160x128xi32, #tpu.memory_space<hbm>>
        %dma_wait3A_72 = tpu.memref_squeeze %dma_wait3A_71 : memref<1x160x128xi32, #tpu.memory_space<hbm>> -> memref<160x128xi32, #tpu.memory_space<hbm>>
        %dma_wait3A_73 = arith.constant 0 : i32
        %dma_wait3A_74 = tpu.memref_slice %dma_wait3A_72[%mul3A_26, %dma_wait3A_73] : memref<160x128xi32, #tpu.memory_space<hbm>> -> memref<40x128xi32, #tpu.memory_space<hbm>>
        tpu.wait_dma2 semaphore(%run_scoped3A : memref<!tpu.dma_semaphore, #tpu.memory_space<semaphore_mem>>) src(%dma_wait3A_74 : memref<40x128xi32, #tpu.memory_space<hbm>>) dst(%arg7 : memref<40x128xi32, #tpu.memory_space<vmem>>)
        tpu.yield
      }) : () -> ()
      %dma_start3A = arith.constant 0 : i32
      %dma_start3A_27 = arith.constant 0 : i32
      %dma_start3A_28 = tpu.memref_slice %arg6[%dma_start3A, %dma_start3A_27] : memref<40x128xi32, #tpu.memory_space<vmem>> -> memref<1x128xi32, #tpu.memory_space<vmem>>
      %dma_start3A_29 = tpu.memref_squeeze %dma_start3A_28 : memref<1x128xi32, #tpu.memory_space<vmem>> -> memref<128xi32, #tpu.memory_space<vmem>>
      %dma_start3A_30 = arith.constant 0 : i32
      %dma_start3A_31 = arith.constant 0 : i32
      %dma_start3A_32 = tpu.memref_slice %arg2[%arg0, %dma_start3A_30, %dma_start3A_31] : memref<2x10000x128xf32, #tpu.memory_space<hbm>> -> memref<1x10000x128xf32, #tpu.memory_space<hbm>>
      %dma_start3A_33 = tpu.memref_squeeze %dma_start3A_32 : memref<1x10000x128xf32, #tpu.memory_space<hbm>> -> memref<10000x128xf32, #tpu.memory_space<hbm>>
      %dma_start3A_34 = arith.constant 0 : i32
      %dma_start3A_35 = arith.constant 0 : i32
      %dma_start3A_36 = tpu.memref_slice %dma_start3A_33[%dma_start3A_34, %dma_start3A_35] : memref<10000x128xf32, #tpu.memory_space<hbm>> -> memref<10000x128xf32, #tpu.memory_space<hbm>>
      tpu.enqueue_indirect_dma source(%dma_start3A_36 : memref<10000x128xf32, #tpu.memory_space<hbm>>) target(%arg8 : memref<128x128xf32, #tpu.memory_space<vmem>>) offsets(%dma_start3A_29 : memref<128xi32, #tpu.memory_space<vmem>>) semaphore(%arg11 : memref<!tpu.dma_semaphore, #tpu.memory_space<semaphore_mem>>)
      %scan3A_37 = arith.constant 0 : i32
      %scan3A_38 = arith.constant 0 : i32
      %scan3A_39 = arith.constant 20 : i32
      %scan3A_40 = arith.addi %scan3A_38, %scan3A_39 : i32
      %scan3A_41 = arith.constant 1 : i32
      %scan3A_42 = scf.for %scan3A_51 = %scan3A_38 to %scan3A_40 step %scan3A_41 iter_args(%scan3A_52 = %scan3A_37) -> (i32)  : i32 {
        %mul3A_53 = arith.constant 2 : i32
        %mul3A_54 = arith.muli %mul3A_53, %scan3A_51 : i32
        %mul3A_55 = arith.constant 2 : i32
        %mul3A_56 = arith.muli %mul3A_55, %scan3A_51 : i32
        %add3A = arith.constant 1 : i32
        %add3A_57 = arith.addi %mul3A_56, %add3A : i32
        %dma_wait3A_58 = arith.constant 0 : i32
        %dma_wait3A_59 = tpu.memref_slice %arg6[%mul3A_54, %dma_wait3A_58] : memref<40x128xi32, #tpu.memory_space<vmem>> -> memref<1x128xi32, #tpu.memory_space<vmem>>
        %dma_wait3A_60 = tpu.memref_squeeze %dma_wait3A_59 : memref<1x128xi32, #tpu.memory_space<vmem>> -> memref<128xi32, #tpu.memory_space<vmem>>
        %dma_wait3A_61 = arith.constant 0 : i32
        %dma_wait3A_62 = arith.constant 0 : i32
        %dma_wait3A_63 = tpu.memref_slice %arg2[%arg0, %dma_wait3A_61, %dma_wait3A_62] : memref<2x10000x128xf32, #tpu.memory_space<hbm>> -> memref<1x10000x128xf32, #tpu.memory_space<hbm>>
        %dma_wait3A_64 = tpu.memref_squeeze %dma_wait3A_63 : memref<1x10000x128xf32, #tpu.memory_space<hbm>> -> memref<10000x128xf32, #tpu.memory_space<hbm>>
        %dma_wait3A_65 = arith.constant 0 : i32
        %dma_wait3A_66 = arith.constant 0 : i32
        %dma_wait3A_67 = tpu.memref_slice %dma_wait3A_64[%dma_wait3A_65, %dma_wait3A_66] : memref<10000x128xf32, #tpu.memory_space<hbm>> -> memref<10000x128xf32, #tpu.memory_space<hbm>>
        tpu.wait_indirect_dma semaphore(%arg11 : memref<!tpu.dma_semaphore, #tpu.memory_space<semaphore_mem>>) src(%dma_wait3A_67 : memref<10000x128xf32, #tpu.memory_space<hbm>>) dst(%arg8 : memref<128x128xf32, #tpu.memory_space<vmem>>)
        %dma_start3A_68 = arith.constant 0 : i32
        %dma_start3A_69 = tpu.memref_slice %arg7[%mul3A_54, %dma_start3A_68] : memref<40x128xi32, #tpu.memory_space<vmem>> -> memref<1x128xi32, #tpu.memory_space<vmem>>
        %dma_start3A_70 = tpu.memref_squeeze %dma_start3A_69 : memref<1x128xi32, #tpu.memory_space<vmem>> -> memref<128xi32, #tpu.memory_space<vmem>>
        %dma_start3A_71 = arith.constant 0 : i32
        %dma_start3A_72 = arith.constant 0 : i32
        %dma_start3A_73 = tpu.memref_slice %arg10[%dma_start3A_71, %dma_start3A_72] : memref<10008x128xf32, #tpu.memory_space<vmem_shared>> -> memref<10008x128xf32, #tpu.memory_space<vmem_shared>>
        tpu.enqueue_indirect_dma source(%arg8 : memref<128x128xf32, #tpu.memory_space<vmem>>) target(%dma_start3A_73 : memref<10008x128xf32, #tpu.memory_space<vmem_shared>>) offsets(%dma_start3A_70 : memref<128xi32, #tpu.memory_space<vmem>>) semaphore(%arg13 : memref<!tpu.dma_semaphore, #tpu.memory_space<semaphore_mem>>) {add = true}
        %gt3A = arith.constant 0 : i32
        %gt3A_74 = arith.cmpi sgt, %scan3A_51, %gt3A : i32
        %convert_element_type3A_75 = arith.extui %gt3A_74 : i1 to i32
        %cond3A_76 = arith.constant 0 : i32
        %cond3A_77 = arith.cmpi ne, %convert_element_type3A_75, %cond3A_76 : i32
        scf.if %cond3A_77 {
          %dma_wait3A_115 = arith.constant 0 : i32
          %dma_wait3A_116 = tpu.memref_slice %arg7[%mul3A_54, %dma_wait3A_115] : memref<40x128xi32, #tpu.memory_space<vmem>> -> memref<1x128xi32, #tpu.memory_space<vmem>>
          %dma_wait3A_117 = tpu.memref_squeeze %dma_wait3A_116 : memref<1x128xi32, #tpu.memory_space<vmem>> -> memref<128xi32, #tpu.memory_space<vmem>>
          %dma_wait3A_118 = arith.constant 0 : i32
          %dma_wait3A_119 = arith.constant 0 : i32
          %dma_wait3A_120 = tpu.memref_slice %arg10[%dma_wait3A_118, %dma_wait3A_119] : memref<10008x128xf32, #tpu.memory_space<vmem_shared>> -> memref<10008x128xf32, #tpu.memory_space<vmem_shared>>
          tpu.wait_indirect_dma semaphore(%arg14 : memref<!tpu.dma_semaphore, #tpu.memory_space<semaphore_mem>>) src(%arg9 : memref<128x128xf32, #tpu.memory_space<vmem>>) dst(%dma_wait3A_120 : memref<10008x128xf32, #tpu.memory_space<vmem_shared>>)
        } else {
        }
        %dma_start3A_78 = arith.constant 0 : i32
        %dma_start3A_79 = tpu.memref_slice %arg6[%add3A_57, %dma_start3A_78] : memref<40x128xi32, #tpu.memory_space<vmem>> -> memref<1x128xi32, #tpu.memory_space<vmem>>
        %dma_start3A_80 = tpu.memref_squeeze %dma_start3A_79 : memref<1x128xi32, #tpu.memory_space<vmem>> -> memref<128xi32, #tpu.memory_space<vmem>>
        %dma_start3A_81 = arith.constant 0 : i32
        %dma_start3A_82 = arith.constant 0 : i32
        %dma_start3A_83 = tpu.memref_slice %arg2[%arg0, %dma_start3A_81, %dma_start3A_82] : memref<2x10000x128xf32, #tpu.memory_space<hbm>> -> memref<1x10000x128xf32, #tpu.memory_space<hbm>>
        %dma_start3A_84 = tpu.memref_squeeze %dma_start3A_83 : memref<1x10000x128xf32, #tpu.memory_space<hbm>> -> memref<10000x128xf32, #tpu.memory_space<hbm>>
        %dma_start3A_85 = arith.constant 0 : i32
        %dma_start3A_86 = arith.constant 0 : i32
        %dma_start3A_87 = tpu.memref_slice %dma_start3A_84[%dma_start3A_85, %dma_start3A_86] : memref<10000x128xf32, #tpu.memory_space<hbm>> -> memref<10000x128xf32, #tpu.memory_space<hbm>>
        tpu.enqueue_indirect_dma source(%dma_start3A_87 : memref<10000x128xf32, #tpu.memory_space<hbm>>) target(%arg9 : memref<128x128xf32, #tpu.memory_space<vmem>>) offsets(%dma_start3A_80 : memref<128xi32, #tpu.memory_space<vmem>>) semaphore(%arg12 : memref<!tpu.dma_semaphore, #tpu.memory_space<semaphore_mem>>)
        %dma_wait3A_88 = arith.constant 0 : i32
        %dma_wait3A_89 = tpu.memref_slice %arg6[%add3A_57, %dma_wait3A_88] : memref<40x128xi32, #tpu.memory_space<vmem>> -> memref<1x128xi32, #tpu.memory_space<vmem>>
        %dma_wait3A_90 = tpu.memref_squeeze %dma_wait3A_89 : memref<1x128xi32, #tpu.memory_space<vmem>> -> memref<128xi32, #tpu.memory_space<vmem>>
        %dma_wait3A_91 = arith.constant 0 : i32
        %dma_wait3A_92 = arith.constant 0 : i32
        %dma_wait3A_93 = tpu.memref_slice %arg2[%arg0, %dma_wait3A_91, %dma_wait3A_92] : memref<2x10000x128xf32, #tpu.memory_space<hbm>> -> memref<1x10000x128xf32, #tpu.memory_space<hbm>>
        %dma_wait3A_94 = tpu.memref_squeeze %dma_wait3A_93 : memref<1x10000x128xf32, #tpu.memory_space<hbm>> -> memref<10000x128xf32, #tpu.memory_space<hbm>>
        %dma_wait3A_95 = arith.constant 0 : i32
        %dma_wait3A_96 = arith.constant 0 : i32
        %dma_wait3A_97 = tpu.memref_slice %dma_wait3A_94[%dma_wait3A_95, %dma_wait3A_96] : memref<10000x128xf32, #tpu.memory_space<hbm>> -> memref<10000x128xf32, #tpu.memory_space<hbm>>
        tpu.wait_indirect_dma semaphore(%arg12 : memref<!tpu.dma_semaphore, #tpu.memory_space<semaphore_mem>>) src(%dma_wait3A_97 : memref<10000x128xf32, #tpu.memory_space<hbm>>) dst(%arg9 : memref<128x128xf32, #tpu.memory_space<vmem>>)
        %dma_start3A_98 = arith.constant 0 : i32
        %dma_start3A_99 = tpu.memref_slice %arg7[%add3A_57, %dma_start3A_98] : memref<40x128xi32, #tpu.memory_space<vmem>> -> memref<1x128xi32, #tpu.memory_space<vmem>>
        %dma_start3A_100 = tpu.memref_squeeze %dma_start3A_99 : memref<1x128xi32, #tpu.memory_space<vmem>> -> memref<128xi32, #tpu.memory_space<vmem>>
        %dma_start3A_101 = arith.constant 0 : i32
        %dma_start3A_102 = arith.constant 0 : i32
        %dma_start3A_103 = tpu.memref_slice %arg10[%dma_start3A_101, %dma_start3A_102] : memref<10008x128xf32, #tpu.memory_space<vmem_shared>> -> memref<10008x128xf32, #tpu.memory_space<vmem_shared>>
        tpu.enqueue_indirect_dma source(%arg9 : memref<128x128xf32, #tpu.memory_space<vmem>>) target(%dma_start3A_103 : memref<10008x128xf32, #tpu.memory_space<vmem_shared>>) offsets(%dma_start3A_100 : memref<128xi32, #tpu.memory_space<vmem>>) semaphore(%arg14 : memref<!tpu.dma_semaphore, #tpu.memory_space<semaphore_mem>>) {add = true}
        %dma_wait3A_104 = arith.constant 0 : i32
        %dma_wait3A_105 = tpu.memref_slice %arg7[%mul3A_54, %dma_wait3A_104] : memref<40x128xi32, #tpu.memory_space<vmem>> -> memref<1x128xi32, #tpu.memory_space<vmem>>
        %dma_wait3A_106 = tpu.memref_squeeze %dma_wait3A_105 : memref<1x128xi32, #tpu.memory_space<vmem>> -> memref<128xi32, #tpu.memory_space<vmem>>
        %dma_wait3A_107 = arith.constant 0 : i32
        %dma_wait3A_108 = arith.constant 0 : i32
        %dma_wait3A_109 = tpu.memref_slice %arg10[%dma_wait3A_107, %dma_wait3A_108] : memref<10008x128xf32, #tpu.memory_space<vmem_shared>> -> memref<10008x128xf32, #tpu.memory_space<vmem_shared>>
        tpu.wait_indirect_dma semaphore(%arg13 : memref<!tpu.dma_semaphore, #tpu.memory_space<semaphore_mem>>) src(%arg8 : memref<128x128xf32, #tpu.memory_space<vmem>>) dst(%dma_wait3A_109 : memref<10008x128xf32, #tpu.memory_space<vmem_shared>>)
        %lt3A = arith.constant 19 : i32
        %lt3A_110 = arith.cmpi slt, %scan3A_51, %lt3A : i32
        %convert_element_type3A_111 = arith.extui %lt3A_110 : i1 to i32
        %cond3A_112 = arith.constant 0 : i32
        %cond3A_113 = arith.cmpi ne, %convert_element_type3A_111, %cond3A_112 : i32
        scf.if %cond3A_113 {
          %add3A_115 = arith.constant 1 : i32
          %add3A_116 = arith.addi %add3A_57, %add3A_115 : i32
          %dma_start3A_117 = arith.constant 0 : i32
          %dma_start3A_118 = tpu.memref_slice %arg6[%add3A_116, %dma_start3A_117] : memref<40x128xi32, #tpu.memory_space<vmem>> -> memref<1x128xi32, #tpu.memory_space<vmem>>
          %dma_start3A_119 = tpu.memref_squeeze %dma_start3A_118 : memref<1x128xi32, #tpu.memory_space<vmem>> -> memref<128xi32, #tpu.memory_space<vmem>>
          %dma_start3A_120 = arith.constant 0 : i32
          %dma_start3A_121 = arith.constant 0 : i32
          %dma_start3A_122 = tpu.memref_slice %arg2[%arg0, %dma_start3A_120, %dma_start3A_121] : memref<2x10000x128xf32, #tpu.memory_space<hbm>> -> memref<1x10000x128xf32, #tpu.memory_space<hbm>>
          %dma_start3A_123 = tpu.memref_squeeze %dma_start3A_122 : memref<1x10000x128xf32, #tpu.memory_space<hbm>> -> memref<10000x128xf32, #tpu.memory_space<hbm>>
          %dma_start3A_124 = arith.constant 0 : i32
          %dma_start3A_125 = arith.constant 0 : i32
          %dma_start3A_126 = tpu.memref_slice %dma_start3A_123[%dma_start3A_124, %dma_start3A_125] : memref<10000x128xf32, #tpu.memory_space<hbm>> -> memref<10000x128xf32, #tpu.memory_space<hbm>>
          tpu.enqueue_indirect_dma source(%dma_start3A_126 : memref<10000x128xf32, #tpu.memory_space<hbm>>) target(%arg8 : memref<128x128xf32, #tpu.memory_space<vmem>>) offsets(%dma_start3A_119 : memref<128xi32, #tpu.memory_space<vmem>>) semaphore(%arg11 : memref<!tpu.dma_semaphore, #tpu.memory_space<semaphore_mem>>)
        } else {
        }
        %scan3A_114 = arith.constant 0 : i32
        scf.yield %scan3A_114 : i32
      }
      %scan3A_43 = arith.constant 20 : i32
      %dma_wait3A = arith.constant 39 : i32
      %dma_wait3A_44 = arith.constant 0 : i32
      %dma_wait3A_45 = tpu.memref_slice %arg7[%dma_wait3A, %dma_wait3A_44] : memref<40x128xi32, #tpu.memory_space<vmem>> -> memref<1x128xi32, #tpu.memory_space<vmem>>
      %dma_wait3A_46 = tpu.memref_squeeze %dma_wait3A_45 : memref<1x128xi32, #tpu.memory_space<vmem>> -> memref<128xi32, #tpu.memory_space<vmem>>
      %dma_wait3A_47 = arith.constant 0 : i32
      %dma_wait3A_48 = arith.constant 0 : i32
      %dma_wait3A_49 = tpu.memref_slice %arg10[%dma_wait3A_47, %dma_wait3A_48] : memref<10008x128xf32, #tpu.memory_space<vmem_shared>> -> memref<10008x128xf32, #tpu.memory_space<vmem_shared>>
      tpu.wait_indirect_dma semaphore(%arg14 : memref<!tpu.dma_semaphore, #tpu.memory_space<semaphore_mem>>) src(%arg9 : memref<128x128xf32, #tpu.memory_space<vmem>>) dst(%dma_wait3A_49 : memref<10008x128xf32, #tpu.memory_space<vmem_shared>>)
      %scan3A_50 = arith.constant 0 : i32
      scf.yield %scan3A_50 : i32
    }
    %scan3A_10 = arith.constant 4 : i32
    %barrier3A_11 = arith.constant 0 : index
    tpu.barrier barrier_id(%barrier3A_11)
    %mul3A_12 = arith.constant 624 : i32
    %mul3A_13 = arith.muli %arg1, %mul3A_12 : i32
    %mul3A_14 = arith.constant 624 : i32
    %mul3A_15 = arith.muli %arg1, %mul3A_14 : i32
    "tpu.region"() ({
      %run_scoped3A = tpu.sem_alloc : memref<!tpu.dma_semaphore, #tpu.memory_space<semaphore_mem>>
      %dma_start3A = arith.constant 0 : i32
      %dma_start3A_21 = arith.constant 0 : i32
      %dma_start3A_22 = tpu.memref_slice %arg5[%arg0, %dma_start3A, %dma_start3A_21] : memref<2x10000x128xf32, #tpu.memory_space<hbm>> -> memref<1x10000x128xf32, #tpu.memory_space<hbm>>
      %dma_start3A_23 = tpu.memref_squeeze %dma_start3A_22 : memref<1x10000x128xf32, #tpu.memory_space<hbm>> -> memref<10000x128xf32, #tpu.memory_space<hbm>>
      %dma_start3A_24 = arith.constant 0 : i32
      %dma_start3A_25 = tpu.memref_slice %dma_start3A_23[%mul3A_15, %dma_start3A_24] : memref<10000x128xf32, #tpu.memory_space<hbm>> -> memref<624x128xf32, #tpu.memory_space<hbm>>
      %dma_start3A_26 = arith.constant 0 : i32
      %dma_start3A_27 = tpu.memref_slice %arg10[%mul3A_13, %dma_start3A_26] : memref<10008x128xf32, #tpu.memory_space<vmem_shared>> -> memref<624x128xf32, #tpu.memory_space<vmem_shared>>
      tpu.enqueue_dma source(%dma_start3A_27 : memref<624x128xf32, #tpu.memory_space<vmem_shared>>) target(%dma_start3A_25 : memref<624x128xf32, #tpu.memory_space<hbm>>) target_semaphore(%run_scoped3A : memref<!tpu.dma_semaphore, #tpu.memory_space<semaphore_mem>>)
      %dma_wait3A = arith.constant 0 : i32
      %dma_wait3A_28 = arith.constant 0 : i32
      %dma_wait3A_29 = tpu.memref_slice %arg5[%arg0, %dma_wait3A, %dma_wait3A_28] : memref<2x10000x128xf32, #tpu.memory_space<hbm>> -> memref<1x10000x128xf32, #tpu.memory_space<hbm>>
      %dma_wait3A_30 = tpu.memref_squeeze %dma_wait3A_29 : memref<1x10000x128xf32, #tpu.memory_space<hbm>> -> memref<10000x128xf32, #tpu.memory_space<hbm>>
      %dma_wait3A_31 = arith.constant 0 : i32
      %dma_wait3A_32 = tpu.memref_slice %dma_wait3A_30[%mul3A_15, %dma_wait3A_31] : memref<10000x128xf32, #tpu.memory_space<hbm>> -> memref<624x128xf32, #tpu.memory_space<hbm>>
      %dma_wait3A_33 = arith.constant 0 : i32
      %dma_wait3A_34 = tpu.memref_slice %arg10[%mul3A_13, %dma_wait3A_33] : memref<10008x128xf32, #tpu.memory_space<vmem_shared>> -> memref<624x128xf32, #tpu.memory_space<vmem_shared>>
      tpu.wait_dma2 semaphore(%run_scoped3A : memref<!tpu.dma_semaphore, #tpu.memory_space<semaphore_mem>>) src(%dma_wait3A_34 : memref<624x128xf32, #tpu.memory_space<vmem_shared>>) dst(%dma_wait3A_32 : memref<624x128xf32, #tpu.memory_space<hbm>>)
      tpu.yield
    }) : () -> ()
    %eq3A_16 = arith.constant 0 : i32
    %eq3A_17 = arith.cmpi eq, %arg1, %eq3A_16 : i32
    %convert_element_type3A_18 = arith.extui %eq3A_17 : i1 to i32
    %cond3A_19 = arith.constant 0 : i32
    %cond3A_20 = arith.cmpi ne, %convert_element_type3A_18, %cond3A_19 : i32
    scf.if %cond3A_20 {
      "tpu.region"() ({
        %run_scoped3A = tpu.sem_alloc : memref<!tpu.dma_semaphore, #tpu.memory_space<semaphore_mem>>
        %dma_start3A = arith.constant 0 : i32
        %dma_start3A_21 = arith.constant 0 : i32
        %dma_start3A_22 = tpu.memref_slice %arg5[%arg0, %dma_start3A, %dma_start3A_21] : memref<2x10000x128xf32, #tpu.memory_space<hbm>> -> memref<1x10000x128xf32, #tpu.memory_space<hbm>>
        %dma_start3A_23 = tpu.memref_squeeze %dma_start3A_22 : memref<1x10000x128xf32, #tpu.memory_space<hbm>> -> memref<10000x128xf32, #tpu.memory_space<hbm>>
        %dma_start3A_24 = arith.constant 9984 : i32
        %dma_start3A_25 = arith.constant 0 : i32
        %dma_start3A_26 = tpu.memref_slice %dma_start3A_23[%dma_start3A_24, %dma_start3A_25] : memref<10000x128xf32, #tpu.memory_space<hbm>> -> memref<16x128xf32, #tpu.memory_space<hbm>>
        %dma_start3A_27 = arith.constant 9984 : i32
        %dma_start3A_28 = arith.constant 0 : i32
        %dma_start3A_29 = tpu.memref_slice %arg10[%dma_start3A_27, %dma_start3A_28] : memref<10008x128xf32, #tpu.memory_space<vmem_shared>> -> memref<16x128xf32, #tpu.memory_space<vmem_shared>>
        tpu.enqueue_dma source(%dma_start3A_29 : memref<16x128xf32, #tpu.memory_space<vmem_shared>>) target(%dma_start3A_26 : memref<16x128xf32, #tpu.memory_space<hbm>>) target_semaphore(%run_scoped3A : memref<!tpu.dma_semaphore, #tpu.memory_space<semaphore_mem>>)
        %dma_wait3A = arith.constant 0 : i32
        %dma_wait3A_30 = arith.constant 0 : i32
        %dma_wait3A_31 = tpu.memref_slice %arg5[%arg0, %dma_wait3A, %dma_wait3A_30] : memref<2x10000x128xf32, #tpu.memory_space<hbm>> -> memref<1x10000x128xf32, #tpu.memory_space<hbm>>
        %dma_wait3A_32 = tpu.memref_squeeze %dma_wait3A_31 : memref<1x10000x128xf32, #tpu.memory_space<hbm>> -> memref<10000x128xf32, #tpu.memory_space<hbm>>
        %dma_wait3A_33 = arith.constant 9984 : i32
        %dma_wait3A_34 = arith.constant 0 : i32
        %dma_wait3A_35 = tpu.memref_slice %dma_wait3A_32[%dma_wait3A_33, %dma_wait3A_34] : memref<10000x128xf32, #tpu.memory_space<hbm>> -> memref<16x128xf32, #tpu.memory_space<hbm>>
        %dma_wait3A_36 = arith.constant 9984 : i32
        %dma_wait3A_37 = arith.constant 0 : i32
        %dma_wait3A_38 = tpu.memref_slice %arg10[%dma_wait3A_36, %dma_wait3A_37] : memref<10008x128xf32, #tpu.memory_space<vmem_shared>> -> memref<16x128xf32, #tpu.memory_space<vmem_shared>>
        tpu.wait_dma2 semaphore(%run_scoped3A : memref<!tpu.dma_semaphore, #tpu.memory_space<semaphore_mem>>) src(%dma_wait3A_38 : memref<16x128xf32, #tpu.memory_space<vmem_shared>>) dst(%dma_wait3A_35 : memref<16x128xf32, #tpu.memory_space<hbm>>)
        tpu.yield
      }) : () -> ()
    } else {
    }
    return
  }
}

#map = affine_map<(d0, d1) -> (0, 0, 0)>
module attributes {stable_mosaic.version = 14 : i64} {
  func.func @gcn_spmm_sc(%arg0: i32, %arg1: i32, %arg2: memref<2x10000x128xf32, #tpu.memory_space<hbm>>, %arg3: memref<16x160x128xi32, #tpu.memory_space<hbm>>, %arg4: memref<16x160x128xi32, #tpu.memory_space<hbm>>, %arg5: memref<2x10000x128xf32, #tpu.memory_space<hbm>>, %arg6: memref<40x128xi32, #tpu.memory_space<vmem>>, %arg7: memref<40x128xi32, #tpu.memory_space<vmem>>, %arg8: memref<128x128xf32, #tpu.memory_space<vmem>>, %arg9: memref<128x128xf32, #tpu.memory_space<vmem>>, %arg10: memref<10008x128xf32, #tpu.memory_space<vmem_shared>>, %arg11: memref<!tpu.dma_semaphore, #tpu.memory_space<semaphore_mem>>, %arg12: memref<!tpu.dma_semaphore, #tpu.memory_space<semaphore_mem>>, %arg13: memref<!tpu.dma_semaphore, #tpu.memory_space<semaphore_mem>>, %arg14: memref<!tpu.dma_semaphore, #tpu.memory_space<semaphore_mem>>) attributes {dimension_semantics = [#tpu.dimension_semantics<core_parallel>, #tpu.dimension_semantics<subcore_parallel>], iteration_bounds = array<i64: 2, 16>, scalar_prefetch = 0 : i64, scratch_operands = 9 : i64, tpu.core_type = #tpu.core_type<sc_vector_subcore>, window_params = [{transform_indices = #map}, {transform_indices = #map}, {transform_indices = #map}, {transform_indices = #map}]} {
    %mul3A = arith.constant 624 : i32
    %mul3A_0 = arith.muli %arg1, %mul3A : i32
    %mul3A_1 = arith.constant 624 : i32
    %mul3A_2 = arith.muli %arg1, %mul3A_1 : i32
    "tpu.region"() ({
      %run_scoped3A = tpu.sem_alloc : memref<!tpu.dma_semaphore, #tpu.memory_space<semaphore_mem>>
      %dma_start3A = arith.constant 0 : i32
      %dma_start3A_21 = tpu.memref_slice %arg10[%mul3A_2, %dma_start3A] : memref<10008x128xf32, #tpu.memory_space<vmem_shared>> -> memref<624x128xf32, #tpu.memory_space<vmem_shared>>
      %dma_start3A_22 = arith.constant 0 : i32
      %dma_start3A_23 = arith.constant 0 : i32
      %dma_start3A_24 = tpu.memref_slice %arg2[%arg0, %dma_start3A_22, %dma_start3A_23] : memref<2x10000x128xf32, #tpu.memory_space<hbm>> -> memref<1x10000x128xf32, #tpu.memory_space<hbm>>
      %dma_start3A_25 = tpu.memref_squeeze %dma_start3A_24 : memref<1x10000x128xf32, #tpu.memory_space<hbm>> -> memref<10000x128xf32, #tpu.memory_space<hbm>>
      %dma_start3A_26 = arith.constant 0 : i32
      %dma_start3A_27 = tpu.memref_slice %dma_start3A_25[%mul3A_0, %dma_start3A_26] : memref<10000x128xf32, #tpu.memory_space<hbm>> -> memref<624x128xf32, #tpu.memory_space<hbm>>
      tpu.enqueue_dma source(%dma_start3A_27 : memref<624x128xf32, #tpu.memory_space<hbm>>) target(%dma_start3A_21 : memref<624x128xf32, #tpu.memory_space<vmem_shared>>) target_semaphore(%run_scoped3A : memref<!tpu.dma_semaphore, #tpu.memory_space<semaphore_mem>>)
      %dma_wait3A = arith.constant 0 : i32
      %dma_wait3A_28 = tpu.memref_slice %arg10[%mul3A_2, %dma_wait3A] : memref<10008x128xf32, #tpu.memory_space<vmem_shared>> -> memref<624x128xf32, #tpu.memory_space<vmem_shared>>
      %dma_wait3A_29 = arith.constant 0 : i32
      %dma_wait3A_30 = arith.constant 0 : i32
      %dma_wait3A_31 = tpu.memref_slice %arg2[%arg0, %dma_wait3A_29, %dma_wait3A_30] : memref<2x10000x128xf32, #tpu.memory_space<hbm>> -> memref<1x10000x128xf32, #tpu.memory_space<hbm>>
      %dma_wait3A_32 = tpu.memref_squeeze %dma_wait3A_31 : memref<1x10000x128xf32, #tpu.memory_space<hbm>> -> memref<10000x128xf32, #tpu.memory_space<hbm>>
      %dma_wait3A_33 = arith.constant 0 : i32
      %dma_wait3A_34 = tpu.memref_slice %dma_wait3A_32[%mul3A_0, %dma_wait3A_33] : memref<10000x128xf32, #tpu.memory_space<hbm>> -> memref<624x128xf32, #tpu.memory_space<hbm>>
      tpu.wait_dma2 semaphore(%run_scoped3A : memref<!tpu.dma_semaphore, #tpu.memory_space<semaphore_mem>>) src(%dma_wait3A_34 : memref<624x128xf32, #tpu.memory_space<hbm>>) dst(%dma_wait3A_28 : memref<624x128xf32, #tpu.memory_space<vmem_shared>>)
      tpu.yield
    }) : () -> ()
    %eq3A = arith.constant 0 : i32
    %eq3A_3 = arith.cmpi eq, %arg1, %eq3A : i32
    %convert_element_type3A = arith.extui %eq3A_3 : i1 to i32
    %cond3A = arith.constant 0 : i32
    %cond3A_4 = arith.cmpi ne, %convert_element_type3A, %cond3A : i32
    scf.if %cond3A_4 {
      "tpu.region"() ({
        %run_scoped3A = tpu.sem_alloc : memref<!tpu.dma_semaphore, #tpu.memory_space<semaphore_mem>>
        %dma_start3A = arith.constant 9984 : i32
        %dma_start3A_21 = arith.constant 0 : i32
        %dma_start3A_22 = tpu.memref_slice %arg10[%dma_start3A, %dma_start3A_21] : memref<10008x128xf32, #tpu.memory_space<vmem_shared>> -> memref<16x128xf32, #tpu.memory_space<vmem_shared>>
        %dma_start3A_23 = arith.constant 0 : i32
        %dma_start3A_24 = arith.constant 0 : i32
        %dma_start3A_25 = tpu.memref_slice %arg2[%arg0, %dma_start3A_23, %dma_start3A_24] : memref<2x10000x128xf32, #tpu.memory_space<hbm>> -> memref<1x10000x128xf32, #tpu.memory_space<hbm>>
        %dma_start3A_26 = tpu.memref_squeeze %dma_start3A_25 : memref<1x10000x128xf32, #tpu.memory_space<hbm>> -> memref<10000x128xf32, #tpu.memory_space<hbm>>
        %dma_start3A_27 = arith.constant 9984 : i32
        %dma_start3A_28 = arith.constant 0 : i32
        %dma_start3A_29 = tpu.memref_slice %dma_start3A_26[%dma_start3A_27, %dma_start3A_28] : memref<10000x128xf32, #tpu.memory_space<hbm>> -> memref<16x128xf32, #tpu.memory_space<hbm>>
        tpu.enqueue_dma source(%dma_start3A_29 : memref<16x128xf32, #tpu.memory_space<hbm>>) target(%dma_start3A_22 : memref<16x128xf32, #tpu.memory_space<vmem_shared>>) target_semaphore(%run_scoped3A : memref<!tpu.dma_semaphore, #tpu.memory_space<semaphore_mem>>)
        %dma_wait3A = arith.constant 9984 : i32
        %dma_wait3A_30 = arith.constant 0 : i32
        %dma_wait3A_31 = tpu.memref_slice %arg10[%dma_wait3A, %dma_wait3A_30] : memref<10008x128xf32, #tpu.memory_space<vmem_shared>> -> memref<16x128xf32, #tpu.memory_space<vmem_shared>>
        %dma_wait3A_32 = arith.constant 0 : i32
        %dma_wait3A_33 = arith.constant 0 : i32
        %dma_wait3A_34 = tpu.memref_slice %arg2[%arg0, %dma_wait3A_32, %dma_wait3A_33] : memref<2x10000x128xf32, #tpu.memory_space<hbm>> -> memref<1x10000x128xf32, #tpu.memory_space<hbm>>
        %dma_wait3A_35 = tpu.memref_squeeze %dma_wait3A_34 : memref<1x10000x128xf32, #tpu.memory_space<hbm>> -> memref<10000x128xf32, #tpu.memory_space<hbm>>
        %dma_wait3A_36 = arith.constant 9984 : i32
        %dma_wait3A_37 = arith.constant 0 : i32
        %dma_wait3A_38 = tpu.memref_slice %dma_wait3A_35[%dma_wait3A_36, %dma_wait3A_37] : memref<10000x128xf32, #tpu.memory_space<hbm>> -> memref<16x128xf32, #tpu.memory_space<hbm>>
        tpu.wait_dma2 semaphore(%run_scoped3A : memref<!tpu.dma_semaphore, #tpu.memory_space<semaphore_mem>>) src(%dma_wait3A_38 : memref<16x128xf32, #tpu.memory_space<hbm>>) dst(%dma_wait3A_31 : memref<16x128xf32, #tpu.memory_space<vmem_shared>>)
        tpu.yield
      }) : () -> ()
      "tpu.region"() ({
        %run_scoped3A = tpu.sem_alloc : memref<!tpu.dma_semaphore, #tpu.memory_space<semaphore_mem>>
        %dma_start3A = arith.constant 10000 : i32
        %dma_start3A_21 = arith.constant 0 : i32
        %dma_start3A_22 = tpu.memref_slice %arg10[%dma_start3A, %dma_start3A_21] : memref<10008x128xf32, #tpu.memory_space<vmem_shared>> -> memref<8x128xf32, #tpu.memory_space<vmem_shared>>
        %dma_start3A_23 = arith.constant 0 : i32
        %dma_start3A_24 = arith.constant 0 : i32
        %dma_start3A_25 = tpu.memref_slice %arg2[%arg0, %dma_start3A_23, %dma_start3A_24] : memref<2x10000x128xf32, #tpu.memory_space<hbm>> -> memref<1x10000x128xf32, #tpu.memory_space<hbm>>
        %dma_start3A_26 = tpu.memref_squeeze %dma_start3A_25 : memref<1x10000x128xf32, #tpu.memory_space<hbm>> -> memref<10000x128xf32, #tpu.memory_space<hbm>>
        %dma_start3A_27 = arith.constant 0 : i32
        %dma_start3A_28 = arith.constant 0 : i32
        %dma_start3A_29 = tpu.memref_slice %dma_start3A_26[%dma_start3A_27, %dma_start3A_28] : memref<10000x128xf32, #tpu.memory_space<hbm>> -> memref<8x128xf32, #tpu.memory_space<hbm>>
        tpu.enqueue_dma source(%dma_start3A_29 : memref<8x128xf32, #tpu.memory_space<hbm>>) target(%dma_start3A_22 : memref<8x128xf32, #tpu.memory_space<vmem_shared>>) target_semaphore(%run_scoped3A : memref<!tpu.dma_semaphore, #tpu.memory_space<semaphore_mem>>)
        %dma_wait3A = arith.constant 10000 : i32
        %dma_wait3A_30 = arith.constant 0 : i32
        %dma_wait3A_31 = tpu.memref_slice %arg10[%dma_wait3A, %dma_wait3A_30] : memref<10008x128xf32, #tpu.memory_space<vmem_shared>> -> memref<8x128xf32, #tpu.memory_space<vmem_shared>>
        %dma_wait3A_32 = arith.constant 0 : i32
        %dma_wait3A_33 = arith.constant 0 : i32
        %dma_wait3A_34 = tpu.memref_slice %arg2[%arg0, %dma_wait3A_32, %dma_wait3A_33] : memref<2x10000x128xf32, #tpu.memory_space<hbm>> -> memref<1x10000x128xf32, #tpu.memory_space<hbm>>
        %dma_wait3A_35 = tpu.memref_squeeze %dma_wait3A_34 : memref<1x10000x128xf32, #tpu.memory_space<hbm>> -> memref<10000x128xf32, #tpu.memory_space<hbm>>
        %dma_wait3A_36 = arith.constant 0 : i32
        %dma_wait3A_37 = arith.constant 0 : i32
        %dma_wait3A_38 = tpu.memref_slice %dma_wait3A_35[%dma_wait3A_36, %dma_wait3A_37] : memref<10000x128xf32, #tpu.memory_space<hbm>> -> memref<8x128xf32, #tpu.memory_space<hbm>>
        tpu.wait_dma2 semaphore(%run_scoped3A : memref<!tpu.dma_semaphore, #tpu.memory_space<semaphore_mem>>) src(%dma_wait3A_38 : memref<8x128xf32, #tpu.memory_space<hbm>>) dst(%dma_wait3A_31 : memref<8x128xf32, #tpu.memory_space<vmem_shared>>)
        tpu.yield
      }) : () -> ()
    } else {
    }
    %barrier3A = arith.constant 0 : index
    tpu.barrier barrier_id(%barrier3A)
    %scan3A = arith.constant 0 : i32
    %scan3A_5 = arith.constant 0 : i32
    %scan3A_6 = arith.constant 4 : i32
    %scan3A_7 = arith.addi %scan3A_5, %scan3A_6 : i32
    %scan3A_8 = arith.constant 1 : i32
    %scan3A_9 = scf.for %scan3A_21 = %scan3A_5 to %scan3A_7 step %scan3A_8 iter_args(%scan3A_22 = %scan3A) -> (i32)  : i32 {
      %mul3A_23 = arith.constant 40 : i32
      %mul3A_24 = arith.muli %scan3A_21, %mul3A_23 : i32
      "tpu.region"() ({
        %run_scoped3A = tpu.sem_alloc : memref<!tpu.dma_semaphore, #tpu.memory_space<semaphore_mem>>
        %dma_start3A_51 = arith.constant 0 : i32
        %dma_start3A_52 = arith.constant 0 : i32
        %dma_start3A_53 = tpu.memref_slice %arg3[%arg1, %dma_start3A_51, %dma_start3A_52] : memref<16x160x128xi32, #tpu.memory_space<hbm>> -> memref<1x160x128xi32, #tpu.memory_space<hbm>>
        %dma_start3A_54 = tpu.memref_squeeze %dma_start3A_53 : memref<1x160x128xi32, #tpu.memory_space<hbm>> -> memref<160x128xi32, #tpu.memory_space<hbm>>
        %dma_start3A_55 = arith.constant 0 : i32
        %dma_start3A_56 = tpu.memref_slice %dma_start3A_54[%mul3A_24, %dma_start3A_55] : memref<160x128xi32, #tpu.memory_space<hbm>> -> memref<40x128xi32, #tpu.memory_space<hbm>>
        %dma_start3A_57 = arith.constant 0 : i32
        %dma_start3A_58 = arith.constant 0 : i32
        %dma_start3A_59 = tpu.memref_slice %arg3[%arg1, %dma_start3A_57, %dma_start3A_58] : memref<16x160x128xi32, #tpu.memory_space<hbm>> -> memref<1x160x128xi32, #tpu.memory_space<hbm>>
        %dma_start3A_60 = tpu.memref_squeeze %dma_start3A_59 : memref<1x160x128xi32, #tpu.memory_space<hbm>> -> memref<160x128xi32, #tpu.memory_space<hbm>>
        %dma_start3A_61 = arith.constant 0 : i32
        %dma_start3A_62 = tpu.memref_slice %dma_start3A_60[%mul3A_24, %dma_start3A_61] : memref<160x128xi32, #tpu.memory_space<hbm>> -> memref<40x128xi32, #tpu.memory_space<hbm>>
        tpu.enqueue_dma source(%dma_start3A_62 : memref<40x128xi32, #tpu.memory_space<hbm>>) target(%arg6 : memref<40x128xi32, #tpu.memory_space<vmem>>) target_semaphore(%run_scoped3A : memref<!tpu.dma_semaphore, #tpu.memory_space<semaphore_mem>>)
        %dma_wait3A_63 = arith.constant 0 : i32
        %dma_wait3A_64 = arith.constant 0 : i32
        %dma_wait3A_65 = tpu.memref_slice %arg3[%arg1, %dma_wait3A_63, %dma_wait3A_64] : memref<16x160x128xi32, #tpu.memory_space<hbm>> -> memref<1x160x128xi32, #tpu.memory_space<hbm>>
        %dma_wait3A_66 = tpu.memref_squeeze %dma_wait3A_65 : memref<1x160x128xi32, #tpu.memory_space<hbm>> -> memref<160x128xi32, #tpu.memory_space<hbm>>
        %dma_wait3A_67 = arith.constant 0 : i32
        %dma_wait3A_68 = tpu.memref_slice %dma_wait3A_66[%mul3A_24, %dma_wait3A_67] : memref<160x128xi32, #tpu.memory_space<hbm>> -> memref<40x128xi32, #tpu.memory_space<hbm>>
        %dma_wait3A_69 = arith.constant 0 : i32
        %dma_wait3A_70 = arith.constant 0 : i32
        %dma_wait3A_71 = tpu.memref_slice %arg3[%arg1, %dma_wait3A_69, %dma_wait3A_70] : memref<16x160x128xi32, #tpu.memory_space<hbm>> -> memref<1x160x128xi32, #tpu.memory_space<hbm>>
        %dma_wait3A_72 = tpu.memref_squeeze %dma_wait3A_71 : memref<1x160x128xi32, #tpu.memory_space<hbm>> -> memref<160x128xi32, #tpu.memory_space<hbm>>
        %dma_wait3A_73 = arith.constant 0 : i32
        %dma_wait3A_74 = tpu.memref_slice %dma_wait3A_72[%mul3A_24, %dma_wait3A_73] : memref<160x128xi32, #tpu.memory_space<hbm>> -> memref<40x128xi32, #tpu.memory_space<hbm>>
        tpu.wait_dma2 semaphore(%run_scoped3A : memref<!tpu.dma_semaphore, #tpu.memory_space<semaphore_mem>>) src(%dma_wait3A_74 : memref<40x128xi32, #tpu.memory_space<hbm>>) dst(%arg6 : memref<40x128xi32, #tpu.memory_space<vmem>>)
        tpu.yield
      }) : () -> ()
      %mul3A_25 = arith.constant 40 : i32
      %mul3A_26 = arith.muli %scan3A_21, %mul3A_25 : i32
      "tpu.region"() ({
        %run_scoped3A = tpu.sem_alloc : memref<!tpu.dma_semaphore, #tpu.memory_space<semaphore_mem>>
        %dma_start3A_51 = arith.constant 0 : i32
        %dma_start3A_52 = arith.constant 0 : i32
        %dma_start3A_53 = tpu.memref_slice %arg4[%arg1, %dma_start3A_51, %dma_start3A_52] : memref<16x160x128xi32, #tpu.memory_space<hbm>> -> memref<1x160x128xi32, #tpu.memory_space<hbm>>
        %dma_start3A_54 = tpu.memref_squeeze %dma_start3A_53 : memref<1x160x128xi32, #tpu.memory_space<hbm>> -> memref<160x128xi32, #tpu.memory_space<hbm>>
        %dma_start3A_55 = arith.constant 0 : i32
        %dma_start3A_56 = tpu.memref_slice %dma_start3A_54[%mul3A_26, %dma_start3A_55] : memref<160x128xi32, #tpu.memory_space<hbm>> -> memref<40x128xi32, #tpu.memory_space<hbm>>
        %dma_start3A_57 = arith.constant 0 : i32
        %dma_start3A_58 = arith.constant 0 : i32
        %dma_start3A_59 = tpu.memref_slice %arg4[%arg1, %dma_start3A_57, %dma_start3A_58] : memref<16x160x128xi32, #tpu.memory_space<hbm>> -> memref<1x160x128xi32, #tpu.memory_space<hbm>>
        %dma_start3A_60 = tpu.memref_squeeze %dma_start3A_59 : memref<1x160x128xi32, #tpu.memory_space<hbm>> -> memref<160x128xi32, #tpu.memory_space<hbm>>
        %dma_start3A_61 = arith.constant 0 : i32
        %dma_start3A_62 = tpu.memref_slice %dma_start3A_60[%mul3A_26, %dma_start3A_61] : memref<160x128xi32, #tpu.memory_space<hbm>> -> memref<40x128xi32, #tpu.memory_space<hbm>>
        tpu.enqueue_dma source(%dma_start3A_62 : memref<40x128xi32, #tpu.memory_space<hbm>>) target(%arg7 : memref<40x128xi32, #tpu.memory_space<vmem>>) target_semaphore(%run_scoped3A : memref<!tpu.dma_semaphore, #tpu.memory_space<semaphore_mem>>)
        %dma_wait3A_63 = arith.constant 0 : i32
        %dma_wait3A_64 = arith.constant 0 : i32
        %dma_wait3A_65 = tpu.memref_slice %arg4[%arg1, %dma_wait3A_63, %dma_wait3A_64] : memref<16x160x128xi32, #tpu.memory_space<hbm>> -> memref<1x160x128xi32, #tpu.memory_space<hbm>>
        %dma_wait3A_66 = tpu.memref_squeeze %dma_wait3A_65 : memref<1x160x128xi32, #tpu.memory_space<hbm>> -> memref<160x128xi32, #tpu.memory_space<hbm>>
        %dma_wait3A_67 = arith.constant 0 : i32
        %dma_wait3A_68 = tpu.memref_slice %dma_wait3A_66[%mul3A_26, %dma_wait3A_67] : memref<160x128xi32, #tpu.memory_space<hbm>> -> memref<40x128xi32, #tpu.memory_space<hbm>>
        %dma_wait3A_69 = arith.constant 0 : i32
        %dma_wait3A_70 = arith.constant 0 : i32
        %dma_wait3A_71 = tpu.memref_slice %arg4[%arg1, %dma_wait3A_69, %dma_wait3A_70] : memref<16x160x128xi32, #tpu.memory_space<hbm>> -> memref<1x160x128xi32, #tpu.memory_space<hbm>>
        %dma_wait3A_72 = tpu.memref_squeeze %dma_wait3A_71 : memref<1x160x128xi32, #tpu.memory_space<hbm>> -> memref<160x128xi32, #tpu.memory_space<hbm>>
        %dma_wait3A_73 = arith.constant 0 : i32
        %dma_wait3A_74 = tpu.memref_slice %dma_wait3A_72[%mul3A_26, %dma_wait3A_73] : memref<160x128xi32, #tpu.memory_space<hbm>> -> memref<40x128xi32, #tpu.memory_space<hbm>>
        tpu.wait_dma2 semaphore(%run_scoped3A : memref<!tpu.dma_semaphore, #tpu.memory_space<semaphore_mem>>) src(%dma_wait3A_74 : memref<40x128xi32, #tpu.memory_space<hbm>>) dst(%arg7 : memref<40x128xi32, #tpu.memory_space<vmem>>)
        tpu.yield
      }) : () -> ()
      %dma_start3A = arith.constant 0 : i32
      %dma_start3A_27 = arith.constant 0 : i32
      %dma_start3A_28 = tpu.memref_slice %arg6[%dma_start3A, %dma_start3A_27] : memref<40x128xi32, #tpu.memory_space<vmem>> -> memref<1x128xi32, #tpu.memory_space<vmem>>
      %dma_start3A_29 = tpu.memref_squeeze %dma_start3A_28 : memref<1x128xi32, #tpu.memory_space<vmem>> -> memref<128xi32, #tpu.memory_space<vmem>>
      %dma_start3A_30 = arith.constant 0 : i32
      %dma_start3A_31 = arith.constant 0 : i32
      %dma_start3A_32 = tpu.memref_slice %arg2[%arg0, %dma_start3A_30, %dma_start3A_31] : memref<2x10000x128xf32, #tpu.memory_space<hbm>> -> memref<1x10000x128xf32, #tpu.memory_space<hbm>>
      %dma_start3A_33 = tpu.memref_squeeze %dma_start3A_32 : memref<1x10000x128xf32, #tpu.memory_space<hbm>> -> memref<10000x128xf32, #tpu.memory_space<hbm>>
      %dma_start3A_34 = arith.constant 0 : i32
      %dma_start3A_35 = arith.constant 0 : i32
      %dma_start3A_36 = tpu.memref_slice %dma_start3A_33[%dma_start3A_34, %dma_start3A_35] : memref<10000x128xf32, #tpu.memory_space<hbm>> -> memref<10000x128xf32, #tpu.memory_space<hbm>>
      tpu.enqueue_indirect_dma source(%dma_start3A_36 : memref<10000x128xf32, #tpu.memory_space<hbm>>) target(%arg8 : memref<128x128xf32, #tpu.memory_space<vmem>>) offsets(%dma_start3A_29 : memref<128xi32, #tpu.memory_space<vmem>>) semaphore(%arg11 : memref<!tpu.dma_semaphore, #tpu.memory_space<semaphore_mem>>)
      %scan3A_37 = arith.constant 0 : i32
      %scan3A_38 = arith.constant 0 : i32
      %scan3A_39 = arith.constant 20 : i32
      %scan3A_40 = arith.addi %scan3A_38, %scan3A_39 : i32
      %scan3A_41 = arith.constant 1 : i32
      %scan3A_42 = scf.for %scan3A_51 = %scan3A_38 to %scan3A_40 step %scan3A_41 iter_args(%scan3A_52 = %scan3A_37) -> (i32)  : i32 {
        %mul3A_53 = arith.constant 2 : i32
        %mul3A_54 = arith.muli %mul3A_53, %scan3A_51 : i32
        %mul3A_55 = arith.constant 2 : i32
        %mul3A_56 = arith.muli %mul3A_55, %scan3A_51 : i32
        %add3A = arith.constant 1 : i32
        %add3A_57 = arith.addi %mul3A_56, %add3A : i32
        %dma_wait3A_58 = arith.constant 0 : i32
        %dma_wait3A_59 = tpu.memref_slice %arg6[%mul3A_54, %dma_wait3A_58] : memref<40x128xi32, #tpu.memory_space<vmem>> -> memref<1x128xi32, #tpu.memory_space<vmem>>
        %dma_wait3A_60 = tpu.memref_squeeze %dma_wait3A_59 : memref<1x128xi32, #tpu.memory_space<vmem>> -> memref<128xi32, #tpu.memory_space<vmem>>
        %dma_wait3A_61 = arith.constant 0 : i32
        %dma_wait3A_62 = arith.constant 0 : i32
        %dma_wait3A_63 = tpu.memref_slice %arg2[%arg0, %dma_wait3A_61, %dma_wait3A_62] : memref<2x10000x128xf32, #tpu.memory_space<hbm>> -> memref<1x10000x128xf32, #tpu.memory_space<hbm>>
        %dma_wait3A_64 = tpu.memref_squeeze %dma_wait3A_63 : memref<1x10000x128xf32, #tpu.memory_space<hbm>> -> memref<10000x128xf32, #tpu.memory_space<hbm>>
        %dma_wait3A_65 = arith.constant 0 : i32
        %dma_wait3A_66 = arith.constant 0 : i32
        %dma_wait3A_67 = tpu.memref_slice %dma_wait3A_64[%dma_wait3A_65, %dma_wait3A_66] : memref<10000x128xf32, #tpu.memory_space<hbm>> -> memref<10000x128xf32, #tpu.memory_space<hbm>>
        tpu.wait_indirect_dma semaphore(%arg11 : memref<!tpu.dma_semaphore, #tpu.memory_space<semaphore_mem>>) src(%dma_wait3A_67 : memref<10000x128xf32, #tpu.memory_space<hbm>>) dst(%arg8 : memref<128x128xf32, #tpu.memory_space<vmem>>)
        %dma_start3A_68 = arith.constant 0 : i32
        %dma_start3A_69 = tpu.memref_slice %arg7[%mul3A_54, %dma_start3A_68] : memref<40x128xi32, #tpu.memory_space<vmem>> -> memref<1x128xi32, #tpu.memory_space<vmem>>
        %dma_start3A_70 = tpu.memref_squeeze %dma_start3A_69 : memref<1x128xi32, #tpu.memory_space<vmem>> -> memref<128xi32, #tpu.memory_space<vmem>>
        %dma_start3A_71 = arith.constant 0 : i32
        %dma_start3A_72 = arith.constant 0 : i32
        %dma_start3A_73 = tpu.memref_slice %arg10[%dma_start3A_71, %dma_start3A_72] : memref<10008x128xf32, #tpu.memory_space<vmem_shared>> -> memref<10008x128xf32, #tpu.memory_space<vmem_shared>>
        tpu.enqueue_indirect_dma source(%arg8 : memref<128x128xf32, #tpu.memory_space<vmem>>) target(%dma_start3A_73 : memref<10008x128xf32, #tpu.memory_space<vmem_shared>>) offsets(%dma_start3A_70 : memref<128xi32, #tpu.memory_space<vmem>>) semaphore(%arg13 : memref<!tpu.dma_semaphore, #tpu.memory_space<semaphore_mem>>) {add = true}
        %gt3A = arith.constant 0 : i32
        %gt3A_74 = arith.cmpi sgt, %scan3A_51, %gt3A : i32
        %convert_element_type3A_75 = arith.extui %gt3A_74 : i1 to i32
        %cond3A_76 = arith.constant 0 : i32
        %cond3A_77 = arith.cmpi ne, %convert_element_type3A_75, %cond3A_76 : i32
        scf.if %cond3A_77 {
          %dma_wait3A_115 = arith.constant 0 : i32
          %dma_wait3A_116 = tpu.memref_slice %arg7[%mul3A_54, %dma_wait3A_115] : memref<40x128xi32, #tpu.memory_space<vmem>> -> memref<1x128xi32, #tpu.memory_space<vmem>>
          %dma_wait3A_117 = tpu.memref_squeeze %dma_wait3A_116 : memref<1x128xi32, #tpu.memory_space<vmem>> -> memref<128xi32, #tpu.memory_space<vmem>>
          %dma_wait3A_118 = arith.constant 0 : i32
          %dma_wait3A_119 = arith.constant 0 : i32
          %dma_wait3A_120 = tpu.memref_slice %arg10[%dma_wait3A_118, %dma_wait3A_119] : memref<10008x128xf32, #tpu.memory_space<vmem_shared>> -> memref<10008x128xf32, #tpu.memory_space<vmem_shared>>
          tpu.wait_indirect_dma semaphore(%arg14 : memref<!tpu.dma_semaphore, #tpu.memory_space<semaphore_mem>>) src(%arg9 : memref<128x128xf32, #tpu.memory_space<vmem>>) dst(%dma_wait3A_120 : memref<10008x128xf32, #tpu.memory_space<vmem_shared>>)
        } else {
        }
        %dma_start3A_78 = arith.constant 0 : i32
        %dma_start3A_79 = tpu.memref_slice %arg6[%add3A_57, %dma_start3A_78] : memref<40x128xi32, #tpu.memory_space<vmem>> -> memref<1x128xi32, #tpu.memory_space<vmem>>
        %dma_start3A_80 = tpu.memref_squeeze %dma_start3A_79 : memref<1x128xi32, #tpu.memory_space<vmem>> -> memref<128xi32, #tpu.memory_space<vmem>>
        %dma_start3A_81 = arith.constant 0 : i32
        %dma_start3A_82 = arith.constant 0 : i32
        %dma_start3A_83 = tpu.memref_slice %arg2[%arg0, %dma_start3A_81, %dma_start3A_82] : memref<2x10000x128xf32, #tpu.memory_space<hbm>> -> memref<1x10000x128xf32, #tpu.memory_space<hbm>>
        %dma_start3A_84 = tpu.memref_squeeze %dma_start3A_83 : memref<1x10000x128xf32, #tpu.memory_space<hbm>> -> memref<10000x128xf32, #tpu.memory_space<hbm>>
        %dma_start3A_85 = arith.constant 0 : i32
        %dma_start3A_86 = arith.constant 0 : i32
        %dma_start3A_87 = tpu.memref_slice %dma_start3A_84[%dma_start3A_85, %dma_start3A_86] : memref<10000x128xf32, #tpu.memory_space<hbm>> -> memref<10000x128xf32, #tpu.memory_space<hbm>>
        tpu.enqueue_indirect_dma source(%dma_start3A_87 : memref<10000x128xf32, #tpu.memory_space<hbm>>) target(%arg9 : memref<128x128xf32, #tpu.memory_space<vmem>>) offsets(%dma_start3A_80 : memref<128xi32, #tpu.memory_space<vmem>>) semaphore(%arg12 : memref<!tpu.dma_semaphore, #tpu.memory_space<semaphore_mem>>)
        %dma_wait3A_88 = arith.constant 0 : i32
        %dma_wait3A_89 = tpu.memref_slice %arg6[%add3A_57, %dma_wait3A_88] : memref<40x128xi32, #tpu.memory_space<vmem>> -> memref<1x128xi32, #tpu.memory_space<vmem>>
        %dma_wait3A_90 = tpu.memref_squeeze %dma_wait3A_89 : memref<1x128xi32, #tpu.memory_space<vmem>> -> memref<128xi32, #tpu.memory_space<vmem>>
        %dma_wait3A_91 = arith.constant 0 : i32
        %dma_wait3A_92 = arith.constant 0 : i32
        %dma_wait3A_93 = tpu.memref_slice %arg2[%arg0, %dma_wait3A_91, %dma_wait3A_92] : memref<2x10000x128xf32, #tpu.memory_space<hbm>> -> memref<1x10000x128xf32, #tpu.memory_space<hbm>>
        %dma_wait3A_94 = tpu.memref_squeeze %dma_wait3A_93 : memref<1x10000x128xf32, #tpu.memory_space<hbm>> -> memref<10000x128xf32, #tpu.memory_space<hbm>>
        %dma_wait3A_95 = arith.constant 0 : i32
        %dma_wait3A_96 = arith.constant 0 : i32
        %dma_wait3A_97 = tpu.memref_slice %dma_wait3A_94[%dma_wait3A_95, %dma_wait3A_96] : memref<10000x128xf32, #tpu.memory_space<hbm>> -> memref<10000x128xf32, #tpu.memory_space<hbm>>
        tpu.wait_indirect_dma semaphore(%arg12 : memref<!tpu.dma_semaphore, #tpu.memory_space<semaphore_mem>>) src(%dma_wait3A_97 : memref<10000x128xf32, #tpu.memory_space<hbm>>) dst(%arg9 : memref<128x128xf32, #tpu.memory_space<vmem>>)
        %dma_start3A_98 = arith.constant 0 : i32
        %dma_start3A_99 = tpu.memref_slice %arg7[%add3A_57, %dma_start3A_98] : memref<40x128xi32, #tpu.memory_space<vmem>> -> memref<1x128xi32, #tpu.memory_space<vmem>>
        %dma_start3A_100 = tpu.memref_squeeze %dma_start3A_99 : memref<1x128xi32, #tpu.memory_space<vmem>> -> memref<128xi32, #tpu.memory_space<vmem>>
        %dma_start3A_101 = arith.constant 0 : i32
        %dma_start3A_102 = arith.constant 0 : i32
        %dma_start3A_103 = tpu.memref_slice %arg10[%dma_start3A_101, %dma_start3A_102] : memref<10008x128xf32, #tpu.memory_space<vmem_shared>> -> memref<10008x128xf32, #tpu.memory_space<vmem_shared>>
        tpu.enqueue_indirect_dma source(%arg9 : memref<128x128xf32, #tpu.memory_space<vmem>>) target(%dma_start3A_103 : memref<10008x128xf32, #tpu.memory_space<vmem_shared>>) offsets(%dma_start3A_100 : memref<128xi32, #tpu.memory_space<vmem>>) semaphore(%arg14 : memref<!tpu.dma_semaphore, #tpu.memory_space<semaphore_mem>>) {add = true}
        %dma_wait3A_104 = arith.constant 0 : i32
        %dma_wait3A_105 = tpu.memref_slice %arg7[%mul3A_54, %dma_wait3A_104] : memref<40x128xi32, #tpu.memory_space<vmem>> -> memref<1x128xi32, #tpu.memory_space<vmem>>
        %dma_wait3A_106 = tpu.memref_squeeze %dma_wait3A_105 : memref<1x128xi32, #tpu.memory_space<vmem>> -> memref<128xi32, #tpu.memory_space<vmem>>
        %dma_wait3A_107 = arith.constant 0 : i32
        %dma_wait3A_108 = arith.constant 0 : i32
        %dma_wait3A_109 = tpu.memref_slice %arg10[%dma_wait3A_107, %dma_wait3A_108] : memref<10008x128xf32, #tpu.memory_space<vmem_shared>> -> memref<10008x128xf32, #tpu.memory_space<vmem_shared>>
        tpu.wait_indirect_dma semaphore(%arg13 : memref<!tpu.dma_semaphore, #tpu.memory_space<semaphore_mem>>) src(%arg8 : memref<128x128xf32, #tpu.memory_space<vmem>>) dst(%dma_wait3A_109 : memref<10008x128xf32, #tpu.memory_space<vmem_shared>>)
        %lt3A = arith.constant 19 : i32
        %lt3A_110 = arith.cmpi slt, %scan3A_51, %lt3A : i32
        %convert_element_type3A_111 = arith.extui %lt3A_110 : i1 to i32
        %cond3A_112 = arith.constant 0 : i32
        %cond3A_113 = arith.cmpi ne, %convert_element_type3A_111, %cond3A_112 : i32
        scf.if %cond3A_113 {
          %add3A_115 = arith.constant 1 : i32
          %add3A_116 = arith.addi %add3A_57, %add3A_115 : i32
          %dma_start3A_117 = arith.constant 0 : i32
          %dma_start3A_118 = tpu.memref_slice %arg6[%add3A_116, %dma_start3A_117] : memref<40x128xi32, #tpu.memory_space<vmem>> -> memref<1x128xi32, #tpu.memory_space<vmem>>
          %dma_start3A_119 = tpu.memref_squeeze %dma_start3A_118 : memref<1x128xi32, #tpu.memory_space<vmem>> -> memref<128xi32, #tpu.memory_space<vmem>>
          %dma_start3A_120 = arith.constant 0 : i32
          %dma_start3A_121 = arith.constant 0 : i32
          %dma_start3A_122 = tpu.memref_slice %arg2[%arg0, %dma_start3A_120, %dma_start3A_121] : memref<2x10000x128xf32, #tpu.memory_space<hbm>> -> memref<1x10000x128xf32, #tpu.memory_space<hbm>>
          %dma_start3A_123 = tpu.memref_squeeze %dma_start3A_122 : memref<1x10000x128xf32, #tpu.memory_space<hbm>> -> memref<10000x128xf32, #tpu.memory_space<hbm>>
          %dma_start3A_124 = arith.constant 0 : i32
          %dma_start3A_125 = arith.constant 0 : i32
          %dma_start3A_126 = tpu.memref_slice %dma_start3A_123[%dma_start3A_124, %dma_start3A_125] : memref<10000x128xf32, #tpu.memory_space<hbm>> -> memref<10000x128xf32, #tpu.memory_space<hbm>>
          tpu.enqueue_indirect_dma source(%dma_start3A_126 : memref<10000x128xf32, #tpu.memory_space<hbm>>) target(%arg8 : memref<128x128xf32, #tpu.memory_space<vmem>>) offsets(%dma_start3A_119 : memref<128xi32, #tpu.memory_space<vmem>>) semaphore(%arg11 : memref<!tpu.dma_semaphore, #tpu.memory_space<semaphore_mem>>)
        } else {
        }
        %scan3A_114 = arith.constant 0 : i32
        scf.yield %scan3A_114 : i32
      }
      %scan3A_43 = arith.constant 20 : i32
      %dma_wait3A = arith.constant 39 : i32
      %dma_wait3A_44 = arith.constant 0 : i32
      %dma_wait3A_45 = tpu.memref_slice %arg7[%dma_wait3A, %dma_wait3A_44] : memref<40x128xi32, #tpu.memory_space<vmem>> -> memref<1x128xi32, #tpu.memory_space<vmem>>
      %dma_wait3A_46 = tpu.memref_squeeze %dma_wait3A_45 : memref<1x128xi32, #tpu.memory_space<vmem>> -> memref<128xi32, #tpu.memory_space<vmem>>
      %dma_wait3A_47 = arith.constant 0 : i32
      %dma_wait3A_48 = arith.constant 0 : i32
      %dma_wait3A_49 = tpu.memref_slice %arg10[%dma_wait3A_47, %dma_wait3A_48] : memref<10008x128xf32, #tpu.memory_space<vmem_shared>> -> memref<10008x128xf32, #tpu.memory_space<vmem_shared>>
      tpu.wait_indirect_dma semaphore(%arg14 : memref<!tpu.dma_semaphore, #tpu.memory_space<semaphore_mem>>) src(%arg9 : memref<128x128xf32, #tpu.memory_space<vmem>>) dst(%dma_wait3A_49 : memref<10008x128xf32, #tpu.memory_space<vmem_shared>>)
      %scan3A_50 = arith.constant 0 : i32
      scf.yield %scan3A_50 : i32
    }
    %scan3A_10 = arith.constant 4 : i32
    %barrier3A_11 = arith.constant 0 : index
    tpu.barrier barrier_id(%barrier3A_11)
    %mul3A_12 = arith.constant 624 : i32
    %mul3A_13 = arith.muli %arg1, %mul3A_12 : i32
    %mul3A_14 = arith.constant 624 : i32
    %mul3A_15 = arith.muli %arg1, %mul3A_14 : i32
    "tpu.region"() ({
      %run_scoped3A = tpu.sem_alloc : memref<!tpu.dma_semaphore, #tpu.memory_space<semaphore_mem>>
      %dma_start3A = arith.constant 0 : i32
      %dma_start3A_21 = arith.constant 0 : i32
      %dma_start3A_22 = tpu.memref_slice %arg5[%arg0, %dma_start3A, %dma_start3A_21] : memref<2x10000x128xf32, #tpu.memory_space<hbm>> -> memref<1x10000x128xf32, #tpu.memory_space<hbm>>
      %dma_start3A_23 = tpu.memref_squeeze %dma_start3A_22 : memref<1x10000x128xf32, #tpu.memory_space<hbm>> -> memref<10000x128xf32, #tpu.memory_space<hbm>>
      %dma_start3A_24 = arith.constant 0 : i32
      %dma_start3A_25 = tpu.memref_slice %dma_start3A_23[%mul3A_15, %dma_start3A_24] : memref<10000x128xf32, #tpu.memory_space<hbm>> -> memref<624x128xf32, #tpu.memory_space<hbm>>
      %dma_start3A_26 = arith.constant 0 : i32
      %dma_start3A_27 = tpu.memref_slice %arg10[%mul3A_13, %dma_start3A_26] : memref<10008x128xf32, #tpu.memory_space<vmem_shared>> -> memref<624x128xf32, #tpu.memory_space<vmem_shared>>
      tpu.enqueue_dma source(%dma_start3A_27 : memref<624x128xf32, #tpu.memory_space<vmem_shared>>) target(%dma_start3A_25 : memref<624x128xf32, #tpu.memory_space<hbm>>) target_semaphore(%run_scoped3A : memref<!tpu.dma_semaphore, #tpu.memory_space<semaphore_mem>>)
      %dma_wait3A = arith.constant 0 : i32
      %dma_wait3A_28 = arith.constant 0 : i32
      %dma_wait3A_29 = tpu.memref_slice %arg5[%arg0, %dma_wait3A, %dma_wait3A_28] : memref<2x10000x128xf32, #tpu.memory_space<hbm>> -> memref<1x10000x128xf32, #tpu.memory_space<hbm>>
      %dma_wait3A_30 = tpu.memref_squeeze %dma_wait3A_29 : memref<1x10000x128xf32, #tpu.memory_space<hbm>> -> memref<10000x128xf32, #tpu.memory_space<hbm>>
      %dma_wait3A_31 = arith.constant 0 : i32
      %dma_wait3A_32 = tpu.memref_slice %dma_wait3A_30[%mul3A_15, %dma_wait3A_31] : memref<10000x128xf32, #tpu.memory_space<hbm>> -> memref<624x128xf32, #tpu.memory_space<hbm>>
      %dma_wait3A_33 = arith.constant 0 : i32
      %dma_wait3A_34 = tpu.memref_slice %arg10[%mul3A_13, %dma_wait3A_33] : memref<10008x128xf32, #tpu.memory_space<vmem_shared>> -> memref<624x128xf32, #tpu.memory_space<vmem_shared>>
      tpu.wait_dma2 semaphore(%run_scoped3A : memref<!tpu.dma_semaphore, #tpu.memory_space<semaphore_mem>>) src(%dma_wait3A_34 : memref<624x128xf32, #tpu.memory_space<vmem_shared>>) dst(%dma_wait3A_32 : memref<624x128xf32, #tpu.memory_space<hbm>>)
      tpu.yield
    }) : () -> ()
    %eq3A_16 = arith.constant 0 : i32
    %eq3A_17 = arith.cmpi eq, %arg1, %eq3A_16 : i32
    %convert_element_type3A_18 = arith.extui %eq3A_17 : i1 to i32
    %cond3A_19 = arith.constant 0 : i32
    %cond3A_20 = arith.cmpi ne, %convert_element_type3A_18, %cond3A_19 : i32
    scf.if %cond3A_20 {
      "tpu.region"() ({
        %run_scoped3A = tpu.sem_alloc : memref<!tpu.dma_semaphore, #tpu.memory_space<semaphore_mem>>
        %dma_start3A = arith.constant 0 : i32
        %dma_start3A_21 = arith.constant 0 : i32
        %dma_start3A_22 = tpu.memref_slice %arg5[%arg0, %dma_start3A, %dma_start3A_21] : memref<2x10000x128xf32, #tpu.memory_space<hbm>> -> memref<1x10000x128xf32, #tpu.memory_space<hbm>>
        %dma_start3A_23 = tpu.memref_squeeze %dma_start3A_22 : memref<1x10000x128xf32, #tpu.memory_space<hbm>> -> memref<10000x128xf32, #tpu.memory_space<hbm>>
        %dma_start3A_24 = arith.constant 9984 : i32
        %dma_start3A_25 = arith.constant 0 : i32
        %dma_start3A_26 = tpu.memref_slice %dma_start3A_23[%dma_start3A_24, %dma_start3A_25] : memref<10000x128xf32, #tpu.memory_space<hbm>> -> memref<16x128xf32, #tpu.memory_space<hbm>>
        %dma_start3A_27 = arith.constant 9984 : i32
        %dma_start3A_28 = arith.constant 0 : i32
        %dma_start3A_29 = tpu.memref_slice %arg10[%dma_start3A_27, %dma_start3A_28] : memref<10008x128xf32, #tpu.memory_space<vmem_shared>> -> memref<16x128xf32, #tpu.memory_space<vmem_shared>>
        tpu.enqueue_dma source(%dma_start3A_29 : memref<16x128xf32, #tpu.memory_space<vmem_shared>>) target(%dma_start3A_26 : memref<16x128xf32, #tpu.memory_space<hbm>>) target_semaphore(%run_scoped3A : memref<!tpu.dma_semaphore, #tpu.memory_space<semaphore_mem>>)
        %dma_wait3A = arith.constant 0 : i32
        %dma_wait3A_30 = arith.constant 0 : i32
        %dma_wait3A_31 = tpu.memref_slice %arg5[%arg0, %dma_wait3A, %dma_wait3A_30] : memref<2x10000x128xf32, #tpu.memory_space<hbm>> -> memref<1x10000x128xf32, #tpu.memory_space<hbm>>
        %dma_wait3A_32 = tpu.memref_squeeze %dma_wait3A_31 : memref<1x10000x128xf32, #tpu.memory_space<hbm>> -> memref<10000x128xf32, #tpu.memory_space<hbm>>
        %dma_wait3A_33 = arith.constant 9984 : i32
        %dma_wait3A_34 = arith.constant 0 : i32
        %dma_wait3A_35 = tpu.memref_slice %dma_wait3A_32[%dma_wait3A_33, %dma_wait3A_34] : memref<10000x128xf32, #tpu.memory_space<hbm>> -> memref<16x128xf32, #tpu.memory_space<hbm>>
        %dma_wait3A_36 = arith.constant 9984 : i32
        %dma_wait3A_37 = arith.constant 0 : i32
        %dma_wait3A_38 = tpu.memref_slice %arg10[%dma_wait3A_36, %dma_wait3A_37] : memref<10008x128xf32, #tpu.memory_space<vmem_shared>> -> memref<16x128xf32, #tpu.memory_space<vmem_shared>>
        tpu.wait_dma2 semaphore(%run_scoped3A : memref<!tpu.dma_semaphore, #tpu.memory_space<semaphore_mem>>) src(%dma_wait3A_38 : memref<16x128xf32, #tpu.memory_space<vmem_shared>>) dst(%dma_wait3A_35 : memref<16x128xf32, #tpu.memory_space<hbm>>)
        tpu.yield
      }) : () -> ()
    } else {
    }
    return
  }
}

module attributes {stable_mosaic.version = 14 : i64} {
  func.func @gcn_mm_tc(%arg0: i32, %arg1: memref<1000x128xf32, #tpu.memory_space<vmem>>, %arg2: memref<128x256xf32, #tpu.memory_space<vmem>>, %arg3: memref<2x1000x128xf32, #tpu.memory_space<vmem>>) attributes {dimension_semantics = [#tpu.dimension_semantics<arbitrary>], iteration_bounds = array<i64: 10>, scalar_prefetch = 0 : i64, scratch_operands = 0 : i64, tpu.core_type = #tpu.core_type<tc>, window_params = [{transform_indices = @transform_0, window_bounds = array<i64: 1000, 128>}, {transform_indices = @transform_1, window_bounds = array<i64: 128, 256>}, {transform_indices = @transform_2, window_bounds = array<i64: 2, 1000, 128>}]} {
    %get3A = arith.constant 0 : index
    %get3A_0 = arith.constant 0 : index
    %get3A_1 = vector.load %arg1[%get3A, %get3A_0] : memref<1000x128xf32, #tpu.memory_space<vmem>>, vector<1000x128xf32>
    %get3A_2 = arith.constant 0 : index
    %get3A_3 = arith.constant 0 : index
    %get3A_4 = vector.load %arg2[%get3A_2, %get3A_3] : memref<128x256xf32, #tpu.memory_space<vmem>>, vector<128x256xf32>
    %dot_general3A = arith.constant dense<0.000000e+00> : vector<1000x256xf32>
    %dot_general3A_5 = tpu.matmul %get3A_1, %get3A_4, %dot_general3A {dimension_numbers = #tpu.dot_dimension_numbers<[1], [0], [0], [1], [0, 0, 1, 1], [], []>, transpose_lhs_hint = false} : vector<1000x128xf32>, vector<128x256xf32>, vector<1000x256xf32> -> vector<1000x256xf32>
    %slice3A = vector.extract_strided_slice %dot_general3A_5 {offsets = [0, 0], sizes = [1000, 128], strides = [1, 1]} : vector<1000x256xf32> to vector<1000x128xf32>
    %swap3A = arith.constant 0 : index
    %swap3A_6 = arith.constant 0 : index
    %swap3A_7 = arith.constant 0 : index
    %swap3A_8 = vector.load %arg3[%swap3A, %swap3A_6, %swap3A_7] : memref<2x1000x128xf32, #tpu.memory_space<vmem>>, vector<1x1000x128xf32>
    %swap3A_9 = vector.shape_cast %swap3A_8 : vector<1x1000x128xf32> to vector<1000x128xf32>
    %swap3A_10 = vector.shape_cast %slice3A : vector<1000x128xf32> to vector<1x1000x128xf32>
    tpu.vector_store %arg3[%swap3A, %swap3A_6, %swap3A_7], %swap3A_10 {strides = array<i32>} : memref<2x1000x128xf32, #tpu.memory_space<vmem>>, vector<1x1000x128xf32>,
    %slice3A_11 = vector.extract_strided_slice %dot_general3A_5 {offsets = [0, 128], sizes = [1000, 128], strides = [1, 1]} : vector<1000x256xf32> to vector<1000x128xf32>
    %swap3A_12 = arith.constant 1 : index
    %swap3A_13 = arith.constant 0 : index
    %swap3A_14 = arith.constant 0 : index
    %swap3A_15 = vector.load %arg3[%swap3A_12, %swap3A_13, %swap3A_14] : memref<2x1000x128xf32, #tpu.memory_space<vmem>>, vector<1x1000x128xf32>
    %swap3A_16 = vector.shape_cast %swap3A_15 : vector<1x1000x128xf32> to vector<1000x128xf32>
    %swap3A_17 = vector.shape_cast %slice3A_11 : vector<1000x128xf32> to vector<1x1000x128xf32>
    tpu.vector_store %arg3[%swap3A_12, %swap3A_13, %swap3A_14], %swap3A_17 {strides = array<i32>} : memref<2x1000x128xf32, #tpu.memory_space<vmem>>, vector<1x1000x128xf32>,
    return
  }
  func.func @transform_0(%arg0: i32) -> (i32, i32) {
    %c0_i32 = arith.constant 0 : i32
    %c0_i32_0 = arith.constant 0 : i32
    return %arg0, %c0_i32 : i32, i32
  }
  func.func @transform_1(%arg0: i32) -> (i32, i32) {
    %c0_i32 = arith.constant 0 : i32
    %c0_i32_0 = arith.constant 0 : i32
    %c0_i32_1 = arith.constant 0 : i32
    return %c0_i32, %c0_i32_0 : i32, i32
  }
  func.func @transform_2(%arg0: i32) -> (i32, i32, i32) {
    %c0_i32 = arith.constant 0 : i32
    %c0_i32_0 = arith.constant 0 : i32
    %c0_i32_1 = arith.constant 0 : i32
    return %c0_i32, %arg0, %c0_i32_0 : i32, i32, i32
  }
}

module attributes {stable_mosaic.version = 14 : i64} {
  func.func @gcn_mm_tc(%arg0: i32, %arg1: memref<1000x128xf32, #tpu.memory_space<vmem>>, %arg2: memref<128x256xf32, #tpu.memory_space<vmem>>, %arg3: memref<2x1000x128xf32, #tpu.memory_space<vmem>>) attributes {dimension_semantics = [#tpu.dimension_semantics<arbitrary>], iteration_bounds = array<i64: 10>, scalar_prefetch = 0 : i64, scratch_operands = 0 : i64, tpu.core_type = #tpu.core_type<tc>, window_params = [{transform_indices = @transform_0, window_bounds = array<i64: 1000, 128>}, {pipeline_mode = #tpu.pipeline_mode<synchronous>, transform_indices = @transform_1, window_bounds = array<i64: 128, 256>}, {transform_indices = @transform_2, window_bounds = array<i64: 2, 1000, 128>}]} {
    %get3A = arith.constant 0 : index
    %get3A_0 = arith.constant 0 : index
    %get3A_1 = vector.load %arg1[%get3A, %get3A_0] : memref<1000x128xf32, #tpu.memory_space<vmem>>, vector<1000x128xf32>
    %get3A_2 = arith.constant 0 : index
    %get3A_3 = arith.constant 0 : index
    %get3A_4 = vector.load %arg2[%get3A_2, %get3A_3] : memref<128x256xf32, #tpu.memory_space<vmem>>, vector<128x256xf32>
    %dot_general3A = arith.constant dense<0.000000e+00> : vector<1000x256xf32>
    %dot_general3A_5 = tpu.matmul %get3A_1, %get3A_4, %dot_general3A {dimension_numbers = #tpu.dot_dimension_numbers<[1], [0], [0], [1], [0, 0, 1, 1], [], []>, transpose_lhs_hint = false} : vector<1000x128xf32>, vector<128x256xf32>, vector<1000x256xf32> -> vector<1000x256xf32>
    %slice3A = vector.extract_strided_slice %dot_general3A_5 {offsets = [0, 0], sizes = [1000, 128], strides = [1, 1]} : vector<1000x256xf32> to vector<1000x128xf32>
    %swap3A = arith.constant 0 : index
    %swap3A_6 = arith.constant 0 : index
    %swap3A_7 = arith.constant 0 : index
    %swap3A_8 = vector.load %arg3[%swap3A, %swap3A_6, %swap3A_7] : memref<2x1000x128xf32, #tpu.memory_space<vmem>>, vector<1x1000x128xf32>
    %swap3A_9 = vector.shape_cast %swap3A_8 : vector<1x1000x128xf32> to vector<1000x128xf32>
    %swap3A_10 = vector.shape_cast %slice3A : vector<1000x128xf32> to vector<1x1000x128xf32>
    tpu.vector_store %arg3[%swap3A, %swap3A_6, %swap3A_7], %swap3A_10 {strides = array<i32>} : memref<2x1000x128xf32, #tpu.memory_space<vmem>>, vector<1x1000x128xf32>,
    %slice3A_11 = vector.extract_strided_slice %dot_general3A_5 {offsets = [0, 128], sizes = [1000, 128], strides = [1, 1]} : vector<1000x256xf32> to vector<1000x128xf32>
    %swap3A_12 = arith.constant 1 : index
    %swap3A_13 = arith.constant 0 : index
    %swap3A_14 = arith.constant 0 : index
    %swap3A_15 = vector.load %arg3[%swap3A_12, %swap3A_13, %swap3A_14] : memref<2x1000x128xf32, #tpu.memory_space<vmem>>, vector<1x1000x128xf32>
    %swap3A_16 = vector.shape_cast %swap3A_15 : vector<1x1000x128xf32> to vector<1000x128xf32>
    %swap3A_17 = vector.shape_cast %slice3A_11 : vector<1000x128xf32> to vector<1x1000x128xf32>
    tpu.vector_store %arg3[%swap3A_12, %swap3A_13, %swap3A_14], %swap3A_17 {strides = array<i32>} : memref<2x1000x128xf32, #tpu.memory_space<vmem>>, vector<1x1000x128xf32>,
    return
  }
  func.func @transform_0(%arg0: i32) -> (i32, i32) {
    %c0_i32 = arith.constant 0 : i32
    %c0_i32_0 = arith.constant 0 : i32
    return %arg0, %c0_i32 : i32, i32
  }
  func.func @transform_1(%arg0: i32) -> (i32, i32) {
    %c0_i32 = arith.constant 0 : i32
    %c0_i32_0 = arith.constant 0 : i32
    %c0_i32_1 = arith.constant 0 : i32
    return %c0_i32, %c0_i32_0 : i32, i32
  }
  func.func @transform_2(%arg0: i32) -> (i32, i32, i32) {
    %c0_i32 = arith.constant 0 : i32
    %c0_i32_0 = arith.constant 0 : i32
    %c0_i32_1 = arith.constant 0 : i32
    return %c0_i32, %arg0, %c0_i32_0 : i32, i32, i32
  }
}

module attributes {stable_mosaic.version = 14 : i64} {
  func.func @gcn_scale_tc(%arg0: i32, %arg1: memref<2x1000x128xf32, #tpu.memory_space<vmem>>, %arg2: memref<1000x128xf32, #tpu.memory_space<vmem>>, %arg3: memref<2x1000x128xf32, #tpu.memory_space<vmem>>) attributes {dimension_semantics = [#tpu.dimension_semantics<arbitrary>], iteration_bounds = array<i64: 10>, scalar_prefetch = 0 : i64, scratch_operands = 0 : i64, tpu.core_type = #tpu.core_type<tc>, window_params = [{transform_indices = @transform_0, window_bounds = array<i64: 2, 1000, 128>}, {transform_indices = @transform_1, window_bounds = array<i64: 1000, 128>}, {transform_indices = @transform_2, window_bounds = array<i64: 2, 1000, 128>}]} {
    %get3A = arith.constant 0 : index
    %get3A_0 = arith.constant 0 : index
    %get3A_1 = vector.load %arg2[%get3A, %get3A_0] : memref<1000x128xf32, #tpu.memory_space<vmem>>, vector<1000x1xf32>
    %rsqrt3A = math.rsqrt %get3A_1 : vector<1000x1xf32>
    %get3A_2 = arith.constant 0 : index
    %get3A_3 = arith.constant 0 : index
    %get3A_4 = arith.constant 0 : index
    %get3A_5 = vector.load %arg1[%get3A_2, %get3A_3, %get3A_4] : memref<2x1000x128xf32, #tpu.memory_space<vmem>>, vector<1x1000x128xf32>
    %get3A_6 = vector.shape_cast %get3A_5 : vector<1x1000x128xf32> to vector<1000x128xf32>
    %mul3A = vector.broadcast %rsqrt3A : vector<1000x1xf32> to vector<1000x128xf32>
    %mul3A_7 = arith.mulf %get3A_6, %mul3A : vector<1000x128xf32>
    %swap3A = arith.constant 0 : index
    %swap3A_8 = arith.constant 0 : index
    %swap3A_9 = arith.constant 0 : index
    %swap3A_10 = vector.load %arg3[%swap3A, %swap3A_8, %swap3A_9] : memref<2x1000x128xf32, #tpu.memory_space<vmem>>, vector<1x1000x128xf32>
    %swap3A_11 = vector.shape_cast %swap3A_10 : vector<1x1000x128xf32> to vector<1000x128xf32>
    %swap3A_12 = vector.shape_cast %mul3A_7 : vector<1000x128xf32> to vector<1x1000x128xf32>
    tpu.vector_store %arg3[%swap3A, %swap3A_8, %swap3A_9], %swap3A_12 {strides = array<i32>} : memref<2x1000x128xf32, #tpu.memory_space<vmem>>, vector<1x1000x128xf32>,
    %get3A_13 = arith.constant 1 : index
    %get3A_14 = arith.constant 0 : index
    %get3A_15 = arith.constant 0 : index
    %get3A_16 = vector.load %arg1[%get3A_13, %get3A_14, %get3A_15] : memref<2x1000x128xf32, #tpu.memory_space<vmem>>, vector<1x1000x128xf32>
    %get3A_17 = vector.shape_cast %get3A_16 : vector<1x1000x128xf32> to vector<1000x128xf32>
    %mul3A_18 = vector.broadcast %rsqrt3A : vector<1000x1xf32> to vector<1000x128xf32>
    %mul3A_19 = arith.mulf %get3A_17, %mul3A_18 : vector<1000x128xf32>
    %swap3A_20 = arith.constant 1 : index
    %swap3A_21 = arith.constant 0 : index
    %swap3A_22 = arith.constant 0 : index
    %swap3A_23 = vector.load %arg3[%swap3A_20, %swap3A_21, %swap3A_22] : memref<2x1000x128xf32, #tpu.memory_space<vmem>>, vector<1x1000x128xf32>
    %swap3A_24 = vector.shape_cast %swap3A_23 : vector<1x1000x128xf32> to vector<1000x128xf32>
    %swap3A_25 = vector.shape_cast %mul3A_19 : vector<1000x128xf32> to vector<1x1000x128xf32>
    tpu.vector_store %arg3[%swap3A_20, %swap3A_21, %swap3A_22], %swap3A_25 {strides = array<i32>} : memref<2x1000x128xf32, #tpu.memory_space<vmem>>, vector<1x1000x128xf32>,
    return
  }
  func.func @transform_0(%arg0: i32) -> (i32, i32, i32) {
    %c0_i32 = arith.constant 0 : i32
    %c0_i32_0 = arith.constant 0 : i32
    %c0_i32_1 = arith.constant 0 : i32
    return %c0_i32, %arg0, %c0_i32_0 : i32, i32, i32
  }
  func.func @transform_1(%arg0: i32) -> (i32, i32) {
    %c0_i32 = arith.constant 0 : i32
    %c0_i32_0 = arith.constant 0 : i32
    return %arg0, %c0_i32 : i32, i32
  }
  func.func @transform_2(%arg0: i32) -> (i32, i32, i32) {
    %c0_i32 = arith.constant 0 : i32
    %c0_i32_0 = arith.constant 0 : i32
    %c0_i32_1 = arith.constant 0 : i32
    return %c0_i32, %arg0, %c0_i32_0 : i32, i32, i32
  }
}

module attributes {stable_mosaic.version = 14 : i64} {
  func.func @gcn_mid_tc(%arg0: i32, %arg1: memref<2x1000x128xf32, #tpu.memory_space<vmem>>, %arg2: memref<1000x128xf32, #tpu.memory_space<vmem>>, %arg3: memref<1x256xf32, #tpu.memory_space<vmem>>, %arg4: memref<256x256xf32, #tpu.memory_space<vmem>>, %arg5: memref<2x1000x128xf32, #tpu.memory_space<vmem>>) attributes {dimension_semantics = [#tpu.dimension_semantics<arbitrary>], iteration_bounds = array<i64: 10>, scalar_prefetch = 0 : i64, scratch_operands = 0 : i64, tpu.core_type = #tpu.core_type<tc>, window_params = [{transform_indices = @transform_0, window_bounds = array<i64: 2, 1000, 128>}, {transform_indices = @transform_1, window_bounds = array<i64: 1000, 128>}, {pipeline_mode = #tpu.pipeline_mode<synchronous>, transform_indices = @transform_2, window_bounds = array<i64: 1, 256>}, {pipeline_mode = #tpu.pipeline_mode<synchronous>, transform_indices = @transform_3, window_bounds = array<i64: 256, 256>}, {transform_indices = @transform_4, window_bounds = array<i64: 2, 1000, 128>}]} {
    %get3A = arith.constant 0 : index
    %get3A_0 = arith.constant 0 : index
    %get3A_1 = vector.load %arg2[%get3A, %get3A_0] : memref<1000x128xf32, #tpu.memory_space<vmem>>, vector<1000x1xf32>
    %rsqrt3A = math.rsqrt %get3A_1 : vector<1000x1xf32>
    %get3A_2 = arith.constant 0 : index
    %get3A_3 = arith.constant 0 : index
    %get3A_4 = arith.constant 0 : index
    %get3A_5 = vector.load %arg1[%get3A_2, %get3A_3, %get3A_4] : memref<2x1000x128xf32, #tpu.memory_space<vmem>>, vector<1x1000x128xf32>
    %get3A_6 = vector.shape_cast %get3A_5 : vector<1x1000x128xf32> to vector<1000x128xf32>
    %mul3A = vector.broadcast %rsqrt3A : vector<1000x1xf32> to vector<1000x128xf32>
    %mul3A_7 = arith.mulf %get3A_6, %mul3A : vector<1000x128xf32>
    %get3A_8 = arith.constant 0 : index
    %get3A_9 = arith.constant 0 : index
    %get3A_10 = vector.load %arg3[%get3A_8, %get3A_9] : memref<1x256xf32, #tpu.memory_space<vmem>>, vector<1x128xf32>
    %add3A = vector.broadcast %get3A_10 : vector<1x128xf32> to vector<1000x128xf32>
    %add3A_11 = arith.addf %mul3A_7, %add3A : vector<1000x128xf32>
    %max3A = arith.constant 0.000000e+00 : f32
    %max3A_12 = vector.broadcast %max3A : f32 to vector<1000x128xf32>
    %max3A_13 = arith.maximumf %add3A_11, %max3A_12 : vector<1000x128xf32>
    %get3A_14 = arith.constant 1 : index
    %get3A_15 = arith.constant 0 : index
    %get3A_16 = arith.constant 0 : index
    %get3A_17 = vector.load %arg1[%get3A_14, %get3A_15, %get3A_16] : memref<2x1000x128xf32, #tpu.memory_space<vmem>>, vector<1x1000x128xf32>
    %get3A_18 = vector.shape_cast %get3A_17 : vector<1x1000x128xf32> to vector<1000x128xf32>
    %mul3A_19 = vector.broadcast %rsqrt3A : vector<1000x1xf32> to vector<1000x128xf32>
    %mul3A_20 = arith.mulf %get3A_18, %mul3A_19 : vector<1000x128xf32>
    %get3A_21 = arith.constant 0 : index
    %get3A_22 = arith.constant 128 : index
    %get3A_23 = vector.load %arg3[%get3A_21, %get3A_22] : memref<1x256xf32, #tpu.memory_space<vmem>>, vector<1x128xf32>
    %add3A_24 = vector.broadcast %get3A_23 : vector<1x128xf32> to vector<1000x128xf32>
    %add3A_25 = arith.addf %mul3A_20, %add3A_24 : vector<1000x128xf32>
    %max3A_26 = arith.constant 0.000000e+00 : f32
    %max3A_27 = vector.broadcast %max3A_26 : f32 to vector<1000x128xf32>
    %max3A_28 = arith.maximumf %add3A_25, %max3A_27 : vector<1000x128xf32>
    %get3A_29 = arith.constant 0 : index
    %get3A_30 = arith.constant 0 : index
    %get3A_31 = vector.load %arg4[%get3A_29, %get3A_30] : memref<256x256xf32, #tpu.memory_space<vmem>>, vector<128x256xf32>
    %dot_general3A = arith.constant dense<0.000000e+00> : vector<1000x256xf32>
    %dot_general3A_32 = tpu.matmul %max3A_13, %get3A_31, %dot_general3A {dimension_numbers = #tpu.dot_dimension_numbers<[1], [0], [0], [1], [0, 0, 1, 1], [], []>, transpose_lhs_hint = false} : vector<1000x128xf32>, vector<128x256xf32>, vector<1000x256xf32> -> vector<1000x256xf32>
    %get3A_33 = arith.constant 128 : index
    %get3A_34 = arith.constant 0 : index
    %get3A_35 = vector.load %arg4[%get3A_33, %get3A_34] : memref<256x256xf32, #tpu.memory_space<vmem>>, vector<128x256xf32>
    %dot_general3A_36 = arith.constant dense<0.000000e+00> : vector<1000x256xf32>
    %dot_general3A_37 = tpu.matmul %max3A_28, %get3A_35, %dot_general3A_36 {dimension_numbers = #tpu.dot_dimension_numbers<[1], [0], [0], [1], [0, 0, 1, 1], [], []>, transpose_lhs_hint = false} : vector<1000x128xf32>, vector<128x256xf32>, vector<1000x256xf32> -> vector<1000x256xf32>
    %add3A_38 = arith.addf %dot_general3A_32, %dot_general3A_37 : vector<1000x256xf32>
    %mul3A_39 = vector.broadcast %rsqrt3A : vector<1000x1xf32> to vector<1000x256xf32>
    %mul3A_40 = arith.mulf %add3A_38, %mul3A_39 : vector<1000x256xf32>
    %slice3A = vector.extract_strided_slice %mul3A_40 {offsets = [0, 0], sizes = [1000, 128], strides = [1, 1]} : vector<1000x256xf32> to vector<1000x128xf32>
    %swap3A = arith.constant 0 : index
    %swap3A_41 = arith.constant 0 : index
    %swap3A_42 = arith.constant 0 : index
    %swap3A_43 = vector.load %arg5[%swap3A, %swap3A_41, %swap3A_42] : memref<2x1000x128xf32, #tpu.memory_space<vmem>>, vector<1x1000x128xf32>
    %swap3A_44 = vector.shape_cast %swap3A_43 : vector<1x1000x128xf32> to vector<1000x128xf32>
    %swap3A_45 = vector.shape_cast %slice3A : vector<1000x128xf32> to vector<1x1000x128xf32>
    tpu.vector_store %arg5[%swap3A, %swap3A_41, %swap3A_42], %swap3A_45 {strides = array<i32>} : memref<2x1000x128xf32, #tpu.memory_space<vmem>>, vector<1x1000x128xf32>,
    %slice3A_46 = vector.extract_strided_slice %mul3A_40 {offsets = [0, 128], sizes = [1000, 128], strides = [1, 1]} : vector<1000x256xf32> to vector<1000x128xf32>
    %swap3A_47 = arith.constant 1 : index
    %swap3A_48 = arith.constant 0 : index
    %swap3A_49 = arith.constant 0 : index
    %swap3A_50 = vector.load %arg5[%swap3A_47, %swap3A_48, %swap3A_49] : memref<2x1000x128xf32, #tpu.memory_space<vmem>>, vector<1x1000x128xf32>
    %swap3A_51 = vector.shape_cast %swap3A_50 : vector<1x1000x128xf32> to vector<1000x128xf32>
    %swap3A_52 = vector.shape_cast %slice3A_46 : vector<1000x128xf32> to vector<1x1000x128xf32>
    tpu.vector_store %arg5[%swap3A_47, %swap3A_48, %swap3A_49], %swap3A_52 {strides = array<i32>} : memref<2x1000x128xf32, #tpu.memory_space<vmem>>, vector<1x1000x128xf32>,
    return
  }
  func.func @transform_0(%arg0: i32) -> (i32, i32, i32) {
    %c0_i32 = arith.constant 0 : i32
    %c0_i32_0 = arith.constant 0 : i32
    %c0_i32_1 = arith.constant 0 : i32
    return %c0_i32, %arg0, %c0_i32_0 : i32, i32, i32
  }
  func.func @transform_1(%arg0: i32) -> (i32, i32) {
    %c0_i32 = arith.constant 0 : i32
    %c0_i32_0 = arith.constant 0 : i32
    return %arg0, %c0_i32 : i32, i32
  }
  func.func @transform_2(%arg0: i32) -> (i32, i32) {
    %c0_i32 = arith.constant 0 : i32
    %c0_i32_0 = arith.constant 0 : i32
    %c0_i32_1 = arith.constant 0 : i32
    return %c0_i32, %c0_i32_0 : i32, i32
  }
  func.func @transform_3(%arg0: i32) -> (i32, i32) {
    %c0_i32 = arith.constant 0 : i32
    %c0_i32_0 = arith.constant 0 : i32
    %c0_i32_1 = arith.constant 0 : i32
    return %c0_i32, %c0_i32_0 : i32, i32
  }
  func.func @transform_4(%arg0: i32) -> (i32, i32, i32) {
    %c0_i32 = arith.constant 0 : i32
    %c0_i32_0 = arith.constant 0 : i32
    %c0_i32_1 = arith.constant 0 : i32
    return %c0_i32, %arg0, %c0_i32_0 : i32, i32, i32
  }
}

module attributes {stable_mosaic.version = 14 : i64} {
  func.func @gcn_mid_tc(%arg0: i32, %arg1: memref<2x1000x128xf32, #tpu.memory_space<vmem>>, %arg2: memref<1000x128xf32, #tpu.memory_space<vmem>>, %arg3: memref<1x256xf32, #tpu.memory_space<vmem>>, %arg4: memref<256x256xf32, #tpu.memory_space<vmem>>, %arg5: memref<2x1000x128xf32, #tpu.memory_space<vmem>>) attributes {dimension_semantics = [#tpu.dimension_semantics<arbitrary>], iteration_bounds = array<i64: 10>, scalar_prefetch = 0 : i64, scratch_operands = 0 : i64, tpu.core_type = #tpu.core_type<tc>, window_params = [{transform_indices = @transform_0, window_bounds = array<i64: 2, 1000, 128>}, {transform_indices = @transform_1, window_bounds = array<i64: 1000, 128>}, {pipeline_mode = #tpu.pipeline_mode<synchronous>, transform_indices = @transform_2, window_bounds = array<i64: 1, 256>}, {transform_indices = @transform_3, window_bounds = array<i64: 256, 256>}, {transform_indices = @transform_4, window_bounds = array<i64: 2, 1000, 128>}]} {
    %get3A = arith.constant 0 : index
    %get3A_0 = arith.constant 0 : index
    %get3A_1 = vector.load %arg2[%get3A, %get3A_0] : memref<1000x128xf32, #tpu.memory_space<vmem>>, vector<1000x1xf32>
    %rsqrt3A = math.rsqrt %get3A_1 : vector<1000x1xf32>
    %get3A_2 = arith.constant 0 : index
    %get3A_3 = arith.constant 0 : index
    %get3A_4 = arith.constant 0 : index
    %get3A_5 = vector.load %arg1[%get3A_2, %get3A_3, %get3A_4] : memref<2x1000x128xf32, #tpu.memory_space<vmem>>, vector<1x1000x128xf32>
    %get3A_6 = vector.shape_cast %get3A_5 : vector<1x1000x128xf32> to vector<1000x128xf32>
    %mul3A = vector.broadcast %rsqrt3A : vector<1000x1xf32> to vector<1000x128xf32>
    %mul3A_7 = arith.mulf %get3A_6, %mul3A : vector<1000x128xf32>
    %get3A_8 = arith.constant 0 : index
    %get3A_9 = arith.constant 0 : index
    %get3A_10 = vector.load %arg3[%get3A_8, %get3A_9] : memref<1x256xf32, #tpu.memory_space<vmem>>, vector<1x128xf32>
    %add3A = vector.broadcast %get3A_10 : vector<1x128xf32> to vector<1000x128xf32>
    %add3A_11 = arith.addf %mul3A_7, %add3A : vector<1000x128xf32>
    %max3A = arith.constant 0.000000e+00 : f32
    %max3A_12 = vector.broadcast %max3A : f32 to vector<1000x128xf32>
    %max3A_13 = arith.maximumf %add3A_11, %max3A_12 : vector<1000x128xf32>
    %get3A_14 = arith.constant 1 : index
    %get3A_15 = arith.constant 0 : index
    %get3A_16 = arith.constant 0 : index
    %get3A_17 = vector.load %arg1[%get3A_14, %get3A_15, %get3A_16] : memref<2x1000x128xf32, #tpu.memory_space<vmem>>, vector<1x1000x128xf32>
    %get3A_18 = vector.shape_cast %get3A_17 : vector<1x1000x128xf32> to vector<1000x128xf32>
    %mul3A_19 = vector.broadcast %rsqrt3A : vector<1000x1xf32> to vector<1000x128xf32>
    %mul3A_20 = arith.mulf %get3A_18, %mul3A_19 : vector<1000x128xf32>
    %get3A_21 = arith.constant 0 : index
    %get3A_22 = arith.constant 128 : index
    %get3A_23 = vector.load %arg3[%get3A_21, %get3A_22] : memref<1x256xf32, #tpu.memory_space<vmem>>, vector<1x128xf32>
    %add3A_24 = vector.broadcast %get3A_23 : vector<1x128xf32> to vector<1000x128xf32>
    %add3A_25 = arith.addf %mul3A_20, %add3A_24 : vector<1000x128xf32>
    %max3A_26 = arith.constant 0.000000e+00 : f32
    %max3A_27 = vector.broadcast %max3A_26 : f32 to vector<1000x128xf32>
    %max3A_28 = arith.maximumf %add3A_25, %max3A_27 : vector<1000x128xf32>
    %get3A_29 = arith.constant 0 : index
    %get3A_30 = arith.constant 0 : index
    %get3A_31 = vector.load %arg4[%get3A_29, %get3A_30] : memref<256x256xf32, #tpu.memory_space<vmem>>, vector<128x256xf32>
    %dot_general3A = arith.constant dense<0.000000e+00> : vector<1000x256xf32>
    %dot_general3A_32 = tpu.matmul %max3A_13, %get3A_31, %dot_general3A {dimension_numbers = #tpu.dot_dimension_numbers<[1], [0], [0], [1], [0, 0, 1, 1], [], []>, transpose_lhs_hint = false} : vector<1000x128xf32>, vector<128x256xf32>, vector<1000x256xf32> -> vector<1000x256xf32>
    %get3A_33 = arith.constant 128 : index
    %get3A_34 = arith.constant 0 : index
    %get3A_35 = vector.load %arg4[%get3A_33, %get3A_34] : memref<256x256xf32, #tpu.memory_space<vmem>>, vector<128x256xf32>
    %dot_general3A_36 = arith.constant dense<0.000000e+00> : vector<1000x256xf32>
    %dot_general3A_37 = tpu.matmul %max3A_28, %get3A_35, %dot_general3A_36 {dimension_numbers = #tpu.dot_dimension_numbers<[1], [0], [0], [1], [0, 0, 1, 1], [], []>, transpose_lhs_hint = false} : vector<1000x128xf32>, vector<128x256xf32>, vector<1000x256xf32> -> vector<1000x256xf32>
    %add3A_38 = arith.addf %dot_general3A_32, %dot_general3A_37 : vector<1000x256xf32>
    %mul3A_39 = vector.broadcast %rsqrt3A : vector<1000x1xf32> to vector<1000x256xf32>
    %mul3A_40 = arith.mulf %add3A_38, %mul3A_39 : vector<1000x256xf32>
    %slice3A = vector.extract_strided_slice %mul3A_40 {offsets = [0, 0], sizes = [1000, 128], strides = [1, 1]} : vector<1000x256xf32> to vector<1000x128xf32>
    %swap3A = arith.constant 0 : index
    %swap3A_41 = arith.constant 0 : index
    %swap3A_42 = arith.constant 0 : index
    %swap3A_43 = vector.load %arg5[%swap3A, %swap3A_41, %swap3A_42] : memref<2x1000x128xf32, #tpu.memory_space<vmem>>, vector<1x1000x128xf32>
    %swap3A_44 = vector.shape_cast %swap3A_43 : vector<1x1000x128xf32> to vector<1000x128xf32>
    %swap3A_45 = vector.shape_cast %slice3A : vector<1000x128xf32> to vector<1x1000x128xf32>
    tpu.vector_store %arg5[%swap3A, %swap3A_41, %swap3A_42], %swap3A_45 {strides = array<i32>} : memref<2x1000x128xf32, #tpu.memory_space<vmem>>, vector<1x1000x128xf32>,
    %slice3A_46 = vector.extract_strided_slice %mul3A_40 {offsets = [0, 128], sizes = [1000, 128], strides = [1, 1]} : vector<1000x256xf32> to vector<1000x128xf32>
    %swap3A_47 = arith.constant 1 : index
    %swap3A_48 = arith.constant 0 : index
    %swap3A_49 = arith.constant 0 : index
    %swap3A_50 = vector.load %arg5[%swap3A_47, %swap3A_48, %swap3A_49] : memref<2x1000x128xf32, #tpu.memory_space<vmem>>, vector<1x1000x128xf32>
    %swap3A_51 = vector.shape_cast %swap3A_50 : vector<1x1000x128xf32> to vector<1000x128xf32>
    %swap3A_52 = vector.shape_cast %slice3A_46 : vector<1000x128xf32> to vector<1x1000x128xf32>
    tpu.vector_store %arg5[%swap3A_47, %swap3A_48, %swap3A_49], %swap3A_52 {strides = array<i32>} : memref<2x1000x128xf32, #tpu.memory_space<vmem>>, vector<1x1000x128xf32>,
    return
  }
  func.func @transform_0(%arg0: i32) -> (i32, i32, i32) {
    %c0_i32 = arith.constant 0 : i32
    %c0_i32_0 = arith.constant 0 : i32
    %c0_i32_1 = arith.constant 0 : i32
    return %c0_i32, %arg0, %c0_i32_0 : i32, i32, i32
  }
  func.func @transform_1(%arg0: i32) -> (i32, i32) {
    %c0_i32 = arith.constant 0 : i32
    %c0_i32_0 = arith.constant 0 : i32
    return %arg0, %c0_i32 : i32, i32
  }
  func.func @transform_2(%arg0: i32) -> (i32, i32) {
    %c0_i32 = arith.constant 0 : i32
    %c0_i32_0 = arith.constant 0 : i32
    %c0_i32_1 = arith.constant 0 : i32
    return %c0_i32, %c0_i32_0 : i32, i32
  }
  func.func @transform_3(%arg0: i32) -> (i32, i32) {
    %c0_i32 = arith.constant 0 : i32
    %c0_i32_0 = arith.constant 0 : i32
    %c0_i32_1 = arith.constant 0 : i32
    return %c0_i32, %c0_i32_0 : i32, i32
  }
  func.func @transform_4(%arg0: i32) -> (i32, i32, i32) {
    %c0_i32 = arith.constant 0 : i32
    %c0_i32_0 = arith.constant 0 : i32
    %c0_i32_1 = arith.constant 0 : i32
    return %c0_i32, %arg0, %c0_i32_0 : i32, i32, i32
  }
}

module attributes {stable_mosaic.version = 14 : i64} {
  func.func @gcn_post_tc(%arg0: i32, %arg1: memref<2x1000x128xf32, #tpu.memory_space<vmem>>, %arg2: memref<1000x128xf32, #tpu.memory_space<vmem>>, %arg3: memref<1x256xf32, #tpu.memory_space<vmem>>, %arg4: memref<1000x1xi32, #tpu.memory_space<vmem>>, %arg5: memref<2x1000x128xf32, #tpu.memory_space<vmem>>, %arg6: memref<1000x128xf32, #tpu.memory_space<vmem>>, %arg7: memref<1x256xf32, #tpu.memory_space<vmem>>, %arg8: memref<1000x1xi32, #tpu.memory_space<vmem>>, %arg9: memref<512x512xf32, #tpu.memory_space<vmem>>, %arg10: memref<1x512xf32, #tpu.memory_space<vmem>>, %arg11: memref<512x1xf32, #tpu.memory_space<vmem>>, %arg12: memref<1x1xf32, #tpu.memory_space<vmem>>, %arg13: memref<64x1xf32, #tpu.memory_space<vmem>>, %arg14: memref<64x256xf32, #tpu.memory_space<vmem>>, %arg15: memref<64x256xf32, #tpu.memory_space<vmem>>) attributes {dimension_semantics = [#tpu.dimension_semantics<arbitrary>], iteration_bounds = array<i64: 10>, scalar_prefetch = 0 : i64, scratch_operands = 2 : i64, tpu.core_type = #tpu.core_type<tc>, window_params = [{transform_indices = @transform_0, window_bounds = array<i64: 2, 1000, 128>}, {transform_indices = @transform_1, window_bounds = array<i64: 1000, 128>}, {pipeline_mode = #tpu.pipeline_mode<synchronous>, transform_indices = @transform_2, window_bounds = array<i64: 1, 256>}, {transform_indices = @transform_3, window_bounds = array<i64: 1000, 1>}, {transform_indices = @transform_4, window_bounds = array<i64: 2, 1000, 128>}, {transform_indices = @transform_5, window_bounds = array<i64: 1000, 128>}, {pipeline_mode = #tpu.pipeline_mode<synchronous>, transform_indices = @transform_6, window_bounds = array<i64: 1, 256>}, {transform_indices = @transform_7, window_bounds = array<i64: 1000, 1>}, {pipeline_mode = #tpu.pipeline_mode<synchronous>, transform_indices = @transform_8, window_bounds = array<i64: 512, 512>}, {pipeline_mode = #tpu.pipeline_mode<synchronous>, transform_indices = @transform_9, window_bounds = array<i64: 1, 512>}, {pipeline_mode = #tpu.pipeline_mode<synchronous>, transform_indices = @transform_10, window_bounds = array<i64: 512, 1>}, {pipeline_mode = #tpu.pipeline_mode<synchronous>, transform_indices = @transform_11, window_bounds = array<i64: 1, 1>}, {pipeline_mode = #tpu.pipeline_mode<synchronous>, transform_indices = @transform_12, window_bounds = array<i64: 64, 1>}]} {
    %eq3A = arith.constant 0 : i32
    %eq3A_0 = arith.cmpi eq, %arg0, %eq3A : i32
    %convert_element_type3A = arith.extui %eq3A_0 : i1 to i32
    %cond3A = arith.constant 0 : i32
    %cond3A_1 = arith.cmpi ne, %convert_element_type3A, %cond3A : i32
    scf.if %cond3A_1 {
      %broadcast_in_dim3A = arith.constant 0xFF800000 : f32
      %broadcast_in_dim3A_100 = vector.broadcast %broadcast_in_dim3A : f32 to vector<64x256xf32>
      %swap3A = arith.constant 0 : index
      %swap3A_101 = arith.constant 0 : index
      %swap3A_102 = vector.load %arg14[%swap3A, %swap3A_101] : memref<64x256xf32, #tpu.memory_space<vmem>>, vector<64x256xf32>
      tpu.vector_store %arg14[%swap3A, %swap3A_101], %broadcast_in_dim3A_100 {strides = array<i32>} : memref<64x256xf32, #tpu.memory_space<vmem>>, vector<64x256xf32>,
      %broadcast_in_dim3A_103 = arith.constant 0xFF800000 : f32
      %broadcast_in_dim3A_104 = vector.broadcast %broadcast_in_dim3A_103 : f32 to vector<64x256xf32>
      %swap3A_105 = arith.constant 0 : index
      %swap3A_106 = arith.constant 0 : index
      %swap3A_107 = vector.load %arg15[%swap3A_105, %swap3A_106] : memref<64x256xf32, #tpu.memory_space<vmem>>, vector<64x256xf32>
      tpu.vector_store %arg15[%swap3A_105, %swap3A_106], %broadcast_in_dim3A_104 {strides = array<i32>} : memref<64x256xf32, #tpu.memory_space<vmem>>, vector<64x256xf32>,
    } else {
    }
    %get3A = arith.constant 0 : index
    %get3A_2 = arith.constant 0 : index
    %get3A_3 = vector.load %arg2[%get3A, %get3A_2] : memref<1000x128xf32, #tpu.memory_space<vmem>>, vector<1000x1xf32>
    %rsqrt3A = math.rsqrt %get3A_3 : vector<1000x1xf32>
    %get3A_4 = arith.constant 0 : index
    %get3A_5 = arith.constant 0 : index
    %get3A_6 = arith.constant 0 : index
    %get3A_7 = vector.load %arg1[%get3A_4, %get3A_5, %get3A_6] : memref<2x1000x128xf32, #tpu.memory_space<vmem>>, vector<1x1000x128xf32>
    %get3A_8 = vector.shape_cast %get3A_7 : vector<1x1000x128xf32> to vector<1000x128xf32>
    %get3A_9 = arith.constant 1 : index
    %get3A_10 = arith.constant 0 : index
    %get3A_11 = arith.constant 0 : index
    %get3A_12 = vector.load %arg1[%get3A_9, %get3A_10, %get3A_11] : memref<2x1000x128xf32, #tpu.memory_space<vmem>>, vector<1x1000x128xf32>
    %get3A_13 = vector.shape_cast %get3A_12 : vector<1x1000x128xf32> to vector<1000x128xf32>
    %concatenate3A = tpu.concatenate %get3A_8, %get3A_13 in 1 : vector<1000x128xf32>, vector<1000x128xf32> -> vector<1000x256xf32>
    %mul3A = vector.broadcast %rsqrt3A : vector<1000x1xf32> to vector<1000x256xf32>
    %mul3A_14 = arith.mulf %concatenate3A, %mul3A : vector<1000x256xf32>
    %get3A_15 = arith.constant 0 : index
    %get3A_16 = arith.constant 0 : index
    %get3A_17 = vector.load %arg3[%get3A_15, %get3A_16] : memref<1x256xf32, #tpu.memory_space<vmem>>, vector<1x256xf32>
    %add3A = vector.broadcast %get3A_17 : vector<1x256xf32> to vector<1000x256xf32>
    %add3A_18 = arith.addf %mul3A_14, %add3A : vector<1000x256xf32>
    %max3A = arith.constant 0.000000e+00 : f32
    %max3A_19 = vector.broadcast %max3A : f32 to vector<1000x256xf32>
    %max3A_20 = arith.maximumf %add3A_18, %max3A_19 : vector<1000x256xf32>
    %get3A_21 = arith.constant 0 : index
    %get3A_22 = arith.constant 0 : index
    %get3A_23 = vector.load %arg4[%get3A_21, %get3A_22] : memref<1000x1xi32, #tpu.memory_space<vmem>>, vector<1000x1xi32>
    %reduce_min3A = vector.shape_cast %get3A_23 : vector<1000x1xi32> to vector<1x1000x1xi32>
    %reduce_min3A_24 = arith.constant dense<2147483647> : vector<1xi32>
    %reduce_min3A_25 = vector.multi_reduction <minsi>, %reduce_min3A, %reduce_min3A_24 [1, 2] : vector<1x1000x1xi32> to vector<1xi32>
    %reduce_min3A_26 = vector.shape_cast %reduce_min3A_25 : vector<1xi32> to vector<1x1x1xi32>
    %reduce_min3A_27 = vector.extract %reduce_min3A_26[0, 0, 0] : i32 from vector<1x1x1xi32>
    %reduce_max3A = vector.shape_cast %get3A_23 : vector<1000x1xi32> to vector<1x1000x1xi32>
    %reduce_max3A_28 = arith.constant dense<-2147483648> : vector<1xi32>
    %reduce_max3A_29 = vector.multi_reduction <maxsi>, %reduce_max3A, %reduce_max3A_28 [1, 2] : vector<1x1000x1xi32> to vector<1xi32>
    %reduce_max3A_30 = vector.shape_cast %reduce_max3A_29 : vector<1xi32> to vector<1x1x1xi32>
    %reduce_max3A_31 = vector.extract %reduce_max3A_30[0, 0, 0] : i32 from vector<1x1x1xi32>
    %add3A_32 = arith.constant 1 : i32
    %add3A_33 = arith.addi %reduce_max3A_31, %add3A_32 : i32
    %while3A = arith.constant 0 : i32
    %while3A_34 = arith.subi %add3A_33, %reduce_min3A_27 : i32
    %while3A_35 = arith.addi %reduce_min3A_27, %while3A_34 : i32
    %while3A_36 = arith.constant 1 : i32
    %while3A_37 = arith.divsi %while3A_34, %while3A_36 : i32
    %while3A_38 = arith.muli %while3A_37, %while3A_36 : i32
    %while3A_39 = arith.addi %reduce_min3A_27, %while3A_38 : i32
    %while3A_40 = arith.constant 1 : i32
    %while3A_41 = scf.for %while3A_100 = %reduce_min3A_27 to %while3A_39 step %while3A_40 iter_args(%while3A_101 = %while3A) -> (i32)  : i32 {
      %eq3A_102 = vector.broadcast %while3A_100 : i32 to vector<1000x1xi32>
      %eq3A_103 = arith.cmpi eq, %get3A_23, %eq3A_102 : vector<1000x1xi32>
      %jit3A = arith.constant 0xFF800000 : f32
      %broadcast_in_dim3A = vector.shape_cast %eq3A_103 : vector<1000x1xi1> to vector<1000x1xi1>
      %broadcast_in_dim3A_104 = vector.broadcast %broadcast_in_dim3A : vector<1000x1xi1> to vector<1000x256xi1>
      %broadcast_in_dim3A_105 = vector.broadcast %jit3A : f32 to vector<1000x256xf32>
      %select_n3A = arith.select %broadcast_in_dim3A_104, %max3A_20, %broadcast_in_dim3A_105 : vector<1000x256xi1>, vector<1000x256xf32>
      %reduce_max3A_106 = arith.constant dense<0xFF800000> : vector<256xf32>
      %reduce_max3A_107 = vector.multi_reduction <maximumf>, %select_n3A, %reduce_max3A_106 [0] : vector<1000x256xf32> to vector<256xf32>
      %broadcast_in_dim3A_108 = vector.shape_cast %reduce_max3A_107 : vector<256xf32> to vector<1x256xf32>
      %get3A_109 = arith.index_cast %while3A_100 : i32 to index
      %get3A_110 = arith.constant 0 : index
      %get3A_111 = vector.load %arg14[%get3A_109, %get3A_110] : memref<64x256xf32, #tpu.memory_space<vmem>>, vector<1x256xf32>
      %max3A_112 = arith.maximumf %get3A_111, %broadcast_in_dim3A_108 : vector<1x256xf32>
      %swap3A = arith.index_cast %while3A_100 : i32 to index
      %swap3A_113 = arith.constant 0 : index
      %swap3A_114 = vector.load %arg14[%swap3A, %swap3A_113] : memref<64x256xf32, #tpu.memory_space<vmem>>, vector<1x256xf32>
      tpu.vector_store %arg14[%swap3A, %swap3A_113], %max3A_112 {strides = array<i32>} : memref<64x256xf32, #tpu.memory_space<vmem>>, vector<1x256xf32>,
      %while3A_115 = arith.constant 0 : i32
      scf.yield %while3A_115 : i32
    }
    %while3A_42 = arith.constant 1 : i32
    %while3A_43 = scf.for %while3A_100 = %while3A_39 to %while3A_35 step %while3A_42 iter_args(%while3A_101 = %while3A_41) -> (i32)  : i32 {
      %eq3A_102 = vector.broadcast %while3A_100 : i32 to vector<1000x1xi32>
      %eq3A_103 = arith.cmpi eq, %get3A_23, %eq3A_102 : vector<1000x1xi32>
      %jit3A = arith.constant 0xFF800000 : f32
      %broadcast_in_dim3A = vector.shape_cast %eq3A_103 : vector<1000x1xi1> to vector<1000x1xi1>
      %broadcast_in_dim3A_104 = vector.broadcast %broadcast_in_dim3A : vector<1000x1xi1> to vector<1000x256xi1>
      %broadcast_in_dim3A_105 = vector.broadcast %jit3A : f32 to vector<1000x256xf32>
      %select_n3A = arith.select %broadcast_in_dim3A_104, %max3A_20, %broadcast_in_dim3A_105 : vector<1000x256xi1>, vector<1000x256xf32>
      %reduce_max3A_106 = arith.constant dense<0xFF800000> : vector<256xf32>
      %reduce_max3A_107 = vector.multi_reduction <maximumf>, %select_n3A, %reduce_max3A_106 [0] : vector<1000x256xf32> to vector<256xf32>
      %broadcast_in_dim3A_108 = vector.shape_cast %reduce_max3A_107 : vector<256xf32> to vector<1x256xf32>
      %get3A_109 = arith.index_cast %while3A_100 : i32 to index
      %get3A_110 = arith.constant 0 : index
      %get3A_111 = vector.load %arg14[%get3A_109, %get3A_110] : memref<64x256xf32, #tpu.memory_space<vmem>>, vector<1x256xf32>
      %max3A_112 = arith.maximumf %get3A_111, %broadcast_in_dim3A_108 : vector<1x256xf32>
      %swap3A = arith.index_cast %while3A_100 : i32 to index
      %swap3A_113 = arith.constant 0 : index
      %swap3A_114 = vector.load %arg14[%swap3A, %swap3A_113] : memref<64x256xf32, #tpu.memory_space<vmem>>, vector<1x256xf32>
      tpu.vector_store %arg14[%swap3A, %swap3A_113], %max3A_112 {strides = array<i32>} : memref<64x256xf32, #tpu.memory_space<vmem>>, vector<1x256xf32>,
      %while3A_115 = arith.constant 0 : i32
      scf.yield %while3A_115 : i32
    }
    %get3A_44 = arith.constant 0 : index
    %get3A_45 = arith.constant 0 : index
    %get3A_46 = vector.load %arg6[%get3A_44, %get3A_45] : memref<1000x128xf32, #tpu.memory_space<vmem>>, vector<1000x1xf32>
    %rsqrt3A_47 = math.rsqrt %get3A_46 : vector<1000x1xf32>
    %get3A_48 = arith.constant 0 : index
    %get3A_49 = arith.constant 0 : index
    %get3A_50 = arith.constant 0 : index
    %get3A_51 = vector.load %arg5[%get3A_48, %get3A_49, %get3A_50] : memref<2x1000x128xf32, #tpu.memory_space<vmem>>, vector<1x1000x128xf32>
    %get3A_52 = vector.shape_cast %get3A_51 : vector<1x1000x128xf32> to vector<1000x128xf32>
    %get3A_53 = arith.constant 1 : index
    %get3A_54 = arith.constant 0 : index
    %get3A_55 = arith.constant 0 : index
    %get3A_56 = vector.load %arg5[%get3A_53, %get3A_54, %get3A_55] : memref<2x1000x128xf32, #tpu.memory_space<vmem>>, vector<1x1000x128xf32>
    %get3A_57 = vector.shape_cast %get3A_56 : vector<1x1000x128xf32> to vector<1000x128xf32>
    %concatenate3A_58 = tpu.concatenate %get3A_52, %get3A_57 in 1 : vector<1000x128xf32>, vector<1000x128xf32> -> vector<1000x256xf32>
    %mul3A_59 = vector.broadcast %rsqrt3A_47 : vector<1000x1xf32> to vector<1000x256xf32>
    %mul3A_60 = arith.mulf %concatenate3A_58, %mul3A_59 : vector<1000x256xf32>
    %get3A_61 = arith.constant 0 : index
    %get3A_62 = arith.constant 0 : index
    %get3A_63 = vector.load %arg7[%get3A_61, %get3A_62] : memref<1x256xf32, #tpu.memory_space<vmem>>, vector<1x256xf32>
    %add3A_64 = vector.broadcast %get3A_63 : vector<1x256xf32> to vector<1000x256xf32>
    %add3A_65 = arith.addf %mul3A_60, %add3A_64 : vector<1000x256xf32>
    %max3A_66 = arith.constant 0.000000e+00 : f32
    %max3A_67 = vector.broadcast %max3A_66 : f32 to vector<1000x256xf32>
    %max3A_68 = arith.maximumf %add3A_65, %max3A_67 : vector<1000x256xf32>
    %get3A_69 = arith.constant 0 : index
    %get3A_70 = arith.constant 0 : index
    %get3A_71 = vector.load %arg8[%get3A_69, %get3A_70] : memref<1000x1xi32, #tpu.memory_space<vmem>>, vector<1000x1xi32>
    %reduce_min3A_72 = vector.shape_cast %get3A_71 : vector<1000x1xi32> to vector<1x1000x1xi32>
    %reduce_min3A_73 = arith.constant dense<2147483647> : vector<1xi32>
    %reduce_min3A_74 = vector.multi_reduction <minsi>, %reduce_min3A_72, %reduce_min3A_73 [1, 2] : vector<1x1000x1xi32> to vector<1xi32>
    %reduce_min3A_75 = vector.shape_cast %reduce_min3A_74 : vector<1xi32> to vector<1x1x1xi32>
    %reduce_min3A_76 = vector.extract %reduce_min3A_75[0, 0, 0] : i32 from vector<1x1x1xi32>
    %reduce_max3A_77 = vector.shape_cast %get3A_71 : vector<1000x1xi32> to vector<1x1000x1xi32>
    %reduce_max3A_78 = arith.constant dense<-2147483648> : vector<1xi32>
    %reduce_max3A_79 = vector.multi_reduction <maxsi>, %reduce_max3A_77, %reduce_max3A_78 [1, 2] : vector<1x1000x1xi32> to vector<1xi32>
    %reduce_max3A_80 = vector.shape_cast %reduce_max3A_79 : vector<1xi32> to vector<1x1x1xi32>
    %reduce_max3A_81 = vector.extract %reduce_max3A_80[0, 0, 0] : i32 from vector<1x1x1xi32>
    %add3A_82 = arith.constant 1 : i32
    %add3A_83 = arith.addi %reduce_max3A_81, %add3A_82 : i32
    %while3A_84 = arith.constant 0 : i32
    %while3A_85 = arith.subi %add3A_83, %reduce_min3A_76 : i32
    %while3A_86 = arith.addi %reduce_min3A_76, %while3A_85 : i32
    %while3A_87 = arith.constant 1 : i32
    %while3A_88 = arith.divsi %while3A_85, %while3A_87 : i32
    %while3A_89 = arith.muli %while3A_88, %while3A_87 : i32
    %while3A_90 = arith.addi %reduce_min3A_76, %while3A_89 : i32
    %while3A_91 = arith.constant 1 : i32
    %while3A_92 = scf.for %while3A_100 = %reduce_min3A_76 to %while3A_90 step %while3A_91 iter_args(%while3A_101 = %while3A_84) -> (i32)  : i32 {
      %eq3A_102 = vector.broadcast %while3A_100 : i32 to vector<1000x1xi32>
      %eq3A_103 = arith.cmpi eq, %get3A_71, %eq3A_102 : vector<1000x1xi32>
      %jit3A = arith.constant 0xFF800000 : f32
      %broadcast_in_dim3A = vector.shape_cast %eq3A_103 : vector<1000x1xi1> to vector<1000x1xi1>
      %broadcast_in_dim3A_104 = vector.broadcast %broadcast_in_dim3A : vector<1000x1xi1> to vector<1000x256xi1>
      %broadcast_in_dim3A_105 = vector.broadcast %jit3A : f32 to vector<1000x256xf32>
      %select_n3A = arith.select %broadcast_in_dim3A_104, %max3A_68, %broadcast_in_dim3A_105 : vector<1000x256xi1>, vector<1000x256xf32>
      %reduce_max3A_106 = arith.constant dense<0xFF800000> : vector<256xf32>
      %reduce_max3A_107 = vector.multi_reduction <maximumf>, %select_n3A, %reduce_max3A_106 [0] : vector<1000x256xf32> to vector<256xf32>
      %broadcast_in_dim3A_108 = vector.shape_cast %reduce_max3A_107 : vector<256xf32> to vector<1x256xf32>
      %get3A_109 = arith.index_cast %while3A_100 : i32 to index
      %get3A_110 = arith.constant 0 : index
      %get3A_111 = vector.load %arg15[%get3A_109, %get3A_110] : memref<64x256xf32, #tpu.memory_space<vmem>>, vector<1x256xf32>
      %max3A_112 = arith.maximumf %get3A_111, %broadcast_in_dim3A_108 : vector<1x256xf32>
      %swap3A = arith.index_cast %while3A_100 : i32 to index
      %swap3A_113 = arith.constant 0 : index
      %swap3A_114 = vector.load %arg15[%swap3A, %swap3A_113] : memref<64x256xf32, #tpu.memory_space<vmem>>, vector<1x256xf32>
      tpu.vector_store %arg15[%swap3A, %swap3A_113], %max3A_112 {strides = array<i32>} : memref<64x256xf32, #tpu.memory_space<vmem>>, vector<1x256xf32>,
      %while3A_115 = arith.constant 0 : i32
      scf.yield %while3A_115 : i32
    }
    %while3A_93 = arith.constant 1 : i32
    %while3A_94 = scf.for %while3A_100 = %while3A_90 to %while3A_86 step %while3A_93 iter_args(%while3A_101 = %while3A_92) -> (i32)  : i32 {
      %eq3A_102 = vector.broadcast %while3A_100 : i32 to vector<1000x1xi32>
      %eq3A_103 = arith.cmpi eq, %get3A_71, %eq3A_102 : vector<1000x1xi32>
      %jit3A = arith.constant 0xFF800000 : f32
      %broadcast_in_dim3A = vector.shape_cast %eq3A_103 : vector<1000x1xi1> to vector<1000x1xi1>
      %broadcast_in_dim3A_104 = vector.broadcast %broadcast_in_dim3A : vector<1000x1xi1> to vector<1000x256xi1>
      %broadcast_in_dim3A_105 = vector.broadcast %jit3A : f32 to vector<1000x256xf32>
      %select_n3A = arith.select %broadcast_in_dim3A_104, %max3A_68, %broadcast_in_dim3A_105 : vector<1000x256xi1>, vector<1000x256xf32>
      %reduce_max3A_106 = arith.constant dense<0xFF800000> : vector<256xf32>
      %reduce_max3A_107 = vector.multi_reduction <maximumf>, %select_n3A, %reduce_max3A_106 [0] : vector<1000x256xf32> to vector<256xf32>
      %broadcast_in_dim3A_108 = vector.shape_cast %reduce_max3A_107 : vector<256xf32> to vector<1x256xf32>
      %get3A_109 = arith.index_cast %while3A_100 : i32 to index
      %get3A_110 = arith.constant 0 : index
      %get3A_111 = vector.load %arg15[%get3A_109, %get3A_110] : memref<64x256xf32, #tpu.memory_space<vmem>>, vector<1x256xf32>
      %max3A_112 = arith.maximumf %get3A_111, %broadcast_in_dim3A_108 : vector<1x256xf32>
      %swap3A = arith.index_cast %while3A_100 : i32 to index
      %swap3A_113 = arith.constant 0 : index
      %swap3A_114 = vector.load %arg15[%swap3A, %swap3A_113] : memref<64x256xf32, #tpu.memory_space<vmem>>, vector<1x256xf32>
      tpu.vector_store %arg15[%swap3A, %swap3A_113], %max3A_112 {strides = array<i32>} : memref<64x256xf32, #tpu.memory_space<vmem>>, vector<1x256xf32>,
      %while3A_115 = arith.constant 0 : i32
      scf.yield %while3A_115 : i32
    }
    %eq3A_95 = arith.constant 9 : i32
    %eq3A_96 = arith.cmpi eq, %arg0, %eq3A_95 : i32
    %convert_element_type3A_97 = arith.extui %eq3A_96 : i1 to i32
    %cond3A_98 = arith.constant 0 : i32
    %cond3A_99 = arith.cmpi ne, %convert_element_type3A_97, %cond3A_98 : i32
    scf.if %cond3A_99 {
      %get3A_100 = arith.constant 0 : index
      %get3A_101 = arith.constant 0 : index
      %get3A_102 = vector.load %arg14[%get3A_100, %get3A_101] : memref<64x256xf32, #tpu.memory_space<vmem>>, vector<64x256xf32>
      %get3A_103 = arith.constant 0 : index
      %get3A_104 = arith.constant 0 : index
      %get3A_105 = vector.load %arg15[%get3A_103, %get3A_104] : memref<64x256xf32, #tpu.memory_space<vmem>>, vector<64x256xf32>
      %concatenate3A_106 = tpu.concatenate %get3A_102, %get3A_105 in 1 : vector<64x256xf32>, vector<64x256xf32> -> vector<64x512xf32>
      %get3A_107 = arith.constant 0 : index
      %get3A_108 = arith.constant 0 : index
      %get3A_109 = vector.load %arg9[%get3A_107, %get3A_108] : memref<512x512xf32, #tpu.memory_space<vmem>>, vector<512x512xf32>
      %dot_general3A = arith.constant dense<0.000000e+00> : vector<64x512xf32>
      %dot_general3A_110 = tpu.matmul %concatenate3A_106, %get3A_109, %dot_general3A {dimension_numbers = #tpu.dot_dimension_numbers<[1], [0], [0], [1], [0, 0, 1, 1], [], []>, transpose_lhs_hint = false} : vector<64x512xf32>, vector<512x512xf32>, vector<64x512xf32> -> vector<64x512xf32>
      %get3A_111 = arith.constant 0 : index
      %get3A_112 = arith.constant 0 : index
      %get3A_113 = vector.load %arg10[%get3A_111, %get3A_112] : memref<1x512xf32, #tpu.memory_space<vmem>>, vector<1x512xf32>
      %add3A_114 = vector.broadcast %get3A_113 : vector<1x512xf32> to vector<64x512xf32>
      %add3A_115 = arith.addf %dot_general3A_110, %add3A_114 : vector<64x512xf32>
      %get3A_116 = arith.constant 0 : index
      %get3A_117 = arith.constant 0 : index
      %get3A_118 = vector.load %arg11[%get3A_116, %get3A_117] : memref<512x1xf32, #tpu.memory_space<vmem>>, vector<512x1xf32>
      %dot_general3A_119 = arith.constant dense<0.000000e+00> : vector<64x1xf32>
      %dot_general3A_120 = tpu.matmul %add3A_115, %get3A_118, %dot_general3A_119 {dimension_numbers = #tpu.dot_dimension_numbers<[1], [0], [0], [1], [0, 0, 1, 1], [], []>, transpose_lhs_hint = false} : vector<64x512xf32>, vector<512x1xf32>, vector<64x1xf32> -> vector<64x1xf32>
      %get3A_121 = arith.constant 0 : index
      %get3A_122 = arith.constant 0 : index
      %get3A_123 = vector.load %arg12[%get3A_121, %get3A_122] : memref<1x1xf32, #tpu.memory_space<vmem>>, vector<1x1xf32>
      %add3A_124 = vector.broadcast %get3A_123 : vector<1x1xf32> to vector<64x1xf32>
      %add3A_125 = arith.addf %dot_general3A_120, %add3A_124 : vector<64x1xf32>
      %swap3A = arith.constant 0 : index
      %swap3A_126 = arith.constant 0 : index
      %swap3A_127 = vector.load %arg13[%swap3A, %swap3A_126] : memref<64x1xf32, #tpu.memory_space<vmem>>, vector<64x1xf32>
      tpu.vector_store %arg13[%swap3A, %swap3A_126], %add3A_125 {strides = array<i32>} : memref<64x1xf32, #tpu.memory_space<vmem>>, vector<64x1xf32>,
    } else {
    }
    return
  }
  func.func @transform_0(%arg0: i32) -> (i32, i32, i32) {
    %c0_i32 = arith.constant 0 : i32
    %c0_i32_0 = arith.constant 0 : i32
    %c0_i32_1 = arith.constant 0 : i32
    return %c0_i32, %arg0, %c0_i32_0 : i32, i32, i32
  }
  func.func @transform_1(%arg0: i32) -> (i32, i32) {
    %c0_i32 = arith.constant 0 : i32
    %c0_i32_0 = arith.constant 0 : i32
    return %arg0, %c0_i32 : i32, i32
  }
  func.func @transform_2(%arg0: i32) -> (i32, i32) {
    %c0_i32 = arith.constant 0 : i32
    %c0_i32_0 = arith.constant 0 : i32
    %c0_i32_1 = arith.constant 0 : i32
    return %c0_i32, %c0_i32_0 : i32, i32
  }
  func.func @transform_3(%arg0: i32) -> (i32, i32) {
    %c0_i32 = arith.constant 0 : i32
    %c0_i32_0 = arith.constant 0 : i32
    return %arg0, %c0_i32 : i32, i32
  }
  func.func @transform_4(%arg0: i32) -> (i32, i32, i32) {
    %c0_i32 = arith.constant 0 : i32
    %c0_i32_0 = arith.constant 0 : i32
    %c0_i32_1 = arith.constant 0 : i32
    return %c0_i32, %arg0, %c0_i32_0 : i32, i32, i32
  }
  func.func @transform_5(%arg0: i32) -> (i32, i32) {
    %c0_i32 = arith.constant 0 : i32
    %c0_i32_0 = arith.constant 0 : i32
    return %arg0, %c0_i32 : i32, i32
  }
  func.func @transform_6(%arg0: i32) -> (i32, i32) {
    %c0_i32 = arith.constant 0 : i32
    %c0_i32_0 = arith.constant 0 : i32
    %c0_i32_1 = arith.constant 0 : i32
    return %c0_i32, %c0_i32_0 : i32, i32
  }
  func.func @transform_7(%arg0: i32) -> (i32, i32) {
    %c0_i32 = arith.constant 0 : i32
    %c0_i32_0 = arith.constant 0 : i32
    return %arg0, %c0_i32 : i32, i32
  }
  func.func @transform_8(%arg0: i32) -> (i32, i32) {
    %c0_i32 = arith.constant 0 : i32
    %c0_i32_0 = arith.constant 0 : i32
    %c0_i32_1 = arith.constant 0 : i32
    return %c0_i32, %c0_i32_0 : i32, i32
  }
  func.func @transform_9(%arg0: i32) -> (i32, i32) {
    %c0_i32 = arith.constant 0 : i32
    %c0_i32_0 = arith.constant 0 : i32
    %c0_i32_1 = arith.constant 0 : i32
    return %c0_i32, %c0_i32_0 : i32, i32
  }
  func.func @transform_10(%arg0: i32) -> (i32, i32) {
    %c0_i32 = arith.constant 0 : i32
    %c0_i32_0 = arith.constant 0 : i32
    %c0_i32_1 = arith.constant 0 : i32
    return %c0_i32, %c0_i32_0 : i32, i32
  }
  func.func @transform_11(%arg0: i32) -> (i32, i32) {
    %c0_i32 = arith.constant 0 : i32
    %c0_i32_0 = arith.constant 0 : i32
    %c0_i32_1 = arith.constant 0 : i32
    return %c0_i32, %c0_i32_0 : i32, i32
  }
  func.func @transform_12(%arg0: i32) -> (i32, i32) {
    %c0_i32 = arith.constant 0 : i32
    %c0_i32_0 = arith.constant 0 : i32
    %c0_i32_1 = arith.constant 0 : i32
    return %c0_i32, %c0_i32_0 : i32, i32
  }
}

</mosaic_0001>

<sc_bundles>
// kernel: gcn_degree_sc.3.cloned.1.call-start
scs
__scs_entry_jumppad:
0x0: {  	(pc) =	sbr.rel $0x88, $3  }
0x1: {  	(tag) =	ssettag $0x0;
	lr =	simm.s32 $0x1  }
0x2: {  	[smem:$0x3F8B] =	sst lr;
	_ =	strace $0xD0000000  }
0x3: {  	_ = 	snop  }
0x4: {  	_ = 	snop  }
0x5: {  	_ = 	snop  }
0x6: {  	_ = 	snop  }
0x7: {  	_ = 	snop  }
__scs_overlays_trampoline_lowered:
0x8: {  	[smem:$0x3F9A] =	sst s0  }
0x9: {  	[smem:$0x3F9B] =	sst s1  }
0xa: {  	[smem:$0x3F9C] =	sst s2  }
0xb: {  	[smem:$0x3F9D] =	sst s3  }
0xc: {  	[smem:$0x3F9E] =	sst s4  }
0xd: {  	[smem:$0x3F9F] =	sst s5  }
0xe: {  	[smem:$0x3FA0] =	sst s6  }
0xf: {  	[smem:$0x3FA1] =	sst s7  }
0x10: {  	[smem:$0x3FA2] =	sst s8  }
0x11: {  	[smem:$0x3FA3] =	sst s9;
	s0 =	simm.s32 @!p0 $0x0  }
0x12: {  	s1 =	sld [smem:$0x3F89];
	s0 =	simm.s32 @p0 $0x1  }
0x13: {  	[smem:$0x3FA4] =	sst s0;
	s0 =	simm.s32 @!p1 $0x0  }
0x14: {  	s2 =	sld [smem:$0x3F88];
	s0 =	simm.s32 @p1 $0x1  }
0x15: {  	[smem:$0x3FA5] =	sst s0;
	s0 =	simm.s32 @!p2 $0x0  }
0x16: {  	s3 =	sld [smem:$0x3FDB];
	s0 =	simm.s32 @p2 $0x1  }
0x17: {  	s4 =	simm.s32 $0x1BF5;
	[smem:$0x3FA7] =	sst s0  }
0x18: {  	s0 =	sld [smem:$0x3F8A];
	_ =	swait.ge [sflag:s4], $0x0  }
0x19: {  	s7 =	sld [smem:$0x3F8B]  }
0x1a: {  	s8 =	sadd.s32 $0xFFFFE003, lr  }
0x1b: {  	s9 =	sadd.s32 $0xFFFFFEF7, lr;
	s5 =	simm.s32 $0xFFFFFFFF;
	p2 =	slt.u32 s8, $0xFFFFF086  }
0x1c: {  	p1 =	slt.u32 s9, $0xF7A;
	s5 =	simm.s32 @!p2 $0x0  }
0x1d: {  	s5 =	simm.s32 @p1 $0x1;
	p0 =	seq.s32 s7, s2  }
0x1e: {  	s7 =	smul.u32 @!p0 $0xF7A, s2;
	p2 =	seq.s32 @!p0 s5, $0x0  }
0x1f: {  	s9 =	smul.u32 $0xF7A, s1;
	s8 =	simm.s32 @!p0 $0x1BF5;
	p2 =	por !p2, p0  }
0x20: {  	[sflag:s8] =	ssyncset.s32 @!p0 $0xFFFFF086;
	s6 =	sadd.s32 @!p0 s3, s7;
	s7 =	simm.s32 @!p0 $0x108  }
0x21: {  	s3 =	sadd.s32 s3, s9;
	s6 =	sadd.s32 @!p0 $0x88, s6;
	s7 =	simm.s32 @p2 $0x1082  }
0x22: {  	[simem:s7], [sflag:s8] =	dma.local @!p0 [hbm:s6], $0xF7A  }
0x23: {  	s9 =	sor.u32 $0xD0000000, s2;
	s6 =	simm.s32 $0x108;
	_ =	swait.ge @!p0 [sflag:s8], $0x0  }
0x24: {  	s3 =	sadd.s32 $0x88, s3;
	s6 =	simm.s32 @!p1 $0x1082;
	[sflag:s4] =	ssyncset.s32 $0xFFFFF086  }
0x25: {  	[simem:s6], [sflag:s4] =	dma.local [hbm:s3], $0xF7A  }
0x26: {  	[smem:$0x3F8B] =	sst s1;
	(tag) =	ssettag s2;
	_ =	strace s9  }
0x27: {  	s1 =	sld [smem:$0x3F9B]  }
0x28: {  	s2 =	sld [smem:$0x3F9C]  }
0x29: {  	s4 =	sld [smem:$0x3F9E]  }
0x2a: {  	p0 =	seq.s32 s5, $0x0;
	s5 =	sld [smem:$0x3F9F]  }
0x2b: {  	s6 =	sld [smem:$0x3FA0]  }
0x2c: {  	s7 =	sld [smem:$0x3FA1]  }
0x2d: {  	s3 =	simm.s32 $0x108;
	s8 =	sld [smem:$0x3FA2]  }
0x2e: {  	s3 =	simm.s32 @!p0 $0x1082;
	s9 =	sld [smem:$0x3FA3]  }
0x2f: {  	lr =	sadd.s32 s0, s3;
	s0 =	sld [smem:$0x3F9A]  }
0x30: {  	s3 =	sld [smem:$0x3F9D]  }
0x31: {  	[smem:$0x3FA6] =	sst s10  }
0x32: {  	s10 =	sld [smem:$0x3FA4];
	_ =	sdelay $0x3  }
0x33: {  	p0 =	seq.s32 s10, $0x1;
	s10 =	sld [smem:$0x3FA6];
	_ =	sdelay $0x3  }
0x34: {  	[smem:$0x3FA6] =	sst s10  }
0x35: {  	s10 =	sld [smem:$0x3FA5];
	_ =	sdelay $0x3  }
0x36: {  	p1 =	seq.s32 s10, $0x1;
	s10 =	sld [smem:$0x3FA6];
	_ =	sdelay $0x3  }
0x37: {  	[smem:$0x3FA6] =	sst s10  }
0x38: {  	s10 =	sld [smem:$0x3FA7]  }
0x39: {  	_ = 	snop;
	(pc) =	sbr.ind lr, $3  }
0x3a: {  	_ = 	snop  }
0x3b: {  	_ = 	snop  }
0x3c: {  	p2 =	seq.s32 s10, $0x1;
	s10 =	sld [smem:$0x3FA6]  }
0x3d: {  	_ =	shalt  }
0x3e: {  	_ =	shalt  }
0x3f: {  	_ =	shalt  }
0x40: {  	_ =	shalt  }
0x41: {  	_ =	shalt  }
0x42: {  	_ =	shalt  }
0x43: {  	_ =	shalt  }
0x44: {  	_ =	shalt  }
0x45: {  	_ =	shalt  }
0x46: {  	_ =	shalt  }
0x47: {  	_ =	shalt  }
0x48: {  	_ =	shalt  }
0x49: {  	_ =	shalt  }
0x4a: {  	_ =	shalt  }
0x4b: {  	_ =	shalt  }
0x4c: {  	_ =	shalt  }
0x4d: {  	_ =	shalt  }
0x4e: {  	_ =	shalt  }
0x4f: {  	_ =	shalt  }
0x50: {  	_ =	shalt  }
0x51: {  	_ =	shalt  }
0x52: {  	_ =	shalt  }
0x53: {  	_ =	shalt  }
0x54: {  	_ =	shalt  }
0x55: {  	_ =	shalt  }
0x56: {  	_ =	shalt  }
0x57: {  	_ =	shalt  }
0x58: {  	_ =	shalt  }
0x59: {  	_ =	shalt  }
0x5a: {  	_ =	shalt  }
0x5b: {  	_ =	shalt  }
0x5c: {  	_ =	shalt  }
0x5d: {  	_ =	shalt  }
0x5e: {  	_ =	shalt  }
0x5f: {  	_ =	shalt  }
0x60: {  	_ =	shalt  }
0x61: {  	_ =	shalt  }
0x62: {  	_ =	shalt  }
0x63: {  	_ =	shalt  }
0x64: {  	_ =	shalt  }
0x65: {  	_ =	shalt  }
0x66: {  	_ =	shalt  }
0x67: {  	_ =	shalt  }
0x68: {  	_ =	shalt  }
0x69: {  	_ =	shalt  }
0x6a: {  	_ =	shalt  }
0x6b: {  	_ =	shalt  }
0x6c: {  	_ =	shalt  }
0x6d: {  	_ =	shalt  }
0x6e: {  	_ =	shalt  }
0x6f: {  	_ =	shalt  }
0x70: {  	_ =	shalt  }
0x71: {  	_ =	shalt  }
0x72: {  	_ =	shalt  }
0x73: {  	_ =	shalt  }
0x74: {  	_ =	shalt  }
0x75: {  	_ =	shalt  }
0x76: {  	_ =	shalt  }
0x77: {  	_ =	shalt  }
0x78: {  	_ =	shalt  }
0x79: {  	_ =	shalt  }
0x7a: {  	_ =	shalt  }
0x7b: {  	_ =	shalt  }
0x7c: {  	_ =	shalt  }
0x7d: {  	_ =	shalt  }
0x7e: {  	_ =	shalt  }
0x7f: {  	_ =	shalt  }
0x80: {  	_ =	shalt  }
0x81: {  	_ =	shalt  }
0x82: {  	_ =	shalt  }
0x83: {  	_ =	shalt  }
0x84: {  	_ =	shalt  }
0x85: {  	_ =	shalt  }
0x86: {  	_ =	shalt  }
0x87: {  	_ =	shalt  }
.Lfunc_end0:
.L_simem_size_0:
called_computation_lowered:
.L_overlay_start_0:
0x88: {  	s2 =	sld [smem:$0x3FD9]  }
0x89: {  	s3 =	sld [smem:$0x3FFE];
	_ =	sdelay $0x1  }
0x8a: {  	s1 =	srdreg.scid  }
0x8b: {  	s0 =	sand.u32 $0x1, s1  }
0x8c: {  	s16 =	sshll.u32 s0, $0xA;
	s2 =	sadd.s32 s3, s2  }
0x8d: {  	s2 =	sadd.s32 s2, s16  }
0x8e: {  	[smem:$0x3FB2] =	sst s2  }
0x8f: {  	_ = 	snop  }
0x90: {  	(tm) =	ssettm $0x1  }
0x91: {  	s17 =	sld [smem:$0x3FFB];
	_ =	sdelay $0x3  }
0x92: {  	_ =	strace s17  }
0x93: {  	s2 =	sld [smem:$0x3FFC];
	_ =	sdelay $0x3  }
0x94: {  	_ =	strace s2  }
0x95: {  	s2 =	sld [smem:$0x3FFD];
	_ =	sdelay $0x3  }
0x96: {  	_ =	strace s2  }
0x97: {  	_ =	strace $0x8FFFFFFF  }
0x98: {  	s18 =	sld [smem:$0x3FDB];
	_ =	sdelay $0x1  }
0x99: {  	s19 =	simm.s32 $_scs_section_size  }
0x9a: {  	s4 =	simm.s32 $_size__tile_overlayer_lowered;
	s5 =	simm.s32 $_tile_overlayer_lowered  }
0x9b: {  	s22 =	simm.s32 $0x1BFF;
	s21 =	sshll.u32 s5, $0x1;
	s2 =	sadd.s32 s19, s18  }
0x9c: {  	s6 =	simm.s32 $0x0;
	s20 =	sshll.u32 s4, $0x1;
	s4 =	sadd.s32 s21, s2  }
0x9d: {  	[timem:s6], [sflag:s22] =	dma.local [hbm:s4], s20  }
0x9e: {  	_ =	swait.ge [sflag:s22], s20  }
0x9f: {  	s3 =	ssub.s32 $0x0, s20;
	[sflag:s22] =	ssyncset.done $0x0  }
0xa0: {  	[sflag:s22] =	ssyncadd.s32 s3;
	_ =	sdelay $0x1  }
0xa1: {  	s23 =	simm.s32 $0x1B8B  }
0xa2: {  	_ =	swait.ge [sflag:s23], $0x1  }
0xa3: {  	[sflag:s23] =	ssyncset.done $0x0  }
0xa4: {  	s25 =	simm.s32 $0x1B8E;
	s24 =	sld [smem:$0x3FFE];
	[sflag:s23] =	ssyncadd.s32 $0xFFFFFFFF  }
0xa5: {  	s26 =	simm.s32 $execute0_lowered;
	[smem:$0x3FD2] =	sst s25  }
0xa6: {  	s4 =	sshll.u32 s26, $0x1;
	_ =	strace $0x80000046;
	[dreg:$0x1] =	wrdreg $0xFFFFFFFF  }
0xa7: {  	s28 =	simm.s32 $_size_execute0_lowered;
	s2 =	sadd.s32 s2, s4;
	[dreg:$0x0] =	wrdreg $0x0  }
0xa8: {  	s4 =	sshll.u32 s28, $0x1;
	[dreg:$0x2] =	wrdreg s2  }
0xa9: {  	[dreg:$0x3] =	wrdreg s4  }
0xaa: {  	[dreg:$0x4] =	wrdreg $0xC0  }
0xab: {  	_ =	task [dreg:s6], $0x5FFFF  }
0xac: {  	[dreg:$0x1] =	wrdreg $0xFFFFFFFF  }
0xad: {  	[dreg:$0x0] =	wrdreg $0x60  }
0xae: {  	[dreg:$0x2] =	wrdreg s24  }
0xaf: {  	[dreg:$0x3] =	wrdreg $0x54000  }
0xb0: {  	[dreg:$0x4] =	wrdreg $0x9  }
0xb1: {  	_ =	task.clear_ibuf [dreg:s6], $0x5FFFF;
	_ =	strace $0x90000046  }
0xb2: {  	s29 =	simm.s32 $0x9;
	_ =	strace $0x80000048  }
0xb3: {  	_ =	swait.ge [sflag:s29], $0x1  }
0xb4: {  	[sflag:s29] =	ssyncadd.s32 $0xFFFFFFFF  }
0xb5: {  	_ =	strace $0x90000048  }
0xb6: {  	_ =	sfence  }
0xb7: {  	s30 =	sld [smem:$0x0];
	_ =	sdelay $0x2  }
0xb8: {  	s31 =	sshll.u32 s1, $0xD;
	s1 =	sshrl.u32 s1, $0x2  }
0xb9: {  	s3 =	sand.u32 $0x4000, s31;
	s1 =	sadd.s32 s1, s30  }
0xba: {  	s0 =	sor.u32 s3, s0;
	s1 =	sshll.u32 s1, $0x11  }
0xbb: {  	s0 =	sor.u32 s1, s0  }
0xbc: {  	s0 =	sadd.s32 $0x8F2B, s0  }
0xbd: {  	[sflag:s0] =	ssyncadd.remote.s32 $0x1  }
0xbe: {  	_ =	sfence.sel $0xFFFF  }
0xbf: {  	[dreg:$0x0] =	wrdreg $0xFFFFFFFF;
	(pc) =	sbr.abs _section_cstart, $3  }
0xc0: {  	[dreg:$0x1] =	wrdreg $0xFFFFFFFF  }
0xc1: {  	_ =	task.clear_ibuf [dreg:s6], $0x2FFFF;
	_ =	strace $0x9FFFFFFF  }
0xc2: {  	(tm) =	ssettm $0x7FFFFFFF  }
0xc3: {  	_ =	shalt  }
tec
execute0_lowered:
.L_overlay_start_1:
0x0: {  	(tag) =	ssettag $0x1  }
0x1: {  	s0 =	rddreg [dreg:$0x0]  }
0x2: {  	s1 =	rddreg [dreg:$0x1];
	s2 =	simm.s32 $0x0  }
0x3: {  	s7 =	stileid.u32;
	s4 =	srdreg.scid;
	s12 =	simm.s32 $0xB80  }
0x4: {  	s16 =	simm.s32 $0xC00;
	s14 =	simm.s32 $0xD80;
	s28 =	simm.s32 $0x1100  }
0x5: {  	s29 =	simm.s32 $0x1180;
	s30 =	simm.s32 $0x1200;
	s3 =	smul.u32 $0xA00, s7  }
0x6: {  	s31 =	simm.s32 $0x1280;
	s13 =	simm.s32 $0x1;
	s5 =	smul.u32 $0x50000, s7  }
0x7: {  	[smem:$0x7FF] =	sst s2;
	s4 =	sand.u32 $0x1, s4;
	s18 =	smul.u32 $0x4E000, s7  }
0x8: {  	s8 =	sadd.s32 $0x1A400, s0;
	s9 =	sadd.s32 $0x41600, s0;
	s21 =	smul.u32 $0x2700, s7  }
0x9: {  	s24 =	sadd.s32 $0x138000, s1;
	p2 =	seq.s32 s7, $0x0;
	p1 =	sne.s32 s7, $0x0  }
0xa: {  	s7 =	simm.s32 $0x980;
	_ =	strace $0x80000047;
	[dreg:$0x4] =	wrdreg s9  }
0xb: {  	s6 =	ssub.s32 $0x2, s4;
	[dreg:$0x3] =	wrdreg s8;
	p0 =	seq.s32 s4, $0x0  }
0xc: {  	s26 =	sshrl.u32 s24, $0x3;
	s24 =	simm.s32 $0x1000;
	s3 =	sadd.s32 s3, s0  }
0xd: {  	s17 =	sshrl.u32 s6, $0x1;
	s5 =	sshrl.u32 s5, $0x2;
	s23 =	sadd.s32 s9, s21  }
0xe: {  	s25 =	sadd.s32 s8, s21;
	[dreg:$0x10] =	wrdreg s26;
	s8 =	simm.s32 $0xA00  }
0xf: {  	s9 =	simm.s32 $0xA80;
	s21 =	simm.s32 $0xE80;
	[dreg:$0xc] =	wrdreg s23  }
0x10: {  	s26 =	simm.s32 $0x1080;
	s10 =	sadd.s32 s5, s1;
	[dreg:$0xe] =	wrdreg s25  }
0x11: {  	s0 =	ssub.s32 s6, s17;
	s22 =	sadd.s32 $0x10400, s3;
	[dreg:$0x5] =	wrdreg s10  }
0x12: {  	s5 =	sshrl.u32 s18, $0x2;
	s3 =	sadd.s32 $0x6400, s3;
	[dreg:$0xa] =	wrdreg s22  }
0x13: {  	s17 =	simm.s32 $0x1400;
	s19 =	sadd.s32 $0x4000, s10;
	[dreg:$0xd] =	wrdreg s3  }
0x14: {  	s18 =	simm.s32 $0x2;
	s20 =	sadd.s32 $0x8000, s10;
	[dreg:$0x6] =	wrdreg s19  }
0x15: {  	s6 =	simm.s32 $0xC80;
	s11 =	sadd.s32 $0xC000, s10;
	[dreg:$0x7] =	wrdreg s20  }
0x16: {  	s23 =	simm.s32 $0xF80;
	s10 =	sadd.s32 $0x10000, s10;
	[dreg:$0x8] =	wrdreg s11  }
.Ltmp0:
0x17: {  	s5 =	sadd.s32 s5, s1;
	[dreg:$0x9] =	wrdreg s10;
	(pc) =	sbr.rel .LBB2_1-.Ltmp0, $4  }
0x18: {  	s25 =	simm.s32 $0x1380;
	s0 =	smax.u32 s0, $0x1;
	[dreg:$0xb] =	wrdreg s5  }
0x19: {  	s3 =	simm.s32 $0x900;
	s22 =	simm.s32 $0xF00;
	[dreg:$0xf] =	wrdreg s0  }
0x1a: {  	s19 =	simm.s32 $0x80;
	s10 =	simm.s32 $0xB00;
	s11 =	simm.s32 $0xD00  }
0x1b: {  	v0 =	vimm.f32 $1.000000000e+00;
	s20 =	simm.s32 $0xE00;
	s0 =	simm.s32 $0x1300;
	s5 =	simm.s32 $0x0  }
.LBB2_13:
0x1c: {  	s15 =	sadd.s32 $0x27000, s15;
	s5 =	rddreg [dreg:$0x10]  }
0x1d: {  	[hbm:s15], [sflag:s4] =	dma.local [spmem:s5], $0x100  }
0x1e: {  	_ =	swait.ge [sflag:s18], $0x100  }
0x1f: {  	[sflag:s18] =	ssyncset.done $0x0  }
0x20: {  	[sflag:s18] =	ssyncadd.s32 $0xFFFFFF00  }
.LBB2_14:
0x21: {  	s5 =	sadd.s32 $0x1, s3;
	s4 =	rddreg [dreg:$0xf]  }
0x22: {  	p3 =	sne.s32 s5, s4  }
.Ltmp1:
0x23: {  	_ = 	snop;
	(pc) =	sbr.rel @!p3 .LBB2_15-.Ltmp1, $2  }
0x24: {  	_ =	sdelay $0x2  }
0x25: {  	s3 =	simm.s32 $0x900  }
.LBB2_1:
0x26: {  	s15 =	simm.s32 $0x0;
	s4 =	simm.s32 $0x200  }
.LBB2_2:
0x27: {  	p3 =	sne.s32 s4, $0xFE00;
	[tilespmem:s15+$0x1470] =	vst v0  }
0x28: {  	[tilespmem:s15+$0x1400] =	vst v0  }
0x29: {  	[tilespmem:s15+$0x1410] =	vst v0  }
.Ltmp2:
0x2a: {  	[tilespmem:s15+$0x1420] =	vst v0;
	(pc) =	sbr.rel @p3 .LBB2_2-.Ltmp2, $4  }
0x2b: {  	[tilespmem:s15+$0x1430] =	vst v0  }
0x2c: {  	[tilespmem:s15+$0x1440] =	vst v0  }
0x2d: {  	[tilespmem:s15+$0x1450] =	vst v0  }
0x2e: {  	[tilespmem:s15+$0x1460] =	vst v0;
	s15 =	sshra.s32 s4, $0x2;
	s4 =	sadd.s32 $0x200, s4  }
0x2f: {  	[tilespmem:s15+$0x1470] =	vst v0  }
0x30: {  	[tilespmem:s15+$0x1400] =	vst v0  }
0x31: {  	[tilespmem:s15+$0x1410] =	vst v0  }
0x32: {  	[tilespmem:s15+$0x1420] =	vst v0  }
0x33: {  	[tilespmem:s15+$0x1430] =	vst v0  }
0x34: {  	[tilespmem:s15+$0x1440] =	vst v0  }
0x35: {  	[tilespmem:s15+$0x1450] =	vst v0  }
0x36: {  	[tilespmem:s15+$0x1460] =	vst v0;
	s4 =	rddreg [dreg:$0x5]  }
0x37: {  	[spmem:s4] =	stream.linear.scatter [tilespmem:s17], [sflag:$0x2], $0x4000, $0x38;
	[tilespmem:$0x19400] =	vst v63  }
0x38: {  	_ =	swait.ge [sflag:s18], $0x4000  }
0x39: {  	[sflag:s18] =	ssyncset.done $0x0  }
0x3a: {  	s15 =	rddreg [dreg:$0x6];
	[sflag:s18] =	ssyncadd.s32 $0xFFFFC000  }
0x3b: {  	[spmem:s15] =	stream.linear.scatter [tilespmem:s17], [sflag:$0x2], $0x4000, $0x38;
	[tilespmem:$0x19400] =	vst v63  }
0x3c: {  	_ =	swait.ge [sflag:s18], $0x4000  }
0x3d: {  	[sflag:s18] =	ssyncset.done $0x0  }
0x3e: {  	s15 =	rddreg [dreg:$0x7];
	[sflag:s18] =	ssyncadd.s32 $0xFFFFC000  }
0x3f: {  	[spmem:s15] =	stream.linear.scatter [tilespmem:s17], [sflag:$0x2], $0x4000, $0x38;
	[tilespmem:$0x19400] =	vst v63  }
0x40: {  	_ =	swait.ge [sflag:s18], $0x4000  }
0x41: {  	[sflag:s18] =	ssyncset.done $0x0  }
0x42: {  	s15 =	rddreg [dreg:$0x8];
	[sflag:s18] =	ssyncadd.s32 $0xFFFFC000  }
0x43: {  	[spmem:s15] =	stream.linear.scatter [tilespmem:s17], [sflag:$0x2], $0x4000, $0x38;
	[tilespmem:$0x19400] =	vst v63  }
0x44: {  	_ =	swait.ge [sflag:s18], $0x4000  }
0x45: {  	[sflag:s18] =	ssyncset.done $0x0  }
0x46: {  	s15 =	rddreg [dreg:$0x9];
	[sflag:s18] =	ssyncadd.s32 $0xFFFFC000  }
0x47: {  	[spmem:s15] =	stream.linear.scatter [tilespmem:s17], [sflag:$0x2], $0x4000, $0x38;
	[tilespmem:$0x19400] =	vst v63  }
.Ltmp3:
0x48: {  	_ =	swait.ge [sflag:s18], $0x4000;
	(pc) =	sbr.rel @!p0 .LBB2_4-.Ltmp3, $4  }
0x49: {  	[sflag:s18] =	ssyncset.done $0x0  }
0x4a: {  	[sflag:s18] =	ssyncadd.s32 $0xFFFFC000  }
0x4b: {  	[bflag:$0x0] =	sbarrier.arrive $0xFFFF  }
0x4c: {  	s15 =	simm.s32 $0x0;
	[dreg:$0x11] =	wrdreg s5  }
0x4d: {  	s5 =	rddreg [dreg:$0xd]  }
.LBB2_9:
0x4e: {  	s4 =	smul.u32 $0x280, s15;
	_ =	sdelay $0x1  }
0x4f: {  	s4 =	sadd.s32 s4, s5  }
0x50: {  	[tilespmem:s2], [sflag:$0x2] =	stream.linear.gather [hbm4b:s4+s2], $0x1400, $0x38;
	[tilespmem:$0x19400] =	vst v63  }
0x51: {  	_ =	swait.ge [sflag:s18], $0x1400  }
0x52: {  	[sflag:s18] =	ssyncset.done $0x0  }
0x53: {  	[sflag:s18] =	ssyncadd.s32 $0xFFFFEC00  }
0x54: {  	[spmem:s1] =	stream.indirect.scatter.add.f32 [tilespmem:s17], [sflag:$0x1], $0x80, s2, s19, $0xb8;
	[tilespmem:$0x19400] =	vst v63  }
0x55: {  	_ = 	snop  }
0x56: {  	[spmem:s1] =	stream.indirect.scatter.add.f32 [tilespmem:s17], [sflag:$0x1], $0x80, s19, s19, $0xb8;
	[tilespmem:$0x19400] =	vst v63  }
0x57: {  	s4 =	simm.s32 $0x100  }
0x58: {  	[spmem:s1] =	stream.indirect.scatter.add.f32 [tilespmem:s17], [sflag:$0x1], $0x80, s4, s19, $0xb8;
	[tilespmem:$0x19400] =	vst v63  }
0x59: {  	s4 =	simm.s32 $0x180  }
0x5a: {  	[spmem:s1] =	stream.indirect.scatter.add.f32 [tilespmem:s17], [sflag:$0x1], $0x80, s4, s19, $0xb8;
	[tilespmem:$0x19400] =	vst v63  }
0x5b: {  	s4 =	simm.s32 $0x200  }
0x5c: {  	[spmem:s1] =	stream.indirect.scatter.add.f32 [tilespmem:s17], [sflag:$0x1], $0x80, s4, s19, $0xb8;
	[tilespmem:$0x19400] =	vst v63  }
0x5d: {  	s4 =	simm.s32 $0x280  }
0x5e: {  	[spmem:s1] =	stream.indirect.scatter.add.f32 [tilespmem:s17], [sflag:$0x1], $0x80, s4, s19, $0xb8;
	[tilespmem:$0x19400] =	vst v63  }
0x5f: {  	s4 =	simm.s32 $0x300  }
0x60: {  	[spmem:s1] =	stream.indirect.scatter.add.f32 [tilespmem:s17], [sflag:$0x1], $0x80, s4, s19, $0xb8;
	[tilespmem:$0x19400] =	vst v63  }
0x61: {  	s4 =	simm.s32 $0x380  }
0x62: {  	[spmem:s1] =	stream.indirect.scatter.add.f32 [tilespmem:s17], [sflag:$0x1], $0x80, s4, s19, $0xb8;
	[tilespmem:$0x19400] =	vst v63  }
0x63: {  	s4 =	simm.s32 $0x400  }
0x64: {  	[spmem:s1] =	stream.indirect.scatter.add.f32 [tilespmem:s17], [sflag:$0x1], $0x80, s4, s19, $0xb8;
	[tilespmem:$0x19400] =	vst v63  }
0x65: {  	s4 =	simm.s32 $0x480  }
0x66: {  	[spmem:s1] =	stream.indirect.scatter.add.f32 [tilespmem:s17], [sflag:$0x1], $0x80, s4, s19, $0xb8;
	[tilespmem:$0x19400] =	vst v63  }
0x67: {  	s4 =	simm.s32 $0x500  }
0x68: {  	[spmem:s1] =	stream.indirect.scatter.add.f32 [tilespmem:s17], [sflag:$0x1], $0x80, s4, s19, $0xb8;
	[tilespmem:$0x19400] =	vst v63  }
0x69: {  	s4 =	simm.s32 $0x580  }
0x6a: {  	[spmem:s1] =	stream.indirect.scatter.add.f32 [tilespmem:s17], [sflag:$0x1], $0x80, s4, s19, $0xb8;
	[tilespmem:$0x19400] =	vst v63  }
0x6b: {  	s4 =	simm.s32 $0x600  }
0x6c: {  	[spmem:s1] =	stream.indirect.scatter.add.f32 [tilespmem:s17], [sflag:$0x1], $0x80, s4, s19, $0xb8;
	[tilespmem:$0x19400] =	vst v63  }
0x6d: {  	s4 =	simm.s32 $0x680  }
0x6e: {  	[spmem:s1] =	stream.indirect.scatter.add.f32 [tilespmem:s17], [sflag:$0x1], $0x80, s4, s19, $0xb8;
	[tilespmem:$0x19400] =	vst v63  }
0x6f: {  	s4 =	simm.s32 $0x700  }
0x70: {  	[spmem:s1] =	stream.indirect.scatter.add.f32 [tilespmem:s17], [sflag:$0x1], $0x80, s4, s19, $0xb8;
	[tilespmem:$0x19400] =	vst v63  }
0x71: {  	s4 =	simm.s32 $0x780  }
0x72: {  	[spmem:s1] =	stream.indirect.scatter.add.f32 [tilespmem:s17], [sflag:$0x1], $0x80, s4, s19, $0xb8;
	[tilespmem:$0x19400] =	vst v63  }
0x73: {  	s4 =	simm.s32 $0x800  }
0x74: {  	[spmem:s1] =	stream.indirect.scatter.add.f32 [tilespmem:s17], [sflag:$0x1], $0x80, s4, s19, $0xb8;
	[tilespmem:$0x19400] =	vst v63  }
0x75: {  	s4 =	simm.s32 $0x880  }
0x76: {  	[spmem:s1] =	stream.indirect.scatter.add.f32 [tilespmem:s17], [sflag:$0x1], $0x80, s4, s19, $0xb8;
	[tilespmem:$0x19400] =	vst v63  }
0x77: {  	_ = 	snop  }
0x78: {  	[spmem:s1] =	stream.indirect.scatter.add.f32 [tilespmem:s17], [sflag:$0x1], $0x80, s3, s19, $0xb8;
	[tilespmem:$0x19400] =	vst v63  }
0x79: {  	_ = 	snop  }
0x7a: {  	[spmem:s1] =	stream.indirect.scatter.add.f32 [tilespmem:s17], [sflag:$0x1], $0x80, s7, s19, $0xb8;
	[tilespmem:$0x19400] =	vst v63  }
0x7b: {  	_ = 	snop  }
0x7c: {  	[spmem:s1] =	stream.indirect.scatter.add.f32 [tilespmem:s17], [sflag:$0x1], $0x80, s8, s19, $0xb8;
	[tilespmem:$0x19400] =	vst v63  }
0x7d: {  	_ = 	snop  }
0x7e: {  	[spmem:s1] =	stream.indirect.scatter.add.f32 [tilespmem:s17], [sflag:$0x1], $0x80, s9, s19, $0xb8;
	[tilespmem:$0x19400] =	vst v63  }
0x7f: {  	_ = 	snop  }
0x80: {  	[spmem:s1] =	stream.indirect.scatter.add.f32 [tilespmem:s17], [sflag:$0x1], $0x80, s10, s19, $0xb8;
	[tilespmem:$0x19400] =	vst v63  }
0x81: {  	_ = 	snop  }
0x82: {  	[spmem:s1] =	stream.indirect.scatter.add.f32 [tilespmem:s17], [sflag:$0x1], $0x80, s12, s19, $0xb8;
	[tilespmem:$0x19400] =	vst v63  }
0x83: {  	_ = 	snop  }
0x84: {  	[spmem:s1] =	stream.indirect.scatter.add.f32 [tilespmem:s17], [sflag:$0x1], $0x80, s16, s19, $0xb8;
	[tilespmem:$0x19400] =	vst v63  }
0x85: {  	_ = 	snop  }
0x86: {  	[spmem:s1] =	stream.indirect.scatter.add.f32 [tilespmem:s17], [sflag:$0x1], $0x80, s6, s19, $0xb8;
	[tilespmem:$0x19400] =	vst v63  }
0x87: {  	_ = 	snop  }
0x88: {  	[spmem:s1] =	stream.indirect.scatter.add.f32 [tilespmem:s17], [sflag:$0x1], $0x80, s11, s19, $0xb8;
	[tilespmem:$0x19400] =	vst v63  }
0x89: {  	_ = 	snop  }
0x8a: {  	[spmem:s1] =	stream.indirect.scatter.add.f32 [tilespmem:s17], [sflag:$0x1], $0x80, s14, s19, $0xb8;
	[tilespmem:$0x19400] =	vst v63  }
0x8b: {  	_ = 	snop  }
0x8c: {  	[spmem:s1] =	stream.indirect.scatter.add.f32 [tilespmem:s17], [sflag:$0x1], $0x80, s20, s19, $0xb8;
	[tilespmem:$0x19400] =	vst v63  }
0x8d: {  	_ = 	snop  }
0x8e: {  	[spmem:s1] =	stream.indirect.scatter.add.f32 [tilespmem:s17], [sflag:$0x1], $0x80, s21, s19, $0xb8;
	[tilespmem:$0x19400] =	vst v63  }
0x8f: {  	_ = 	snop  }
0x90: {  	[spmem:s1] =	stream.indirect.scatter.add.f32 [tilespmem:s17], [sflag:$0x1], $0x80, s22, s19, $0xb8;
	[tilespmem:$0x19400] =	vst v63  }
0x91: {  	_ = 	snop  }
0x92: {  	[spmem:s1] =	stream.indirect.scatter.add.f32 [tilespmem:s17], [sflag:$0x1], $0x80, s23, s19, $0xb8;
	[tilespmem:$0x19400] =	vst v63  }
0x93: {  	_ = 	snop  }
0x94: {  	[spmem:s1] =	stream.indirect.scatter.add.f32 [tilespmem:s17], [sflag:$0x1], $0x80, s24, s19, $0xb8;
	[tilespmem:$0x19400] =	vst v63  }
0x95: {  	_ = 	snop  }
0x96: {  	[spmem:s1] =	stream.indirect.scatter.add.f32 [tilespmem:s17], [sflag:$0x1], $0x80, s26, s19, $0xb8;
	[tilespmem:$0x19400] =	vst v63  }
0x97: {  	_ = 	snop  }
0x98: {  	[spmem:s1] =	stream.indirect.scatter.add.f32 [tilespmem:s17], [sflag:$0x1], $0x80, s28, s19, $0xb8;
	[tilespmem:$0x19400] =	vst v63  }
0x99: {  	_ = 	snop  }
0x9a: {  	[spmem:s1] =	stream.indirect.scatter.add.f32 [tilespmem:s17], [sflag:$0x1], $0x80, s29, s19, $0xb8;
	[tilespmem:$0x19400] =	vst v63  }
0x9b: {  	_ = 	snop  }
0x9c: {  	[spmem:s1] =	stream.indirect.scatter.add.f32 [tilespmem:s17], [sflag:$0x1], $0x80, s30, s19, $0xb8;
	[tilespmem:$0x19400] =	vst v63  }
0x9d: {  	_ = 	snop  }
0x9e: {  	[spmem:s1] =	stream.indirect.scatter.add.f32 [tilespmem:s17], [sflag:$0x1], $0x80, s31, s19, $0xb8;
	[tilespmem:$0x19400] =	vst v63  }
0x9f: {  	_ = 	snop  }
0xa0: {  	[spmem:s1] =	stream.indirect.scatter.add.f32 [tilespmem:s17], [sflag:$0x1], $0x80, s0, s19, $0xb8;
	[tilespmem:$0x19400] =	vst v63  }
0xa1: {  	_ = 	snop  }
0xa2: {  	[spmem:s1] =	stream.indirect.scatter.add.f32 [tilespmem:s17], [sflag:$0x1], $0x80, s25, s19, $0xb8;
	[tilespmem:$0x19400] =	vst v63  }
0xa3: {  	_ =	swait.ge [sflag:s13], $0x4000  }
0xa4: {  	s4 =	simm.s32 $0x27;
	[sflag:s13] =	ssyncset.done $0x0  }
.LBB2_10:
0xa5: {  	p3 =	sne.s32 s4, $0x1;
	s4 =	sadd.s32 $0xFFFFFFFF, s4;
	[sflag:s13] =	ssyncadd.s32 $0xFFFFC000  }
.Ltmp4:
0xa6: {  	(pc) =	sbr.rel @p3 .LBB2_10-.Ltmp4, $3  }
0xa7: {  	_ =	sdelay $0x1  }
0xa8: {  	_ =	swait.ge [sflag:s13], $0x4000  }
0xa9: {  	[sflag:s13] =	ssyncset.done $0x0  }
0xaa: {  	s15 =	sadd.s32 $0x1, s15  }
0xab: {  	p3 =	sne.s32 s15, $0x4  }
.Ltmp5:
0xac: {  	_ = 	snop;
	(pc) =	sbr.rel @p3 .LBB2_9-.Ltmp5, $2  }
0xad: {  	_ =	sdelay $0x2  }
0xae: {  	[sflag:s13] =	ssyncadd.s32 $0xFFFFC000  }
0xaf: {  	s4 =	stileid.u32;
	[bflag:$0x0] =	sbarrier.arrive $0xFFFF  }
0xb0: {  	s4 =	sshll.u32 s4, $0x6;
	s5 =	rddreg [dreg:$0xb]  }
0xb1: {  	s3 =	rddreg [dreg:$0xe];
	s4 =	sor.u32 $0x1C02, s4;
	s15 =	sshrl.u32 s5, $0x3  }
0xb2: {  	[hbm:s3], [sflag:s4] =	dma.local [spmem:s15], $0x2700  }
.Ltmp6:
0xb3: {  	_ = 	snop;
	(pc) =	sbr.rel @!p2 .LBB2_14-.Ltmp6, $4  }
.Ltmp7:
0xb4: {  	_ = 	snop;
	(pc) =	sbr.rel @p2 .LBB2_13-.Ltmp7, $4  }
0xb5: {  	_ =	swait.ge [sflag:s18], $0x2700  }
0xb6: {  	[sflag:s18] =	ssyncset.done $0x0;
	s15 =	rddreg [dreg:$0x3]  }
0xb7: {  	s3 =	rddreg [dreg:$0x11];
	[sflag:s18] =	ssyncadd.s32 $0xFFFFD900  }
0xb8: {  	_ = 	snop  }
.LBB2_4:
0xb9: {  	s4 =	smul.u32 $0x280, s15  }
0xba: {  	s5 =	rddreg [dreg:$0xa]  }
0xbb: {  	s4 =	sadd.s32 s4, s5  }
0xbc: {  	[tilespmem:s2], [sflag:$0x2] =	stream.linear.gather [hbm4b:s4+s2], $0x1400, $0x38;
	[tilespmem:$0x19400] =	vst v63  }
0xbd: {  	_ =	swait.ge [sflag:s18], $0x1400  }
0xbe: {  	[sflag:s18] =	ssyncset.done $0x0  }
0xbf: {  	[sflag:s18] =	ssyncadd.s32 $0xFFFFEC00  }
0xc0: {  	[spmem:s1] =	stream.indirect.scatter.add.f32 [tilespmem:s17], [sflag:$0x1], $0x80, s2, s19, $0xb8;
	[tilespmem:$0x19400] =	vst v63  }
0xc1: {  	_ = 	snop  }
0xc2: {  	[spmem:s1] =	stream.indirect.scatter.add.f32 [tilespmem:s17], [sflag:$0x1], $0x80, s19, s19, $0xb8;
	[tilespmem:$0x19400] =	vst v63  }
0xc3: {  	s5 =	simm.s32 $0x100  }
0xc4: {  	[spmem:s1] =	stream.indirect.scatter.add.f32 [tilespmem:s17], [sflag:$0x1], $0x80, s5, s19, $0xb8;
	[tilespmem:$0x19400] =	vst v63  }
0xc5: {  	s5 =	simm.s32 $0x180  }
0xc6: {  	[spmem:s1] =	stream.indirect.scatter.add.f32 [tilespmem:s17], [sflag:$0x1], $0x80, s5, s19, $0xb8;
	[tilespmem:$0x19400] =	vst v63  }
0xc7: {  	s5 =	simm.s32 $0x200  }
0xc8: {  	[spmem:s1] =	stream.indirect.scatter.add.f32 [tilespmem:s17], [sflag:$0x1], $0x80, s5, s19, $0xb8;
	[tilespmem:$0x19400] =	vst v63  }
0xc9: {  	s5 =	simm.s32 $0x280  }
0xca: {  	[spmem:s1] =	stream.indirect.scatter.add.f32 [tilespmem:s17], [sflag:$0x1], $0x80, s5, s19, $0xb8;
	[tilespmem:$0x19400] =	vst v63  }
0xcb: {  	s5 =	simm.s32 $0x300  }
0xcc: {  	[spmem:s1] =	stream.indirect.scatter.add.f32 [tilespmem:s17], [sflag:$0x1], $0x80, s5, s19, $0xb8;
	[tilespmem:$0x19400] =	vst v63  }
0xcd: {  	s5 =	simm.s32 $0x380  }
0xce: {  	[spmem:s1] =	stream.indirect.scatter.add.f32 [tilespmem:s17], [sflag:$0x1], $0x80, s5, s19, $0xb8;
	[tilespmem:$0x19400] =	vst v63  }
0xcf: {  	s5 =	simm.s32 $0x400  }
0xd0: {  	[spmem:s1] =	stream.indirect.scatter.add.f32 [tilespmem:s17], [sflag:$0x1], $0x80, s5, s19, $0xb8;
	[tilespmem:$0x19400] =	vst v63  }
0xd1: {  	s5 =	simm.s32 $0x480  }
0xd2: {  	[spmem:s1] =	stream.indirect.scatter.add.f32 [tilespmem:s17], [sflag:$0x1], $0x80, s5, s19, $0xb8;
	[tilespmem:$0x19400] =	vst v63  }
0xd3: {  	s5 =	simm.s32 $0x500  }
0xd4: {  	[spmem:s1] =	stream.indirect.scatter.add.f32 [tilespmem:s17], [sflag:$0x1], $0x80, s5, s19, $0xb8;
	[tilespmem:$0x19400] =	vst v63  }
0xd5: {  	s5 =	simm.s32 $0x580  }
0xd6: {  	[spmem:s1] =	stream.indirect.scatter.add.f32 [tilespmem:s17], [sflag:$0x1], $0x80, s5, s19, $0xb8;
	[tilespmem:$0x19400] =	vst v63  }
0xd7: {  	s5 =	simm.s32 $0x600  }
0xd8: {  	[spmem:s1] =	stream.indirect.scatter.add.f32 [tilespmem:s17], [sflag:$0x1], $0x80, s5, s19, $0xb8;
	[tilespmem:$0x19400] =	vst v63  }
0xd9: {  	s5 =	simm.s32 $0x680  }
0xda: {  	[spmem:s1] =	stream.indirect.scatter.add.f32 [tilespmem:s17], [sflag:$0x1], $0x80, s5, s19, $0xb8;
	[tilespmem:$0x19400] =	vst v63  }
0xdb: {  	s5 =	simm.s32 $0x700  }
0xdc: {  	[spmem:s1] =	stream.indirect.scatter.add.f32 [tilespmem:s17], [sflag:$0x1], $0x80, s5, s19, $0xb8;
	[tilespmem:$0x19400] =	vst v63  }
0xdd: {  	s5 =	simm.s32 $0x780  }
0xde: {  	[spmem:s1] =	stream.indirect.scatter.add.f32 [tilespmem:s17], [sflag:$0x1], $0x80, s5, s19, $0xb8;
	[tilespmem:$0x19400] =	vst v63  }
0xdf: {  	s5 =	simm.s32 $0x800  }
0xe0: {  	[spmem:s1] =	stream.indirect.scatter.add.f32 [tilespmem:s17], [sflag:$0x1], $0x80, s5, s19, $0xb8;
	[tilespmem:$0x19400] =	vst v63  }
0xe1: {  	s5 =	simm.s32 $0x880  }
0xe2: {  	[spmem:s1] =	stream.indirect.scatter.add.f32 [tilespmem:s17], [sflag:$0x1], $0x80, s5, s19, $0xb8;
	[tilespmem:$0x19400] =	vst v63  }
0xe3: {  	_ = 	snop  }
0xe4: {  	[spmem:s1] =	stream.indirect.scatter.add.f32 [tilespmem:s17], [sflag:$0x1], $0x80, s3, s19, $0xb8;
	[tilespmem:$0x19400] =	vst v63  }
0xe5: {  	_ = 	snop  }
0xe6: {  	[spmem:s1] =	stream.indirect.scatter.add.f32 [tilespmem:s17], [sflag:$0x1], $0x80, s7, s19, $0xb8;
	[tilespmem:$0x19400] =	vst v63  }
0xe7: {  	_ = 	snop  }
0xe8: {  	[spmem:s1] =	stream.indirect.scatter.add.f32 [tilespmem:s17], [sflag:$0x1], $0x80, s8, s19, $0xb8;
	[tilespmem:$0x19400] =	vst v63  }
0xe9: {  	_ = 	snop  }
0xea: {  	[spmem:s1] =	stream.indirect.scatter.add.f32 [tilespmem:s17], [sflag:$0x1], $0x80, s9, s19, $0xb8;
	[tilespmem:$0x19400] =	vst v63  }
0xeb: {  	_ = 	snop  }
0xec: {  	[spmem:s1] =	stream.indirect.scatter.add.f32 [tilespmem:s17], [sflag:$0x1], $0x80, s10, s19, $0xb8;
	[tilespmem:$0x19400] =	vst v63  }
0xed: {  	_ = 	snop  }
0xee: {  	[spmem:s1] =	stream.indirect.scatter.add.f32 [tilespmem:s17], [sflag:$0x1], $0x80, s12, s19, $0xb8;
	[tilespmem:$0x19400] =	vst v63  }
0xef: {  	_ = 	snop  }
0xf0: {  	[spmem:s1] =	stream.indirect.scatter.add.f32 [tilespmem:s17], [sflag:$0x1], $0x80, s16, s19, $0xb8;
	[tilespmem:$0x19400] =	vst v63  }
0xf1: {  	_ = 	snop  }
0xf2: {  	[spmem:s1] =	stream.indirect.scatter.add.f32 [tilespmem:s17], [sflag:$0x1], $0x80, s6, s19, $0xb8;
	[tilespmem:$0x19400] =	vst v63  }
0xf3: {  	_ = 	snop  }
0xf4: {  	[spmem:s1] =	stream.indirect.scatter.add.f32 [tilespmem:s17], [sflag:$0x1], $0x80, s11, s19, $0xb8;
	[tilespmem:$0x19400] =	vst v63  }
0xf5: {  	_ = 	snop  }
0xf6: {  	[spmem:s1] =	stream.indirect.scatter.add.f32 [tilespmem:s17], [sflag:$0x1], $0x80, s14, s19, $0xb8;
	[tilespmem:$0x19400] =	vst v63  }
0xf7: {  	_ = 	snop  }
0xf8: {  	[spmem:s1] =	stream.indirect.scatter.add.f32 [tilespmem:s17], [sflag:$0x1], $0x80, s20, s19, $0xb8;
	[tilespmem:$0x19400] =	vst v63  }
0xf9: {  	_ = 	snop  }
0xfa: {  	[spmem:s1] =	stream.indirect.scatter.add.f32 [tilespmem:s17], [sflag:$0x1], $0x80, s21, s19, $0xb8;
	[tilespmem:$0x19400] =	vst v63  }
0xfb: {  	_ = 	snop  }
0xfc: {  	[spmem:s1] =	stream.indirect.scatter.add.f32 [tilespmem:s17], [sflag:$0x1], $0x80, s22, s19, $0xb8;
	[tilespmem:$0x19400] =	vst v63  }
0xfd: {  	_ = 	snop  }
0xfe: {  	[spmem:s1] =	stream.indirect.scatter.add.f32 [tilespmem:s17], [sflag:$0x1], $0x80, s23, s19, $0xb8;
	[tilespmem:$0x19400] =	vst v63  }
0xff: {  	_ = 	snop  }
0x100: {  	[spmem:s1] =	stream.indirect.scatter.add.f32 [tilespmem:s17], [sflag:$0x1], $0x80, s24, s19, $0xb8;
	[tilespmem:$0x19400] =	vst v63  }
0x101: {  	_ = 	snop  }
0x102: {  	[spmem:s1] =	stream.indirect.scatter.add.f32 [tilespmem:s17], [sflag:$0x1], $0x80, s26, s19, $0xb8;
	[tilespmem:$0x19400] =	vst v63  }
0x103: {  	_ = 	snop  }
0x104: {  	[spmem:s1] =	stream.indirect.scatter.add.f32 [tilespmem:s17], [sflag:$0x1], $0x80, s28, s19, $0xb8;
	[tilespmem:$0x19400] =	vst v63  }
0x105: {  	_ = 	snop  }
0x106: {  	[spmem:s1] =	stream.indirect.scatter.add.f32 [tilespmem:s17], [sflag:$0x1], $0x80, s29, s19, $0xb8;
	[tilespmem:$0x19400] =	vst v63  }
0x107: {  	_ = 	snop  }
0x108: {  	[spmem:s1] =	stream.indirect.scatter.add.f32 [tilespmem:s17], [sflag:$0x1], $0x80, s30, s19, $0xb8;
	[tilespmem:$0x19400] =	vst v63  }
0x109: {  	_ = 	snop  }
0x10a: {  	[spmem:s1] =	stream.indirect.scatter.add.f32 [tilespmem:s17], [sflag:$0x1], $0x80, s31, s19, $0xb8;
	[tilespmem:$0x19400] =	vst v63  }
0x10b: {  	_ = 	snop  }
0x10c: {  	[spmem:s1] =	stream.indirect.scatter.add.f32 [tilespmem:s17], [sflag:$0x1], $0x80, s0, s19, $0xb8;
	[tilespmem:$0x19400] =	vst v63  }
0x10d: {  	_ = 	snop  }
0x10e: {  	[spmem:s1] =	stream.indirect.scatter.add.f32 [tilespmem:s17], [sflag:$0x1], $0x80, s25, s19, $0xb8;
	[tilespmem:$0x19400] =	vst v63  }
0x10f: {  	_ =	swait.ge [sflag:s13], $0x4000  }
0x110: {  	s4 =	simm.s32 $0x27;
	[sflag:s13] =	ssyncset.done $0x0  }
.LBB2_5:
0x111: {  	p3 =	sne.s32 s4, $0x1;
	s4 =	sadd.s32 $0xFFFFFFFF, s4;
	[sflag:s13] =	ssyncadd.s32 $0xFFFFC000  }
.Ltmp8:
0x112: {  	(pc) =	sbr.rel @p3 .LBB2_5-.Ltmp8, $3  }
0x113: {  	_ =	sdelay $0x1  }
0x114: {  	_ =	swait.ge [sflag:s13], $0x4000  }
0x115: {  	[sflag:s13] =	ssyncset.done $0x0  }
0x116: {  	s15 =	sadd.s32 $0x1, s15  }
0x117: {  	p3 =	sne.s32 s15, $0x4  }
.Ltmp9:
0x118: {  	_ = 	snop;
	(pc) =	sbr.rel @p3 .LBB2_4-.Ltmp9, $2  }
0x119: {  	_ =	sdelay $0x2  }
0x11a: {  	[sflag:s13] =	ssyncadd.s32 $0xFFFFC000  }
0x11b: {  	s4 =	stileid.u32;
	[bflag:$0x0] =	sbarrier.arrive $0xFFFF  }
0x11c: {  	s4 =	sshll.u32 s4, $0x6;
	s5 =	rddreg [dreg:$0xb]  }
0x11d: {  	s3 =	rddreg [dreg:$0xc];
	s4 =	sor.u32 $0x1C02, s4;
	s15 =	sshrl.u32 s5, $0x3  }
0x11e: {  	[hbm:s3], [sflag:s4] =	dma.local [spmem:s15], $0x2700  }
.Ltmp10:
0x11f: {  	_ = 	snop;
	(pc) =	sbr.rel @p1 .LBB2_14-.Ltmp10, $4  }
.Ltmp11:
0x120: {  	_ = 	snop;
	(pc) =	sbr.rel @!p1 .LBB2_13-.Ltmp11, $4  }
0x121: {  	_ =	swait.ge [sflag:s18], $0x2700  }
0x122: {  	[sflag:s18] =	ssyncset.done $0x0;
	s15 =	rddreg [dreg:$0x4]  }
0x123: {  	s3 =	rddreg [dreg:$0x11];
	[sflag:s18] =	ssyncadd.s32 $0xFFFFD900  }
0x124: {  	_ = 	snop  }
.LBB2_15:
0x125: {  	_ =	sfence.sel $0x180000  }
0x126: {  	[bflag:$0x0] =	sbarrier.arrive $0xFFFF  }
0x127: {  	_ =	strace $0x90000047  }
0x128: {  	[bflag:$0x2] =	sbarrier.arrive $0xFFFF  }
0x129: {  	s0 =	rddreg [dreg:$0x2]  }
0x12a: {  	s0 =	sadd.s32 @!p1 $0x100000, s0  }
0x12b: {  	[sflag:s0] =	ssyncadd.tile.s32 @!p1 $0x1;
	_ =	shalt  }
.Lfunc_end2:
_tile_overlayer_lowered:
.L_overlay_start_2:
0x12c: {  	(tag) =	ssettag $0x2  }
0x12d: {  	s0 =	rddreg [dreg:$0x0];
	s2 =	stileid.u32  }
0x12e: {  	s1 =	rddreg [dreg:$0x1];
	p0 =	sne.s32 s2, $0x0  }
0x12f: {  	s3 =	rddreg [dreg:$0x2];
	[bflag:$0x3] =	sbarrier.arrive $0xFFFF;
	s2 =	simm.s32 @!p0 $0x1C02  }
0x130: {  	[timem:s3], [sflag:s2] =	dma.local @!p0 [hbm:s0], s1  }
0x131: {  	s0 =	simm.s32 @!p0 $0x2  }
0x132: {  	_ =	swait.ge @!p0 [sflag:s0], s1  }
0x133: {  	s1 =	ssub.s32 @!p0 $0x0, s1;
	[sflag:s0] =	ssyncset.done @!p0 $0x0  }
0x134: {  	[sflag:s0] =	ssyncadd.s32 @!p0 s1  }
0x135: {  	[bflag:$0x3] =	sbarrier.arrive $0xFFFF  }
0x136: {  	_ =	shalt  }

// kernel: gcn_spmm_sc.11.cloned.1.call-start
scs
__scs_entry_jumppad:
0x0: {  	(pc) =	sbr.rel $0x88, $3  }
0x1: {  	(tag) =	ssettag $0x0;
	lr =	simm.s32 $0x1  }
0x2: {  	[smem:$0x3F8B] =	sst lr;
	_ =	strace $0xD0000000  }
0x3: {  	_ = 	snop  }
0x4: {  	_ = 	snop  }
0x5: {  	_ = 	snop  }
0x6: {  	_ = 	snop  }
0x7: {  	_ = 	snop  }
__scs_overlays_trampoline_lowered:
0x8: {  	[smem:$0x3F9A] =	sst s0  }
0x9: {  	[smem:$0x3F9B] =	sst s1  }
0xa: {  	[smem:$0x3F9C] =	sst s2  }
0xb: {  	[smem:$0x3F9D] =	sst s3  }
0xc: {  	[smem:$0x3F9E] =	sst s4  }
0xd: {  	[smem:$0x3F9F] =	sst s5  }
0xe: {  	[smem:$0x3FA0] =	sst s6  }
0xf: {  	[smem:$0x3FA1] =	sst s7  }
0x10: {  	[smem:$0x3FA2] =	sst s8  }
0x11: {  	[smem:$0x3FA3] =	sst s9;
	s0 =	simm.s32 @!p0 $0x0  }
0x12: {  	s1 =	sld [smem:$0x3F89];
	s0 =	simm.s32 @p0 $0x1  }
0x13: {  	[smem:$0x3FA4] =	sst s0;
	s0 =	simm.s32 @!p1 $0x0  }
0x14: {  	s2 =	sld [smem:$0x3F88];
	s0 =	simm.s32 @p1 $0x1  }
0x15: {  	[smem:$0x3FA5] =	sst s0;
	s0 =	simm.s32 @!p2 $0x0  }
0x16: {  	s3 =	sld [smem:$0x3FDB];
	s0 =	simm.s32 @p2 $0x1  }
0x17: {  	s4 =	simm.s32 $0x1BF5;
	[smem:$0x3FA7] =	sst s0  }
0x18: {  	s0 =	sld [smem:$0x3F8A];
	_ =	swait.ge [sflag:s4], $0x0  }
0x19: {  	s7 =	sld [smem:$0x3F8B]  }
0x1a: {  	s8 =	sadd.s32 $0xFFFFE003, lr  }
0x1b: {  	s9 =	sadd.s32 $0xFFFFFEF7, lr;
	s5 =	simm.s32 $0xFFFFFFFF;
	p2 =	slt.u32 s8, $0xFFFFF086  }
0x1c: {  	p1 =	slt.u32 s9, $0xF7A;
	s5 =	simm.s32 @!p2 $0x0  }
0x1d: {  	s5 =	simm.s32 @p1 $0x1;
	p0 =	seq.s32 s7, s2  }
0x1e: {  	s7 =	smul.u32 @!p0 $0xF7A, s2;
	p2 =	seq.s32 @!p0 s5, $0x0  }
0x1f: {  	s9 =	smul.u32 $0xF7A, s1;
	s8 =	simm.s32 @!p0 $0x1BF5;
	p2 =	por !p2, p0  }
0x20: {  	[sflag:s8] =	ssyncset.s32 @!p0 $0xFFFFF086;
	s6 =	sadd.s32 @!p0 s3, s7;
	s7 =	simm.s32 @!p0 $0x108  }
0x21: {  	s3 =	sadd.s32 s3, s9;
	s6 =	sadd.s32 @!p0 $0x88, s6;
	s7 =	simm.s32 @p2 $0x1082  }
0x22: {  	[simem:s7], [sflag:s8] =	dma.local @!p0 [hbm:s6], $0xF7A  }
0x23: {  	s9 =	sor.u32 $0xD0000000, s2;
	s6 =	simm.s32 $0x108;
	_ =	swait.ge @!p0 [sflag:s8], $0x0  }
0x24: {  	s3 =	sadd.s32 $0x88, s3;
	s6 =	simm.s32 @!p1 $0x1082;
	[sflag:s4] =	ssyncset.s32 $0xFFFFF086  }
0x25: {  	[simem:s6], [sflag:s4] =	dma.local [hbm:s3], $0xF7A  }
0x26: {  	[smem:$0x3F8B] =	sst s1;
	(tag) =	ssettag s2;
	_ =	strace s9  }
0x27: {  	s1 =	sld [smem:$0x3F9B]  }
0x28: {  	s2 =	sld [smem:$0x3F9C]  }
0x29: {  	s4 =	sld [smem:$0x3F9E]  }
0x2a: {  	p0 =	seq.s32 s5, $0x0;
	s5 =	sld [smem:$0x3F9F]  }
0x2b: {  	s6 =	sld [smem:$0x3FA0]  }
0x2c: {  	s7 =	sld [smem:$0x3FA1]  }
0x2d: {  	s3 =	simm.s32 $0x108;
	s8 =	sld [smem:$0x3FA2]  }
0x2e: {  	s3 =	simm.s32 @!p0 $0x1082;
	s9 =	sld [smem:$0x3FA3]  }
0x2f: {  	lr =	sadd.s32 s0, s3;
	s0 =	sld [smem:$0x3F9A]  }
0x30: {  	s3 =	sld [smem:$0x3F9D]  }
0x31: {  	[smem:$0x3FA6] =	sst s10  }
0x32: {  	s10 =	sld [smem:$0x3FA4];
	_ =	sdelay $0x3  }
0x33: {  	p0 =	seq.s32 s10, $0x1;
	s10 =	sld [smem:$0x3FA6];
	_ =	sdelay $0x3  }
0x34: {  	[smem:$0x3FA6] =	sst s10  }
0x35: {  	s10 =	sld [smem:$0x3FA5];
	_ =	sdelay $0x3  }
0x36: {  	p1 =	seq.s32 s10, $0x1;
	s10 =	sld [smem:$0x3FA6];
	_ =	sdelay $0x3  }
0x37: {  	[smem:$0x3FA6] =	sst s10  }
0x38: {  	s10 =	sld [smem:$0x3FA7]  }
0x39: {  	_ = 	snop;
	(pc) =	sbr.ind lr, $3  }
0x3a: {  	_ = 	snop  }
0x3b: {  	_ = 	snop  }
0x3c: {  	p2 =	seq.s32 s10, $0x1;
	s10 =	sld [smem:$0x3FA6]  }
0x3d: {  	_ =	shalt  }
0x3e: {  	_ =	shalt  }
0x3f: {  	_ =	shalt  }
0x40: {  	_ =	shalt  }
0x41: {  	_ =	shalt  }
0x42: {  	_ =	shalt  }
0x43: {  	_ =	shalt  }
0x44: {  	_ =	shalt  }
0x45: {  	_ =	shalt  }
0x46: {  	_ =	shalt  }
0x47: {  	_ =	shalt  }
0x48: {  	_ =	shalt  }
0x49: {  	_ =	shalt  }
0x4a: {  	_ =	shalt  }
0x4b: {  	_ =	shalt  }
0x4c: {  	_ =	shalt  }
0x4d: {  	_ =	shalt  }
0x4e: {  	_ =	shalt  }
0x4f: {  	_ =	shalt  }
0x50: {  	_ =	shalt  }
0x51: {  	_ =	shalt  }
0x52: {  	_ =	shalt  }
0x53: {  	_ =	shalt  }
0x54: {  	_ =	shalt  }
0x55: {  	_ =	shalt  }
0x56: {  	_ =	shalt  }
0x57: {  	_ =	shalt  }
0x58: {  	_ =	shalt  }
0x59: {  	_ =	shalt  }
0x5a: {  	_ =	shalt  }
0x5b: {  	_ =	shalt  }
0x5c: {  	_ =	shalt  }
0x5d: {  	_ =	shalt  }
0x5e: {  	_ =	shalt  }
0x5f: {  	_ =	shalt  }
0x60: {  	_ =	shalt  }
0x61: {  	_ =	shalt  }
0x62: {  	_ =	shalt  }
0x63: {  	_ =	shalt  }
0x64: {  	_ =	shalt  }
0x65: {  	_ =	shalt  }
0x66: {  	_ =	shalt  }
0x67: {  	_ =	shalt  }
0x68: {  	_ =	shalt  }
0x69: {  	_ =	shalt  }
0x6a: {  	_ =	shalt  }
0x6b: {  	_ =	shalt  }
0x6c: {  	_ =	shalt  }
0x6d: {  	_ =	shalt  }
0x6e: {  	_ =	shalt  }
0x6f: {  	_ =	shalt  }
0x70: {  	_ =	shalt  }
0x71: {  	_ =	shalt  }
0x72: {  	_ =	shalt  }
0x73: {  	_ =	shalt  }
0x74: {  	_ =	shalt  }
0x75: {  	_ =	shalt  }
0x76: {  	_ =	shalt  }
0x77: {  	_ =	shalt  }
0x78: {  	_ =	shalt  }
0x79: {  	_ =	shalt  }
0x7a: {  	_ =	shalt  }
0x7b: {  	_ =	shalt  }
0x7c: {  	_ =	shalt  }
0x7d: {  	_ =	shalt  }
0x7e: {  	_ =	shalt  }
0x7f: {  	_ =	shalt  }
0x80: {  	_ =	shalt  }
0x81: {  	_ =	shalt  }
0x82: {  	_ =	shalt  }
0x83: {  	_ =	shalt  }
0x84: {  	_ =	shalt  }
0x85: {  	_ =	shalt  }
0x86: {  	_ =	shalt  }
0x87: {  	_ =	shalt  }
.Lfunc_end0:
.L_simem_size_0:
called_computation.2_lowered:
.L_overlay_start_0:
0x88: {  	s2 =	sld [smem:$0x3FD9]  }
0x89: {  	s3 =	sld [smem:$0x3FFE];
	_ =	sdelay $0x1  }
0x8a: {  	s1 =	srdreg.scid  }
0x8b: {  	s0 =	sand.u32 $0x1, s1  }
0x8c: {  	s16 =	sshll.u32 s0, $0xA;
	s2 =	sadd.s32 s3, s2  }
0x8d: {  	s2 =	sadd.s32 s2, s16  }
0x8e: {  	[smem:$0x3FB2] =	sst s2  }
0x8f: {  	_ = 	snop  }
0x90: {  	(tm) =	ssettm $0x1  }
0x91: {  	s17 =	sld [smem:$0x3FFB];
	_ =	sdelay $0x3  }
0x92: {  	_ =	strace s17  }
0x93: {  	s2 =	sld [smem:$0x3FFC];
	_ =	sdelay $0x3  }
0x94: {  	_ =	strace s2  }
0x95: {  	s2 =	sld [smem:$0x3FFD];
	_ =	sdelay $0x3  }
0x96: {  	_ =	strace s2  }
0x97: {  	_ =	strace $0x8FFFFFFF  }
0x98: {  	s18 =	sld [smem:$0x3FDB];
	_ =	sdelay $0x1  }
0x99: {  	s19 =	simm.s32 $_scs_section_size  }
0x9a: {  	s4 =	simm.s32 $_size__tile_overlayer_lowered;
	s5 =	simm.s32 $_tile_overlayer_lowered  }
0x9b: {  	s22 =	simm.s32 $0x1BFF;
	s21 =	sshll.u32 s5, $0x1;
	s2 =	sadd.s32 s19, s18  }
0x9c: {  	s6 =	simm.s32 $0x0;
	s20 =	sshll.u32 s4, $0x1;
	s4 =	sadd.s32 s21, s2  }
0x9d: {  	[timem:s6], [sflag:s22] =	dma.local [hbm:s4], s20  }
0x9e: {  	_ =	swait.ge [sflag:s22], s20  }
0x9f: {  	s3 =	ssub.s32 $0x0, s20;
	[sflag:s22] =	ssyncset.done $0x0  }
0xa0: {  	[sflag:s22] =	ssyncadd.s32 s3;
	_ =	sdelay $0x1  }
0xa1: {  	s23 =	simm.s32 $0x1B8B  }
0xa2: {  	_ =	swait.ge [sflag:s23], $0x1  }
0xa3: {  	[sflag:s23] =	ssyncset.done $0x0  }
0xa4: {  	s25 =	simm.s32 $0x1B8E;
	s24 =	sld [smem:$0x3FFE];
	[sflag:s23] =	ssyncadd.s32 $0xFFFFFFFF  }
0xa5: {  	s26 =	simm.s32 $execute0_lowered;
	[smem:$0x3FD2] =	sst s25  }
0xa6: {  	s4 =	sshll.u32 s26, $0x1;
	_ =	strace $0x80000049;
	[dreg:$0x1] =	wrdreg $0xFFFFFFFF  }
0xa7: {  	s28 =	simm.s32 $_size_execute0_lowered;
	s2 =	sadd.s32 s2, s4;
	[dreg:$0x0] =	wrdreg $0x0  }
0xa8: {  	s4 =	sshll.u32 s28, $0x1;
	[dreg:$0x2] =	wrdreg s2  }
0xa9: {  	[dreg:$0x3] =	wrdreg s4  }
0xaa: {  	[dreg:$0x4] =	wrdreg $0xC0  }
0xab: {  	_ =	task [dreg:s6], $0x5FFFF  }
0xac: {  	[dreg:$0x1] =	wrdreg $0xFFFFFFFF  }
0xad: {  	[dreg:$0x0] =	wrdreg $0x60  }
0xae: {  	[dreg:$0x2] =	wrdreg s24  }
0xaf: {  	[dreg:$0x3] =	wrdreg $0xA8000  }
0xb0: {  	[dreg:$0x4] =	wrdreg $0xA  }
0xb1: {  	_ =	task.clear_ibuf [dreg:s6], $0x5FFFF;
	_ =	strace $0x90000049  }
0xb2: {  	s29 =	simm.s32 $0xA;
	_ =	strace $0x8000004B  }
0xb3: {  	_ =	swait.ge [sflag:s29], $0x1  }
0xb4: {  	[sflag:s29] =	ssyncadd.s32 $0xFFFFFFFF  }
0xb5: {  	_ =	strace $0x9000004B  }
0xb6: {  	_ =	sfence  }
0xb7: {  	s30 =	sld [smem:$0x0];
	_ =	sdelay $0x2  }
0xb8: {  	s31 =	sshll.u32 s1, $0xD;
	s1 =	sshrl.u32 s1, $0x2  }
0xb9: {  	s3 =	sand.u32 $0x4000, s31;
	s1 =	sadd.s32 s1, s30  }
0xba: {  	s0 =	sor.u32 s3, s0;
	s1 =	sshll.u32 s1, $0x11  }
0xbb: {  	s0 =	sor.u32 s1, s0  }
0xbc: {  	s0 =	sadd.s32 $0x8F2B, s0  }
0xbd: {  	[sflag:s0] =	ssyncadd.remote.s32 $0x1  }
0xbe: {  	_ =	sfence.sel $0xFFFF  }
0xbf: {  	[dreg:$0x0] =	wrdreg $0xFFFFFFFF;
	(pc) =	sbr.abs _section_cstart, $3  }
0xc0: {  	[dreg:$0x1] =	wrdreg $0xFFFFFFFF  }
0xc1: {  	_ =	task.clear_ibuf [dreg:s6], $0x2FFFF;
	_ =	strace $0x9FFFFFFF  }
0xc2: {  	(tm) =	ssettm $0x7FFFFFFF  }
0xc3: {  	_ =	shalt  }
tec
execute0_lowered:
.L_overlay_start_1:
0x0: {  	(tag) =	ssettag $0x1  }
0x1: {  	s3 =	rddreg [dreg:$0x0]  }
0x2: {  	s1 =	rddreg [dreg:$0x1]  }
0x3: {  	s0 =	rddreg [dreg:$0x2]  }
0x4: {  	s2 =	simm.s32 $0x0;
	s12 =	stileid.u32;
	s4 =	srdreg.scid  }
0x5: {  	s16 =	simm.s32 $0x1400;
	s17 =	simm.s32 $0x80;
	s18 =	simm.s32 $0x2800  }
0x6: {  	s19 =	simm.s32 $0x1;
	s20 =	simm.s32 $0x6800;
	s21 =	simm.s32 $0x2  }
0x7: {  	s22 =	simm.s32 $0x1480;
	s23 =	simm.s32 $0x3;
	s24 =	simm.s32 $0x100  }
0x8: {  	s25 =	simm.s32 $0x4;
	s26 =	simm.s32 $0x0;
	s5 =	smul.u32 $0xA00, s12  }
0x9: {  	[smem:$0x7FF] =	sst s2;
	s4 =	sand.u32 $0x1, s4;
	s29 =	smul.u32 $0x4E000, s12  }
0xa: {  	s31 =	sshll.u32 s12, $0x6;
	s14 =	sadd.s32 $0x138000, s1;
	s15 =	sadd.s32 $0x138800, s1  }
0xb: {  	p0 =	sne.s32 s12, $0x0;
	_ =	strace $0x8000004A;
	s6 =	smul.u32 $0x27100, s4  }
0xc: {  	s4 =	ssub.s32 $0x2, s4;
	s14 =	sshrl.u32 @!p0 s14, $0x3;
	s15 =	sshrl.u32 @!p0 s15, $0x3  }
0xd: {  	s9 =	sadd.s32 s5, s3;
	s10 =	sadd.s32 s6, s3;
	s3 =	smul.u32 $0x2700, s12  }
.Ltmp0:
0xe: {  	s30 =	sshrl.u32 s4, $0x1;
	s5 =	sshrl.u32 s29, $0x2;
	(pc) =	sbr.rel .LBB2_1-.Ltmp0, $4  }
0xf: {  	s11 =	ssub.s32 s4, s30;
	s13 =	sadd.s32 s5, s1;
	s6 =	sor.u32 $0x1C05, s31  }
0x10: {  	s8 =	sadd.s32 $0xB6A00, s9;
	s9 =	sadd.s32 $0x10400, s9;
	s4 =	sadd.s32 $0x68800, s10  }
0x11: {  	s7 =	sadd.s32 $0x8F800, s10;
	s10 =	sadd.s32 $0xC0A00, s10;
	s11 =	smax.u32 s11, $0x1  }
0x12: {  	s12 =	sshrl.u32 s13, $0x3;
	s13 =	simm.s32 $0x5;
	s5 =	sadd.s32 s3, s4  }
.LBB2_6:
0x13: {  	[bflag:$0x0] =	sbarrier.arrive $0xFFFF;
	s28 =	sadd.s32 s3, s10  }
0x14: {  	[hbm:s28], [sflag:s6] =	dma.local [spmem:s12], $0x2700  }
0x15: {  	_ =	swait.ge [sflag:s13], $0x2700  }
0x16: {  	s26 =	sadd.s32 $0x1, s26;
	[sflag:s13] =	ssyncset.done $0x0  }
0x17: {  	s28 =	sadd.s32 @!p0 $0x27000, s10;
	p1 =	sne.s32 s26, s11;
	[sflag:s13] =	ssyncadd.s32 $0xFFFFD900  }
0x18: {  	[hbm:s28], [sflag:s6] =	dma.local @!p0 [spmem:s14], $0x100  }
.Ltmp1:
0x19: {  	_ = 	snop;
	(pc) =	sbr.rel @!p1 .LBB2_7-.Ltmp1, $4  }
0x1a: {  	s28 =	simm.s32 @!p0 $0x5  }
0x1b: {  	_ =	swait.ge @!p0 [sflag:s28], $0x100  }
0x1c: {  	[sflag:s28] =	ssyncset.done @!p0 $0x0  }
0x1d: {  	[sflag:s28] =	ssyncadd.s32 @!p0 $0xFFFFFF00  }
.LBB2_1:
0x1e: {  	[spmem:s12], [sflag:s6] =	dma.local [hbm:s5], $0x2700  }
0x1f: {  	_ =	swait.ge [sflag:s13], $0x2700  }
0x20: {  	[sflag:s13] =	ssyncset.done $0x0  }
0x21: {  	s28 =	simm.s32 @!p0 $0x5;
	[sflag:s13] =	ssyncadd.s32 $0xFFFFD900  }
0x22: {  	[spmem:s14], [sflag:s6] =	dma.local @!p0 [hbm:s7], $0x100  }
0x23: {  	_ =	swait.ge @!p0 [sflag:s28], $0x100  }
0x24: {  	[sflag:s28] =	ssyncset.done @!p0 $0x0  }
0x25: {  	[sflag:s28] =	ssyncadd.s32 @!p0 $0xFFFFFF00  }
0x26: {  	[spmem:s15], [sflag:s6] =	dma.local @!p0 [hbm:s4], $0x80  }
.Ltmp2:
0x27: {  	_ =	swait.ge @!p0 [sflag:s28], $0x80;
	(pc) =	sbr.rel .LBB2_2-.Ltmp2, $4  }
0x28: {  	[sflag:s28] =	ssyncset.done @!p0 $0x0  }
0x29: {  	[sflag:s28] =	ssyncadd.s32 @!p0 $0xFFFFFF80  }
0x2a: {  	[bflag:$0x0] =	sbarrier.arrive $0xFFFF  }
0x2b: {  	s28 =	simm.s32 $0x0  }
.LBB2_5:
0x2c: {  	s28 =	sadd.s32 $0x1, s28  }
0x2d: {  	p1 =	sne.s32 s28, $0x4  }
.Ltmp3:
0x2e: {  	_ = 	snop;
	(pc) =	sbr.rel @!p1 .LBB2_6-.Ltmp3, $4  }
0x2f: {  	_ = 	snop  }
0x30: {  	_ =	swait.ge [sflag:s25], $0x4000  }
0x31: {  	[sflag:s25] =	ssyncset.done $0x0  }
0x32: {  	[sflag:s25] =	ssyncadd.s32 $0xFFFFC000  }
.LBB2_2:
0x33: {  	s29 =	smul.u32 $0x280, s28;
	_ =	sdelay $0x1  }
0x34: {  	s30 =	sadd.s32 s29, s8  }
0x35: {  	[tilespmem:s2], [sflag:$0x5] =	stream.linear.gather [hbm4b:s30+s2], $0x1400, $0x38;
	[tilespmem:$0x1E0C0] =	vst v63  }
0x36: {  	_ =	swait.ge [sflag:s13], $0x1400  }
0x37: {  	[sflag:s13] =	ssyncset.done $0x0  }
0x38: {  	s29 =	sadd.s32 s29, s9;
	[sflag:s13] =	ssyncadd.s32 $0xFFFFEC00  }
0x39: {  	[tilespmem:s16], [sflag:$0x5] =	stream.linear.gather [hbm4b:s29+s2], $0x1400, $0x38;
	[tilespmem:$0x1E0C0] =	vst v63  }
0x3a: {  	_ =	swait.ge [sflag:s13], $0x1400  }
0x3b: {  	[sflag:s13] =	ssyncset.done $0x0  }
0x3c: {  	[sflag:s13] =	ssyncadd.s32 $0xFFFFEC00  }
0x3d: {  	[tilespmem:s18], [sflag:$0x1] =	stream.indirect.gather [hbm4b:s4+s17], $0x80, s2, s17, $0xb8;
	[tilespmem:$0x1E0C0] =	vst v63  }
0x3e: {  	_ =	swait.ge [sflag:s19], $0x4000  }
0x3f: {  	[sflag:s19] =	ssyncset.done $0x0  }
0x40: {  	[sflag:s19] =	ssyncadd.s32 $0xFFFFC000  }
0x41: {  	[spmem:s1] =	stream.indirect.scatter.add.f32 [tilespmem:s18], [sflag:$0x3], $0x80, s16, s17, $0xb8;
	[tilespmem:$0x1E0C0] =	vst v63  }
0x42: {  	_ = 	snop  }
0x43: {  	[tilespmem:s20], [sflag:$0x2] =	stream.indirect.gather [hbm4b:s4+s17], $0x80, s17, s17, $0xb8;
	[tilespmem:$0x1E0C0] =	vst v63  }
0x44: {  	_ =	swait.ge [sflag:s21], $0x4000  }
0x45: {  	[sflag:s21] =	ssyncset.done $0x0  }
0x46: {  	[sflag:s21] =	ssyncadd.s32 $0xFFFFC000  }
0x47: {  	[spmem:s1] =	stream.indirect.scatter.add.f32 [tilespmem:s20], [sflag:$0x4], $0x80, s22, s17, $0xb8;
	[tilespmem:$0x1E0C0] =	vst v63  }
0x48: {  	_ =	swait.ge [sflag:s23], $0x4000  }
0x49: {  	[sflag:s23] =	ssyncset.done $0x0  }
0x4a: {  	s29 =	simm.s32 $0xFFFFB800;
	[sflag:s23] =	ssyncadd.s32 $0xFFFFC000  }
0x4b: {  	[tilespmem:s18], [sflag:$0x1] =	stream.indirect.gather [hbm4b:s4+s17], $0x80, s24, s17, $0xb8;
	[tilespmem:$0x1E0C0] =	vst v63  }
.LBB2_3:
0x4c: {  	_ =	swait.ge [sflag:s19], $0x4000  }
0x4d: {  	s30 =	sshra.s32 s29, $0x2;
	[sflag:s19] =	ssyncset.done $0x0  }
0x4e: {  	s31 =	sadd.s32 $0x2700, s30;
	[sflag:s19] =	ssyncadd.s32 $0xFFFFC000  }
0x4f: {  	[spmem:s1] =	stream.indirect.scatter.add.f32 [tilespmem:s18], [sflag:$0x3], $0x80, s31, s17, $0xb8;
	[tilespmem:$0x1E0C0] =	vst v63  }
0x50: {  	_ =	swait.ge [sflag:s25], $0x4000  }
0x51: {  	[sflag:s25] =	ssyncset.done $0x0  }
0x52: {  	s31 =	sadd.s32 $0x1380, s30;
	[sflag:s25] =	ssyncadd.s32 $0xFFFFC000  }
0x53: {  	[tilespmem:s20], [sflag:$0x2] =	stream.indirect.gather [hbm4b:s4+s17], $0x80, s31, s17, $0xb8;
	[tilespmem:$0x1E0C0] =	vst v63  }
0x54: {  	_ =	swait.ge [sflag:s21], $0x4000  }
0x55: {  	p1 =	seq.s32 s29, $0x0;
	[sflag:s21] =	ssyncset.done $0x0  }
.Ltmp4:
0x56: {  	s31 =	sadd.s32 $0x2780, s30;
	[sflag:s21] =	ssyncadd.s32 $0xFFFFC000;
	(pc) =	sbr.rel @p1 .LBB2_5-.Ltmp4, $4  }
0x57: {  	[spmem:s1] =	stream.indirect.scatter.add.f32 [tilespmem:s20], [sflag:$0x4], $0x80, s31, s17, $0xb8;
	[tilespmem:$0x1E0C0] =	vst v63  }
0x58: {  	_ =	swait.ge [sflag:s23], $0x4000  }
0x59: {  	[sflag:s23] =	ssyncset.done $0x0  }
0x5a: {  	[sflag:s23] =	ssyncadd.s32 $0xFFFFC000  }
.Ltmp5:
0x5b: {  	(pc) =	sbr.rel .LBB2_3-.Ltmp5, $3  }
0x5c: {  	_ =	sdelay $0x1  }
0x5d: {  	s30 =	sadd.s32 $0x1400, s30;
	s29 =	sadd.s32 $0x400, s29  }
0x5e: {  	[tilespmem:s18], [sflag:$0x1] =	stream.indirect.gather [hbm4b:s4+s17], $0x80, s30, s17, $0xb8;
	[tilespmem:$0x1E0C0] =	vst v63  }
.LBB2_7:
0x5f: {  	_ =	sfence.sel $0x180000  }
0x60: {  	[bflag:$0x0] =	sbarrier.arrive $0xFFFF  }
0x61: {  	_ =	strace $0x9000004A  }
0x62: {  	s0 =	sadd.s32 @!p0 $0x100000, s0;
	[bflag:$0x2] =	sbarrier.arrive $0xFFFF  }
0x63: {  	[sflag:s0] =	ssyncadd.tile.s32 @!p0 $0x1;
	_ =	shalt  }
.Lfunc_end2:
_tile_overlayer_lowered:
.L_overlay_start_2:
0x64: {  	(tag) =	ssettag $0x2  }
0x65: {  	s0 =	rddreg [dreg:$0x0];
	s2 =	stileid.u32  }
0x66: {  	s1 =	rddreg [dreg:$0x1];
	p0 =	sne.s32 s2, $0x0  }
0x67: {  	s3 =	rddreg [dreg:$0x2];
	[bflag:$0x3] =	sbarrier.arrive $0xFFFF;
	s2 =	simm.s32 @!p0 $0x1C05  }
0x68: {  	[timem:s3], [sflag:s2] =	dma.local @!p0 [hbm:s0], s1  }
0x69: {  	s0 =	simm.s32 @!p0 $0x5  }
0x6a: {  	_ =	swait.ge @!p0 [sflag:s0], s1  }
0x6b: {  	s1 =	ssub.s32 @!p0 $0x0, s1;
	[sflag:s0] =	ssyncset.done @!p0 $0x0  }
0x6c: {  	[sflag:s0] =	ssyncadd.s32 @!p0 s1  }
0x6d: {  	[bflag:$0x3] =	sbarrier.arrive $0xFFFF  }
0x6e: {  	_ =	shalt  }

// kernel: gcn_spmm_sc.14.cloned.1.call-start
scs
__scs_entry_jumppad:
0x0: {  	(pc) =	sbr.rel $0x88, $3  }
0x1: {  	(tag) =	ssettag $0x0;
	lr =	simm.s32 $0x1  }
0x2: {  	[smem:$0x3F8B] =	sst lr;
	_ =	strace $0xD0000000  }
0x3: {  	_ = 	snop  }
0x4: {  	_ = 	snop  }
0x5: {  	_ = 	snop  }
0x6: {  	_ = 	snop  }
0x7: {  	_ = 	snop  }
__scs_overlays_trampoline_lowered:
0x8: {  	[smem:$0x3F9A] =	sst s0  }
0x9: {  	[smem:$0x3F9B] =	sst s1  }
0xa: {  	[smem:$0x3F9C] =	sst s2  }
0xb: {  	[smem:$0x3F9D] =	sst s3  }
0xc: {  	[smem:$0x3F9E] =	sst s4  }
0xd: {  	[smem:$0x3F9F] =	sst s5  }
0xe: {  	[smem:$0x3FA0] =	sst s6  }
0xf: {  	[smem:$0x3FA1] =	sst s7  }
0x10: {  	[smem:$0x3FA2] =	sst s8  }
0x11: {  	[smem:$0x3FA3] =	sst s9;
	s0 =	simm.s32 @!p0 $0x0  }
0x12: {  	s1 =	sld [smem:$0x3F89];
	s0 =	simm.s32 @p0 $0x1  }
0x13: {  	[smem:$0x3FA4] =	sst s0;
	s0 =	simm.s32 @!p1 $0x0  }
0x14: {  	s2 =	sld [smem:$0x3F88];
	s0 =	simm.s32 @p1 $0x1  }
0x15: {  	[smem:$0x3FA5] =	sst s0;
	s0 =	simm.s32 @!p2 $0x0  }
0x16: {  	s3 =	sld [smem:$0x3FDB];
	s0 =	simm.s32 @p2 $0x1  }
0x17: {  	s4 =	simm.s32 $0x1BF5;
	[smem:$0x3FA7] =	sst s0  }
0x18: {  	s0 =	sld [smem:$0x3F8A];
	_ =	swait.ge [sflag:s4], $0x0  }
0x19: {  	s7 =	sld [smem:$0x3F8B]  }
0x1a: {  	s8 =	sadd.s32 $0xFFFFE003, lr  }
0x1b: {  	s9 =	sadd.s32 $0xFFFFFEF7, lr;
	s5 =	simm.s32 $0xFFFFFFFF;
	p2 =	slt.u32 s8, $0xFFFFF086  }
0x1c: {  	p1 =	slt.u32 s9, $0xF7A;
	s5 =	simm.s32 @!p2 $0x0  }
0x1d: {  	s5 =	simm.s32 @p1 $0x1;
	p0 =	seq.s32 s7, s2  }
0x1e: {  	s7 =	smul.u32 @!p0 $0xF7A, s2;
	p2 =	seq.s32 @!p0 s5, $0x0  }
0x1f: {  	s9 =	smul.u32 $0xF7A, s1;
	s8 =	simm.s32 @!p0 $0x1BF5;
	p2 =	por !p2, p0  }
0x20: {  	[sflag:s8] =	ssyncset.s32 @!p0 $0xFFFFF086;
	s6 =	sadd.s32 @!p0 s3, s7;
	s7 =	simm.s32 @!p0 $0x108  }
0x21: {  	s3 =	sadd.s32 s3, s9;
	s6 =	sadd.s32 @!p0 $0x88, s6;
	s7 =	simm.s32 @p2 $0x1082  }
0x22: {  	[simem:s7], [sflag:s8] =	dma.local @!p0 [hbm:s6], $0xF7A  }
0x23: {  	s9 =	sor.u32 $0xD0000000, s2;
	s6 =	simm.s32 $0x108;
	_ =	swait.ge @!p0 [sflag:s8], $0x0  }
0x24: {  	s3 =	sadd.s32 $0x88, s3;
	s6 =	simm.s32 @!p1 $0x1082;
	[sflag:s4] =	ssyncset.s32 $0xFFFFF086  }
0x25: {  	[simem:s6], [sflag:s4] =	dma.local [hbm:s3], $0xF7A  }
0x26: {  	[smem:$0x3F8B] =	sst s1;
	(tag) =	ssettag s2;
	_ =	strace s9  }
0x27: {  	s1 =	sld [smem:$0x3F9B]  }
0x28: {  	s2 =	sld [smem:$0x3F9C]  }
0x29: {  	s4 =	sld [smem:$0x3F9E]  }
0x2a: {  	p0 =	seq.s32 s5, $0x0;
	s5 =	sld [smem:$0x3F9F]  }
0x2b: {  	s6 =	sld [smem:$0x3FA0]  }
0x2c: {  	s7 =	sld [smem:$0x3FA1]  }
0x2d: {  	s3 =	simm.s32 $0x108;
	s8 =	sld [smem:$0x3FA2]  }
0x2e: {  	s3 =	simm.s32 @!p0 $0x1082;
	s9 =	sld [smem:$0x3FA3]  }
0x2f: {  	lr =	sadd.s32 s0, s3;
	s0 =	sld [smem:$0x3F9A]  }
0x30: {  	s3 =	sld [smem:$0x3F9D]  }
0x31: {  	[smem:$0x3FA6] =	sst s10  }
0x32: {  	s10 =	sld [smem:$0x3FA4];
	_ =	sdelay $0x3  }
0x33: {  	p0 =	seq.s32 s10, $0x1;
	s10 =	sld [smem:$0x3FA6];
	_ =	sdelay $0x3  }
0x34: {  	[smem:$0x3FA6] =	sst s10  }
0x35: {  	s10 =	sld [smem:$0x3FA5];
	_ =	sdelay $0x3  }
0x36: {  	p1 =	seq.s32 s10, $0x1;
	s10 =	sld [smem:$0x3FA6];
	_ =	sdelay $0x3  }
0x37: {  	[smem:$0x3FA6] =	sst s10  }
0x38: {  	s10 =	sld [smem:$0x3FA7]  }
0x39: {  	_ = 	snop;
	(pc) =	sbr.ind lr, $3  }
0x3a: {  	_ = 	snop  }
0x3b: {  	_ = 	snop  }
0x3c: {  	p2 =	seq.s32 s10, $0x1;
	s10 =	sld [smem:$0x3FA6]  }
0x3d: {  	_ =	shalt  }
0x3e: {  	_ =	shalt  }
0x3f: {  	_ =	shalt  }
0x40: {  	_ =	shalt  }
0x41: {  	_ =	shalt  }
0x42: {  	_ =	shalt  }
0x43: {  	_ =	shalt  }
0x44: {  	_ =	shalt  }
0x45: {  	_ =	shalt  }
0x46: {  	_ =	shalt  }
0x47: {  	_ =	shalt  }
0x48: {  	_ =	shalt  }
0x49: {  	_ =	shalt  }
0x4a: {  	_ =	shalt  }
0x4b: {  	_ =	shalt  }
0x4c: {  	_ =	shalt  }
0x4d: {  	_ =	shalt  }
0x4e: {  	_ =	shalt  }
0x4f: {  	_ =	shalt  }
0x50: {  	_ =	shalt  }
0x51: {  	_ =	shalt  }
0x52: {  	_ =	shalt  }
0x53: {  	_ =	shalt  }
0x54: {  	_ =	shalt  }
0x55: {  	_ =	shalt  }
0x56: {  	_ =	shalt  }
0x57: {  	_ =	shalt  }
0x58: {  	_ =	shalt  }
0x59: {  	_ =	shalt  }
0x5a: {  	_ =	shalt  }
0x5b: {  	_ =	shalt  }
0x5c: {  	_ =	shalt  }
0x5d: {  	_ =	shalt  }
0x5e: {  	_ =	shalt  }
0x5f: {  	_ =	shalt  }
0x60: {  	_ =	shalt  }
0x61: {  	_ =	shalt  }
0x62: {  	_ =	shalt  }
0x63: {  	_ =	shalt  }
0x64: {  	_ =	shalt  }
0x65: {  	_ =	shalt  }
0x66: {  	_ =	shalt  }
0x67: {  	_ =	shalt  }
0x68: {  	_ =	shalt  }
0x69: {  	_ =	shalt  }
0x6a: {  	_ =	shalt  }
0x6b: {  	_ =	shalt  }
0x6c: {  	_ =	shalt  }
0x6d: {  	_ =	shalt  }
0x6e: {  	_ =	shalt  }
0x6f: {  	_ =	shalt  }
0x70: {  	_ =	shalt  }
0x71: {  	_ =	shalt  }
0x72: {  	_ =	shalt  }
0x73: {  	_ =	shalt  }
0x74: {  	_ =	shalt  }
0x75: {  	_ =	shalt  }
0x76: {  	_ =	shalt  }
0x77: {  	_ =	shalt  }
0x78: {  	_ =	shalt  }
0x79: {  	_ =	shalt  }
0x7a: {  	_ =	shalt  }
0x7b: {  	_ =	shalt  }
0x7c: {  	_ =	shalt  }
0x7d: {  	_ =	shalt  }
0x7e: {  	_ =	shalt  }
0x7f: {  	_ =	shalt  }
0x80: {  	_ =	shalt  }
0x81: {  	_ =	shalt  }
0x82: {  	_ =	shalt  }
0x83: {  	_ =	shalt  }
0x84: {  	_ =	shalt  }
0x85: {  	_ =	shalt  }
0x86: {  	_ =	shalt  }
0x87: {  	_ =	shalt  }
.Lfunc_end0:
.L_simem_size_0:
called_computation.3_lowered:
.L_overlay_start_0:
0x88: {  	s2 =	sld [smem:$0x3FD9]  }
0x89: {  	s3 =	sld [smem:$0x3FFE];
	_ =	sdelay $0x1  }
0x8a: {  	s1 =	srdreg.scid  }
0x8b: {  	s0 =	sand.u32 $0x1, s1  }
0x8c: {  	s17 =	sshll.u32 s0, $0xA;
	s2 =	sadd.s32 s3, s2  }
0x8d: {  	s2 =	sadd.s32 s2, s17  }
0x8e: {  	[smem:$0x3FB2] =	sst s2  }
0x8f: {  	_ = 	snop  }
0x90: {  	(tm) =	ssettm $0x1  }
0x91: {  	s18 =	sld [smem:$0x3FFB];
	_ =	sdelay $0x3  }
0x92: {  	_ =	strace s18  }
0x93: {  	s2 =	sld [smem:$0x3FFC];
	_ =	sdelay $0x3  }
0x94: {  	_ =	strace s2  }
0x95: {  	s2 =	sld [smem:$0x3FFD];
	_ =	sdelay $0x3  }
0x96: {  	_ =	strace s2  }
0x97: {  	_ =	strace $0x8FFFFFFF  }
0x98: {  	s19 =	sld [smem:$0x3FDB];
	_ =	sdelay $0x1  }
0x99: {  	s20 =	simm.s32 $_scs_section_size  }
0x9a: {  	s4 =	simm.s32 $_size__tile_overlayer_lowered;
	s5 =	simm.s32 $_tile_overlayer_lowered  }
0x9b: {  	s6 =	simm.s32 $0x1BFF;
	s21 =	sshll.u32 s5, $0x1;
	s3 =	sadd.s32 s20, s19  }
0x9c: {  	s22 =	simm.s32 $0x0;
	s4 =	sshll.u32 s4, $0x1;
	s5 =	sadd.s32 s21, s3  }
0x9d: {  	[timem:s22], [sflag:s6] =	dma.local [hbm:s5], s4  }
0x9e: {  	_ =	swait.ge [sflag:s6], s4  }
0x9f: {  	s4 =	ssub.s32 $0x0, s4;
	[sflag:s6] =	ssyncset.done $0x0  }
0xa0: {  	[sflag:s6] =	ssyncadd.s32 s4;
	_ =	sdelay $0x1  }
0xa1: {  	s23 =	simm.s32 $0x1B8B  }
0xa2: {  	_ =	swait.ge [sflag:s23], $0x1  }
0xa3: {  	[sflag:s23] =	ssyncset.done $0x0  }
0xa4: {  	[sflag:s23] =	ssyncadd.s32 $0xFFFFFFFF  }
0xa5: {  	s4 =	sld [smem:$0x0]  }
0xa6: {  	s5 =	sand.u32 $0xFFFFFFFE, s1  }
0xa7: {  	p0 =	sne.s32 s1, s5  }
0xa8: {  	s5 =	sshll.u32 @p0 s5, $0xE  }
0xa9: {  	s5 =	sadd.s32 @p0 $0x11B8D, s5;
	s6 =	sshll.u32 @p0 s4, $0x11  }
0xaa: {  	s5 =	sor.u32 @p0 s6, s5  }
0xab: {  	[sflag:s5] =	ssyncadd.remote.s32 @p0 $0x1;
	_ =	sdelay $0x1  }
0xac: {  	s5 =	simm.s32 @p0 $0x1B8D  }
0xad: {  	_ =	swait.eq @p0 [sflag:s5], $0x1  }
0xae: {  	[sflag:s5] =	ssyncadd.s32 @p0 $0xFFFFFFFF  }
0xaf: {  	s6 =	sshll.u32 @!p0 s1, $0xE  }
0xb0: {  	s6 =	sor.u32 @!p0 $0x4000, s6;
	s5 =	simm.s32 @!p0 $0x1B8D  }
0xb1: {  	s4 =	sshll.u32 @!p0 s4, $0x11;
	s6 =	sadd.s32 @!p0 $0x11B8D, s6;
	_ =	swait.eq @!p0 [sflag:s5], $0x1  }
0xb2: {  	s4 =	sor.u32 @!p0 s4, s6;
	[sflag:s5] =	ssyncadd.s32 @!p0 $0xFFFFFFFF  }
0xb3: {  	s25 =	simm.s32 $0x1B8E;
	s24 =	sld [smem:$0x3FFE];
	[sflag:s4] =	ssyncadd.remote.s32 @!p0 $0x1  }
0xb4: {  	s26 =	simm.s32 $execute0_lowered;
	[smem:$0x3FD2] =	sst s25  }
0xb5: {  	s5 =	sshll.u32 s26, $0x1;
	_ =	strace $0x80000052;
	[dreg:$0x1] =	wrdreg $0xFFFFFFFF  }
0xb6: {  	s28 =	simm.s32 $_size_execute0_lowered;
	s3 =	sadd.s32 s3, s5;
	[dreg:$0x0] =	wrdreg $0x0  }
0xb7: {  	s5 =	sshll.u32 s28, $0x1;
	[dreg:$0x2] =	wrdreg s3  }
0xb8: {  	[dreg:$0x3] =	wrdreg s5  }
0xb9: {  	[dreg:$0x4] =	wrdreg $0xC0  }
0xba: {  	_ =	task [dreg:s22], $0x5FFFF  }
0xbb: {  	[dreg:$0x1] =	wrdreg $0xFFFFFFFF  }
0xbc: {  	[dreg:$0x0] =	wrdreg $0x60  }
0xbd: {  	[dreg:$0x2] =	wrdreg s24  }
0xbe: {  	[dreg:$0x3] =	wrdreg $0xA8000  }
0xbf: {  	[dreg:$0x4] =	wrdreg $0x9  }
0xc0: {  	_ =	task.clear_ibuf [dreg:s22], $0x5FFFF;
	_ =	strace $0x90000052  }
0xc1: {  	s29 =	simm.s32 $0x9;
	_ =	strace $0x80000054  }
0xc2: {  	_ =	swait.ge [sflag:s29], $0x1  }
0xc3: {  	[sflag:s29] =	ssyncadd.s32 $0xFFFFFFFF  }
0xc4: {  	_ =	strace $0x90000054  }
0xc5: {  	_ =	sfence  }
0xc6: {  	s30 =	sld [smem:$0x0];
	_ =	sdelay $0x2  }
0xc7: {  	s31 =	sshll.u32 s1, $0xD;
	s1 =	sshrl.u32 s1, $0x2  }
0xc8: {  	s4 =	sand.u32 $0x4000, s31;
	s1 =	sadd.s32 s1, s30  }
0xc9: {  	s0 =	sor.u32 s4, s0;
	s1 =	sshll.u32 s1, $0x11  }
0xca: {  	s0 =	sor.u32 s1, s0  }
0xcb: {  	s0 =	sadd.s32 $0x8F2B, s0  }
0xcc: {  	[sflag:s0] =	ssyncadd.remote.s32 $0x1  }
0xcd: {  	_ =	sfence.sel $0xFFFF  }
0xce: {  	[dreg:$0x0] =	wrdreg $0xFFFFFFFF;
	(pc) =	sbr.abs _section_cstart, $3  }
0xcf: {  	[dreg:$0x1] =	wrdreg $0xFFFFFFFF  }
0xd0: {  	_ =	task.clear_ibuf [dreg:s22], $0x2FFFF;
	_ =	strace $0x9FFFFFFF  }
0xd1: {  	(tm) =	ssettm $0x7FFFFFFF  }
tec
execute0_lowered:
.L_overlay_start_1:
0x0: {  	(tag) =	ssettag $0x1  }
0x1: {  	s3 =	rddreg [dreg:$0x0]  }
0x2: {  	s1 =	rddreg [dreg:$0x1]  }
0x3: {  	s0 =	rddreg [dreg:$0x2]  }
0x4: {  	s2 =	simm.s32 $0x0;
	s12 =	stileid.u32;
	s4 =	srdreg.scid  }
0x5: {  	s16 =	simm.s32 $0x1400;
	s17 =	simm.s32 $0x80;
	s18 =	simm.s32 $0x2800  }
0x6: {  	s19 =	simm.s32 $0x1;
	s20 =	simm.s32 $0x6800;
	s21 =	simm.s32 $0x2  }
0x7: {  	s22 =	simm.s32 $0x1480;
	s23 =	simm.s32 $0x3;
	s24 =	simm.s32 $0x100  }
0x8: {  	s25 =	simm.s32 $0x4;
	s26 =	simm.s32 $0x0;
	s5 =	smul.u32 $0xA00, s12  }
0x9: {  	[smem:$0x7FF] =	sst s2;
	s4 =	sand.u32 $0x1, s4;
	s29 =	smul.u32 $0x4E000, s12  }
0xa: {  	s31 =	sshll.u32 s12, $0x6;
	s14 =	sadd.s32 $0x138000, s1;
	s15 =	sadd.s32 $0x138800, s1  }
0xb: {  	p0 =	sne.s32 s12, $0x0;
	_ =	strace $0x80000053;
	s6 =	smul.u32 $0x27100, s4  }
0xc: {  	s4 =	ssub.s32 $0x2, s4;
	s14 =	sshrl.u32 @!p0 s14, $0x3;
	s15 =	sshrl.u32 @!p0 s15, $0x3  }
0xd: {  	s9 =	sadd.s32 s5, s3;
	s10 =	sadd.s32 s6, s3;
	s3 =	smul.u32 $0x2700, s12  }
.Ltmp0:
0xe: {  	s30 =	sshrl.u32 s4, $0x1;
	s5 =	sshrl.u32 s29, $0x2;
	(pc) =	sbr.rel .LBB2_1-.Ltmp0, $4  }
0xf: {  	s11 =	ssub.s32 s4, s30;
	s13 =	sadd.s32 s5, s1;
	s6 =	sor.u32 $0x1C05, s31  }
0x10: {  	s8 =	sadd.s32 $0x10EC00, s9;
	s9 =	sadd.s32 $0x6400, s9;
	s4 =	sadd.s32 $0x68600, s10  }
0x11: {  	s7 =	sadd.s32 $0x8F600, s10;
	s10 =	sadd.s32 $0x118C00, s10;
	s11 =	smax.u32 s11, $0x1  }
0x12: {  	s12 =	sshrl.u32 s13, $0x3;
	s13 =	simm.s32 $0x5;
	s5 =	sadd.s32 s3, s4  }
.LBB2_6:
0x13: {  	[bflag:$0x0] =	sbarrier.arrive $0xFFFF;
	s28 =	sadd.s32 s3, s10  }
0x14: {  	[hbm:s28], [sflag:s6] =	dma.local [spmem:s12], $0x2700  }
0x15: {  	_ =	swait.ge [sflag:s13], $0x2700  }
0x16: {  	s26 =	sadd.s32 $0x1, s26;
	[sflag:s13] =	ssyncset.done $0x0  }
0x17: {  	s28 =	sadd.s32 @!p0 $0x27000, s10;
	p1 =	sne.s32 s26, s11;
	[sflag:s13] =	ssyncadd.s32 $0xFFFFD900  }
0x18: {  	[hbm:s28], [sflag:s6] =	dma.local @!p0 [spmem:s14], $0x100  }
.Ltmp1:
0x19: {  	_ = 	snop;
	(pc) =	sbr.rel @!p1 .LBB2_7-.Ltmp1, $4  }
0x1a: {  	s28 =	simm.s32 @!p0 $0x5  }
0x1b: {  	_ =	swait.ge @!p0 [sflag:s28], $0x100  }
0x1c: {  	[sflag:s28] =	ssyncset.done @!p0 $0x0  }
0x1d: {  	[sflag:s28] =	ssyncadd.s32 @!p0 $0xFFFFFF00  }
.LBB2_1:
0x1e: {  	[spmem:s12], [sflag:s6] =	dma.local [hbm:s5], $0x2700  }
0x1f: {  	_ =	swait.ge [sflag:s13], $0x2700  }
0x20: {  	[sflag:s13] =	ssyncset.done $0x0  }
0x21: {  	s28 =	simm.s32 @!p0 $0x5;
	[sflag:s13] =	ssyncadd.s32 $0xFFFFD900  }
0x22: {  	[spmem:s14], [sflag:s6] =	dma.local @!p0 [hbm:s7], $0x100  }
0x23: {  	_ =	swait.ge @!p0 [sflag:s28], $0x100  }
0x24: {  	[sflag:s28] =	ssyncset.done @!p0 $0x0  }
0x25: {  	[sflag:s28] =	ssyncadd.s32 @!p0 $0xFFFFFF00  }
0x26: {  	[spmem:s15], [sflag:s6] =	dma.local @!p0 [hbm:s4], $0x80  }
.Ltmp2:
0x27: {  	_ =	swait.ge @!p0 [sflag:s28], $0x80;
	(pc) =	sbr.rel .LBB2_2-.Ltmp2, $4  }
0x28: {  	[sflag:s28] =	ssyncset.done @!p0 $0x0  }
0x29: {  	[sflag:s28] =	ssyncadd.s32 @!p0 $0xFFFFFF80  }
0x2a: {  	[bflag:$0x0] =	sbarrier.arrive $0xFFFF  }
0x2b: {  	s28 =	simm.s32 $0x0  }
.LBB2_5:
0x2c: {  	s28 =	sadd.s32 $0x1, s28  }
0x2d: {  	p1 =	sne.s32 s28, $0x4  }
.Ltmp3:
0x2e: {  	_ = 	snop;
	(pc) =	sbr.rel @!p1 .LBB2_6-.Ltmp3, $4  }
0x2f: {  	_ = 	snop  }
0x30: {  	_ =	swait.ge [sflag:s25], $0x4000  }
0x31: {  	[sflag:s25] =	ssyncset.done $0x0  }
0x32: {  	[sflag:s25] =	ssyncadd.s32 $0xFFFFC000  }
.LBB2_2:
0x33: {  	s29 =	smul.u32 $0x280, s28;
	_ =	sdelay $0x1  }
0x34: {  	s30 =	sadd.s32 s29, s8  }
0x35: {  	[tilespmem:s2], [sflag:$0x5] =	stream.linear.gather [hbm4b:s30+s2], $0x1400, $0x38;
	[tilespmem:$0x1E0C0] =	vst v63  }
0x36: {  	_ =	swait.ge [sflag:s13], $0x1400  }
0x37: {  	[sflag:s13] =	ssyncset.done $0x0  }
0x38: {  	s29 =	sadd.s32 s29, s9;
	[sflag:s13] =	ssyncadd.s32 $0xFFFFEC00  }
0x39: {  	[tilespmem:s16], [sflag:$0x5] =	stream.linear.gather [hbm4b:s29+s2], $0x1400, $0x38;
	[tilespmem:$0x1E0C0] =	vst v63  }
0x3a: {  	_ =	swait.ge [sflag:s13], $0x1400  }
0x3b: {  	[sflag:s13] =	ssyncset.done $0x0  }
0x3c: {  	[sflag:s13] =	ssyncadd.s32 $0xFFFFEC00  }
0x3d: {  	[tilespmem:s18], [sflag:$0x1] =	stream.indirect.gather [hbm4b:s4+s17], $0x80, s2, s17, $0xb8;
	[tilespmem:$0x1E0C0] =	vst v63  }
0x3e: {  	_ =	swait.ge [sflag:s19], $0x4000  }
0x3f: {  	[sflag:s19] =	ssyncset.done $0x0  }
0x40: {  	[sflag:s19] =	ssyncadd.s32 $0xFFFFC000  }
0x41: {  	[spmem:s1] =	stream.indirect.scatter.add.f32 [tilespmem:s18], [sflag:$0x3], $0x80, s16, s17, $0xb8;
	[tilespmem:$0x1E0C0] =	vst v63  }
0x42: {  	_ = 	snop  }
0x43: {  	[tilespmem:s20], [sflag:$0x2] =	stream.indirect.gather [hbm4b:s4+s17], $0x80, s17, s17, $0xb8;
	[tilespmem:$0x1E0C0] =	vst v63  }
0x44: {  	_ =	swait.ge [sflag:s21], $0x4000  }
0x45: {  	[sflag:s21] =	ssyncset.done $0x0  }
0x46: {  	[sflag:s21] =	ssyncadd.s32 $0xFFFFC000  }
0x47: {  	[spmem:s1] =	stream.indirect.scatter.add.f32 [tilespmem:s20], [sflag:$0x4], $0x80, s22, s17, $0xb8;
	[tilespmem:$0x1E0C0] =	vst v63  }
0x48: {  	_ =	swait.ge [sflag:s23], $0x4000  }
0x49: {  	[sflag:s23] =	ssyncset.done $0x0  }
0x4a: {  	s29 =	simm.s32 $0xFFFFB800;
	[sflag:s23] =	ssyncadd.s32 $0xFFFFC000  }
0x4b: {  	[tilespmem:s18], [sflag:$0x1] =	stream.indirect.gather [hbm4b:s4+s17], $0x80, s24, s17, $0xb8;
	[tilespmem:$0x1E0C0] =	vst v63  }
.LBB2_3:
0x4c: {  	_ =	swait.ge [sflag:s19], $0x4000  }
0x4d: {  	s30 =	sshra.s32 s29, $0x2;
	[sflag:s19] =	ssyncset.done $0x0  }
0x4e: {  	s31 =	sadd.s32 $0x2700, s30;
	[sflag:s19] =	ssyncadd.s32 $0xFFFFC000  }
0x4f: {  	[spmem:s1] =	stream.indirect.scatter.add.f32 [tilespmem:s18], [sflag:$0x3], $0x80, s31, s17, $0xb8;
	[tilespmem:$0x1E0C0] =	vst v63  }
0x50: {  	_ =	swait.ge [sflag:s25], $0x4000  }
0x51: {  	[sflag:s25] =	ssyncset.done $0x0  }
0x52: {  	s31 =	sadd.s32 $0x1380, s30;
	[sflag:s25] =	ssyncadd.s32 $0xFFFFC000  }
0x53: {  	[tilespmem:s20], [sflag:$0x2] =	stream.indirect.gather [hbm4b:s4+s17], $0x80, s31, s17, $0xb8;
	[tilespmem:$0x1E0C0] =	vst v63  }
0x54: {  	_ =	swait.ge [sflag:s21], $0x4000  }
0x55: {  	p1 =	seq.s32 s29, $0x0;
	[sflag:s21] =	ssyncset.done $0x0  }
.Ltmp4:
0x56: {  	s31 =	sadd.s32 $0x2780, s30;
	[sflag:s21] =	ssyncadd.s32 $0xFFFFC000;
	(pc) =	sbr.rel @p1 .LBB2_5-.Ltmp4, $4  }
0x57: {  	[spmem:s1] =	stream.indirect.scatter.add.f32 [tilespmem:s20], [sflag:$0x4], $0x80, s31, s17, $0xb8;
	[tilespmem:$0x1E0C0] =	vst v63  }
0x58: {  	_ =	swait.ge [sflag:s23], $0x4000  }
0x59: {  	[sflag:s23] =	ssyncset.done $0x0  }
0x5a: {  	[sflag:s23] =	ssyncadd.s32 $0xFFFFC000  }
.Ltmp5:
0x5b: {  	(pc) =	sbr.rel .LBB2_3-.Ltmp5, $3  }
0x5c: {  	_ =	sdelay $0x1  }
0x5d: {  	s30 =	sadd.s32 $0x1400, s30;
	s29 =	sadd.s32 $0x400, s29  }
0x5e: {  	[tilespmem:s18], [sflag:$0x1] =	stream.indirect.gather [hbm4b:s4+s17], $0x80, s30, s17, $0xb8;
	[tilespmem:$0x1E0C0] =	vst v63  }
.LBB2_7:
0x5f: {  	_ =	sfence.sel $0x180000  }
0x60: {  	[bflag:$0x0] =	sbarrier.arrive $0xFFFF  }
0x61: {  	_ =	strace $0x90000053  }
0x62: {  	s0 =	sadd.s32 @!p0 $0x100000, s0;
	[bflag:$0x2] =	sbarrier.arrive $0xFFFF  }
0x63: {  	[sflag:s0] =	ssyncadd.tile.s32 @!p0 $0x1;
	_ =	shalt  }
.Lfunc_end2:
_tile_overlayer_lowered:
.L_overlay_start_2:
0x64: {  	(tag) =	ssettag $0x2  }
0x65: {  	s0 =	rddreg [dreg:$0x0];
	s2 =	stileid.u32  }
0x66: {  	s1 =	rddreg [dreg:$0x1];
	p0 =	sne.s32 s2, $0x0  }
0x67: {  	s3 =	rddreg [dreg:$0x2];
	[bflag:$0x3] =	sbarrier.arrive $0xFFFF;
	s2 =	simm.s32 @!p0 $0x1C05  }
0x68: {  	[timem:s3], [sflag:s2] =	dma.local @!p0 [hbm:s0], s1  }
0x69: {  	s0 =	simm.s32 @!p0 $0x5  }
0x6a: {  	_ =	swait.ge @!p0 [sflag:s0], s1  }
0x6b: {  	s1 =	ssub.s32 @!p0 $0x0, s1;
	[sflag:s0] =	ssyncset.done @!p0 $0x0  }
0x6c: {  	[sflag:s0] =	ssyncadd.s32 @!p0 s1  }
0x6d: {  	[bflag:$0x3] =	sbarrier.arrive $0xFFFF  }
0x6e: {  	_ =	shalt  }

// kernel: gcn_spmm_sc.17.cloned.1.call-start
scs
__scs_entry_jumppad:
0x0: {  	(pc) =	sbr.rel $0x88, $3  }
0x1: {  	(tag) =	ssettag $0x0;
	lr =	simm.s32 $0x1  }
0x2: {  	[smem:$0x3F8B] =	sst lr;
	_ =	strace $0xD0000000  }
0x3: {  	_ = 	snop  }
0x4: {  	_ = 	snop  }
0x5: {  	_ = 	snop  }
0x6: {  	_ = 	snop  }
0x7: {  	_ = 	snop  }
__scs_overlays_trampoline_lowered:
0x8: {  	[smem:$0x3F9A] =	sst s0  }
0x9: {  	[smem:$0x3F9B] =	sst s1  }
0xa: {  	[smem:$0x3F9C] =	sst s2  }
0xb: {  	[smem:$0x3F9D] =	sst s3  }
0xc: {  	[smem:$0x3F9E] =	sst s4  }
0xd: {  	[smem:$0x3F9F] =	sst s5  }
0xe: {  	[smem:$0x3FA0] =	sst s6  }
0xf: {  	[smem:$0x3FA1] =	sst s7  }
0x10: {  	[smem:$0x3FA2] =	sst s8  }
0x11: {  	[smem:$0x3FA3] =	sst s9;
	s0 =	simm.s32 @!p0 $0x0  }
0x12: {  	s1 =	sld [smem:$0x3F89];
	s0 =	simm.s32 @p0 $0x1  }
0x13: {  	[smem:$0x3FA4] =	sst s0;
	s0 =	simm.s32 @!p1 $0x0  }
0x14: {  	s2 =	sld [smem:$0x3F88];
	s0 =	simm.s32 @p1 $0x1  }
0x15: {  	[smem:$0x3FA5] =	sst s0;
	s0 =	simm.s32 @!p2 $0x0  }
0x16: {  	s3 =	sld [smem:$0x3FDB];
	s0 =	simm.s32 @p2 $0x1  }
0x17: {  	s4 =	simm.s32 $0x1BF5;
	[smem:$0x3FA7] =	sst s0  }
0x18: {  	s0 =	sld [smem:$0x3F8A];
	_ =	swait.ge [sflag:s4], $0x0  }
0x19: {  	s7 =	sld [smem:$0x3F8B]  }
0x1a: {  	s8 =	sadd.s32 $0xFFFFE003, lr  }
0x1b: {  	s9 =	sadd.s32 $0xFFFFFEF7, lr;
	s5 =	simm.s32 $0xFFFFFFFF;
	p2 =	slt.u32 s8, $0xFFFFF086  }
0x1c: {  	p1 =	slt.u32 s9, $0xF7A;
	s5 =	simm.s32 @!p2 $0x0  }
0x1d: {  	s5 =	simm.s32 @p1 $0x1;
	p0 =	seq.s32 s7, s2  }
0x1e: {  	s7 =	smul.u32 @!p0 $0xF7A, s2;
	p2 =	seq.s32 @!p0 s5, $0x0  }
0x1f: {  	s9 =	smul.u32 $0xF7A, s1;
	s8 =	simm.s32 @!p0 $0x1BF5;
	p2 =	por !p2, p0  }
0x20: {  	[sflag:s8] =	ssyncset.s32 @!p0 $0xFFFFF086;
	s6 =	sadd.s32 @!p0 s3, s7;
	s7 =	simm.s32 @!p0 $0x108  }
0x21: {  	s3 =	sadd.s32 s3, s9;
	s6 =	sadd.s32 @!p0 $0x88, s6;
	s7 =	simm.s32 @p2 $0x1082  }
0x22: {  	[simem:s7], [sflag:s8] =	dma.local @!p0 [hbm:s6], $0xF7A  }
0x23: {  	s9 =	sor.u32 $0xD0000000, s2;
	s6 =	simm.s32 $0x108;
	_ =	swait.ge @!p0 [sflag:s8], $0x0  }
0x24: {  	s3 =	sadd.s32 $0x88, s3;
	s6 =	simm.s32 @!p1 $0x1082;
	[sflag:s4] =	ssyncset.s32 $0xFFFFF086  }
0x25: {  	[simem:s6], [sflag:s4] =	dma.local [hbm:s3], $0xF7A  }
0x26: {  	[smem:$0x3F8B] =	sst s1;
	(tag) =	ssettag s2;
	_ =	strace s9  }
0x27: {  	s1 =	sld [smem:$0x3F9B]  }
0x28: {  	s2 =	sld [smem:$0x3F9C]  }
0x29: {  	s4 =	sld [smem:$0x3F9E]  }
0x2a: {  	p0 =	seq.s32 s5, $0x0;
	s5 =	sld [smem:$0x3F9F]  }
0x2b: {  	s6 =	sld [smem:$0x3FA0]  }
0x2c: {  	s7 =	sld [smem:$0x3FA1]  }
0x2d: {  	s3 =	simm.s32 $0x108;
	s8 =	sld [smem:$0x3FA2]  }
0x2e: {  	s3 =	simm.s32 @!p0 $0x1082;
	s9 =	sld [smem:$0x3FA3]  }
0x2f: {  	lr =	sadd.s32 s0, s3;
	s0 =	sld [smem:$0x3F9A]  }
0x30: {  	s3 =	sld [smem:$0x3F9D]  }
0x31: {  	[smem:$0x3FA6] =	sst s10  }
0x32: {  	s10 =	sld [smem:$0x3FA4];
	_ =	sdelay $0x3  }
0x33: {  	p0 =	seq.s32 s10, $0x1;
	s10 =	sld [smem:$0x3FA6];
	_ =	sdelay $0x3  }
0x34: {  	[smem:$0x3FA6] =	sst s10  }
0x35: {  	s10 =	sld [smem:$0x3FA5];
	_ =	sdelay $0x3  }
0x36: {  	p1 =	seq.s32 s10, $0x1;
	s10 =	sld [smem:$0x3FA6];
	_ =	sdelay $0x3  }
0x37: {  	[smem:$0x3FA6] =	sst s10  }
0x38: {  	s10 =	sld [smem:$0x3FA7]  }
0x39: {  	_ = 	snop;
	(pc) =	sbr.ind lr, $3  }
0x3a: {  	_ = 	snop  }
0x3b: {  	_ = 	snop  }
0x3c: {  	p2 =	seq.s32 s10, $0x1;
	s10 =	sld [smem:$0x3FA6]  }
0x3d: {  	_ =	shalt  }
0x3e: {  	_ =	shalt  }
0x3f: {  	_ =	shalt  }
0x40: {  	_ =	shalt  }
0x41: {  	_ =	shalt  }
0x42: {  	_ =	shalt  }
0x43: {  	_ =	shalt  }
0x44: {  	_ =	shalt  }
0x45: {  	_ =	shalt  }
0x46: {  	_ =	shalt  }
0x47: {  	_ =	shalt  }
0x48: {  	_ =	shalt  }
0x49: {  	_ =	shalt  }
0x4a: {  	_ =	shalt  }
0x4b: {  	_ =	shalt  }
0x4c: {  	_ =	shalt  }
0x4d: {  	_ =	shalt  }
0x4e: {  	_ =	shalt  }
0x4f: {  	_ =	shalt  }
0x50: {  	_ =	shalt  }
0x51: {  	_ =	shalt  }
0x52: {  	_ =	shalt  }
0x53: {  	_ =	shalt  }
0x54: {  	_ =	shalt  }
0x55: {  	_ =	shalt  }
0x56: {  	_ =	shalt  }
0x57: {  	_ =	shalt  }
0x58: {  	_ =	shalt  }
0x59: {  	_ =	shalt  }
0x5a: {  	_ =	shalt  }
0x5b: {  	_ =	shalt  }
0x5c: {  	_ =	shalt  }
0x5d: {  	_ =	shalt  }
0x5e: {  	_ =	shalt  }
0x5f: {  	_ =	shalt  }
0x60: {  	_ =	shalt  }
0x61: {  	_ =	shalt  }
0x62: {  	_ =	shalt  }
0x63: {  	_ =	shalt  }
0x64: {  	_ =	shalt  }
0x65: {  	_ =	shalt  }
0x66: {  	_ =	shalt  }
0x67: {  	_ =	shalt  }
0x68: {  	_ =	shalt  }
0x69: {  	_ =	shalt  }
0x6a: {  	_ =	shalt  }
0x6b: {  	_ =	shalt  }
0x6c: {  	_ =	shalt  }
0x6d: {  	_ =	shalt  }
0x6e: {  	_ =	shalt  }
0x6f: {  	_ =	shalt  }
0x70: {  	_ =	shalt  }
0x71: {  	_ =	shalt  }
0x72: {  	_ =	shalt  }
0x73: {  	_ =	shalt  }
0x74: {  	_ =	shalt  }
0x75: {  	_ =	shalt  }
0x76: {  	_ =	shalt  }
0x77: {  	_ =	shalt  }
0x78: {  	_ =	shalt  }
0x79: {  	_ =	shalt  }
0x7a: {  	_ =	shalt  }
0x7b: {  	_ =	shalt  }
0x7c: {  	_ =	shalt  }
0x7d: {  	_ =	shalt  }
0x7e: {  	_ =	shalt  }
0x7f: {  	_ =	shalt  }
0x80: {  	_ =	shalt  }
0x81: {  	_ =	shalt  }
0x82: {  	_ =	shalt  }
0x83: {  	_ =	shalt  }
0x84: {  	_ =	shalt  }
0x85: {  	_ =	shalt  }
0x86: {  	_ =	shalt  }
0x87: {  	_ =	shalt  }
.Lfunc_end0:
.L_simem_size_0:
called_computation.4_lowered:
.L_overlay_start_0:
0x88: {  	s2 =	sld [smem:$0x3FD9]  }
0x89: {  	s3 =	sld [smem:$0x3FFE];
	_ =	sdelay $0x1  }
0x8a: {  	s1 =	srdreg.scid  }
0x8b: {  	s0 =	sand.u32 $0x1, s1  }
0x8c: {  	s17 =	sshll.u32 s0, $0xA;
	s2 =	sadd.s32 s3, s2  }
0x8d: {  	s2 =	sadd.s32 s2, s17  }
0x8e: {  	[smem:$0x3FB2] =	sst s2  }
0x8f: {  	_ = 	snop  }
0x90: {  	(tm) =	ssettm $0x1  }
0x91: {  	s18 =	sld [smem:$0x3FFB];
	_ =	sdelay $0x3  }
0x92: {  	_ =	strace s18  }
0x93: {  	s2 =	sld [smem:$0x3FFC];
	_ =	sdelay $0x3  }
0x94: {  	_ =	strace s2  }
0x95: {  	s2 =	sld [smem:$0x3FFD];
	_ =	sdelay $0x3  }
0x96: {  	_ =	strace s2  }
0x97: {  	_ =	strace $0x8FFFFFFF  }
0x98: {  	s19 =	sld [smem:$0x3FDB];
	_ =	sdelay $0x1  }
0x99: {  	s20 =	simm.s32 $_scs_section_size  }
0x9a: {  	s4 =	simm.s32 $_size__tile_overlayer_lowered;
	s5 =	simm.s32 $_tile_overlayer_lowered  }
0x9b: {  	s6 =	simm.s32 $0x1BFF;
	s21 =	sshll.u32 s5, $0x1;
	s3 =	sadd.s32 s20, s19  }
0x9c: {  	s22 =	simm.s32 $0x0;
	s4 =	sshll.u32 s4, $0x1;
	s5 =	sadd.s32 s21, s3  }
0x9d: {  	[timem:s22], [sflag:s6] =	dma.local [hbm:s5], s4  }
0x9e: {  	_ =	swait.ge [sflag:s6], s4  }
0x9f: {  	s4 =	ssub.s32 $0x0, s4;
	[sflag:s6] =	ssyncset.done $0x0  }
0xa0: {  	[sflag:s6] =	ssyncadd.s32 s4;
	_ =	sdelay $0x1  }
0xa1: {  	s23 =	simm.s32 $0x1B8B  }
0xa2: {  	_ =	swait.ge [sflag:s23], $0x1  }
0xa3: {  	[sflag:s23] =	ssyncset.done $0x0  }
0xa4: {  	[sflag:s23] =	ssyncadd.s32 $0xFFFFFFFF  }
0xa5: {  	s4 =	sld [smem:$0x0]  }
0xa6: {  	s5 =	sand.u32 $0xFFFFFFFE, s1  }
0xa7: {  	p0 =	sne.s32 s1, s5  }
0xa8: {  	s5 =	sshll.u32 @p0 s5, $0xE  }
0xa9: {  	s5 =	sadd.s32 @p0 $0x11B8D, s5;
	s6 =	sshll.u32 @p0 s4, $0x11  }
0xaa: {  	s5 =	sor.u32 @p0 s6, s5  }
0xab: {  	[sflag:s5] =	ssyncadd.remote.s32 @p0 $0x1;
	_ =	sdelay $0x1  }
0xac: {  	s5 =	simm.s32 @p0 $0x1B8D  }
0xad: {  	_ =	swait.eq @p0 [sflag:s5], $0x1  }
0xae: {  	[sflag:s5] =	ssyncadd.s32 @p0 $0xFFFFFFFF  }
0xaf: {  	s6 =	sshll.u32 @!p0 s1, $0xE  }
0xb0: {  	s6 =	sor.u32 @!p0 $0x4000, s6;
	s5 =	simm.s32 @!p0 $0x1B8D  }
0xb1: {  	s4 =	sshll.u32 @!p0 s4, $0x11;
	s6 =	sadd.s32 @!p0 $0x11B8D, s6;
	_ =	swait.eq @!p0 [sflag:s5], $0x1  }
0xb2: {  	s4 =	sor.u32 @!p0 s4, s6;
	[sflag:s5] =	ssyncadd.s32 @!p0 $0xFFFFFFFF  }
0xb3: {  	s25 =	simm.s32 $0x1B8E;
	s24 =	sld [smem:$0x3FFE];
	[sflag:s4] =	ssyncadd.remote.s32 @!p0 $0x1  }
0xb4: {  	s26 =	simm.s32 $execute0_lowered;
	[smem:$0x3FD2] =	sst s25  }
0xb5: {  	s5 =	sshll.u32 s26, $0x1;
	_ =	strace $0x8000004F;
	[dreg:$0x1] =	wrdreg $0xFFFFFFFF  }
0xb6: {  	s28 =	simm.s32 $_size_execute0_lowered;
	s3 =	sadd.s32 s3, s5;
	[dreg:$0x0] =	wrdreg $0x0  }
0xb7: {  	s5 =	sshll.u32 s28, $0x1;
	[dreg:$0x2] =	wrdreg s3  }
0xb8: {  	[dreg:$0x3] =	wrdreg s5  }
0xb9: {  	[dreg:$0x4] =	wrdreg $0xC0  }
0xba: {  	_ =	task [dreg:s22], $0x5FFFF  }
0xbb: {  	[dreg:$0x1] =	wrdreg $0xFFFFFFFF  }
0xbc: {  	[dreg:$0x0] =	wrdreg $0x60  }
0xbd: {  	[dreg:$0x2] =	wrdreg s24  }
0xbe: {  	[dreg:$0x3] =	wrdreg $0xA8000  }
0xbf: {  	[dreg:$0x4] =	wrdreg $0xA  }
0xc0: {  	_ =	task.clear_ibuf [dreg:s22], $0x5FFFF;
	_ =	strace $0x9000004F  }
0xc1: {  	s29 =	simm.s32 $0xA;
	_ =	strace $0x80000051  }
0xc2: {  	_ =	swait.ge [sflag:s29], $0x1  }
0xc3: {  	[sflag:s29] =	ssyncadd.s32 $0xFFFFFFFF  }
0xc4: {  	_ =	strace $0x90000051  }
0xc5: {  	_ =	sfence  }
0xc6: {  	s30 =	sld [smem:$0x0];
	_ =	sdelay $0x2  }
0xc7: {  	s31 =	sshll.u32 s1, $0xD;
	s1 =	sshrl.u32 s1, $0x2  }
0xc8: {  	s4 =	sand.u32 $0x4000, s31;
	s1 =	sadd.s32 s1, s30  }
0xc9: {  	s0 =	sor.u32 s4, s0;
	s1 =	sshll.u32 s1, $0x11  }
0xca: {  	s0 =	sor.u32 s1, s0  }
0xcb: {  	s0 =	sadd.s32 $0x8F2B, s0  }
0xcc: {  	[sflag:s0] =	ssyncadd.remote.s32 $0x1  }
0xcd: {  	_ =	sfence.sel $0xFFFF  }
0xce: {  	[dreg:$0x0] =	wrdreg $0xFFFFFFFF;
	(pc) =	sbr.abs _section_cstart, $3  }
0xcf: {  	[dreg:$0x1] =	wrdreg $0xFFFFFFFF  }
0xd0: {  	_ =	task.clear_ibuf [dreg:s22], $0x2FFFF;
	_ =	strace $0x9FFFFFFF  }
0xd1: {  	(tm) =	ssettm $0x7FFFFFFF  }
tec
execute0_lowered:
.L_overlay_start_1:
0x0: {  	(tag) =	ssettag $0x1  }
0x1: {  	s3 =	rddreg [dreg:$0x0]  }
0x2: {  	s1 =	rddreg [dreg:$0x1]  }
0x3: {  	s0 =	rddreg [dreg:$0x2]  }
0x4: {  	s2 =	simm.s32 $0x0;
	s12 =	stileid.u32;
	s4 =	srdreg.scid  }
0x5: {  	s16 =	simm.s32 $0x1400;
	s17 =	simm.s32 $0x80;
	s18 =	simm.s32 $0x2800  }
0x6: {  	s19 =	simm.s32 $0x1;
	s20 =	simm.s32 $0x6800;
	s21 =	simm.s32 $0x2  }
0x7: {  	s22 =	simm.s32 $0x1480;
	s23 =	simm.s32 $0x3;
	s24 =	simm.s32 $0x100  }
0x8: {  	s25 =	simm.s32 $0x4;
	s26 =	simm.s32 $0x0;
	s5 =	smul.u32 $0xA00, s12  }
0x9: {  	[smem:$0x7FF] =	sst s2;
	s4 =	sand.u32 $0x1, s4;
	s29 =	smul.u32 $0x4E000, s12  }
0xa: {  	s31 =	sshll.u32 s12, $0x6;
	s14 =	sadd.s32 $0x138000, s1;
	s15 =	sadd.s32 $0x138800, s1  }
0xb: {  	p0 =	sne.s32 s12, $0x0;
	_ =	strace $0x80000050;
	s6 =	smul.u32 $0x27100, s4  }
0xc: {  	s4 =	ssub.s32 $0x2, s4;
	s14 =	sshrl.u32 @!p0 s14, $0x3;
	s15 =	sshrl.u32 @!p0 s15, $0x3  }
0xd: {  	s9 =	sadd.s32 s5, s3;
	s10 =	sadd.s32 s6, s3;
	s3 =	smul.u32 $0x2700, s12  }
.Ltmp0:
0xe: {  	s30 =	sshrl.u32 s4, $0x1;
	s5 =	sshrl.u32 s29, $0x2;
	(pc) =	sbr.rel .LBB2_1-.Ltmp0, $4  }
0xf: {  	s11 =	ssub.s32 s4, s30;
	s13 =	sadd.s32 s5, s1;
	s6 =	sor.u32 $0x1C05, s31  }
0x10: {  	s8 =	sadd.s32 $0xB6A00, s9;
	s9 =	sadd.s32 $0x10400, s9;
	s4 =	sadd.s32 $0xC0A00, s10  }
0x11: {  	s7 =	sadd.s32 $0xE7A00, s10;
	s10 =	sadd.s32 $0x1A400, s10;
	s11 =	smax.u32 s11, $0x1  }
0x12: {  	s12 =	sshrl.u32 s13, $0x3;
	s13 =	simm.s32 $0x5;
	s5 =	sadd.s32 s3, s4  }
.LBB2_6:
0x13: {  	[bflag:$0x0] =	sbarrier.arrive $0xFFFF;
	s28 =	sadd.s32 s3, s10  }
0x14: {  	[hbm:s28], [sflag:s6] =	dma.local [spmem:s12], $0x2700  }
0x15: {  	_ =	swait.ge [sflag:s13], $0x2700  }
0x16: {  	s26 =	sadd.s32 $0x1, s26;
	[sflag:s13] =	ssyncset.done $0x0  }
0x17: {  	s28 =	sadd.s32 @!p0 $0x27000, s10;
	p1 =	sne.s32 s26, s11;
	[sflag:s13] =	ssyncadd.s32 $0xFFFFD900  }
0x18: {  	[hbm:s28], [sflag:s6] =	dma.local @!p0 [spmem:s14], $0x100  }
.Ltmp1:
0x19: {  	_ = 	snop;
	(pc) =	sbr.rel @!p1 .LBB2_7-.Ltmp1, $4  }
0x1a: {  	s28 =	simm.s32 @!p0 $0x5  }
0x1b: {  	_ =	swait.ge @!p0 [sflag:s28], $0x100  }
0x1c: {  	[sflag:s28] =	ssyncset.done @!p0 $0x0  }
0x1d: {  	[sflag:s28] =	ssyncadd.s32 @!p0 $0xFFFFFF00  }
.LBB2_1:
0x1e: {  	[spmem:s12], [sflag:s6] =	dma.local [hbm:s5], $0x2700  }
0x1f: {  	_ =	swait.ge [sflag:s13], $0x2700  }
0x20: {  	[sflag:s13] =	ssyncset.done $0x0  }
0x21: {  	s28 =	simm.s32 @!p0 $0x5;
	[sflag:s13] =	ssyncadd.s32 $0xFFFFD900  }
0x22: {  	[spmem:s14], [sflag:s6] =	dma.local @!p0 [hbm:s7], $0x100  }
0x23: {  	_ =	swait.ge @!p0 [sflag:s28], $0x100  }
0x24: {  	[sflag:s28] =	ssyncset.done @!p0 $0x0  }
0x25: {  	[sflag:s28] =	ssyncadd.s32 @!p0 $0xFFFFFF00  }
0x26: {  	[spmem:s15], [sflag:s6] =	dma.local @!p0 [hbm:s4], $0x80  }
.Ltmp2:
0x27: {  	_ =	swait.ge @!p0 [sflag:s28], $0x80;
	(pc) =	sbr.rel .LBB2_2-.Ltmp2, $4  }
0x28: {  	[sflag:s28] =	ssyncset.done @!p0 $0x0  }
0x29: {  	[sflag:s28] =	ssyncadd.s32 @!p0 $0xFFFFFF80  }
0x2a: {  	[bflag:$0x0] =	sbarrier.arrive $0xFFFF  }
0x2b: {  	s28 =	simm.s32 $0x0  }
.LBB2_5:
0x2c: {  	s28 =	sadd.s32 $0x1, s28  }
0x2d: {  	p1 =	sne.s32 s28, $0x4  }
.Ltmp3:
0x2e: {  	_ = 	snop;
	(pc) =	sbr.rel @!p1 .LBB2_6-.Ltmp3, $4  }
0x2f: {  	_ = 	snop  }
0x30: {  	_ =	swait.ge [sflag:s25], $0x4000  }
0x31: {  	[sflag:s25] =	ssyncset.done $0x0  }
0x32: {  	[sflag:s25] =	ssyncadd.s32 $0xFFFFC000  }
.LBB2_2:
0x33: {  	s29 =	smul.u32 $0x280, s28;
	_ =	sdelay $0x1  }
0x34: {  	s30 =	sadd.s32 s29, s8  }
0x35: {  	[tilespmem:s2], [sflag:$0x5] =	stream.linear.gather [hbm4b:s30+s2], $0x1400, $0x38;
	[tilespmem:$0x1E0C0] =	vst v63  }
0x36: {  	_ =	swait.ge [sflag:s13], $0x1400  }
0x37: {  	[sflag:s13] =	ssyncset.done $0x0  }
0x38: {  	s29 =	sadd.s32 s29, s9;
	[sflag:s13] =	ssyncadd.s32 $0xFFFFEC00  }
0x39: {  	[tilespmem:s16], [sflag:$0x5] =	stream.linear.gather [hbm4b:s29+s2], $0x1400, $0x38;
	[tilespmem:$0x1E0C0] =	vst v63  }
0x3a: {  	_ =	swait.ge [sflag:s13], $0x1400  }
0x3b: {  	[sflag:s13] =	ssyncset.done $0x0  }
0x3c: {  	[sflag:s13] =	ssyncadd.s32 $0xFFFFEC00  }
0x3d: {  	[tilespmem:s18], [sflag:$0x1] =	stream.indirect.gather [hbm4b:s4+s17], $0x80, s2, s17, $0xb8;
	[tilespmem:$0x1E0C0] =	vst v63  }
0x3e: {  	_ =	swait.ge [sflag:s19], $0x4000  }
0x3f: {  	[sflag:s19] =	ssyncset.done $0x0  }
0x40: {  	[sflag:s19] =	ssyncadd.s32 $0xFFFFC000  }
0x41: {  	[spmem:s1] =	stream.indirect.scatter.add.f32 [tilespmem:s18], [sflag:$0x3], $0x80, s16, s17, $0xb8;
	[tilespmem:$0x1E0C0] =	vst v63  }
0x42: {  	_ = 	snop  }
0x43: {  	[tilespmem:s20], [sflag:$0x2] =	stream.indirect.gather [hbm4b:s4+s17], $0x80, s17, s17, $0xb8;
	[tilespmem:$0x1E0C0] =	vst v63  }
0x44: {  	_ =	swait.ge [sflag:s21], $0x4000  }
0x45: {  	[sflag:s21] =	ssyncset.done $0x0  }
0x46: {  	[sflag:s21] =	ssyncadd.s32 $0xFFFFC000  }
0x47: {  	[spmem:s1] =	stream.indirect.scatter.add.f32 [tilespmem:s20], [sflag:$0x4], $0x80, s22, s17, $0xb8;
	[tilespmem:$0x1E0C0] =	vst v63  }
0x48: {  	_ =	swait.ge [sflag:s23], $0x4000  }
0x49: {  	[sflag:s23] =	ssyncset.done $0x0  }
0x4a: {  	s29 =	simm.s32 $0xFFFFB800;
	[sflag:s23] =	ssyncadd.s32 $0xFFFFC000  }
0x4b: {  	[tilespmem:s18], [sflag:$0x1] =	stream.indirect.gather [hbm4b:s4+s17], $0x80, s24, s17, $0xb8;
	[tilespmem:$0x1E0C0] =	vst v63  }
.LBB2_3:
0x4c: {  	_ =	swait.ge [sflag:s19], $0x4000  }
0x4d: {  	s30 =	sshra.s32 s29, $0x2;
	[sflag:s19] =	ssyncset.done $0x0  }
0x4e: {  	s31 =	sadd.s32 $0x2700, s30;
	[sflag:s19] =	ssyncadd.s32 $0xFFFFC000  }
0x4f: {  	[spmem:s1] =	stream.indirect.scatter.add.f32 [tilespmem:s18], [sflag:$0x3], $0x80, s31, s17, $0xb8;
	[tilespmem:$0x1E0C0] =	vst v63  }
0x50: {  	_ =	swait.ge [sflag:s25], $0x4000  }
0x51: {  	[sflag:s25] =	ssyncset.done $0x0  }
0x52: {  	s31 =	sadd.s32 $0x1380, s30;
	[sflag:s25] =	ssyncadd.s32 $0xFFFFC000  }
0x53: {  	[tilespmem:s20], [sflag:$0x2] =	stream.indirect.gather [hbm4b:s4+s17], $0x80, s31, s17, $0xb8;
	[tilespmem:$0x1E0C0] =	vst v63  }
0x54: {  	_ =	swait.ge [sflag:s21], $0x4000  }
0x55: {  	p1 =	seq.s32 s29, $0x0;
	[sflag:s21] =	ssyncset.done $0x0  }
.Ltmp4:
0x56: {  	s31 =	sadd.s32 $0x2780, s30;
	[sflag:s21] =	ssyncadd.s32 $0xFFFFC000;
	(pc) =	sbr.rel @p1 .LBB2_5-.Ltmp4, $4  }
0x57: {  	[spmem:s1] =	stream.indirect.scatter.add.f32 [tilespmem:s20], [sflag:$0x4], $0x80, s31, s17, $0xb8;
	[tilespmem:$0x1E0C0] =	vst v63  }
0x58: {  	_ =	swait.ge [sflag:s23], $0x4000  }
0x59: {  	[sflag:s23] =	ssyncset.done $0x0  }
0x5a: {  	[sflag:s23] =	ssyncadd.s32 $0xFFFFC000  }
.Ltmp5:
0x5b: {  	(pc) =	sbr.rel .LBB2_3-.Ltmp5, $3  }
0x5c: {  	_ =	sdelay $0x1  }
0x5d: {  	s30 =	sadd.s32 $0x1400, s30;
	s29 =	sadd.s32 $0x400, s29  }
0x5e: {  	[tilespmem:s18], [sflag:$0x1] =	stream.indirect.gather [hbm4b:s4+s17], $0x80, s30, s17, $0xb8;
	[tilespmem:$0x1E0C0] =	vst v63  }
.LBB2_7:
0x5f: {  	_ =	sfence.sel $0x180000  }
0x60: {  	[bflag:$0x0] =	sbarrier.arrive $0xFFFF  }
0x61: {  	_ =	strace $0x90000050  }
0x62: {  	s0 =	sadd.s32 @!p0 $0x100000, s0;
	[bflag:$0x2] =	sbarrier.arrive $0xFFFF  }
0x63: {  	[sflag:s0] =	ssyncadd.tile.s32 @!p0 $0x1;
	_ =	shalt  }
.Lfunc_end2:
_tile_overlayer_lowered:
.L_overlay_start_2:
0x64: {  	(tag) =	ssettag $0x2  }
0x65: {  	s0 =	rddreg [dreg:$0x0];
	s2 =	stileid.u32  }
0x66: {  	s1 =	rddreg [dreg:$0x1];
	p0 =	sne.s32 s2, $0x0  }
0x67: {  	s3 =	rddreg [dreg:$0x2];
	[bflag:$0x3] =	sbarrier.arrive $0xFFFF;
	s2 =	simm.s32 @!p0 $0x1C05  }
0x68: {  	[timem:s3], [sflag:s2] =	dma.local @!p0 [hbm:s0], s1  }
0x69: {  	s0 =	simm.s32 @!p0 $0x5  }
0x6a: {  	_ =	swait.ge @!p0 [sflag:s0], s1  }
0x6b: {  	s1 =	ssub.s32 @!p0 $0x0, s1;
	[sflag:s0] =	ssyncset.done @!p0 $0x0  }
0x6c: {  	[sflag:s0] =	ssyncadd.s32 @!p0 s1  }
0x6d: {  	[bflag:$0x3] =	sbarrier.arrive $0xFFFF  }
0x6e: {  	_ =	shalt  }

// kernel: gcn_spmm_sc.20.cloned.1.call-start
scs
__scs_entry_jumppad:
0x0: {  	(pc) =	sbr.rel $0x88, $3  }
0x1: {  	(tag) =	ssettag $0x0;
	lr =	simm.s32 $0x1  }
0x2: {  	[smem:$0x3F8B] =	sst lr;
	_ =	strace $0xD0000000  }
0x3: {  	_ = 	snop  }
0x4: {  	_ = 	snop  }
0x5: {  	_ = 	snop  }
0x6: {  	_ = 	snop  }
0x7: {  	_ = 	snop  }
__scs_overlays_trampoline_lowered:
0x8: {  	[smem:$0x3F9A] =	sst s0  }
0x9: {  	[smem:$0x3F9B] =	sst s1  }
0xa: {  	[smem:$0x3F9C] =	sst s2  }
0xb: {  	[smem:$0x3F9D] =	sst s3  }
0xc: {  	[smem:$0x3F9E] =	sst s4  }
0xd: {  	[smem:$0x3F9F] =	sst s5  }
0xe: {  	[smem:$0x3FA0] =	sst s6  }
0xf: {  	[smem:$0x3FA1] =	sst s7  }
0x10: {  	[smem:$0x3FA2] =	sst s8  }
0x11: {  	[smem:$0x3FA3] =	sst s9;
	s0 =	simm.s32 @!p0 $0x0  }
0x12: {  	s1 =	sld [smem:$0x3F89];
	s0 =	simm.s32 @p0 $0x1  }
0x13: {  	[smem:$0x3FA4] =	sst s0;
	s0 =	simm.s32 @!p1 $0x0  }
0x14: {  	s2 =	sld [smem:$0x3F88];
	s0 =	simm.s32 @p1 $0x1  }
0x15: {  	[smem:$0x3FA5] =	sst s0;
	s0 =	simm.s32 @!p2 $0x0  }
0x16: {  	s3 =	sld [smem:$0x3FDB];
	s0 =	simm.s32 @p2 $0x1  }
0x17: {  	s4 =	simm.s32 $0x1BF5;
	[smem:$0x3FA7] =	sst s0  }
0x18: {  	s0 =	sld [smem:$0x3F8A];
	_ =	swait.ge [sflag:s4], $0x0  }
0x19: {  	s7 =	sld [smem:$0x3F8B]  }
0x1a: {  	s8 =	sadd.s32 $0xFFFFE003, lr  }
0x1b: {  	s9 =	sadd.s32 $0xFFFFFEF7, lr;
	s5 =	simm.s32 $0xFFFFFFFF;
	p2 =	slt.u32 s8, $0xFFFFF086  }
0x1c: {  	p1 =	slt.u32 s9, $0xF7A;
	s5 =	simm.s32 @!p2 $0x0  }
0x1d: {  	s5 =	simm.s32 @p1 $0x1;
	p0 =	seq.s32 s7, s2  }
0x1e: {  	s7 =	smul.u32 @!p0 $0xF7A, s2;
	p2 =	seq.s32 @!p0 s5, $0x0  }
0x1f: {  	s9 =	smul.u32 $0xF7A, s1;
	s8 =	simm.s32 @!p0 $0x1BF5;
	p2 =	por !p2, p0  }
0x20: {  	[sflag:s8] =	ssyncset.s32 @!p0 $0xFFFFF086;
	s6 =	sadd.s32 @!p0 s3, s7;
	s7 =	simm.s32 @!p0 $0x108  }
0x21: {  	s3 =	sadd.s32 s3, s9;
	s6 =	sadd.s32 @!p0 $0x88, s6;
	s7 =	simm.s32 @p2 $0x1082  }
0x22: {  	[simem:s7], [sflag:s8] =	dma.local @!p0 [hbm:s6], $0xF7A  }
0x23: {  	s9 =	sor.u32 $0xD0000000, s2;
	s6 =	simm.s32 $0x108;
	_ =	swait.ge @!p0 [sflag:s8], $0x0  }
0x24: {  	s3 =	sadd.s32 $0x88, s3;
	s6 =	simm.s32 @!p1 $0x1082;
	[sflag:s4] =	ssyncset.s32 $0xFFFFF086  }
0x25: {  	[simem:s6], [sflag:s4] =	dma.local [hbm:s3], $0xF7A  }
0x26: {  	[smem:$0x3F8B] =	sst s1;
	(tag) =	ssettag s2;
	_ =	strace s9  }
0x27: {  	s1 =	sld [smem:$0x3F9B]  }
0x28: {  	s2 =	sld [smem:$0x3F9C]  }
0x29: {  	s4 =	sld [smem:$0x3F9E]  }
0x2a: {  	p0 =	seq.s32 s5, $0x0;
	s5 =	sld [smem:$0x3F9F]  }
0x2b: {  	s6 =	sld [smem:$0x3FA0]  }
0x2c: {  	s7 =	sld [smem:$0x3FA1]  }
0x2d: {  	s3 =	simm.s32 $0x108;
	s8 =	sld [smem:$0x3FA2]  }
0x2e: {  	s3 =	simm.s32 @!p0 $0x1082;
	s9 =	sld [smem:$0x3FA3]  }
0x2f: {  	lr =	sadd.s32 s0, s3;
	s0 =	sld [smem:$0x3F9A]  }
0x30: {  	s3 =	sld [smem:$0x3F9D]  }
0x31: {  	[smem:$0x3FA6] =	sst s10  }
0x32: {  	s10 =	sld [smem:$0x3FA4];
	_ =	sdelay $0x3  }
0x33: {  	p0 =	seq.s32 s10, $0x1;
	s10 =	sld [smem:$0x3FA6];
	_ =	sdelay $0x3  }
0x34: {  	[smem:$0x3FA6] =	sst s10  }
0x35: {  	s10 =	sld [smem:$0x3FA5];
	_ =	sdelay $0x3  }
0x36: {  	p1 =	seq.s32 s10, $0x1;
	s10 =	sld [smem:$0x3FA6];
	_ =	sdelay $0x3  }
0x37: {  	[smem:$0x3FA6] =	sst s10  }
0x38: {  	s10 =	sld [smem:$0x3FA7]  }
0x39: {  	_ = 	snop;
	(pc) =	sbr.ind lr, $3  }
0x3a: {  	_ = 	snop  }
0x3b: {  	_ = 	snop  }
0x3c: {  	p2 =	seq.s32 s10, $0x1;
	s10 =	sld [smem:$0x3FA6]  }
0x3d: {  	_ =	shalt  }
0x3e: {  	_ =	shalt  }
0x3f: {  	_ =	shalt  }
0x40: {  	_ =	shalt  }
0x41: {  	_ =	shalt  }
0x42: {  	_ =	shalt  }
0x43: {  	_ =	shalt  }
0x44: {  	_ =	shalt  }
0x45: {  	_ =	shalt  }
0x46: {  	_ =	shalt  }
0x47: {  	_ =	shalt  }
0x48: {  	_ =	shalt  }
0x49: {  	_ =	shalt  }
0x4a: {  	_ =	shalt  }
0x4b: {  	_ =	shalt  }
0x4c: {  	_ =	shalt  }
0x4d: {  	_ =	shalt  }
0x4e: {  	_ =	shalt  }
0x4f: {  	_ =	shalt  }
0x50: {  	_ =	shalt  }
0x51: {  	_ =	shalt  }
0x52: {  	_ =	shalt  }
0x53: {  	_ =	shalt  }
0x54: {  	_ =	shalt  }
0x55: {  	_ =	shalt  }
0x56: {  	_ =	shalt  }
0x57: {  	_ =	shalt  }
0x58: {  	_ =	shalt  }
0x59: {  	_ =	shalt  }
0x5a: {  	_ =	shalt  }
0x5b: {  	_ =	shalt  }
0x5c: {  	_ =	shalt  }
0x5d: {  	_ =	shalt  }
0x5e: {  	_ =	shalt  }
0x5f: {  	_ =	shalt  }
0x60: {  	_ =	shalt  }
0x61: {  	_ =	shalt  }
0x62: {  	_ =	shalt  }
0x63: {  	_ =	shalt  }
0x64: {  	_ =	shalt  }
0x65: {  	_ =	shalt  }
0x66: {  	_ =	shalt  }
0x67: {  	_ =	shalt  }
0x68: {  	_ =	shalt  }
0x69: {  	_ =	shalt  }
0x6a: {  	_ =	shalt  }
0x6b: {  	_ =	shalt  }
0x6c: {  	_ =	shalt  }
0x6d: {  	_ =	shalt  }
0x6e: {  	_ =	shalt  }
0x6f: {  	_ =	shalt  }
0x70: {  	_ =	shalt  }
0x71: {  	_ =	shalt  }
0x72: {  	_ =	shalt  }
0x73: {  	_ =	shalt  }
0x74: {  	_ =	shalt  }
0x75: {  	_ =	shalt  }
0x76: {  	_ =	shalt  }
0x77: {  	_ =	shalt  }
0x78: {  	_ =	shalt  }
0x79: {  	_ =	shalt  }
0x7a: {  	_ =	shalt  }
0x7b: {  	_ =	shalt  }
0x7c: {  	_ =	shalt  }
0x7d: {  	_ =	shalt  }
0x7e: {  	_ =	shalt  }
0x7f: {  	_ =	shalt  }
0x80: {  	_ =	shalt  }
0x81: {  	_ =	shalt  }
0x82: {  	_ =	shalt  }
0x83: {  	_ =	shalt  }
0x84: {  	_ =	shalt  }
0x85: {  	_ =	shalt  }
0x86: {  	_ =	shalt  }
0x87: {  	_ =	shalt  }
.Lfunc_end0:
.L_simem_size_0:
called_computation.5_lowered:
.L_overlay_start_0:
0x88: {  	s2 =	sld [smem:$0x3FD9]  }
0x89: {  	s3 =	sld [smem:$0x3FFE];
	_ =	sdelay $0x1  }
0x8a: {  	s1 =	srdreg.scid  }
0x8b: {  	s0 =	sand.u32 $0x1, s1  }
0x8c: {  	s17 =	sshll.u32 s0, $0xA;
	s2 =	sadd.s32 s3, s2  }
0x8d: {  	s2 =	sadd.s32 s2, s17  }
0x8e: {  	[smem:$0x3FB2] =	sst s2  }
0x8f: {  	_ = 	snop  }
0x90: {  	(tm) =	ssettm $0x1  }
0x91: {  	s18 =	sld [smem:$0x3FFB];
	_ =	sdelay $0x3  }
0x92: {  	_ =	strace s18  }
0x93: {  	s2 =	sld [smem:$0x3FFC];
	_ =	sdelay $0x3  }
0x94: {  	_ =	strace s2  }
0x95: {  	s2 =	sld [smem:$0x3FFD];
	_ =	sdelay $0x3  }
0x96: {  	_ =	strace s2  }
0x97: {  	_ =	strace $0x8FFFFFFF  }
0x98: {  	s19 =	sld [smem:$0x3FDB];
	_ =	sdelay $0x1  }
0x99: {  	s20 =	simm.s32 $_scs_section_size  }
0x9a: {  	s4 =	simm.s32 $_size__tile_overlayer_lowered;
	s5 =	simm.s32 $_tile_overlayer_lowered  }
0x9b: {  	s6 =	simm.s32 $0x1BFF;
	s21 =	sshll.u32 s5, $0x1;
	s3 =	sadd.s32 s20, s19  }
0x9c: {  	s22 =	simm.s32 $0x0;
	s4 =	sshll.u32 s4, $0x1;
	s5 =	sadd.s32 s21, s3  }
0x9d: {  	[timem:s22], [sflag:s6] =	dma.local [hbm:s5], s4  }
0x9e: {  	_ =	swait.ge [sflag:s6], s4  }
0x9f: {  	s4 =	ssub.s32 $0x0, s4;
	[sflag:s6] =	ssyncset.done $0x0  }
0xa0: {  	[sflag:s6] =	ssyncadd.s32 s4;
	_ =	sdelay $0x1  }
0xa1: {  	s23 =	simm.s32 $0x1B8B  }
0xa2: {  	_ =	swait.ge [sflag:s23], $0x1  }
0xa3: {  	[sflag:s23] =	ssyncset.done $0x0  }
0xa4: {  	[sflag:s23] =	ssyncadd.s32 $0xFFFFFFFF  }
0xa5: {  	s4 =	sld [smem:$0x0]  }
0xa6: {  	s5 =	sand.u32 $0xFFFFFFFE, s1  }
0xa7: {  	p0 =	sne.s32 s1, s5  }
0xa8: {  	s5 =	sshll.u32 @p0 s5, $0xE  }
0xa9: {  	s5 =	sadd.s32 @p0 $0x11B8D, s5;
	s6 =	sshll.u32 @p0 s4, $0x11  }
0xaa: {  	s5 =	sor.u32 @p0 s6, s5  }
0xab: {  	[sflag:s5] =	ssyncadd.remote.s32 @p0 $0x1;
	_ =	sdelay $0x1  }
0xac: {  	s5 =	simm.s32 @p0 $0x1B8D  }
0xad: {  	_ =	swait.eq @p0 [sflag:s5], $0x1  }
0xae: {  	[sflag:s5] =	ssyncadd.s32 @p0 $0xFFFFFFFF  }
0xaf: {  	s6 =	sshll.u32 @!p0 s1, $0xE  }
0xb0: {  	s6 =	sor.u32 @!p0 $0x4000, s6;
	s5 =	simm.s32 @!p0 $0x1B8D  }
0xb1: {  	s4 =	sshll.u32 @!p0 s4, $0x11;
	s6 =	sadd.s32 @!p0 $0x11B8D, s6;
	_ =	swait.eq @!p0 [sflag:s5], $0x1  }
0xb2: {  	s4 =	sor.u32 @!p0 s4, s6;
	[sflag:s5] =	ssyncadd.s32 @!p0 $0xFFFFFFFF  }
0xb3: {  	s25 =	simm.s32 $0x1B8E;
	s24 =	sld [smem:$0x3FFE];
	[sflag:s4] =	ssyncadd.remote.s32 @!p0 $0x1  }
0xb4: {  	s26 =	simm.s32 $execute0_lowered;
	[smem:$0x3FD2] =	sst s25  }
0xb5: {  	s5 =	sshll.u32 s26, $0x1;
	_ =	strace $0x80000058;
	[dreg:$0x1] =	wrdreg $0xFFFFFFFF  }
0xb6: {  	s28 =	simm.s32 $_size_execute0_lowered;
	s3 =	sadd.s32 s3, s5;
	[dreg:$0x0] =	wrdreg $0x0  }
0xb7: {  	s5 =	sshll.u32 s28, $0x1;
	[dreg:$0x2] =	wrdreg s3  }
0xb8: {  	[dreg:$0x3] =	wrdreg s5  }
0xb9: {  	[dreg:$0x4] =	wrdreg $0xC0  }
0xba: {  	_ =	task [dreg:s22], $0x5FFFF  }
0xbb: {  	[dreg:$0x1] =	wrdreg $0xFFFFFFFF  }
0xbc: {  	[dreg:$0x0] =	wrdreg $0x60  }
0xbd: {  	[dreg:$0x2] =	wrdreg s24  }
0xbe: {  	[dreg:$0x3] =	wrdreg $0xA8000  }
0xbf: {  	[dreg:$0x4] =	wrdreg $0x9  }
0xc0: {  	_ =	task.clear_ibuf [dreg:s22], $0x5FFFF;
	_ =	strace $0x90000058  }
0xc1: {  	s29 =	simm.s32 $0x9;
	_ =	strace $0x8000005A  }
0xc2: {  	_ =	swait.ge [sflag:s29], $0x1  }
0xc3: {  	[sflag:s29] =	ssyncadd.s32 $0xFFFFFFFF  }
0xc4: {  	_ =	strace $0x9000005A  }
0xc5: {  	_ =	sfence  }
0xc6: {  	s30 =	sld [smem:$0x0];
	_ =	sdelay $0x2  }
0xc7: {  	s31 =	sshll.u32 s1, $0xD;
	s1 =	sshrl.u32 s1, $0x2  }
0xc8: {  	s4 =	sand.u32 $0x4000, s31;
	s1 =	sadd.s32 s1, s30  }
0xc9: {  	s0 =	sor.u32 s4, s0;
	s1 =	sshll.u32 s1, $0x11  }
0xca: {  	s0 =	sor.u32 s1, s0  }
0xcb: {  	s0 =	sadd.s32 $0x8F2B, s0  }
0xcc: {  	[sflag:s0] =	ssyncadd.remote.s32 $0x1  }
0xcd: {  	_ =	sfence.sel $0xFFFF  }
0xce: {  	[dreg:$0x0] =	wrdreg $0xFFFFFFFF;
	(pc) =	sbr.abs _section_cstart, $3  }
0xcf: {  	[dreg:$0x1] =	wrdreg $0xFFFFFFFF  }
0xd0: {  	_ =	task.clear_ibuf [dreg:s22], $0x2FFFF;
	_ =	strace $0x9FFFFFFF  }
0xd1: {  	(tm) =	ssettm $0x7FFFFFFF  }
tec
execute0_lowered:
.L_overlay_start_1:
0x0: {  	(tag) =	ssettag $0x1  }
0x1: {  	s3 =	rddreg [dreg:$0x0]  }
0x2: {  	s1 =	rddreg [dreg:$0x1]  }
0x3: {  	s0 =	rddreg [dreg:$0x2]  }
0x4: {  	s2 =	simm.s32 $0x0;
	s12 =	stileid.u32;
	s4 =	srdreg.scid  }
0x5: {  	s16 =	simm.s32 $0x1400;
	s17 =	simm.s32 $0x80;
	s18 =	simm.s32 $0x2800  }
0x6: {  	s19 =	simm.s32 $0x1;
	s20 =	simm.s32 $0x6800;
	s21 =	simm.s32 $0x2  }
0x7: {  	s22 =	simm.s32 $0x1480;
	s23 =	simm.s32 $0x3;
	s24 =	simm.s32 $0x100  }
0x8: {  	s25 =	simm.s32 $0x4;
	s26 =	simm.s32 $0x0;
	s5 =	smul.u32 $0xA00, s12  }
0x9: {  	[smem:$0x7FF] =	sst s2;
	s4 =	sand.u32 $0x1, s4;
	s29 =	smul.u32 $0x4E000, s12  }
0xa: {  	s31 =	sshll.u32 s12, $0x6;
	s14 =	sadd.s32 $0x138000, s1;
	s15 =	sadd.s32 $0x138800, s1  }
0xb: {  	p0 =	sne.s32 s12, $0x0;
	_ =	strace $0x80000059;
	s6 =	smul.u32 $0x27100, s4  }
0xc: {  	s4 =	ssub.s32 $0x2, s4;
	s14 =	sshrl.u32 @!p0 s14, $0x3;
	s15 =	sshrl.u32 @!p0 s15, $0x3  }
0xd: {  	s9 =	sadd.s32 s5, s3;
	s10 =	sadd.s32 s6, s3;
	s3 =	smul.u32 $0x2700, s12  }
.Ltmp0:
0xe: {  	s30 =	sshrl.u32 s4, $0x1;
	s5 =	sshrl.u32 s29, $0x2;
	(pc) =	sbr.rel .LBB2_1-.Ltmp0, $4  }
0xf: {  	s11 =	ssub.s32 s4, s30;
	s13 =	sadd.s32 s5, s1;
	s6 =	sor.u32 $0x1C05, s31  }
0x10: {  	s8 =	sadd.s32 $0x10EC00, s9;
	s9 =	sadd.s32 $0x6400, s9;
	s4 =	sadd.s32 $0x68600, s10  }
0x11: {  	s7 =	sadd.s32 $0x8F600, s10;
	s10 =	sadd.s32 $0x118C00, s10;
	s11 =	smax.u32 s11, $0x1  }
0x12: {  	s12 =	sshrl.u32 s13, $0x3;
	s13 =	simm.s32 $0x5;
	s5 =	sadd.s32 s3, s4  }
.LBB2_6:
0x13: {  	[bflag:$0x0] =	sbarrier.arrive $0xFFFF;
	s28 =	sadd.s32 s3, s10  }
0x14: {  	[hbm:s28], [sflag:s6] =	dma.local [spmem:s12], $0x2700  }
0x15: {  	_ =	swait.ge [sflag:s13], $0x2700  }
0x16: {  	s26 =	sadd.s32 $0x1, s26;
	[sflag:s13] =	ssyncset.done $0x0  }
0x17: {  	s28 =	sadd.s32 @!p0 $0x27000, s10;
	p1 =	sne.s32 s26, s11;
	[sflag:s13] =	ssyncadd.s32 $0xFFFFD900  }
0x18: {  	[hbm:s28], [sflag:s6] =	dma.local @!p0 [spmem:s14], $0x100  }
.Ltmp1:
0x19: {  	_ = 	snop;
	(pc) =	sbr.rel @!p1 .LBB2_7-.Ltmp1, $4  }
0x1a: {  	s28 =	simm.s32 @!p0 $0x5  }
0x1b: {  	_ =	swait.ge @!p0 [sflag:s28], $0x100  }
0x1c: {  	[sflag:s28] =	ssyncset.done @!p0 $0x0  }
0x1d: {  	[sflag:s28] =	ssyncadd.s32 @!p0 $0xFFFFFF00  }
.LBB2_1:
0x1e: {  	[spmem:s12], [sflag:s6] =	dma.local [hbm:s5], $0x2700  }
0x1f: {  	_ =	swait.ge [sflag:s13], $0x2700  }
0x20: {  	[sflag:s13] =	ssyncset.done $0x0  }
0x21: {  	s28 =	simm.s32 @!p0 $0x5;
	[sflag:s13] =	ssyncadd.s32 $0xFFFFD900  }
0x22: {  	[spmem:s14], [sflag:s6] =	dma.local @!p0 [hbm:s7], $0x100  }
0x23: {  	_ =	swait.ge @!p0 [sflag:s28], $0x100  }
0x24: {  	[sflag:s28] =	ssyncset.done @!p0 $0x0  }
0x25: {  	[sflag:s28] =	ssyncadd.s32 @!p0 $0xFFFFFF00  }
0x26: {  	[spmem:s15], [sflag:s6] =	dma.local @!p0 [hbm:s4], $0x80  }
.Ltmp2:
0x27: {  	_ =	swait.ge @!p0 [sflag:s28], $0x80;
	(pc) =	sbr.rel .LBB2_2-.Ltmp2, $4  }
0x28: {  	[sflag:s28] =	ssyncset.done @!p0 $0x0  }
0x29: {  	[sflag:s28] =	ssyncadd.s32 @!p0 $0xFFFFFF80  }
0x2a: {  	[bflag:$0x0] =	sbarrier.arrive $0xFFFF  }
0x2b: {  	s28 =	simm.s32 $0x0  }
.LBB2_5:
0x2c: {  	s28 =	sadd.s32 $0x1, s28  }
0x2d: {  	p1 =	sne.s32 s28, $0x4  }
.Ltmp3:
0x2e: {  	_ = 	snop;
	(pc) =	sbr.rel @!p1 .LBB2_6-.Ltmp3, $4  }
0x2f: {  	_ = 	snop  }
0x30: {  	_ =	swait.ge [sflag:s25], $0x4000  }
0x31: {  	[sflag:s25] =	ssyncset.done $0x0  }
0x32: {  	[sflag:s25] =	ssyncadd.s32 $0xFFFFC000  }
.LBB2_2:
0x33: {  	s29 =	smul.u32 $0x280, s28;
	_ =	sdelay $0x1  }
0x34: {  	s30 =	sadd.s32 s29, s8  }
0x35: {  	[tilespmem:s2], [sflag:$0x5] =	stream.linear.gather [hbm4b:s30+s2], $0x1400, $0x38;
	[tilespmem:$0x1E0C0] =	vst v63  }
0x36: {  	_ =	swait.ge [sflag:s13], $0x1400  }
0x37: {  	[sflag:s13] =	ssyncset.done $0x0  }
0x38: {  	s29 =	sadd.s32 s29, s9;
	[sflag:s13] =	ssyncadd.s32 $0xFFFFEC00  }
0x39: {  	[tilespmem:s16], [sflag:$0x5] =	stream.linear.gather [hbm4b:s29+s2], $0x1400, $0x38;
	[tilespmem:$0x1E0C0] =	vst v63  }
0x3a: {  	_ =	swait.ge [sflag:s13], $0x1400  }
0x3b: {  	[sflag:s13] =	ssyncset.done $0x0  }
0x3c: {  	[sflag:s13] =	ssyncadd.s32 $0xFFFFEC00  }
0x3d: {  	[tilespmem:s18], [sflag:$0x1] =	stream.indirect.gather [hbm4b:s4+s17], $0x80, s2, s17, $0xb8;
	[tilespmem:$0x1E0C0] =	vst v63  }
0x3e: {  	_ =	swait.ge [sflag:s19], $0x4000  }
0x3f: {  	[sflag:s19] =	ssyncset.done $0x0  }
0x40: {  	[sflag:s19] =	ssyncadd.s32 $0xFFFFC000  }
0x41: {  	[spmem:s1] =	stream.indirect.scatter.add.f32 [tilespmem:s18], [sflag:$0x3], $0x80, s16, s17, $0xb8;
	[tilespmem:$0x1E0C0] =	vst v63  }
0x42: {  	_ = 	snop  }
0x43: {  	[tilespmem:s20], [sflag:$0x2] =	stream.indirect.gather [hbm4b:s4+s17], $0x80, s17, s17, $0xb8;
	[tilespmem:$0x1E0C0] =	vst v63  }
0x44: {  	_ =	swait.ge [sflag:s21], $0x4000  }
0x45: {  	[sflag:s21] =	ssyncset.done $0x0  }
0x46: {  	[sflag:s21] =	ssyncadd.s32 $0xFFFFC000  }
0x47: {  	[spmem:s1] =	stream.indirect.scatter.add.f32 [tilespmem:s20], [sflag:$0x4], $0x80, s22, s17, $0xb8;
	[tilespmem:$0x1E0C0] =	vst v63  }
0x48: {  	_ =	swait.ge [sflag:s23], $0x4000  }
0x49: {  	[sflag:s23] =	ssyncset.done $0x0  }
0x4a: {  	s29 =	simm.s32 $0xFFFFB800;
	[sflag:s23] =	ssyncadd.s32 $0xFFFFC000  }
0x4b: {  	[tilespmem:s18], [sflag:$0x1] =	stream.indirect.gather [hbm4b:s4+s17], $0x80, s24, s17, $0xb8;
	[tilespmem:$0x1E0C0] =	vst v63  }
.LBB2_3:
0x4c: {  	_ =	swait.ge [sflag:s19], $0x4000  }
0x4d: {  	s30 =	sshra.s32 s29, $0x2;
	[sflag:s19] =	ssyncset.done $0x0  }
0x4e: {  	s31 =	sadd.s32 $0x2700, s30;
	[sflag:s19] =	ssyncadd.s32 $0xFFFFC000  }
0x4f: {  	[spmem:s1] =	stream.indirect.scatter.add.f32 [tilespmem:s18], [sflag:$0x3], $0x80, s31, s17, $0xb8;
	[tilespmem:$0x1E0C0] =	vst v63  }
0x50: {  	_ =	swait.ge [sflag:s25], $0x4000  }
0x51: {  	[sflag:s25] =	ssyncset.done $0x0  }
0x52: {  	s31 =	sadd.s32 $0x1380, s30;
	[sflag:s25] =	ssyncadd.s32 $0xFFFFC000  }
0x53: {  	[tilespmem:s20], [sflag:$0x2] =	stream.indirect.gather [hbm4b:s4+s17], $0x80, s31, s17, $0xb8;
	[tilespmem:$0x1E0C0] =	vst v63  }
0x54: {  	_ =	swait.ge [sflag:s21], $0x4000  }
0x55: {  	p1 =	seq.s32 s29, $0x0;
	[sflag:s21] =	ssyncset.done $0x0  }
.Ltmp4:
0x56: {  	s31 =	sadd.s32 $0x2780, s30;
	[sflag:s21] =	ssyncadd.s32 $0xFFFFC000;
	(pc) =	sbr.rel @p1 .LBB2_5-.Ltmp4, $4  }
0x57: {  	[spmem:s1] =	stream.indirect.scatter.add.f32 [tilespmem:s20], [sflag:$0x4], $0x80, s31, s17, $0xb8;
	[tilespmem:$0x1E0C0] =	vst v63  }
0x58: {  	_ =	swait.ge [sflag:s23], $0x4000  }
0x59: {  	[sflag:s23] =	ssyncset.done $0x0  }
0x5a: {  	[sflag:s23] =	ssyncadd.s32 $0xFFFFC000  }
.Ltmp5:
0x5b: {  	(pc) =	sbr.rel .LBB2_3-.Ltmp5, $3  }
0x5c: {  	_ =	sdelay $0x1  }
0x5d: {  	s30 =	sadd.s32 $0x1400, s30;
	s29 =	sadd.s32 $0x400, s29  }
0x5e: {  	[tilespmem:s18], [sflag:$0x1] =	stream.indirect.gather [hbm4b:s4+s17], $0x80, s30, s17, $0xb8;
	[tilespmem:$0x1E0C0] =	vst v63  }
.LBB2_7:
0x5f: {  	_ =	sfence.sel $0x180000  }
0x60: {  	[bflag:$0x0] =	sbarrier.arrive $0xFFFF  }
0x61: {  	_ =	strace $0x90000059  }
0x62: {  	s0 =	sadd.s32 @!p0 $0x100000, s0;
	[bflag:$0x2] =	sbarrier.arrive $0xFFFF  }
0x63: {  	[sflag:s0] =	ssyncadd.tile.s32 @!p0 $0x1;
	_ =	shalt  }
.Lfunc_end2:
_tile_overlayer_lowered:
.L_overlay_start_2:
0x64: {  	(tag) =	ssettag $0x2  }
0x65: {  	s0 =	rddreg [dreg:$0x0];
	s2 =	stileid.u32  }
0x66: {  	s1 =	rddreg [dreg:$0x1];
	p0 =	sne.s32 s2, $0x0  }
0x67: {  	s3 =	rddreg [dreg:$0x2];
	[bflag:$0x3] =	sbarrier.arrive $0xFFFF;
	s2 =	simm.s32 @!p0 $0x1C05  }
0x68: {  	[timem:s3], [sflag:s2] =	dma.local @!p0 [hbm:s0], s1  }
0x69: {  	s0 =	simm.s32 @!p0 $0x5  }
0x6a: {  	_ =	swait.ge @!p0 [sflag:s0], s1  }
0x6b: {  	s1 =	ssub.s32 @!p0 $0x0, s1;
	[sflag:s0] =	ssyncset.done @!p0 $0x0  }
0x6c: {  	[sflag:s0] =	ssyncadd.s32 @!p0 s1  }
0x6d: {  	[bflag:$0x3] =	sbarrier.arrive $0xFFFF  }
0x6e: {  	_ =	shalt  }

// kernel: gcn_spmm_sc.23.cloned.1.call-start
scs
__scs_entry_jumppad:
0x0: {  	(pc) =	sbr.rel $0x88, $3  }
0x1: {  	(tag) =	ssettag $0x0;
	lr =	simm.s32 $0x1  }
0x2: {  	[smem:$0x3F8B] =	sst lr;
	_ =	strace $0xD0000000  }
0x3: {  	_ = 	snop  }
0x4: {  	_ = 	snop  }
0x5: {  	_ = 	snop  }
0x6: {  	_ = 	snop  }
0x7: {  	_ = 	snop  }
__scs_overlays_trampoline_lowered:
0x8: {  	[smem:$0x3F9A] =	sst s0  }
0x9: {  	[smem:$0x3F9B] =	sst s1  }
0xa: {  	[smem:$0x3F9C] =	sst s2  }
0xb: {  	[smem:$0x3F9D] =	sst s3  }
0xc: {  	[smem:$0x3F9E] =	sst s4  }
0xd: {  	[smem:$0x3F9F] =	sst s5  }
0xe: {  	[smem:$0x3FA0] =	sst s6  }
0xf: {  	[smem:$0x3FA1] =	sst s7  }
0x10: {  	[smem:$0x3FA2] =	sst s8  }
0x11: {  	[smem:$0x3FA3] =	sst s9;
	s0 =	simm.s32 @!p0 $0x0  }
0x12: {  	s1 =	sld [smem:$0x3F89];
	s0 =	simm.s32 @p0 $0x1  }
0x13: {  	[smem:$0x3FA4] =	sst s0;
	s0 =	simm.s32 @!p1 $0x0  }
0x14: {  	s2 =	sld [smem:$0x3F88];
	s0 =	simm.s32 @p1 $0x1  }
0x15: {  	[smem:$0x3FA5] =	sst s0;
	s0 =	simm.s32 @!p2 $0x0  }
0x16: {  	s3 =	sld [smem:$0x3FDB];
	s0 =	simm.s32 @p2 $0x1  }
0x17: {  	s4 =	simm.s32 $0x1BF5;
	[smem:$0x3FA7] =	sst s0  }
0x18: {  	s0 =	sld [smem:$0x3F8A];
	_ =	swait.ge [sflag:s4], $0x0  }
0x19: {  	s7 =	sld [smem:$0x3F8B]  }
0x1a: {  	s8 =	sadd.s32 $0xFFFFE003, lr  }
0x1b: {  	s9 =	sadd.s32 $0xFFFFFEF7, lr;
	s5 =	simm.s32 $0xFFFFFFFF;
	p2 =	slt.u32 s8, $0xFFFFF086  }
0x1c: {  	p1 =	slt.u32 s9, $0xF7A;
	s5 =	simm.s32 @!p2 $0x0  }
0x1d: {  	s5 =	simm.s32 @p1 $0x1;
	p0 =	seq.s32 s7, s2  }
0x1e: {  	s7 =	smul.u32 @!p0 $0xF7A, s2;
	p2 =	seq.s32 @!p0 s5, $0x0  }
0x1f: {  	s9 =	smul.u32 $0xF7A, s1;
	s8 =	simm.s32 @!p0 $0x1BF5;
	p2 =	por !p2, p0  }
0x20: {  	[sflag:s8] =	ssyncset.s32 @!p0 $0xFFFFF086;
	s6 =	sadd.s32 @!p0 s3, s7;
	s7 =	simm.s32 @!p0 $0x108  }
0x21: {  	s3 =	sadd.s32 s3, s9;
	s6 =	sadd.s32 @!p0 $0x88, s6;
	s7 =	simm.s32 @p2 $0x1082  }
0x22: {  	[simem:s7], [sflag:s8] =	dma.local @!p0 [hbm:s6], $0xF7A  }
0x23: {  	s9 =	sor.u32 $0xD0000000, s2;
	s6 =	simm.s32 $0x108;
	_ =	swait.ge @!p0 [sflag:s8], $0x0  }
0x24: {  	s3 =	sadd.s32 $0x88, s3;
	s6 =	simm.s32 @!p1 $0x1082;
	[sflag:s4] =	ssyncset.s32 $0xFFFFF086  }
0x25: {  	[simem:s6], [sflag:s4] =	dma.local [hbm:s3], $0xF7A  }
0x26: {  	[smem:$0x3F8B] =	sst s1;
	(tag) =	ssettag s2;
	_ =	strace s9  }
0x27: {  	s1 =	sld [smem:$0x3F9B]  }
0x28: {  	s2 =	sld [smem:$0x3F9C]  }
0x29: {  	s4 =	sld [smem:$0x3F9E]  }
0x2a: {  	p0 =	seq.s32 s5, $0x0;
	s5 =	sld [smem:$0x3F9F]  }
0x2b: {  	s6 =	sld [smem:$0x3FA0]  }
0x2c: {  	s7 =	sld [smem:$0x3FA1]  }
0x2d: {  	s3 =	simm.s32 $0x108;
	s8 =	sld [smem:$0x3FA2]  }
0x2e: {  	s3 =	simm.s32 @!p0 $0x1082;
	s9 =	sld [smem:$0x3FA3]  }
0x2f: {  	lr =	sadd.s32 s0, s3;
	s0 =	sld [smem:$0x3F9A]  }
0x30: {  	s3 =	sld [smem:$0x3F9D]  }
0x31: {  	[smem:$0x3FA6] =	sst s10  }
0x32: {  	s10 =	sld [smem:$0x3FA4];
	_ =	sdelay $0x3  }
0x33: {  	p0 =	seq.s32 s10, $0x1;
	s10 =	sld [smem:$0x3FA6];
	_ =	sdelay $0x3  }
0x34: {  	[smem:$0x3FA6] =	sst s10  }
0x35: {  	s10 =	sld [smem:$0x3FA5];
	_ =	sdelay $0x3  }
0x36: {  	p1 =	seq.s32 s10, $0x1;
	s10 =	sld [smem:$0x3FA6];
	_ =	sdelay $0x3  }
0x37: {  	[smem:$0x3FA6] =	sst s10  }
0x38: {  	s10 =	sld [smem:$0x3FA7]  }
0x39: {  	_ = 	snop;
	(pc) =	sbr.ind lr, $3  }
0x3a: {  	_ = 	snop  }
0x3b: {  	_ = 	snop  }
0x3c: {  	p2 =	seq.s32 s10, $0x1;
	s10 =	sld [smem:$0x3FA6]  }
0x3d: {  	_ =	shalt  }
0x3e: {  	_ =	shalt  }
0x3f: {  	_ =	shalt  }
0x40: {  	_ =	shalt  }
0x41: {  	_ =	shalt  }
0x42: {  	_ =	shalt  }
0x43: {  	_ =	shalt  }
0x44: {  	_ =	shalt  }
0x45: {  	_ =	shalt  }
0x46: {  	_ =	shalt  }
0x47: {  	_ =	shalt  }
0x48: {  	_ =	shalt  }
0x49: {  	_ =	shalt  }
0x4a: {  	_ =	shalt  }
0x4b: {  	_ =	shalt  }
0x4c: {  	_ =	shalt  }
0x4d: {  	_ =	shalt  }
0x4e: {  	_ =	shalt  }
0x4f: {  	_ =	shalt  }
0x50: {  	_ =	shalt  }
0x51: {  	_ =	shalt  }
0x52: {  	_ =	shalt  }
0x53: {  	_ =	shalt  }
0x54: {  	_ =	shalt  }
0x55: {  	_ =	shalt  }
0x56: {  	_ =	shalt  }
0x57: {  	_ =	shalt  }
0x58: {  	_ =	shalt  }
0x59: {  	_ =	shalt  }
0x5a: {  	_ =	shalt  }
0x5b: {  	_ =	shalt  }
0x5c: {  	_ =	shalt  }
0x5d: {  	_ =	shalt  }
0x5e: {  	_ =	shalt  }
0x5f: {  	_ =	shalt  }
0x60: {  	_ =	shalt  }
0x61: {  	_ =	shalt  }
0x62: {  	_ =	shalt  }
0x63: {  	_ =	shalt  }
0x64: {  	_ =	shalt  }
0x65: {  	_ =	shalt  }
0x66: {  	_ =	shalt  }
0x67: {  	_ =	shalt  }
0x68: {  	_ =	shalt  }
0x69: {  	_ =	shalt  }
0x6a: {  	_ =	shalt  }
0x6b: {  	_ =	shalt  }
0x6c: {  	_ =	shalt  }
0x6d: {  	_ =	shalt  }
0x6e: {  	_ =	shalt  }
0x6f: {  	_ =	shalt  }
0x70: {  	_ =	shalt  }
0x71: {  	_ =	shalt  }
0x72: {  	_ =	shalt  }
0x73: {  	_ =	shalt  }
0x74: {  	_ =	shalt  }
0x75: {  	_ =	shalt  }
0x76: {  	_ =	shalt  }
0x77: {  	_ =	shalt  }
0x78: {  	_ =	shalt  }
0x79: {  	_ =	shalt  }
0x7a: {  	_ =	shalt  }
0x7b: {  	_ =	shalt  }
0x7c: {  	_ =	shalt  }
0x7d: {  	_ =	shalt  }
0x7e: {  	_ =	shalt  }
0x7f: {  	_ =	shalt  }
0x80: {  	_ =	shalt  }
0x81: {  	_ =	shalt  }
0x82: {  	_ =	shalt  }
0x83: {  	_ =	shalt  }
0x84: {  	_ =	shalt  }
0x85: {  	_ =	shalt  }
0x86: {  	_ =	shalt  }
0x87: {  	_ =	shalt  }
.Lfunc_end0:
.L_simem_size_0:
called_computation.6_lowered:
.L_overlay_start_0:
0x88: {  	s2 =	sld [smem:$0x3FD9]  }
0x89: {  	s3 =	sld [smem:$0x3FFE];
	_ =	sdelay $0x1  }
0x8a: {  	s1 =	srdreg.scid  }
0x8b: {  	s0 =	sand.u32 $0x1, s1  }
0x8c: {  	s17 =	sshll.u32 s0, $0xA;
	s2 =	sadd.s32 s3, s2  }
0x8d: {  	s2 =	sadd.s32 s2, s17  }
0x8e: {  	[smem:$0x3FB2] =	sst s2  }
0x8f: {  	_ = 	snop  }
0x90: {  	(tm) =	ssettm $0x1  }
0x91: {  	s18 =	sld [smem:$0x3FFB];
	_ =	sdelay $0x3  }
0x92: {  	_ =	strace s18  }
0x93: {  	s2 =	sld [smem:$0x3FFC];
	_ =	sdelay $0x3  }
0x94: {  	_ =	strace s2  }
0x95: {  	s2 =	sld [smem:$0x3FFD];
	_ =	sdelay $0x3  }
0x96: {  	_ =	strace s2  }
0x97: {  	_ =	strace $0x8FFFFFFF  }
0x98: {  	s19 =	sld [smem:$0x3FDB];
	_ =	sdelay $0x1  }
0x99: {  	s20 =	simm.s32 $_scs_section_size  }
0x9a: {  	s4 =	simm.s32 $_size__tile_overlayer_lowered;
	s5 =	simm.s32 $_tile_overlayer_lowered  }
0x9b: {  	s6 =	simm.s32 $0x1BFF;
	s21 =	sshll.u32 s5, $0x1;
	s3 =	sadd.s32 s20, s19  }
0x9c: {  	s22 =	simm.s32 $0x0;
	s4 =	sshll.u32 s4, $0x1;
	s5 =	sadd.s32 s21, s3  }
0x9d: {  	[timem:s22], [sflag:s6] =	dma.local [hbm:s5], s4  }
0x9e: {  	_ =	swait.ge [sflag:s6], s4  }
0x9f: {  	s4 =	ssub.s32 $0x0, s4;
	[sflag:s6] =	ssyncset.done $0x0  }
0xa0: {  	[sflag:s6] =	ssyncadd.s32 s4;
	_ =	sdelay $0x1  }
0xa1: {  	s23 =	simm.s32 $0x1B8B  }
0xa2: {  	_ =	swait.ge [sflag:s23], $0x1  }
0xa3: {  	[sflag:s23] =	ssyncset.done $0x0  }
0xa4: {  	[sflag:s23] =	ssyncadd.s32 $0xFFFFFFFF  }
0xa5: {  	s4 =	sld [smem:$0x0]  }
0xa6: {  	s5 =	sand.u32 $0xFFFFFFFE, s1  }
0xa7: {  	p0 =	sne.s32 s1, s5  }
0xa8: {  	s5 =	sshll.u32 @p0 s5, $0xE  }
0xa9: {  	s5 =	sadd.s32 @p0 $0x11B8D, s5;
	s6 =	sshll.u32 @p0 s4, $0x11  }
0xaa: {  	s5 =	sor.u32 @p0 s6, s5  }
0xab: {  	[sflag:s5] =	ssyncadd.remote.s32 @p0 $0x1;
	_ =	sdelay $0x1  }
0xac: {  	s5 =	simm.s32 @p0 $0x1B8D  }
0xad: {  	_ =	swait.eq @p0 [sflag:s5], $0x1  }
0xae: {  	[sflag:s5] =	ssyncadd.s32 @p0 $0xFFFFFFFF  }
0xaf: {  	s6 =	sshll.u32 @!p0 s1, $0xE  }
0xb0: {  	s6 =	sor.u32 @!p0 $0x4000, s6;
	s5 =	simm.s32 @!p0 $0x1B8D  }
0xb1: {  	s4 =	sshll.u32 @!p0 s4, $0x11;
	s6 =	sadd.s32 @!p0 $0x11B8D, s6;
	_ =	swait.eq @!p0 [sflag:s5], $0x1  }
0xb2: {  	s4 =	sor.u32 @!p0 s4, s6;
	[sflag:s5] =	ssyncadd.s32 @!p0 $0xFFFFFFFF  }
0xb3: {  	s25 =	simm.s32 $0x1B8E;
	s24 =	sld [smem:$0x3FFE];
	[sflag:s4] =	ssyncadd.remote.s32 @!p0 $0x1  }
0xb4: {  	s26 =	simm.s32 $execute0_lowered;
	[smem:$0x3FD2] =	sst s25  }
0xb5: {  	s5 =	sshll.u32 s26, $0x1;
	_ =	strace $0x80000055;
	[dreg:$0x1] =	wrdreg $0xFFFFFFFF  }
0xb6: {  	s28 =	simm.s32 $_size_execute0_lowered;
	s3 =	sadd.s32 s3, s5;
	[dreg:$0x0] =	wrdreg $0x0  }
0xb7: {  	s5 =	sshll.u32 s28, $0x1;
	[dreg:$0x2] =	wrdreg s3  }
0xb8: {  	[dreg:$0x3] =	wrdreg s5  }
0xb9: {  	[dreg:$0x4] =	wrdreg $0xC0  }
0xba: {  	_ =	task [dreg:s22], $0x5FFFF  }
0xbb: {  	[dreg:$0x1] =	wrdreg $0xFFFFFFFF  }
0xbc: {  	[dreg:$0x0] =	wrdreg $0x60  }
0xbd: {  	[dreg:$0x2] =	wrdreg s24  }
0xbe: {  	[dreg:$0x3] =	wrdreg $0xA8000  }
0xbf: {  	[dreg:$0x4] =	wrdreg $0xA  }
0xc0: {  	_ =	task.clear_ibuf [dreg:s22], $0x5FFFF;
	_ =	strace $0x90000055  }
0xc1: {  	s29 =	simm.s32 $0xA;
	_ =	strace $0x80000057  }
0xc2: {  	_ =	swait.ge [sflag:s29], $0x1  }
0xc3: {  	[sflag:s29] =	ssyncadd.s32 $0xFFFFFFFF  }
0xc4: {  	_ =	strace $0x90000057  }
0xc5: {  	_ =	sfence  }
0xc6: {  	s30 =	sld [smem:$0x0];
	_ =	sdelay $0x2  }
0xc7: {  	s31 =	sshll.u32 s1, $0xD;
	s1 =	sshrl.u32 s1, $0x2  }
0xc8: {  	s4 =	sand.u32 $0x4000, s31;
	s1 =	sadd.s32 s1, s30  }
0xc9: {  	s0 =	sor.u32 s4, s0;
	s1 =	sshll.u32 s1, $0x11  }
0xca: {  	s0 =	sor.u32 s1, s0  }
0xcb: {  	s0 =	sadd.s32 $0x8F2B, s0  }
0xcc: {  	[sflag:s0] =	ssyncadd.remote.s32 $0x1  }
0xcd: {  	_ =	sfence.sel $0xFFFF  }
0xce: {  	[dreg:$0x0] =	wrdreg $0xFFFFFFFF;
	(pc) =	sbr.abs _section_cstart, $3  }
0xcf: {  	[dreg:$0x1] =	wrdreg $0xFFFFFFFF  }
0xd0: {  	_ =	task.clear_ibuf [dreg:s22], $0x2FFFF;
	_ =	strace $0x9FFFFFFF  }
0xd1: {  	(tm) =	ssettm $0x7FFFFFFF  }
tec
execute0_lowered:
.L_overlay_start_1:
0x0: {  	(tag) =	ssettag $0x1  }
0x1: {  	s3 =	rddreg [dreg:$0x0]  }
0x2: {  	s1 =	rddreg [dreg:$0x1]  }
0x3: {  	s0 =	rddreg [dreg:$0x2]  }
0x4: {  	s2 =	simm.s32 $0x0;
	s12 =	stileid.u32;
	s4 =	srdreg.scid  }
0x5: {  	s16 =	simm.s32 $0x1400;
	s17 =	simm.s32 $0x80;
	s18 =	simm.s32 $0x2800  }
0x6: {  	s19 =	simm.s32 $0x1;
	s20 =	simm.s32 $0x6800;
	s21 =	simm.s32 $0x2  }
0x7: {  	s22 =	simm.s32 $0x1480;
	s23 =	simm.s32 $0x3;
	s24 =	simm.s32 $0x100  }
0x8: {  	s25 =	simm.s32 $0x4;
	s26 =	simm.s32 $0x0;
	s5 =	smul.u32 $0xA00, s12  }
0x9: {  	[smem:$0x7FF] =	sst s2;
	s4 =	sand.u32 $0x1, s4;
	s29 =	smul.u32 $0x4E000, s12  }
0xa: {  	s31 =	sshll.u32 s12, $0x6;
	s14 =	sadd.s32 $0x138000, s1;
	s15 =	sadd.s32 $0x138800, s1  }
0xb: {  	p0 =	sne.s32 s12, $0x0;
	_ =	strace $0x80000056;
	s6 =	smul.u32 $0x27100, s4  }
0xc: {  	s4 =	ssub.s32 $0x2, s4;
	s14 =	sshrl.u32 @!p0 s14, $0x3;
	s15 =	sshrl.u32 @!p0 s15, $0x3  }
0xd: {  	s9 =	sadd.s32 s5, s3;
	s10 =	sadd.s32 s6, s3;
	s3 =	smul.u32 $0x2700, s12  }
.Ltmp0:
0xe: {  	s30 =	sshrl.u32 s4, $0x1;
	s5 =	sshrl.u32 s29, $0x2;
	(pc) =	sbr.rel .LBB2_1-.Ltmp0, $4  }
0xf: {  	s11 =	ssub.s32 s4, s30;
	s13 =	sadd.s32 s5, s1;
	s6 =	sor.u32 $0x1C05, s31  }
0x10: {  	s8 =	sadd.s32 $0xB6A00, s9;
	s9 =	sadd.s32 $0x10400, s9;
	s4 =	sadd.s32 $0x1A400, s10  }
0x11: {  	s7 =	sadd.s32 $0x41400, s10;
	s10 =	sadd.s32 $0xC0A00, s10;
	s11 =	smax.u32 s11, $0x1  }
0x12: {  	s12 =	sshrl.u32 s13, $0x3;
	s13 =	simm.s32 $0x5;
	s5 =	sadd.s32 s3, s4  }
.LBB2_6:
0x13: {  	[bflag:$0x0] =	sbarrier.arrive $0xFFFF;
	s28 =	sadd.s32 s3, s10  }
0x14: {  	[hbm:s28], [sflag:s6] =	dma.local [spmem:s12], $0x2700  }
0x15: {  	_ =	swait.ge [sflag:s13], $0x2700  }
0x16: {  	s26 =	sadd.s32 $0x1, s26;
	[sflag:s13] =	ssyncset.done $0x0  }
0x17: {  	s28 =	sadd.s32 @!p0 $0x27000, s10;
	p1 =	sne.s32 s26, s11;
	[sflag:s13] =	ssyncadd.s32 $0xFFFFD900  }
0x18: {  	[hbm:s28], [sflag:s6] =	dma.local @!p0 [spmem:s14], $0x100  }
.Ltmp1:
0x19: {  	_ = 	snop;
	(pc) =	sbr.rel @!p1 .LBB2_7-.Ltmp1, $4  }
0x1a: {  	s28 =	simm.s32 @!p0 $0x5  }
0x1b: {  	_ =	swait.ge @!p0 [sflag:s28], $0x100  }
0x1c: {  	[sflag:s28] =	ssyncset.done @!p0 $0x0  }
0x1d: {  	[sflag:s28] =	ssyncadd.s32 @!p0 $0xFFFFFF00  }
.LBB2_1:
0x1e: {  	[spmem:s12], [sflag:s6] =	dma.local [hbm:s5], $0x2700  }
0x1f: {  	_ =	swait.ge [sflag:s13], $0x2700  }
0x20: {  	[sflag:s13] =	ssyncset.done $0x0  }
0x21: {  	s28 =	simm.s32 @!p0 $0x5;
	[sflag:s13] =	ssyncadd.s32 $0xFFFFD900  }
0x22: {  	[spmem:s14], [sflag:s6] =	dma.local @!p0 [hbm:s7], $0x100  }
0x23: {  	_ =	swait.ge @!p0 [sflag:s28], $0x100  }
0x24: {  	[sflag:s28] =	ssyncset.done @!p0 $0x0  }
0x25: {  	[sflag:s28] =	ssyncadd.s32 @!p0 $0xFFFFFF00  }
0x26: {  	[spmem:s15], [sflag:s6] =	dma.local @!p0 [hbm:s4], $0x80  }
.Ltmp2:
0x27: {  	_ =	swait.ge @!p0 [sflag:s28], $0x80;
	(pc) =	sbr.rel .LBB2_2-.Ltmp2, $4  }
0x28: {  	[sflag:s28] =	ssyncset.done @!p0 $0x0  }
0x29: {  	[sflag:s28] =	ssyncadd.s32 @!p0 $0xFFFFFF80  }
0x2a: {  	[bflag:$0x0] =	sbarrier.arrive $0xFFFF  }
0x2b: {  	s28 =	simm.s32 $0x0  }
.LBB2_5:
0x2c: {  	s28 =	sadd.s32 $0x1, s28  }
0x2d: {  	p1 =	sne.s32 s28, $0x4  }
.Ltmp3:
0x2e: {  	_ = 	snop;
	(pc) =	sbr.rel @!p1 .LBB2_6-.Ltmp3, $4  }
0x2f: {  	_ = 	snop  }
0x30: {  	_ =	swait.ge [sflag:s25], $0x4000  }
0x31: {  	[sflag:s25] =	ssyncset.done $0x0  }
0x32: {  	[sflag:s25] =	ssyncadd.s32 $0xFFFFC000  }
.LBB2_2:
0x33: {  	s29 =	smul.u32 $0x280, s28;
	_ =	sdelay $0x1  }
0x34: {  	s30 =	sadd.s32 s29, s8  }
0x35: {  	[tilespmem:s2], [sflag:$0x5] =	stream.linear.gather [hbm4b:s30+s2], $0x1400, $0x38;
	[tilespmem:$0x1E0C0] =	vst v63  }
0x36: {  	_ =	swait.ge [sflag:s13], $0x1400  }
0x37: {  	[sflag:s13] =	ssyncset.done $0x0  }
0x38: {  	s29 =	sadd.s32 s29, s9;
	[sflag:s13] =	ssyncadd.s32 $0xFFFFEC00  }
0x39: {  	[tilespmem:s16], [sflag:$0x5] =	stream.linear.gather [hbm4b:s29+s2], $0x1400, $0x38;
	[tilespmem:$0x1E0C0] =	vst v63  }
0x3a: {  	_ =	swait.ge [sflag:s13], $0x1400  }
0x3b: {  	[sflag:s13] =	ssyncset.done $0x0  }
0x3c: {  	[sflag:s13] =	ssyncadd.s32 $0xFFFFEC00  }
0x3d: {  	[tilespmem:s18], [sflag:$0x1] =	stream.indirect.gather [hbm4b:s4+s17], $0x80, s2, s17, $0xb8;
	[tilespmem:$0x1E0C0] =	vst v63  }
0x3e: {  	_ =	swait.ge [sflag:s19], $0x4000  }
0x3f: {  	[sflag:s19] =	ssyncset.done $0x0  }
0x40: {  	[sflag:s19] =	ssyncadd.s32 $0xFFFFC000  }
0x41: {  	[spmem:s1] =	stream.indirect.scatter.add.f32 [tilespmem:s18], [sflag:$0x3], $0x80, s16, s17, $0xb8;
	[tilespmem:$0x1E0C0] =	vst v63  }
0x42: {  	_ = 	snop  }
0x43: {  	[tilespmem:s20], [sflag:$0x2] =	stream.indirect.gather [hbm4b:s4+s17], $0x80, s17, s17, $0xb8;
	[tilespmem:$0x1E0C0] =	vst v63  }
0x44: {  	_ =	swait.ge [sflag:s21], $0x4000  }
0x45: {  	[sflag:s21] =	ssyncset.done $0x0  }
0x46: {  	[sflag:s21] =	ssyncadd.s32 $0xFFFFC000  }
0x47: {  	[spmem:s1] =	stream.indirect.scatter.add.f32 [tilespmem:s20], [sflag:$0x4], $0x80, s22, s17, $0xb8;
	[tilespmem:$0x1E0C0] =	vst v63  }
0x48: {  	_ =	swait.ge [sflag:s23], $0x4000  }
0x49: {  	[sflag:s23] =	ssyncset.done $0x0  }
0x4a: {  	s29 =	simm.s32 $0xFFFFB800;
	[sflag:s23] =	ssyncadd.s32 $0xFFFFC000  }
0x4b: {  	[tilespmem:s18], [sflag:$0x1] =	stream.indirect.gather [hbm4b:s4+s17], $0x80, s24, s17, $0xb8;
	[tilespmem:$0x1E0C0] =	vst v63  }
.LBB2_3:
0x4c: {  	_ =	swait.ge [sflag:s19], $0x4000  }
0x4d: {  	s30 =	sshra.s32 s29, $0x2;
	[sflag:s19] =	ssyncset.done $0x0  }
0x4e: {  	s31 =	sadd.s32 $0x2700, s30;
	[sflag:s19] =	ssyncadd.s32 $0xFFFFC000  }
0x4f: {  	[spmem:s1] =	stream.indirect.scatter.add.f32 [tilespmem:s18], [sflag:$0x3], $0x80, s31, s17, $0xb8;
	[tilespmem:$0x1E0C0] =	vst v63  }
0x50: {  	_ =	swait.ge [sflag:s25], $0x4000  }
0x51: {  	[sflag:s25] =	ssyncset.done $0x0  }
0x52: {  	s31 =	sadd.s32 $0x1380, s30;
	[sflag:s25] =	ssyncadd.s32 $0xFFFFC000  }
0x53: {  	[tilespmem:s20], [sflag:$0x2] =	stream.indirect.gather [hbm4b:s4+s17], $0x80, s31, s17, $0xb8;
	[tilespmem:$0x1E0C0] =	vst v63  }
0x54: {  	_ =	swait.ge [sflag:s21], $0x4000  }
0x55: {  	p1 =	seq.s32 s29, $0x0;
	[sflag:s21] =	ssyncset.done $0x0  }
.Ltmp4:
0x56: {  	s31 =	sadd.s32 $0x2780, s30;
	[sflag:s21] =	ssyncadd.s32 $0xFFFFC000;
	(pc) =	sbr.rel @p1 .LBB2_5-.Ltmp4, $4  }
0x57: {  	[spmem:s1] =	stream.indirect.scatter.add.f32 [tilespmem:s20], [sflag:$0x4], $0x80, s31, s17, $0xb8;
	[tilespmem:$0x1E0C0] =	vst v63  }
0x58: {  	_ =	swait.ge [sflag:s23], $0x4000  }
0x59: {  	[sflag:s23] =	ssyncset.done $0x0  }
0x5a: {  	[sflag:s23] =	ssyncadd.s32 $0xFFFFC000  }
.Ltmp5:
0x5b: {  	(pc) =	sbr.rel .LBB2_3-.Ltmp5, $3  }
0x5c: {  	_ =	sdelay $0x1  }
0x5d: {  	s30 =	sadd.s32 $0x1400, s30;
	s29 =	sadd.s32 $0x400, s29  }
0x5e: {  	[tilespmem:s18], [sflag:$0x1] =	stream.indirect.gather [hbm4b:s4+s17], $0x80, s30, s17, $0xb8;
	[tilespmem:$0x1E0C0] =	vst v63  }
.LBB2_7:
0x5f: {  	_ =	sfence.sel $0x180000  }
0x60: {  	[bflag:$0x0] =	sbarrier.arrive $0xFFFF  }
0x61: {  	_ =	strace $0x90000056  }
0x62: {  	s0 =	sadd.s32 @!p0 $0x100000, s0;
	[bflag:$0x2] =	sbarrier.arrive $0xFFFF  }
0x63: {  	[sflag:s0] =	ssyncadd.tile.s32 @!p0 $0x1;
	_ =	shalt  }
.Lfunc_end2:
_tile_overlayer_lowered:
.L_overlay_start_2:
0x64: {  	(tag) =	ssettag $0x2  }
0x65: {  	s0 =	rddreg [dreg:$0x0];
	s2 =	stileid.u32  }
0x66: {  	s1 =	rddreg [dreg:$0x1];
	p0 =	sne.s32 s2, $0x0  }
0x67: {  	s3 =	rddreg [dreg:$0x2];
	[bflag:$0x3] =	sbarrier.arrive $0xFFFF;
	s2 =	simm.s32 @!p0 $0x1C05  }
0x68: {  	[timem:s3], [sflag:s2] =	dma.local @!p0 [hbm:s0], s1  }
0x69: {  	s0 =	simm.s32 @!p0 $0x5  }
0x6a: {  	_ =	swait.ge @!p0 [sflag:s0], s1  }
0x6b: {  	s1 =	ssub.s32 @!p0 $0x0, s1;
	[sflag:s0] =	ssyncset.done @!p0 $0x0  }
0x6c: {  	[sflag:s0] =	ssyncadd.s32 @!p0 s1  }
0x6d: {  	[bflag:$0x3] =	sbarrier.arrive $0xFFFF  }
0x6e: {  	_ =	shalt  }

// kernel: gcn_spmm_sc.8.cloned.1.call-start
scs
__scs_entry_jumppad:
0x0: {  	(pc) =	sbr.rel $0x88, $3  }
0x1: {  	(tag) =	ssettag $0x0;
	lr =	simm.s32 $0x1  }
0x2: {  	[smem:$0x3F8B] =	sst lr;
	_ =	strace $0xD0000000  }
0x3: {  	_ = 	snop  }
0x4: {  	_ = 	snop  }
0x5: {  	_ = 	snop  }
0x6: {  	_ = 	snop  }
0x7: {  	_ = 	snop  }
__scs_overlays_trampoline_lowered:
0x8: {  	[smem:$0x3F9A] =	sst s0  }
0x9: {  	[smem:$0x3F9B] =	sst s1  }
0xa: {  	[smem:$0x3F9C] =	sst s2  }
0xb: {  	[smem:$0x3F9D] =	sst s3  }
0xc: {  	[smem:$0x3F9E] =	sst s4  }
0xd: {  	[smem:$0x3F9F] =	sst s5  }
0xe: {  	[smem:$0x3FA0] =	sst s6  }
0xf: {  	[smem:$0x3FA1] =	sst s7  }
0x10: {  	[smem:$0x3FA2] =	sst s8  }
0x11: {  	[smem:$0x3FA3] =	sst s9;
	s0 =	simm.s32 @!p0 $0x0  }
0x12: {  	s1 =	sld [smem:$0x3F89];
	s0 =	simm.s32 @p0 $0x1  }
0x13: {  	[smem:$0x3FA4] =	sst s0;
	s0 =	simm.s32 @!p1 $0x0  }
0x14: {  	s2 =	sld [smem:$0x3F88];
	s0 =	simm.s32 @p1 $0x1  }
0x15: {  	[smem:$0x3FA5] =	sst s0;
	s0 =	simm.s32 @!p2 $0x0  }
0x16: {  	s3 =	sld [smem:$0x3FDB];
	s0 =	simm.s32 @p2 $0x1  }
0x17: {  	s4 =	simm.s32 $0x1BF5;
	[smem:$0x3FA7] =	sst s0  }
0x18: {  	s0 =	sld [smem:$0x3F8A];
	_ =	swait.ge [sflag:s4], $0x0  }
0x19: {  	s7 =	sld [smem:$0x3F8B]  }
0x1a: {  	s8 =	sadd.s32 $0xFFFFE003, lr  }
0x1b: {  	s9 =	sadd.s32 $0xFFFFFEF7, lr;
	s5 =	simm.s32 $0xFFFFFFFF;
	p2 =	slt.u32 s8, $0xFFFFF086  }
0x1c: {  	p1 =	slt.u32 s9, $0xF7A;
	s5 =	simm.s32 @!p2 $0x0  }
0x1d: {  	s5 =	simm.s32 @p1 $0x1;
	p0 =	seq.s32 s7, s2  }
0x1e: {  	s7 =	smul.u32 @!p0 $0xF7A, s2;
	p2 =	seq.s32 @!p0 s5, $0x0  }
0x1f: {  	s9 =	smul.u32 $0xF7A, s1;
	s8 =	simm.s32 @!p0 $0x1BF5;
	p2 =	por !p2, p0  }
0x20: {  	[sflag:s8] =	ssyncset.s32 @!p0 $0xFFFFF086;
	s6 =	sadd.s32 @!p0 s3, s7;
	s7 =	simm.s32 @!p0 $0x108  }
0x21: {  	s3 =	sadd.s32 s3, s9;
	s6 =	sadd.s32 @!p0 $0x88, s6;
	s7 =	simm.s32 @p2 $0x1082  }
0x22: {  	[simem:s7], [sflag:s8] =	dma.local @!p0 [hbm:s6], $0xF7A  }
0x23: {  	s9 =	sor.u32 $0xD0000000, s2;
	s6 =	simm.s32 $0x108;
	_ =	swait.ge @!p0 [sflag:s8], $0x0  }
0x24: {  	s3 =	sadd.s32 $0x88, s3;
	s6 =	simm.s32 @!p1 $0x1082;
	[sflag:s4] =	ssyncset.s32 $0xFFFFF086  }
0x25: {  	[simem:s6], [sflag:s4] =	dma.local [hbm:s3], $0xF7A  }
0x26: {  	[smem:$0x3F8B] =	sst s1;
	(tag) =	ssettag s2;
	_ =	strace s9  }
0x27: {  	s1 =	sld [smem:$0x3F9B]  }
0x28: {  	s2 =	sld [smem:$0x3F9C]  }
0x29: {  	s4 =	sld [smem:$0x3F9E]  }
0x2a: {  	p0 =	seq.s32 s5, $0x0;
	s5 =	sld [smem:$0x3F9F]  }
0x2b: {  	s6 =	sld [smem:$0x3FA0]  }
0x2c: {  	s7 =	sld [smem:$0x3FA1]  }
0x2d: {  	s3 =	simm.s32 $0x108;
	s8 =	sld [smem:$0x3FA2]  }
0x2e: {  	s3 =	simm.s32 @!p0 $0x1082;
	s9 =	sld [smem:$0x3FA3]  }
0x2f: {  	lr =	sadd.s32 s0, s3;
	s0 =	sld [smem:$0x3F9A]  }
0x30: {  	s3 =	sld [smem:$0x3F9D]  }
0x31: {  	[smem:$0x3FA6] =	sst s10  }
0x32: {  	s10 =	sld [smem:$0x3FA4];
	_ =	sdelay $0x3  }
0x33: {  	p0 =	seq.s32 s10, $0x1;
	s10 =	sld [smem:$0x3FA6];
	_ =	sdelay $0x3  }
0x34: {  	[smem:$0x3FA6] =	sst s10  }
0x35: {  	s10 =	sld [smem:$0x3FA5];
	_ =	sdelay $0x3  }
0x36: {  	p1 =	seq.s32 s10, $0x1;
	s10 =	sld [smem:$0x3FA6];
	_ =	sdelay $0x3  }
0x37: {  	[smem:$0x3FA6] =	sst s10  }
0x38: {  	s10 =	sld [smem:$0x3FA7]  }
0x39: {  	_ = 	snop;
	(pc) =	sbr.ind lr, $3  }
0x3a: {  	_ = 	snop  }
0x3b: {  	_ = 	snop  }
0x3c: {  	p2 =	seq.s32 s10, $0x1;
	s10 =	sld [smem:$0x3FA6]  }
0x3d: {  	_ =	shalt  }
0x3e: {  	_ =	shalt  }
0x3f: {  	_ =	shalt  }
0x40: {  	_ =	shalt  }
0x41: {  	_ =	shalt  }
0x42: {  	_ =	shalt  }
0x43: {  	_ =	shalt  }
0x44: {  	_ =	shalt  }
0x45: {  	_ =	shalt  }
0x46: {  	_ =	shalt  }
0x47: {  	_ =	shalt  }
0x48: {  	_ =	shalt  }
0x49: {  	_ =	shalt  }
0x4a: {  	_ =	shalt  }
0x4b: {  	_ =	shalt  }
0x4c: {  	_ =	shalt  }
0x4d: {  	_ =	shalt  }
0x4e: {  	_ =	shalt  }
0x4f: {  	_ =	shalt  }
0x50: {  	_ =	shalt  }
0x51: {  	_ =	shalt  }
0x52: {  	_ =	shalt  }
0x53: {  	_ =	shalt  }
0x54: {  	_ =	shalt  }
0x55: {  	_ =	shalt  }
0x56: {  	_ =	shalt  }
0x57: {  	_ =	shalt  }
0x58: {  	_ =	shalt  }
0x59: {  	_ =	shalt  }
0x5a: {  	_ =	shalt  }
0x5b: {  	_ =	shalt  }
0x5c: {  	_ =	shalt  }
0x5d: {  	_ =	shalt  }
0x5e: {  	_ =	shalt  }
0x5f: {  	_ =	shalt  }
0x60: {  	_ =	shalt  }
0x61: {  	_ =	shalt  }
0x62: {  	_ =	shalt  }
0x63: {  	_ =	shalt  }
0x64: {  	_ =	shalt  }
0x65: {  	_ =	shalt  }
0x66: {  	_ =	shalt  }
0x67: {  	_ =	shalt  }
0x68: {  	_ =	shalt  }
0x69: {  	_ =	shalt  }
0x6a: {  	_ =	shalt  }
0x6b: {  	_ =	shalt  }
0x6c: {  	_ =	shalt  }
0x6d: {  	_ =	shalt  }
0x6e: {  	_ =	shalt  }
0x6f: {  	_ =	shalt  }
0x70: {  	_ =	shalt  }
0x71: {  	_ =	shalt  }
0x72: {  	_ =	shalt  }
0x73: {  	_ =	shalt  }
0x74: {  	_ =	shalt  }
0x75: {  	_ =	shalt  }
0x76: {  	_ =	shalt  }
0x77: {  	_ =	shalt  }
0x78: {  	_ =	shalt  }
0x79: {  	_ =	shalt  }
0x7a: {  	_ =	shalt  }
0x7b: {  	_ =	shalt  }
0x7c: {  	_ =	shalt  }
0x7d: {  	_ =	shalt  }
0x7e: {  	_ =	shalt  }
0x7f: {  	_ =	shalt  }
0x80: {  	_ =	shalt  }
0x81: {  	_ =	shalt  }
0x82: {  	_ =	shalt  }
0x83: {  	_ =	shalt  }
0x84: {  	_ =	shalt  }
0x85: {  	_ =	shalt  }
0x86: {  	_ =	shalt  }
0x87: {  	_ =	shalt  }
.Lfunc_end0:
.L_simem_size_0:
called_computation.1_lowered:
.L_overlay_start_0:
0x88: {  	s2 =	sld [smem:$0x3FD9]  }
0x89: {  	s3 =	sld [smem:$0x3FFE];
	_ =	sdelay $0x1  }
0x8a: {  	s1 =	srdreg.scid  }
0x8b: {  	s0 =	sand.u32 $0x1, s1  }
0x8c: {  	s17 =	sshll.u32 s0, $0xA;
	s2 =	sadd.s32 s3, s2  }
0x8d: {  	s2 =	sadd.s32 s2, s17  }
0x8e: {  	[smem:$0x3FB2] =	sst s2  }
0x8f: {  	_ = 	snop  }
0x90: {  	(tm) =	ssettm $0x1  }
0x91: {  	s18 =	sld [smem:$0x3FFB];
	_ =	sdelay $0x3  }
0x92: {  	_ =	strace s18  }
0x93: {  	s2 =	sld [smem:$0x3FFC];
	_ =	sdelay $0x3  }
0x94: {  	_ =	strace s2  }
0x95: {  	s2 =	sld [smem:$0x3FFD];
	_ =	sdelay $0x3  }
0x96: {  	_ =	strace s2  }
0x97: {  	_ =	strace $0x8FFFFFFF  }
0x98: {  	s19 =	sld [smem:$0x3FDB];
	_ =	sdelay $0x1  }
0x99: {  	s20 =	simm.s32 $_scs_section_size  }
0x9a: {  	s4 =	simm.s32 $_size__tile_overlayer_lowered;
	s5 =	simm.s32 $_tile_overlayer_lowered  }
0x9b: {  	s6 =	simm.s32 $0x1BFF;
	s21 =	sshll.u32 s5, $0x1;
	s3 =	sadd.s32 s20, s19  }
0x9c: {  	s22 =	simm.s32 $0x0;
	s4 =	sshll.u32 s4, $0x1;
	s5 =	sadd.s32 s21, s3  }
0x9d: {  	[timem:s22], [sflag:s6] =	dma.local [hbm:s5], s4  }
0x9e: {  	_ =	swait.ge [sflag:s6], s4  }
0x9f: {  	s4 =	ssub.s32 $0x0, s4;
	[sflag:s6] =	ssyncset.done $0x0  }
0xa0: {  	[sflag:s6] =	ssyncadd.s32 s4;
	_ =	sdelay $0x1  }
0xa1: {  	s23 =	simm.s32 $0x1B8B  }
0xa2: {  	_ =	swait.ge [sflag:s23], $0x1  }
0xa3: {  	[sflag:s23] =	ssyncset.done $0x0  }
0xa4: {  	[sflag:s23] =	ssyncadd.s32 $0xFFFFFFFF  }
0xa5: {  	s4 =	sld [smem:$0x0]  }
0xa6: {  	s5 =	sand.u32 $0xFFFFFFFE, s1  }
0xa7: {  	p0 =	sne.s32 s1, s5  }
0xa8: {  	s5 =	sshll.u32 @p0 s5, $0xE  }
0xa9: {  	s5 =	sadd.s32 @p0 $0x11B8D, s5;
	s6 =	sshll.u32 @p0 s4, $0x11  }
0xaa: {  	s5 =	sor.u32 @p0 s6, s5  }
0xab: {  	[sflag:s5] =	ssyncadd.remote.s32 @p0 $0x1;
	_ =	sdelay $0x1  }
0xac: {  	s5 =	simm.s32 @p0 $0x1B8D  }
0xad: {  	_ =	swait.eq @p0 [sflag:s5], $0x1  }
0xae: {  	[sflag:s5] =	ssyncadd.s32 @p0 $0xFFFFFFFF  }
0xaf: {  	s6 =	sshll.u32 @!p0 s1, $0xE  }
0xb0: {  	s6 =	sor.u32 @!p0 $0x4000, s6;
	s5 =	simm.s32 @!p0 $0x1B8D  }
0xb1: {  	s4 =	sshll.u32 @!p0 s4, $0x11;
	s6 =	sadd.s32 @!p0 $0x11B8D, s6;
	_ =	swait.eq @!p0 [sflag:s5], $0x1  }
0xb2: {  	s4 =	sor.u32 @!p0 s4, s6;
	[sflag:s5] =	ssyncadd.s32 @!p0 $0xFFFFFFFF  }
0xb3: {  	s25 =	simm.s32 $0x1B8E;
	s24 =	sld [smem:$0x3FFE];
	[sflag:s4] =	ssyncadd.remote.s32 @!p0 $0x1  }
0xb4: {  	s26 =	simm.s32 $execute0_lowered;
	[smem:$0x3FD2] =	sst s25  }
0xb5: {  	s5 =	sshll.u32 s26, $0x1;
	_ =	strace $0x8000004C;
	[dreg:$0x1] =	wrdreg $0xFFFFFFFF  }
0xb6: {  	s28 =	simm.s32 $_size_execute0_lowered;
	s3 =	sadd.s32 s3, s5;
	[dreg:$0x0] =	wrdreg $0x0  }
0xb7: {  	s5 =	sshll.u32 s28, $0x1;
	[dreg:$0x2] =	wrdreg s3  }
0xb8: {  	[dreg:$0x3] =	wrdreg s5  }
0xb9: {  	[dreg:$0x4] =	wrdreg $0xC0  }
0xba: {  	_ =	task [dreg:s22], $0x5FFFF  }
0xbb: {  	[dreg:$0x1] =	wrdreg $0xFFFFFFFF  }
0xbc: {  	[dreg:$0x0] =	wrdreg $0x60  }
0xbd: {  	[dreg:$0x2] =	wrdreg s24  }
0xbe: {  	[dreg:$0x3] =	wrdreg $0xA8000  }
0xbf: {  	[dreg:$0x4] =	wrdreg $0x9  }
0xc0: {  	_ =	task.clear_ibuf [dreg:s22], $0x5FFFF;
	_ =	strace $0x9000004C  }
0xc1: {  	s29 =	simm.s32 $0x9;
	_ =	strace $0x8000004E  }
0xc2: {  	_ =	swait.ge [sflag:s29], $0x1  }
0xc3: {  	[sflag:s29] =	ssyncadd.s32 $0xFFFFFFFF  }
0xc4: {  	_ =	strace $0x9000004E  }
0xc5: {  	_ =	sfence  }
0xc6: {  	s30 =	sld [smem:$0x0];
	_ =	sdelay $0x2  }
0xc7: {  	s31 =	sshll.u32 s1, $0xD;
	s1 =	sshrl.u32 s1, $0x2  }
0xc8: {  	s4 =	sand.u32 $0x4000, s31;
	s1 =	sadd.s32 s1, s30  }
0xc9: {  	s0 =	sor.u32 s4, s0;
	s1 =	sshll.u32 s1, $0x11  }
0xca: {  	s0 =	sor.u32 s1, s0  }
0xcb: {  	s0 =	sadd.s32 $0x8F2B, s0  }
0xcc: {  	[sflag:s0] =	ssyncadd.remote.s32 $0x1  }
0xcd: {  	_ =	sfence.sel $0xFFFF  }
0xce: {  	[dreg:$0x0] =	wrdreg $0xFFFFFFFF;
	(pc) =	sbr.abs _section_cstart, $3  }
0xcf: {  	[dreg:$0x1] =	wrdreg $0xFFFFFFFF  }
0xd0: {  	_ =	task.clear_ibuf [dreg:s22], $0x2FFFF;
	_ =	strace $0x9FFFFFFF  }
0xd1: {  	(tm) =	ssettm $0x7FFFFFFF  }
tec
execute0_lowered:
.L_overlay_start_1:
0x0: {  	(tag) =	ssettag $0x1  }
0x1: {  	s3 =	rddreg [dreg:$0x0]  }
0x2: {  	s1 =	rddreg [dreg:$0x1]  }
0x3: {  	s0 =	rddreg [dreg:$0x2]  }
0x4: {  	s12 =	stileid.u32;
	s4 =	srdreg.scid;
	s2 =	simm.s32 $0x0  }
0x5: {  	s16 =	simm.s32 $0x1400;
	s17 =	simm.s32 $0x80;
	s18 =	simm.s32 $0x2800  }
0x6: {  	s19 =	simm.s32 $0x1;
	s20 =	simm.s32 $0x6800;
	s21 =	simm.s32 $0x2  }
0x7: {  	s22 =	simm.s32 $0x1480;
	s23 =	simm.s32 $0x3;
	s24 =	simm.s32 $0x100  }
0x8: {  	s25 =	simm.s32 $0x4;
	s26 =	simm.s32 $0x0;
	s5 =	smul.u32 $0xA00, s12  }
0x9: {  	s4 =	sand.u32 $0x1, s4;
	[smem:$0x7FF] =	sst s2;
	s8 =	smul.u32 $0x4E000, s12  }
0xa: {  	s31 =	sshll.u32 s12, $0x6;
	s15 =	sadd.s32 $0x138800, s1;
	s14 =	sadd.s32 $0x138000, s1  }
0xb: {  	p0 =	sne.s32 s12, $0x0;
	s6 =	smul.u32 $0x27100, s4;
	s4 =	ssub.s32 $0x2, s4  }
0xc: {  	_ =	strace $0x8000004D;
	s14 =	sshrl.u32 @!p0 s14, $0x3;
	s15 =	sshrl.u32 @!p0 s15, $0x3  }
0xd: {  	s7 =	sshrl.u32 s4, $0x1;
	s9 =	sadd.s32 s5, s3;
	s30 =	sshrl.u32 s8, $0x2  }
.Ltmp0:
0xe: {  	s5 =	sor.u32 $0x1C05, s31;
	s10 =	sadd.s32 s6, s3;
	(pc) =	sbr.rel .LBB2_1-.Ltmp0, $4  }
0xf: {  	s11 =	ssub.s32 s4, s7;
	s3 =	smul.u32 $0x2700, s12;
	s8 =	sadd.s32 $0x10EC00, s9  }
0x10: {  	s13 =	sadd.s32 s30, s1;
	s9 =	sadd.s32 $0x6400, s9;
	s4 =	sadd.s32 $0x118C00, s10  }
0x11: {  	s7 =	sadd.s32 $0x13FC00, s10;
	s10 =	sadd.s32 $0x166E00, s10;
	s11 =	smax.u32 s11, $0x1  }
0x12: {  	s12 =	sshrl.u32 s13, $0x3;
	s13 =	simm.s32 $0x5;
	s6 =	sadd.s32 s3, s4  }
.LBB2_6:
0x13: {  	[bflag:$0x0] =	sbarrier.arrive $0xFFFF;
	s28 =	sadd.s32 s3, s10  }
0x14: {  	[hbm:s28], [sflag:s5] =	dma.local [spmem:s12], $0x2700  }
0x15: {  	_ =	swait.ge [sflag:s13], $0x2700  }
0x16: {  	s26 =	sadd.s32 $0x1, s26;
	[sflag:s13] =	ssyncset.done $0x0  }
0x17: {  	s28 =	sadd.s32 @!p0 $0x27000, s10;
	p1 =	sne.s32 s26, s11;
	[sflag:s13] =	ssyncadd.s32 $0xFFFFD900  }
0x18: {  	[hbm:s28], [sflag:s5] =	dma.local @!p0 [spmem:s14], $0x100  }
.Ltmp1:
0x19: {  	_ = 	snop;
	(pc) =	sbr.rel @!p1 .LBB2_7-.Ltmp1, $4  }
0x1a: {  	s28 =	simm.s32 @!p0 $0x5  }
0x1b: {  	_ =	swait.ge @!p0 [sflag:s28], $0x100  }
0x1c: {  	[sflag:s28] =	ssyncset.done @!p0 $0x0  }
0x1d: {  	[sflag:s28] =	ssyncadd.s32 @!p0 $0xFFFFFF00  }
.LBB2_1:
0x1e: {  	[spmem:s12], [sflag:s5] =	dma.local [hbm:s6], $0x2700  }
0x1f: {  	_ =	swait.ge [sflag:s13], $0x2700  }
0x20: {  	[sflag:s13] =	ssyncset.done $0x0  }
0x21: {  	s28 =	simm.s32 @!p0 $0x5;
	[sflag:s13] =	ssyncadd.s32 $0xFFFFD900  }
0x22: {  	[spmem:s14], [sflag:s5] =	dma.local @!p0 [hbm:s7], $0x100  }
0x23: {  	_ =	swait.ge @!p0 [sflag:s28], $0x100  }
0x24: {  	[sflag:s28] =	ssyncset.done @!p0 $0x0  }
0x25: {  	[sflag:s28] =	ssyncadd.s32 @!p0 $0xFFFFFF00  }
0x26: {  	[spmem:s15], [sflag:s5] =	dma.local @!p0 [hbm:s4], $0x80  }
.Ltmp2:
0x27: {  	_ =	swait.ge @!p0 [sflag:s28], $0x80;
	(pc) =	sbr.rel .LBB2_2-.Ltmp2, $4  }
0x28: {  	[sflag:s28] =	ssyncset.done @!p0 $0x0  }
0x29: {  	[sflag:s28] =	ssyncadd.s32 @!p0 $0xFFFFFF80  }
0x2a: {  	[bflag:$0x0] =	sbarrier.arrive $0xFFFF  }
0x2b: {  	s28 =	simm.s32 $0x0  }
.LBB2_5:
0x2c: {  	s28 =	sadd.s32 $0x1, s28  }
0x2d: {  	p1 =	sne.s32 s28, $0x4  }
.Ltmp3:
0x2e: {  	_ = 	snop;
	(pc) =	sbr.rel @!p1 .LBB2_6-.Ltmp3, $4  }
0x2f: {  	_ = 	snop  }
0x30: {  	_ =	swait.ge [sflag:s25], $0x4000  }
0x31: {  	[sflag:s25] =	ssyncset.done $0x0  }
0x32: {  	[sflag:s25] =	ssyncadd.s32 $0xFFFFC000  }
.LBB2_2:
0x33: {  	s29 =	smul.u32 $0x280, s28;
	_ =	sdelay $0x1  }
0x34: {  	s30 =	sadd.s32 s29, s8  }
0x35: {  	[tilespmem:s2], [sflag:$0x5] =	stream.linear.gather [hbm4b:s30+s2], $0x1400, $0x38;
	[tilespmem:$0x1E0C0] =	vst v63  }
0x36: {  	_ =	swait.ge [sflag:s13], $0x1400  }
0x37: {  	[sflag:s13] =	ssyncset.done $0x0  }
0x38: {  	s29 =	sadd.s32 s29, s9;
	[sflag:s13] =	ssyncadd.s32 $0xFFFFEC00  }
0x39: {  	[tilespmem:s16], [sflag:$0x5] =	stream.linear.gather [hbm4b:s29+s2], $0x1400, $0x38;
	[tilespmem:$0x1E0C0] =	vst v63  }
0x3a: {  	_ =	swait.ge [sflag:s13], $0x1400  }
0x3b: {  	[sflag:s13] =	ssyncset.done $0x0  }
0x3c: {  	[sflag:s13] =	ssyncadd.s32 $0xFFFFEC00  }
0x3d: {  	[tilespmem:s18], [sflag:$0x1] =	stream.indirect.gather [hbm4b:s4+s17], $0x80, s2, s17, $0xb8;
	[tilespmem:$0x1E0C0] =	vst v63  }
0x3e: {  	_ =	swait.ge [sflag:s19], $0x4000  }
0x3f: {  	[sflag:s19] =	ssyncset.done $0x0  }
0x40: {  	[sflag:s19] =	ssyncadd.s32 $0xFFFFC000  }
0x41: {  	[spmem:s1] =	stream.indirect.scatter.add.f32 [tilespmem:s18], [sflag:$0x3], $0x80, s16, s17, $0xb8;
	[tilespmem:$0x1E0C0] =	vst v63  }
0x42: {  	_ = 	snop  }
0x43: {  	[tilespmem:s20], [sflag:$0x2] =	stream.indirect.gather [hbm4b:s4+s17], $0x80, s17, s17, $0xb8;
	[tilespmem:$0x1E0C0] =	vst v63  }
0x44: {  	_ =	swait.ge [sflag:s21], $0x4000  }
0x45: {  	[sflag:s21] =	ssyncset.done $0x0  }
0x46: {  	[sflag:s21] =	ssyncadd.s32 $0xFFFFC000  }
0x47: {  	[spmem:s1] =	stream.indirect.scatter.add.f32 [tilespmem:s20], [sflag:$0x4], $0x80, s22, s17, $0xb8;
	[tilespmem:$0x1E0C0] =	vst v63  }
0x48: {  	_ =	swait.ge [sflag:s23], $0x4000  }
0x49: {  	[sflag:s23] =	ssyncset.done $0x0  }
0x4a: {  	s29 =	simm.s32 $0xFFFFB800;
	[sflag:s23] =	ssyncadd.s32 $0xFFFFC000  }
0x4b: {  	[tilespmem:s18], [sflag:$0x1] =	stream.indirect.gather [hbm4b:s4+s17], $0x80, s24, s17, $0xb8;
	[tilespmem:$0x1E0C0] =	vst v63  }
.LBB2_3:
0x4c: {  	_ =	swait.ge [sflag:s19], $0x4000  }
0x4d: {  	s30 =	sshra.s32 s29, $0x2;
	[sflag:s19] =	ssyncset.done $0x0  }
0x4e: {  	s31 =	sadd.s32 $0x2700, s30;
	[sflag:s19] =	ssyncadd.s32 $0xFFFFC000  }
0x4f: {  	[spmem:s1] =	stream.indirect.scatter.add.f32 [tilespmem:s18], [sflag:$0x3], $0x80, s31, s17, $0xb8;
	[tilespmem:$0x1E0C0] =	vst v63  }
0x50: {  	_ =	swait.ge [sflag:s25], $0x4000  }
0x51: {  	[sflag:s25] =	ssyncset.done $0x0  }
0x52: {  	s31 =	sadd.s32 $0x1380, s30;
	[sflag:s25] =	ssyncadd.s32 $0xFFFFC000  }
0x53: {  	[tilespmem:s20], [sflag:$0x2] =	stream.indirect.gather [hbm4b:s4+s17], $0x80, s31, s17, $0xb8;
	[tilespmem:$0x1E0C0] =	vst v63  }
0x54: {  	_ =	swait.ge [sflag:s21], $0x4000  }
0x55: {  	p1 =	seq.s32 s29, $0x0;
	[sflag:s21] =	ssyncset.done $0x0  }
.Ltmp4:
0x56: {  	s31 =	sadd.s32 $0x2780, s30;
	[sflag:s21] =	ssyncadd.s32 $0xFFFFC000;
	(pc) =	sbr.rel @p1 .LBB2_5-.Ltmp4, $4  }
0x57: {  	[spmem:s1] =	stream.indirect.scatter.add.f32 [tilespmem:s20], [sflag:$0x4], $0x80, s31, s17, $0xb8;
	[tilespmem:$0x1E0C0] =	vst v63  }
0x58: {  	_ =	swait.ge [sflag:s23], $0x4000  }
0x59: {  	[sflag:s23] =	ssyncset.done $0x0  }
0x5a: {  	[sflag:s23] =	ssyncadd.s32 $0xFFFFC000  }
.Ltmp5:
0x5b: {  	(pc) =	sbr.rel .LBB2_3-.Ltmp5, $3  }
0x5c: {  	_ =	sdelay $0x1  }
0x5d: {  	s30 =	sadd.s32 $0x1400, s30;
	s29 =	sadd.s32 $0x400, s29  }
0x5e: {  	[tilespmem:s18], [sflag:$0x1] =	stream.indirect.gather [hbm4b:s4+s17], $0x80, s30, s17, $0xb8;
	[tilespmem:$0x1E0C0] =	vst v63  }
.LBB2_7:
0x5f: {  	_ =	sfence.sel $0x180000  }
0x60: {  	[bflag:$0x0] =	sbarrier.arrive $0xFFFF  }
0x61: {  	_ =	strace $0x9000004D  }
0x62: {  	s0 =	sadd.s32 @!p0 $0x100000, s0;
	[bflag:$0x2] =	sbarrier.arrive $0xFFFF  }
0x63: {  	[sflag:s0] =	ssyncadd.tile.s32 @!p0 $0x1;
	_ =	shalt  }
.Lfunc_end2:
_tile_overlayer_lowered:
.L_overlay_start_2:
0x64: {  	(tag) =	ssettag $0x2  }
0x65: {  	s0 =	rddreg [dreg:$0x0];
	s2 =	stileid.u32  }
0x66: {  	s1 =	rddreg [dreg:$0x1];
	p0 =	sne.s32 s2, $0x0  }
0x67: {  	s3 =	rddreg [dreg:$0x2];
	[bflag:$0x3] =	sbarrier.arrive $0xFFFF;
	s2 =	simm.s32 @!p0 $0x1C05  }
0x68: {  	[timem:s3], [sflag:s2] =	dma.local @!p0 [hbm:s0], s1  }
0x69: {  	s0 =	simm.s32 @!p0 $0x5  }
0x6a: {  	_ =	swait.ge @!p0 [sflag:s0], s1  }
0x6b: {  	s1 =	ssub.s32 @!p0 $0x0, s1;
	[sflag:s0] =	ssyncset.done @!p0 $0x0  }
0x6c: {  	[sflag:s0] =	ssyncadd.s32 @!p0 s1  }
0x6d: {  	[bflag:$0x3] =	sbarrier.arrive $0xFFFF  }
0x6e: {  	_ =	shalt  }

</sc_bundles>
